<compile_context>
chip_gen: v7x
topology: tpu7x:2x2x1
jax: 0.10.2.dev20260603
libtpu: 0.0.44.dev20260713+nightly
codegen_flags: <defaults>
</compile_context>

<pallas_src>
import functools

import jax
import jax.numpy as jnp
import numpy as np
from jax import lax
from jax.experimental import pallas as pl
from jax.experimental.pallas import tpu as pltpu
from jax.experimental.pallas import tpu_sc as plsc

N = 10000
E = 320000
D = 128
H = 8
DH = 16
GW = 144
NC = 2
NS = 16
NW = NC * NS
PER_W = E // NW
EB = 40
NBLK = PER_W // EB
NSET = 5
NGRP = NBLK // NSET
ROWS_W = N // NS

_mesh = plsc.VectorSubcoreMesh(core_axis_name="c", subcore_axis_name="s")
_sc_params = pltpu.CompilerParams(use_tc_tiling_on_sc=False,
                                  internal_scratch_in_bytes=256 * 1024)


def _make_sc_gather(V, Dd, Bn, dtype):
    ch = Bn // NW
    assert Bn % NW == 0 and ch % 8 == 0

    @functools.partial(
        pl.kernel,
        mesh=_mesh,
        compiler_params=_sc_params,
        out_type=jax.ShapeDtypeStruct((Bn, Dd), dtype),
        scratch_types=[
            pltpu.VMEM((ch,), jnp.int32),
            pltpu.VMEM((ch, Dd), dtype),
        ],
    )
    def k(tab_hbm, idx_hbm, out_hbm, idx_v, rows_v):
        wid = lax.axis_index("s") * NC + lax.axis_index("c")
        base = wid * ch
        pltpu.sync_copy(idx_hbm.at[pl.ds(base, ch)], idx_v)
        pltpu.sync_copy(tab_hbm.at[idx_v], rows_v)
        pltpu.sync_copy(rows_v, out_hbm.at[pl.ds(base, ch)])

    return k


_BCAST_DNUMS = lax.GatherDimensionNumbers(
    offset_dims=(), collapsed_slice_dims=(0,), start_index_map=(0,))


def _lane_tile8(vec):
    idx = (jnp.arange(DH, dtype=jnp.int32) % H).reshape(DH, 1)
    return lax.gather(vec, idx, _BCAST_DNUMS, (1,),
                      mode=lax.GatherScatterMode.PROMISE_IN_BOUNDS)


_EDGE_SCRATCH = (
    [pltpu.VMEM((2, EB), jnp.int32) for _ in range(NSET)]
    + [pltpu.VMEM((EB,), jnp.int32) for _ in range(NSET)]
    + [pltpu.VMEM((EB, GW), jnp.float32) for _ in range(NSET)]
    + [pltpu.VMEM((EB, DH), jnp.float32) for _ in range(NSET)]
    + [pltpu.VMEM_SHARED((N, GW), jnp.float32)]
    + [pltpu.SemaphoreType.DMA for _ in range(3 * NSET)]
)


@functools.partial(
    pl.kernel,
    mesh=_mesh,
    compiler_params=_sc_params,
    out_type=jax.ShapeDtypeStruct((NC, N, GW), jnp.float32),
    scratch_types=_EDGE_SCRATCH,
)
def _edge_kernel(idx_hbm, g_hbm, er_hbm, zeros_hbm, out_hbm, *scr):
    ibs = scr[0:NSET]
    sds = scr[NSET:2 * NSET]
    gbs = scr[2 * NSET:3 * NSET]
    ebs = scr[3 * NSET:4 * NSET]
    acc = scr[4 * NSET]
    iss = scr[4 * NSET + 1:4 * NSET + 1 + NSET]
    gss = scr[4 * NSET + 1 + NSET:4 * NSET + 1 + 2 * NSET]
    sss = scr[4 * NSET + 1 + 2 * NSET:4 * NSET + 1 + 3 * NSET]

    c = lax.axis_index("c")
    s = lax.axis_index("s")
    pltpu.sync_copy(zeros_hbm.at[pl.ds(s * ROWS_W, ROWS_W)],
                    acc.at[pl.ds(s * ROWS_W, ROWS_W)])
    plsc.subcore_barrier()

    w = c * NS + s

    def idx_desc(i, k):
        return pltpu.make_async_copy(
            idx_hbm.at[w, :, pl.ds(i * EB, EB)], ibs[k], iss[k])

    def fire_gathers(k):
        pltpu.make_async_copy(g_hbm.at[ibs[k].at[0]], gbs[k], gss[k]).start()
        pltpu.make_async_copy(er_hbm.at[ibs[k].at[1]], ebs[k], gss[k]).start()

    def wait_gathers(k):
        pltpu.make_async_copy(g_hbm.at[ibs[k].at[0]], gbs[k], gss[k]).wait()
        pltpu.make_async_copy(er_hbm.at[ibs[k].at[1]], ebs[k], gss[k]).wait()

    def wait_scat(k):
        pltpu.make_async_copy(gbs[k], acc.at[sds[k]], sss[k]).wait()

    def compute(k):
        gbuf, erbuf = gbs[k], ebs[k]

        @plsc.parallel_loop(0, EB)
        def _edge(e):
            x16 = gbuf[e, pl.ds(D, DH)] + erbuf[e, pl.ds(0, DH)]
            w16 = jnp.exp(jnp.maximum(x16, x16 * 0.2))
            gbuf[e, pl.ds(D, DH)] = w16
            wtile = _lane_tile8(w16)
            for jj in range(H):
                col = pl.ds(jj * DH, DH)
                gbuf[e, col] = gbuf[e, col] * wtile

    def save_didx(k):
        for q in (0, 16, 24):
            sds[k][pl.ds(q, DH)] = ibs[k][1, pl.ds(q, DH)]

    for k in range(3):
        idx_desc(k, k).start()
    for k in range(3):
        idx_desc(0, k).wait()
        fire_gathers(k)
    idx_desc(3, 3).start()
    idx_desc(4, 4).start()

    @pl.loop(0, NGRP)
    def _grp(g):
        for t in range(NSET):
            s_ = t
            kf = (t + 3) % NSET
            wait_gathers(s_)
            save_didx(s_)
            if t < 2:
                @pl.when(g > 0)
                def _():
                    wait_scat(kf)
                idx_desc(0, kf).wait()
                fire_gathers(kf)
            else:
                @pl.when(g < NGRP - 1)
                def _():
                    wait_scat(kf)
                    idx_desc(0, kf).wait()
                    fire_gathers(kf)

            @pl.when(g < NGRP - 1)
            def _():
                idx_desc(NSET * g + t + NSET, s_).start()
            compute(s_)
            pltpu.async_copy(gbs[s_], acc.at[sds[s_]], sss[s_], add=True)

    for k in range(NSET):
        wait_scat(k)

    plsc.subcore_barrier()
    pltpu.sync_copy(acc.at[pl.ds(s * ROWS_W, ROWS_W)],
                    out_hbm.at[c, pl.ds(s * ROWS_W, ROWS_W)])


RBLK = 400
GRID = N // RBLK


def _dense0_body(h_ref, w_ref, alc_ref, arc_ref, g_ref, er_ref):
    feat = jnp.dot(h_ref[...], w_ref[...], preferred_element_type=jnp.float32)
    el = jnp.dot(feat, alc_ref[...], preferred_element_type=jnp.float32)
    er = jnp.dot(feat, arc_ref[...], preferred_element_type=jnp.float32)
    g_ref[:, :D] = feat
    g_ref[:, D:] = el
    er_ref[...] = er


def _dense0(h, W, alc, arc):
    return pl.pallas_call(
        _dense0_body,
        grid=(GRID,),
        in_specs=[
            pl.BlockSpec((RBLK, D), lambda i: (i, 0)),
            pl.BlockSpec((D, D), lambda i: (0, 0)),
            pl.BlockSpec((D, DH), lambda i: (0, 0)),
            pl.BlockSpec((D, DH), lambda i: (0, 0)),
        ],
        out_specs=[
            pl.BlockSpec((RBLK, GW), lambda i: (i, 0)),
            pl.BlockSpec((RBLK, DH), lambda i: (i, 0)),
        ],
        out_shape=[
            jax.ShapeDtypeStruct((N, GW), jnp.float32),
            jax.ShapeDtypeStruct((N, DH), jnp.float32),
        ],
    )(h, W, alc, arc)


def _combine(a0, a1, hprev, bias, rmat, pm, act):
    A = a0 + a1
    numer = jnp.dot(A[:, :D], pm, preferred_element_type=jnp.float32)
    den = jnp.dot(A[:, D:], rmat, preferred_element_type=jnp.float32)
    hn = numer / jnp.maximum(den, 1e-30) + hprev + bias
    if act:
        hn = jnp.maximum(hn, hn * 0.01)
    return hn


def _dense1_body(a0_ref, a1_ref, hp_ref, b_ref, rmat_ref, pm_ref, w_ref,
                 alc_ref, arc_ref, h1_ref, g_ref, er_ref):
    h1 = _combine(a0_ref[...], a1_ref[...], hp_ref[...], b_ref[...],
                  rmat_ref[...], pm_ref[...], True)
    h1_ref[...] = h1
    feat = jnp.dot(h1, w_ref[...], preferred_element_type=jnp.float32)
    el = jnp.dot(feat, alc_ref[...], preferred_element_type=jnp.float32)
    er = jnp.dot(feat, arc_ref[...], preferred_element_type=jnp.float32)
    g_ref[:, :D] = feat
    g_ref[:, D:] = el
    er_ref[...] = er


def _dense1(a0, a1, hprev, bias, rmat, pm, W, alc, arc):
    return pl.pallas_call(
        _dense1_body,
        grid=(GRID,),
        in_specs=[
            pl.BlockSpec((RBLK, GW), lambda i: (i, 0)),
            pl.BlockSpec((RBLK, GW), lambda i: (i, 0)),
            pl.BlockSpec((RBLK, D), lambda i: (i, 0)),
            pl.BlockSpec((1, D), lambda i: (0, 0)),
            pl.BlockSpec((DH, D), lambda i: (0, 0)),
            pl.BlockSpec((D, D), lambda i: (0, 0)),
            pl.BlockSpec((D, D), lambda i: (0, 0)),
            pl.BlockSpec((D, DH), lambda i: (0, 0)),
            pl.BlockSpec((D, DH), lambda i: (0, 0)),
        ],
        out_specs=[
            pl.BlockSpec((RBLK, D), lambda i: (i, 0)),
            pl.BlockSpec((RBLK, GW), lambda i: (i, 0)),
            pl.BlockSpec((RBLK, DH), lambda i: (i, 0)),
        ],
        out_shape=[
            jax.ShapeDtypeStruct((N, D), jnp.float32),
            jax.ShapeDtypeStruct((N, GW), jnp.float32),
            jax.ShapeDtypeStruct((N, DH), jnp.float32),
        ],
    )(a0, a1, hprev, bias, rmat, pm, W, alc, arc)


def _dense2_body(a0_ref, a1_ref, hp_ref, b_ref, rmat_ref, pm_ref, v_ref):
    h2 = _combine(a0_ref[...], a1_ref[...], hp_ref[...], b_ref[...],
                  rmat_ref[...], pm_ref[...], False)
    nrm = jnp.sqrt(jnp.sum(h2 * h2, axis=1, keepdims=True))
    v_ref[...] = h2 / jnp.maximum(nrm, 1e-5)


def _dense2(a0, a1, hprev, bias, rmat, pm):
    return pl.pallas_call(
        _dense2_body,
        grid=(GRID,),
        in_specs=[
            pl.BlockSpec((RBLK, GW), lambda i: (i, 0)),
            pl.BlockSpec((RBLK, GW), lambda i: (i, 0)),
            pl.BlockSpec((RBLK, D), lambda i: (i, 0)),
            pl.BlockSpec((1, D), lambda i: (0, 0)),
            pl.BlockSpec((DH, D), lambda i: (0, 0)),
            pl.BlockSpec((D, D), lambda i: (0, 0)),
        ],
        out_specs=pl.BlockSpec((RBLK, D), lambda i: (i, 0)),
        out_shape=jax.ShapeDtypeStruct((N, D), jnp.float32),
    )(a0, a1, hprev, bias, rmat, pm)


_N_PAD = 10240


def _attn_mat(a):
    return jnp.zeros((D, DH), jnp.float32).at[
        jnp.arange(D), jnp.arange(D) // DH].set(a.reshape(-1))


def kernel(edge_index, n_feat, x, emb, W0, al0, ar0, b0, W1, al1, ar1, b1):
    idx2 = edge_index.reshape(2, NW, PER_W).transpose(1, 0, 2)
    pidx = np.array([hh * DH + jj for jj in range(DH) for hh in range(H)])
    pm = jnp.asarray(np.eye(D, dtype=np.float32)[pidx])
    alc0, arc0 = _attn_mat(al0)[pidx, :], _attn_mat(ar0)[pidx, :]
    alc1, arc1 = _attn_mat(al1)[pidx, :], _attn_mat(ar1)[pidx, :]
    W0p = W0[:, pidx]
    W1p = W1[:, pidx]
    rmat = jnp.asarray(np.equal(np.arange(DH)[:, None],
                                np.arange(D)[None, :] // DH)
                       .astype(np.float32))
    zeros_acc = jnp.zeros((N, GW), jnp.float32)
    b0r = b0.reshape(1, D)
    b1r = b1.reshape(1, D)

    nf_pad = jnp.pad(n_feat, (0, _N_PAD - N))
    h = _make_sc_gather(emb.shape[0], D, _N_PAD, jnp.float32)(emb, nf_pad)[:N]

    g0, er0 = _dense0(h, W0p, alc0, arc0)
    acc0 = _edge_kernel(idx2, g0, er0, zeros_acc)
    h1, g1, er1 = _dense1(acc0[0], acc0[1], h, b0r, rmat, pm, W1p, alc1, arc1)
    acc1 = _edge_kernel(idx2, g1, er1, zeros_acc)
    v = _dense2(acc1[0], acc1[1], h1, b1r, rmat, pm)

    flat = x.reshape(-1)
    out = _make_sc_gather(N, D, flat.shape[0], jnp.float32)(v, flat)
    return out.reshape(x.shape[0], x.shape[1], D)

# --- scband reference (transcript-rebuilt; emitter-appended) ---
"""Pipeline reference for scband-graph-encoder-7395933683920 (READ-ONLY COPY).

The authoritative reference and input builder live on the scoring server;
editing this copy changes nothing except your own understanding.
"""

import jax, jax.numpy as jnp
import numpy as np

N_NODES = 10000
N_EDGES = 320000
VOCAB = 57254
D_HID = 128
H = 8
DH = 16
B = 64
T = 128


def setup_inputs(seed: int = 0) -> dict:
    key = jax.random.key(seed)
    ks = jax.random.split(key, 12)
    inp = {}
    inp["edge_index"] = jax.random.randint(ks[0], (2, N_EDGES), 0, N_NODES, dtype=jnp.int32)
    inp["n_feat"] = jax.random.randint(ks[1], (N_NODES,), 0, VOCAB, dtype=jnp.int32)
    inp["x"] = jax.random.randint(ks[2], (B, T), 0, N_NODES, dtype=jnp.int32)
    inp["emb"] = jax.random.normal(ks[3], (VOCAB, D_HID), dtype=jnp.float32) * 0.02
    inp["W0"] = jax.random.normal(ks[4], (D_HID, D_HID), dtype=jnp.float32) * (1.0 / np.sqrt(D_HID))
    inp["al0"] = jax.random.normal(ks[5], (H, DH), dtype=jnp.float32) * 0.1
    inp["ar0"] = jax.random.normal(ks[6], (H, DH), dtype=jnp.float32) * 0.1
    inp["b0"] = jnp.zeros((D_HID,), dtype=jnp.float32)
    inp["W1"] = jax.random.normal(ks[7], (D_HID, D_HID), dtype=jnp.float32) * (1.0 / np.sqrt(D_HID))
    inp["al1"] = jax.random.normal(ks[8], (H, DH), dtype=jnp.float32) * 0.1
    inp["ar1"] = jax.random.normal(ks[9], (H, DH), dtype=jnp.float32) * 0.1
    inp["b1"] = jnp.zeros((D_HID,), dtype=jnp.float32)
    return inp


def _gat_layer(h, src, dst, W, al, ar, bias, apply_act):
    # DGL GATConv, eval mode (dropout off), residual=True (identity since dims match),
    # allow_zero_in_degree=True, bias=True, attention negative_slope=0.2
    N = h.shape[0]
    feat = (h @ W).reshape(N, H, DH)
    el = jnp.sum(feat * al[None, :, :], axis=-1)  # (N, H)
    er = jnp.sum(feat * ar[None, :, :], axis=-1)  # (N, H)
    e = jax.nn.leaky_relu(el[src] + er[dst], negative_slope=0.2)  # (E, H)
    m = jax.ops.segment_max(e, dst, num_segments=N)
    m = jnp.where(jnp.isfinite(m), m, 0.0)
    exp_e = jnp.exp(e - m[dst])
    denom = jax.ops.segment_sum(exp_e, dst, num_segments=N)
    alpha = exp_e / denom[dst]  # edge softmax over incoming edges
    msg = alpha[:, :, None] * feat[src]  # (E, H, DH)
    rst = jax.ops.segment_sum(msg, dst, num_segments=N)
    rst = rst + h.reshape(N, H, DH)  # identity residual (in_feats == heads*out_feats)
    rst = rst + bias.reshape(1, H, DH)
    if apply_act:
        rst = jax.nn.leaky_relu(rst, negative_slope=0.01)  # F.leaky_relu default
    return rst.reshape(N, H * DH)


def reference(edge_index, n_feat, x, emb, W0, al0, ar0, b0, W1, al1, ar1, b1):
    src = edge_index[0]
    dst = edge_index[1]
    h = jnp.take(emb, n_feat, axis=0)  # fea_encoder embedding lookup
    h = _gat_layer(h, src, dst, W0, al0, ar0, b0, True)
    h = _gat_layer(h, src, dst, W1, al1, ar1, b1, False)
    # F.normalize(p=2, dim=-1, eps=1e-5)
    norm = jnp.sqrt(jnp.sum(h * h, axis=-1, keepdims=True))
    v = h / jnp.maximum(norm, 1e-5)
    # expand+flatten+index in torch is equivalent to direct node gather since x < N
    flat = x.reshape(-1)
    out = jnp.take(v, flat, axis=0).reshape(B, T, D_HID)
    return out

if __name__ == "__main__":
    import jax
    _d = setup_inputs()
    print(jax.jit(kernel)(*tuple(_d.values())))

</pallas_src>

<mosaic_0001>
#map = affine_map<(d0, d1) -> (0, 0)>
#map1 = affine_map<(d0, d1) -> (0)>
module attributes {stable_mosaic.version = 14 : i64} {
  func.func @k(%arg0: i32, %arg1: i32, %arg2: memref<57254x128xf32, #tpu.memory_space<hbm>>, %arg3: memref<10240xi32, #tpu.memory_space<hbm>>, %arg4: memref<10240x128xf32, #tpu.memory_space<hbm>>, %arg5: memref<320xi32, #tpu.memory_space<vmem>>, %arg6: memref<320x128xf32, #tpu.memory_space<vmem>>) attributes {dimension_semantics = [#tpu.dimension_semantics<core_parallel>, #tpu.dimension_semantics<subcore_parallel>], iteration_bounds = array<i64: 2, 16>, scalar_prefetch = 0 : i64, scratch_operands = 2 : i64, tpu.core_type = #tpu.core_type<sc_vector_subcore>, window_params = [{transform_indices = #map}, {transform_indices = #map1}, {transform_indices = #map}]} {
    %mul3A = arith.constant 2 : i32
    %mul3A_0 = arith.muli %arg1, %mul3A : i32
    %add3A = arith.addi %mul3A_0, %arg0 : i32
    %mul3A_1 = arith.constant 320 : i32
    %mul3A_2 = arith.muli %add3A, %mul3A_1 : i32
    "tpu.region"() ({
      %run_scoped3A = tpu.sem_alloc : memref<!tpu.dma_semaphore, #tpu.memory_space<semaphore_mem>>
      %dma_start3A = tpu.memref_slice %arg3[%mul3A_2] : memref<10240xi32, #tpu.memory_space<hbm>> -> memref<320xi32, #tpu.memory_space<hbm>>
      %dma_start3A_3 = tpu.memref_slice %arg3[%mul3A_2] : memref<10240xi32, #tpu.memory_space<hbm>> -> memref<320xi32, #tpu.memory_space<hbm>>
      tpu.enqueue_dma source(%dma_start3A_3 : memref<320xi32, #tpu.memory_space<hbm>>) target(%arg5 : memref<320xi32, #tpu.memory_space<vmem>>) target_semaphore(%run_scoped3A : memref<!tpu.dma_semaphore, #tpu.memory_space<semaphore_mem>>)
      %dma_wait3A = tpu.memref_slice %arg3[%mul3A_2] : memref<10240xi32, #tpu.memory_space<hbm>> -> memref<320xi32, #tpu.memory_space<hbm>>
      %dma_wait3A_4 = tpu.memref_slice %arg3[%mul3A_2] : memref<10240xi32, #tpu.memory_space<hbm>> -> memref<320xi32, #tpu.memory_space<hbm>>
      tpu.wait_dma2 semaphore(%run_scoped3A : memref<!tpu.dma_semaphore, #tpu.memory_space<semaphore_mem>>) src(%dma_wait3A_4 : memref<320xi32, #tpu.memory_space<hbm>>) dst(%arg5 : memref<320xi32, #tpu.memory_space<vmem>>)
      tpu.yield
    }) : () -> ()
    "tpu.region"() ({
      %run_scoped3A = tpu.sem_alloc : memref<!tpu.dma_semaphore, #tpu.memory_space<semaphore_mem>>
      %dma_start3A = arith.constant 0 : i32
      %dma_start3A_3 = arith.constant 0 : i32
      %dma_start3A_4 = tpu.memref_slice %arg2[%dma_start3A, %dma_start3A_3] : memref<57254x128xf32, #tpu.memory_space<hbm>> -> memref<57254x128xf32, #tpu.memory_space<hbm>>
      tpu.enqueue_indirect_dma source(%dma_start3A_4 : memref<57254x128xf32, #tpu.memory_space<hbm>>) target(%arg6 : memref<320x128xf32, #tpu.memory_space<vmem>>) offsets(%arg5 : memref<320xi32, #tpu.memory_space<vmem>>) semaphore(%run_scoped3A : memref<!tpu.dma_semaphore, #tpu.memory_space<semaphore_mem>>)
      %dma_wait3A = arith.constant 0 : i32
      %dma_wait3A_5 = arith.constant 0 : i32
      %dma_wait3A_6 = tpu.memref_slice %arg2[%dma_wait3A, %dma_wait3A_5] : memref<57254x128xf32, #tpu.memory_space<hbm>> -> memref<57254x128xf32, #tpu.memory_space<hbm>>
      tpu.wait_indirect_dma semaphore(%run_scoped3A : memref<!tpu.dma_semaphore, #tpu.memory_space<semaphore_mem>>) src(%dma_wait3A_6 : memref<57254x128xf32, #tpu.memory_space<hbm>>) dst(%arg6 : memref<320x128xf32, #tpu.memory_space<vmem>>)
      tpu.yield
    }) : () -> ()
    "tpu.region"() ({
      %run_scoped3A = tpu.sem_alloc : memref<!tpu.dma_semaphore, #tpu.memory_space<semaphore_mem>>
      %dma_start3A = arith.constant 0 : i32
      %dma_start3A_3 = tpu.memref_slice %arg4[%mul3A_2, %dma_start3A] : memref<10240x128xf32, #tpu.memory_space<hbm>> -> memref<320x128xf32, #tpu.memory_space<hbm>>
      %dma_start3A_4 = arith.constant 0 : i32
      %dma_start3A_5 = tpu.memref_slice %arg4[%mul3A_2, %dma_start3A_4] : memref<10240x128xf32, #tpu.memory_space<hbm>> -> memref<320x128xf32, #tpu.memory_space<hbm>>
      tpu.enqueue_dma source(%arg6 : memref<320x128xf32, #tpu.memory_space<vmem>>) target(%dma_start3A_5 : memref<320x128xf32, #tpu.memory_space<hbm>>) target_semaphore(%run_scoped3A : memref<!tpu.dma_semaphore, #tpu.memory_space<semaphore_mem>>)
      %dma_wait3A = arith.constant 0 : i32
      %dma_wait3A_6 = tpu.memref_slice %arg4[%mul3A_2, %dma_wait3A] : memref<10240x128xf32, #tpu.memory_space<hbm>> -> memref<320x128xf32, #tpu.memory_space<hbm>>
      %dma_wait3A_7 = arith.constant 0 : i32
      %dma_wait3A_8 = tpu.memref_slice %arg4[%mul3A_2, %dma_wait3A_7] : memref<10240x128xf32, #tpu.memory_space<hbm>> -> memref<320x128xf32, #tpu.memory_space<hbm>>
      tpu.wait_dma2 semaphore(%run_scoped3A : memref<!tpu.dma_semaphore, #tpu.memory_space<semaphore_mem>>) src(%arg6 : memref<320x128xf32, #tpu.memory_space<vmem>>) dst(%dma_wait3A_8 : memref<320x128xf32, #tpu.memory_space<hbm>>)
      tpu.yield
    }) : () -> ()
    return
  }
}

#map = affine_map<(d0, d1) -> (0, 0)>
#map1 = affine_map<(d0, d1) -> (0)>
module attributes {stable_mosaic.version = 14 : i64} {
  func.func @k(%arg0: i32, %arg1: i32, %arg2: memref<10000x128xf32, #tpu.memory_space<hbm>>, %arg3: memref<8192xi32, #tpu.memory_space<hbm>>, %arg4: memref<8192x128xf32, #tpu.memory_space<hbm>>, %arg5: memref<256xi32, #tpu.memory_space<vmem>>, %arg6: memref<256x128xf32, #tpu.memory_space<vmem>>) attributes {dimension_semantics = [#tpu.dimension_semantics<core_parallel>, #tpu.dimension_semantics<subcore_parallel>], iteration_bounds = array<i64: 2, 16>, scalar_prefetch = 0 : i64, scratch_operands = 2 : i64, tpu.core_type = #tpu.core_type<sc_vector_subcore>, window_params = [{transform_indices = #map}, {transform_indices = #map1}, {transform_indices = #map}]} {
    %mul3A = arith.constant 2 : i32
    %mul3A_0 = arith.muli %arg1, %mul3A : i32
    %add3A = arith.addi %mul3A_0, %arg0 : i32
    %mul3A_1 = arith.constant 256 : i32
    %mul3A_2 = arith.muli %add3A, %mul3A_1 : i32
    "tpu.region"() ({
      %run_scoped3A = tpu.sem_alloc : memref<!tpu.dma_semaphore, #tpu.memory_space<semaphore_mem>>
      %dma_start3A = tpu.memref_slice %arg3[%mul3A_2] : memref<8192xi32, #tpu.memory_space<hbm>> -> memref<256xi32, #tpu.memory_space<hbm>>
      %dma_start3A_3 = tpu.memref_slice %arg3[%mul3A_2] : memref<8192xi32, #tpu.memory_space<hbm>> -> memref<256xi32, #tpu.memory_space<hbm>>
      tpu.enqueue_dma source(%dma_start3A_3 : memref<256xi32, #tpu.memory_space<hbm>>) target(%arg5 : memref<256xi32, #tpu.memory_space<vmem>>) target_semaphore(%run_scoped3A : memref<!tpu.dma_semaphore, #tpu.memory_space<semaphore_mem>>)
      %dma_wait3A = tpu.memref_slice %arg3[%mul3A_2] : memref<8192xi32, #tpu.memory_space<hbm>> -> memref<256xi32, #tpu.memory_space<hbm>>
      %dma_wait3A_4 = tpu.memref_slice %arg3[%mul3A_2] : memref<8192xi32, #tpu.memory_space<hbm>> -> memref<256xi32, #tpu.memory_space<hbm>>
      tpu.wait_dma2 semaphore(%run_scoped3A : memref<!tpu.dma_semaphore, #tpu.memory_space<semaphore_mem>>) src(%dma_wait3A_4 : memref<256xi32, #tpu.memory_space<hbm>>) dst(%arg5 : memref<256xi32, #tpu.memory_space<vmem>>)
      tpu.yield
    }) : () -> ()
    "tpu.region"() ({
      %run_scoped3A = tpu.sem_alloc : memref<!tpu.dma_semaphore, #tpu.memory_space<semaphore_mem>>
      %dma_start3A = arith.constant 0 : i32
      %dma_start3A_3 = arith.constant 0 : i32
      %dma_start3A_4 = tpu.memref_slice %arg2[%dma_start3A, %dma_start3A_3] : memref<10000x128xf32, #tpu.memory_space<hbm>> -> memref<10000x128xf32, #tpu.memory_space<hbm>>
      tpu.enqueue_indirect_dma source(%dma_start3A_4 : memref<10000x128xf32, #tpu.memory_space<hbm>>) target(%arg6 : memref<256x128xf32, #tpu.memory_space<vmem>>) offsets(%arg5 : memref<256xi32, #tpu.memory_space<vmem>>) semaphore(%run_scoped3A : memref<!tpu.dma_semaphore, #tpu.memory_space<semaphore_mem>>)
      %dma_wait3A = arith.constant 0 : i32
      %dma_wait3A_5 = arith.constant 0 : i32
      %dma_wait3A_6 = tpu.memref_slice %arg2[%dma_wait3A, %dma_wait3A_5] : memref<10000x128xf32, #tpu.memory_space<hbm>> -> memref<10000x128xf32, #tpu.memory_space<hbm>>
      tpu.wait_indirect_dma semaphore(%run_scoped3A : memref<!tpu.dma_semaphore, #tpu.memory_space<semaphore_mem>>) src(%dma_wait3A_6 : memref<10000x128xf32, #tpu.memory_space<hbm>>) dst(%arg6 : memref<256x128xf32, #tpu.memory_space<vmem>>)
      tpu.yield
    }) : () -> ()
    "tpu.region"() ({
      %run_scoped3A = tpu.sem_alloc : memref<!tpu.dma_semaphore, #tpu.memory_space<semaphore_mem>>
      %dma_start3A = arith.constant 0 : i32
      %dma_start3A_3 = tpu.memref_slice %arg4[%mul3A_2, %dma_start3A] : memref<8192x128xf32, #tpu.memory_space<hbm>> -> memref<256x128xf32, #tpu.memory_space<hbm>>
      %dma_start3A_4 = arith.constant 0 : i32
      %dma_start3A_5 = tpu.memref_slice %arg4[%mul3A_2, %dma_start3A_4] : memref<8192x128xf32, #tpu.memory_space<hbm>> -> memref<256x128xf32, #tpu.memory_space<hbm>>
      tpu.enqueue_dma source(%arg6 : memref<256x128xf32, #tpu.memory_space<vmem>>) target(%dma_start3A_5 : memref<256x128xf32, #tpu.memory_space<hbm>>) target_semaphore(%run_scoped3A : memref<!tpu.dma_semaphore, #tpu.memory_space<semaphore_mem>>)
      %dma_wait3A = arith.constant 0 : i32
      %dma_wait3A_6 = tpu.memref_slice %arg4[%mul3A_2, %dma_wait3A] : memref<8192x128xf32, #tpu.memory_space<hbm>> -> memref<256x128xf32, #tpu.memory_space<hbm>>
      %dma_wait3A_7 = arith.constant 0 : i32
      %dma_wait3A_8 = tpu.memref_slice %arg4[%mul3A_2, %dma_wait3A_7] : memref<8192x128xf32, #tpu.memory_space<hbm>> -> memref<256x128xf32, #tpu.memory_space<hbm>>
      tpu.wait_dma2 semaphore(%run_scoped3A : memref<!tpu.dma_semaphore, #tpu.memory_space<semaphore_mem>>) src(%arg6 : memref<256x128xf32, #tpu.memory_space<vmem>>) dst(%dma_wait3A_8 : memref<256x128xf32, #tpu.memory_space<hbm>>)
      tpu.yield
    }) : () -> ()
    return
  }
}

#map = affine_map<(d0, d1) -> (0, 0, 0)>
#map1 = affine_map<(d0, d1) -> (0, 0)>
module attributes {stable_mosaic.version = 14 : i64} {
  func.func @_edge_kernel(%arg0: i32, %arg1: i32, %arg2: memref<32x2x10000xi32, #tpu.memory_space<hbm>>, %arg3: memref<10000x144xf32, #tpu.memory_space<hbm>>, %arg4: memref<10000x16xf32, #tpu.memory_space<hbm>>, %arg5: memref<10000x144xf32, #tpu.memory_space<hbm>>, %arg6: memref<2x10000x144xf32, #tpu.memory_space<hbm>>, %arg7: memref<2x40xi32, #tpu.memory_space<vmem>>, %arg8: memref<2x40xi32, #tpu.memory_space<vmem>>, %arg9: memref<2x40xi32, #tpu.memory_space<vmem>>, %arg10: memref<2x40xi32, #tpu.memory_space<vmem>>, %arg11: memref<2x40xi32, #tpu.memory_space<vmem>>, %arg12: memref<40xi32, #tpu.memory_space<vmem>>, %arg13: memref<40xi32, #tpu.memory_space<vmem>>, %arg14: memref<40xi32, #tpu.memory_space<vmem>>, %arg15: memref<40xi32, #tpu.memory_space<vmem>>, %arg16: memref<40xi32, #tpu.memory_space<vmem>>, %arg17: memref<40x144xf32, #tpu.memory_space<vmem>>, %arg18: memref<40x144xf32, #tpu.memory_space<vmem>>, %arg19: memref<40x144xf32, #tpu.memory_space<vmem>>, %arg20: memref<40x144xf32, #tpu.memory_space<vmem>>, %arg21: memref<40x144xf32, #tpu.memory_space<vmem>>, %arg22: memref<40x16xf32, #tpu.memory_space<vmem>>, %arg23: memref<40x16xf32, #tpu.memory_space<vmem>>, %arg24: memref<40x16xf32, #tpu.memory_space<vmem>>, %arg25: memref<40x16xf32, #tpu.memory_space<vmem>>, %arg26: memref<40x16xf32, #tpu.memory_space<vmem>>, %arg27: memref<10000x144xf32, #tpu.memory_space<vmem_shared>>, %arg28: memref<!tpu.dma_semaphore, #tpu.memory_space<semaphore_mem>>, %arg29: memref<!tpu.dma_semaphore, #tpu.memory_space<semaphore_mem>>, %arg30: memref<!tpu.dma_semaphore, #tpu.memory_space<semaphore_mem>>, %arg31: memref<!tpu.dma_semaphore, #tpu.memory_space<semaphore_mem>>, %arg32: memref<!tpu.dma_semaphore, #tpu.memory_space<semaphore_mem>>, %arg33: memref<!tpu.dma_semaphore, #tpu.memory_space<semaphore_mem>>, %arg34: memref<!tpu.dma_semaphore, #tpu.memory_space<semaphore_mem>>, %arg35: memref<!tpu.dma_semaphore, #tpu.memory_space<semaphore_mem>>, %arg36: memref<!tpu.dma_semaphore, #tpu.memory_space<semaphore_mem>>, %arg37: memref<!tpu.dma_semaphore, #tpu.memory_space<semaphore_mem>>, %arg38: memref<!tpu.dma_semaphore, #tpu.memory_space<semaphore_mem>>, %arg39: memref<!tpu.dma_semaphore, #tpu.memory_space<semaphore_mem>>, %arg40: memref<!tpu.dma_semaphore, #tpu.memory_space<semaphore_mem>>, %arg41: memref<!tpu.dma_semaphore, #tpu.memory_space<semaphore_mem>>, %arg42: memref<!tpu.dma_semaphore, #tpu.memory_space<semaphore_mem>>) attributes {dimension_semantics = [#tpu.dimension_semantics<core_parallel>, #tpu.dimension_semantics<subcore_parallel>], iteration_bounds = array<i64: 2, 16>, scalar_prefetch = 0 : i64, scratch_operands = 36 : i64, tpu.core_type = #tpu.core_type<sc_vector_subcore>, window_params = [{transform_indices = #map}, {transform_indices = #map1}, {transform_indices = #map1}, {transform_indices = #map1}, {transform_indices = #map}]} {
    %mul3A = arith.constant 625 : i32
    %mul3A_0 = arith.muli %arg1, %mul3A : i32
    %mul3A_1 = arith.constant 625 : i32
    %mul3A_2 = arith.muli %arg1, %mul3A_1 : i32
    "tpu.region"() ({
      %run_scoped3A = tpu.sem_alloc : memref<!tpu.dma_semaphore, #tpu.memory_space<semaphore_mem>>
      %dma_start3A_133 = arith.constant 0 : i32
      %dma_start3A_134 = tpu.memref_slice %arg27[%mul3A_2, %dma_start3A_133] : memref<10000x144xf32, #tpu.memory_space<vmem_shared>> -> memref<625x144xf32, #tpu.memory_space<vmem_shared>>
      %dma_start3A_135 = arith.constant 0 : i32
      %dma_start3A_136 = tpu.memref_slice %arg5[%mul3A_0, %dma_start3A_135] : memref<10000x144xf32, #tpu.memory_space<hbm>> -> memref<625x144xf32, #tpu.memory_space<hbm>>
      tpu.enqueue_dma source(%dma_start3A_136 : memref<625x144xf32, #tpu.memory_space<hbm>>) target(%dma_start3A_134 : memref<625x144xf32, #tpu.memory_space<vmem_shared>>) target_semaphore(%run_scoped3A : memref<!tpu.dma_semaphore, #tpu.memory_space<semaphore_mem>>)
      %dma_wait3A_137 = arith.constant 0 : i32
      %dma_wait3A_138 = tpu.memref_slice %arg27[%mul3A_2, %dma_wait3A_137] : memref<10000x144xf32, #tpu.memory_space<vmem_shared>> -> memref<625x144xf32, #tpu.memory_space<vmem_shared>>
      %dma_wait3A_139 = arith.constant 0 : i32
      %dma_wait3A_140 = tpu.memref_slice %arg5[%mul3A_0, %dma_wait3A_139] : memref<10000x144xf32, #tpu.memory_space<hbm>> -> memref<625x144xf32, #tpu.memory_space<hbm>>
      tpu.wait_dma2 semaphore(%run_scoped3A : memref<!tpu.dma_semaphore, #tpu.memory_space<semaphore_mem>>) src(%dma_wait3A_140 : memref<625x144xf32, #tpu.memory_space<hbm>>) dst(%dma_wait3A_138 : memref<625x144xf32, #tpu.memory_space<vmem_shared>>)
      tpu.yield
    }) : () -> ()
    %barrier3A = arith.constant 0 : index
    tpu.barrier barrier_id(%barrier3A)
    %mul3A_3 = arith.constant 16 : i32
    %mul3A_4 = arith.muli %arg0, %mul3A_3 : i32
    %add3A = arith.addi %mul3A_4, %arg1 : i32
    %dma_start3A = arith.constant 0 : i32
    %dma_start3A_5 = arith.constant 0 : i32
    %dma_start3A_6 = tpu.memref_slice %arg2[%add3A, %dma_start3A, %dma_start3A_5] : memref<32x2x10000xi32, #tpu.memory_space<hbm>> -> memref<1x2x40xi32, #tpu.memory_space<hbm>>
    %dma_start3A_7 = tpu.memref_squeeze %dma_start3A_6 : memref<1x2x40xi32, #tpu.memory_space<hbm>> -> memref<2x40xi32, #tpu.memory_space<hbm>>
    %dma_start3A_8 = arith.constant 0 : i32
    %dma_start3A_9 = arith.constant 0 : i32
    %dma_start3A_10 = tpu.memref_slice %arg2[%add3A, %dma_start3A_8, %dma_start3A_9] : memref<32x2x10000xi32, #tpu.memory_space<hbm>> -> memref<1x2x40xi32, #tpu.memory_space<hbm>>
    %dma_start3A_11 = tpu.memref_squeeze %dma_start3A_10 : memref<1x2x40xi32, #tpu.memory_space<hbm>> -> memref<2x40xi32, #tpu.memory_space<hbm>>
    tpu.enqueue_dma source(%dma_start3A_11 : memref<2x40xi32, #tpu.memory_space<hbm>>) target(%arg7 : memref<2x40xi32, #tpu.memory_space<vmem>>) target_semaphore(%arg28 : memref<!tpu.dma_semaphore, #tpu.memory_space<semaphore_mem>>)
    %dma_start3A_12 = arith.constant 0 : i32
    %dma_start3A_13 = arith.constant 40 : i32
    %dma_start3A_14 = tpu.memref_slice %arg2[%add3A, %dma_start3A_12, %dma_start3A_13] : memref<32x2x10000xi32, #tpu.memory_space<hbm>> -> memref<1x2x40xi32, #tpu.memory_space<hbm>>
    %dma_start3A_15 = tpu.memref_squeeze %dma_start3A_14 : memref<1x2x40xi32, #tpu.memory_space<hbm>> -> memref<2x40xi32, #tpu.memory_space<hbm>>
    %dma_start3A_16 = arith.constant 0 : i32
    %dma_start3A_17 = arith.constant 40 : i32
    %dma_start3A_18 = tpu.memref_slice %arg2[%add3A, %dma_start3A_16, %dma_start3A_17] : memref<32x2x10000xi32, #tpu.memory_space<hbm>> -> memref<1x2x40xi32, #tpu.memory_space<hbm>>
    %dma_start3A_19 = tpu.memref_squeeze %dma_start3A_18 : memref<1x2x40xi32, #tpu.memory_space<hbm>> -> memref<2x40xi32, #tpu.memory_space<hbm>>
    tpu.enqueue_dma source(%dma_start3A_19 : memref<2x40xi32, #tpu.memory_space<hbm>>) target(%arg8 : memref<2x40xi32, #tpu.memory_space<vmem>>) target_semaphore(%arg29 : memref<!tpu.dma_semaphore, #tpu.memory_space<semaphore_mem>>)
    %dma_start3A_20 = arith.constant 0 : i32
    %dma_start3A_21 = arith.constant 80 : i32
    %dma_start3A_22 = tpu.memref_slice %arg2[%add3A, %dma_start3A_20, %dma_start3A_21] : memref<32x2x10000xi32, #tpu.memory_space<hbm>> -> memref<1x2x40xi32, #tpu.memory_space<hbm>>
    %dma_start3A_23 = tpu.memref_squeeze %dma_start3A_22 : memref<1x2x40xi32, #tpu.memory_space<hbm>> -> memref<2x40xi32, #tpu.memory_space<hbm>>
    %dma_start3A_24 = arith.constant 0 : i32
    %dma_start3A_25 = arith.constant 80 : i32
    %dma_start3A_26 = tpu.memref_slice %arg2[%add3A, %dma_start3A_24, %dma_start3A_25] : memref<32x2x10000xi32, #tpu.memory_space<hbm>> -> memref<1x2x40xi32, #tpu.memory_space<hbm>>
    %dma_start3A_27 = tpu.memref_squeeze %dma_start3A_26 : memref<1x2x40xi32, #tpu.memory_space<hbm>> -> memref<2x40xi32, #tpu.memory_space<hbm>>
    tpu.enqueue_dma source(%dma_start3A_27 : memref<2x40xi32, #tpu.memory_space<hbm>>) target(%arg9 : memref<2x40xi32, #tpu.memory_space<vmem>>) target_semaphore(%arg30 : memref<!tpu.dma_semaphore, #tpu.memory_space<semaphore_mem>>)
    %dma_wait3A = arith.constant 0 : i32
    %dma_wait3A_28 = arith.constant 0 : i32
    %dma_wait3A_29 = tpu.memref_slice %arg2[%add3A, %dma_wait3A, %dma_wait3A_28] : memref<32x2x10000xi32, #tpu.memory_space<hbm>> -> memref<1x2x40xi32, #tpu.memory_space<hbm>>
    %dma_wait3A_30 = tpu.memref_squeeze %dma_wait3A_29 : memref<1x2x40xi32, #tpu.memory_space<hbm>> -> memref<2x40xi32, #tpu.memory_space<hbm>>
    %dma_wait3A_31 = arith.constant 0 : i32
    %dma_wait3A_32 = arith.constant 0 : i32
    %dma_wait3A_33 = tpu.memref_slice %arg2[%add3A, %dma_wait3A_31, %dma_wait3A_32] : memref<32x2x10000xi32, #tpu.memory_space<hbm>> -> memref<1x2x40xi32, #tpu.memory_space<hbm>>
    %dma_wait3A_34 = tpu.memref_squeeze %dma_wait3A_33 : memref<1x2x40xi32, #tpu.memory_space<hbm>> -> memref<2x40xi32, #tpu.memory_space<hbm>>
    tpu.wait_dma2 semaphore(%arg28 : memref<!tpu.dma_semaphore, #tpu.memory_space<semaphore_mem>>) src(%dma_wait3A_34 : memref<2x40xi32, #tpu.memory_space<hbm>>) dst(%arg7 : memref<2x40xi32, #tpu.memory_space<vmem>>)
    %dma_start3A_35 = arith.constant 0 : i32
    %dma_start3A_36 = arith.constant 0 : i32
    %dma_start3A_37 = tpu.memref_slice %arg7[%dma_start3A_35, %dma_start3A_36] : memref<2x40xi32, #tpu.memory_space<vmem>> -> memref<1x40xi32, #tpu.memory_space<vmem>>
    %dma_start3A_38 = tpu.memref_squeeze %dma_start3A_37 : memref<1x40xi32, #tpu.memory_space<vmem>> -> memref<40xi32, #tpu.memory_space<vmem>>
    %dma_start3A_39 = arith.constant 0 : i32
    %dma_start3A_40 = arith.constant 0 : i32
    %dma_start3A_41 = tpu.memref_slice %arg3[%dma_start3A_39, %dma_start3A_40] : memref<10000x144xf32, #tpu.memory_space<hbm>> -> memref<10000x144xf32, #tpu.memory_space<hbm>>
    tpu.enqueue_indirect_dma source(%dma_start3A_41 : memref<10000x144xf32, #tpu.memory_space<hbm>>) target(%arg17 : memref<40x144xf32, #tpu.memory_space<vmem>>) offsets(%dma_start3A_38 : memref<40xi32, #tpu.memory_space<vmem>>) semaphore(%arg33 : memref<!tpu.dma_semaphore, #tpu.memory_space<semaphore_mem>>)
    %dma_start3A_42 = arith.constant 1 : i32
    %dma_start3A_43 = arith.constant 0 : i32
    %dma_start3A_44 = tpu.memref_slice %arg7[%dma_start3A_42, %dma_start3A_43] : memref<2x40xi32, #tpu.memory_space<vmem>> -> memref<1x40xi32, #tpu.memory_space<vmem>>
    %dma_start3A_45 = tpu.memref_squeeze %dma_start3A_44 : memref<1x40xi32, #tpu.memory_space<vmem>> -> memref<40xi32, #tpu.memory_space<vmem>>
    %dma_start3A_46 = arith.constant 0 : i32
    %dma_start3A_47 = arith.constant 0 : i32
    %dma_start3A_48 = tpu.memref_slice %arg4[%dma_start3A_46, %dma_start3A_47] : memref<10000x16xf32, #tpu.memory_space<hbm>> -> memref<10000x16xf32, #tpu.memory_space<hbm>>
    tpu.enqueue_indirect_dma source(%dma_start3A_48 : memref<10000x16xf32, #tpu.memory_space<hbm>>) target(%arg22 : memref<40x16xf32, #tpu.memory_space<vmem>>) offsets(%dma_start3A_45 : memref<40xi32, #tpu.memory_space<vmem>>) semaphore(%arg33 : memref<!tpu.dma_semaphore, #tpu.memory_space<semaphore_mem>>)
    %dma_wait3A_49 = arith.constant 0 : i32
    %dma_wait3A_50 = arith.constant 0 : i32
    %dma_wait3A_51 = tpu.memref_slice %arg2[%add3A, %dma_wait3A_49, %dma_wait3A_50] : memref<32x2x10000xi32, #tpu.memory_space<hbm>> -> memref<1x2x40xi32, #tpu.memory_space<hbm>>
    %dma_wait3A_52 = tpu.memref_squeeze %dma_wait3A_51 : memref<1x2x40xi32, #tpu.memory_space<hbm>> -> memref<2x40xi32, #tpu.memory_space<hbm>>
    %dma_wait3A_53 = arith.constant 0 : i32
    %dma_wait3A_54 = arith.constant 0 : i32
    %dma_wait3A_55 = tpu.memref_slice %arg2[%add3A, %dma_wait3A_53, %dma_wait3A_54] : memref<32x2x10000xi32, #tpu.memory_space<hbm>> -> memref<1x2x40xi32, #tpu.memory_space<hbm>>
    %dma_wait3A_56 = tpu.memref_squeeze %dma_wait3A_55 : memref<1x2x40xi32, #tpu.memory_space<hbm>> -> memref<2x40xi32, #tpu.memory_space<hbm>>
    tpu.wait_dma2 semaphore(%arg29 : memref<!tpu.dma_semaphore, #tpu.memory_space<semaphore_mem>>) src(%dma_wait3A_56 : memref<2x40xi32, #tpu.memory_space<hbm>>) dst(%arg8 : memref<2x40xi32, #tpu.memory_space<vmem>>)
    %dma_start3A_57 = arith.constant 0 : i32
    %dma_start3A_58 = arith.constant 0 : i32
    %dma_start3A_59 = tpu.memref_slice %arg8[%dma_start3A_57, %dma_start3A_58] : memref<2x40xi32, #tpu.memory_space<vmem>> -> memref<1x40xi32, #tpu.memory_space<vmem>>
    %dma_start3A_60 = tpu.memref_squeeze %dma_start3A_59 : memref<1x40xi32, #tpu.memory_space<vmem>> -> memref<40xi32, #tpu.memory_space<vmem>>
    %dma_start3A_61 = arith.constant 0 : i32
    %dma_start3A_62 = arith.constant 0 : i32
    %dma_start3A_63 = tpu.memref_slice %arg3[%dma_start3A_61, %dma_start3A_62] : memref<10000x144xf32, #tpu.memory_space<hbm>> -> memref<10000x144xf32, #tpu.memory_space<hbm>>
    tpu.enqueue_indirect_dma source(%dma_start3A_63 : memref<10000x144xf32, #tpu.memory_space<hbm>>) target(%arg18 : memref<40x144xf32, #tpu.memory_space<vmem>>) offsets(%dma_start3A_60 : memref<40xi32, #tpu.memory_space<vmem>>) semaphore(%arg34 : memref<!tpu.dma_semaphore, #tpu.memory_space<semaphore_mem>>)
    %dma_start3A_64 = arith.constant 1 : i32
    %dma_start3A_65 = arith.constant 0 : i32
    %dma_start3A_66 = tpu.memref_slice %arg8[%dma_start3A_64, %dma_start3A_65] : memref<2x40xi32, #tpu.memory_space<vmem>> -> memref<1x40xi32, #tpu.memory_space<vmem>>
    %dma_start3A_67 = tpu.memref_squeeze %dma_start3A_66 : memref<1x40xi32, #tpu.memory_space<vmem>> -> memref<40xi32, #tpu.memory_space<vmem>>
    %dma_start3A_68 = arith.constant 0 : i32
    %dma_start3A_69 = arith.constant 0 : i32
    %dma_start3A_70 = tpu.memref_slice %arg4[%dma_start3A_68, %dma_start3A_69] : memref<10000x16xf32, #tpu.memory_space<hbm>> -> memref<10000x16xf32, #tpu.memory_space<hbm>>
    tpu.enqueue_indirect_dma source(%dma_start3A_70 : memref<10000x16xf32, #tpu.memory_space<hbm>>) target(%arg23 : memref<40x16xf32, #tpu.memory_space<vmem>>) offsets(%dma_start3A_67 : memref<40xi32, #tpu.memory_space<vmem>>) semaphore(%arg34 : memref<!tpu.dma_semaphore, #tpu.memory_space<semaphore_mem>>)
    %dma_wait3A_71 = arith.constant 0 : i32
    %dma_wait3A_72 = arith.constant 0 : i32
    %dma_wait3A_73 = tpu.memref_slice %arg2[%add3A, %dma_wait3A_71, %dma_wait3A_72] : memref<32x2x10000xi32, #tpu.memory_space<hbm>> -> memref<1x2x40xi32, #tpu.memory_space<hbm>>
    %dma_wait3A_74 = tpu.memref_squeeze %dma_wait3A_73 : memref<1x2x40xi32, #tpu.memory_space<hbm>> -> memref<2x40xi32, #tpu.memory_space<hbm>>
    %dma_wait3A_75 = arith.constant 0 : i32
    %dma_wait3A_76 = arith.constant 0 : i32
    %dma_wait3A_77 = tpu.memref_slice %arg2[%add3A, %dma_wait3A_75, %dma_wait3A_76] : memref<32x2x10000xi32, #tpu.memory_space<hbm>> -> memref<1x2x40xi32, #tpu.memory_space<hbm>>
    %dma_wait3A_78 = tpu.memref_squeeze %dma_wait3A_77 : memref<1x2x40xi32, #tpu.memory_space<hbm>> -> memref<2x40xi32, #tpu.memory_space<hbm>>
    tpu.wait_dma2 semaphore(%arg30 : memref<!tpu.dma_semaphore, #tpu.memory_space<semaphore_mem>>) src(%dma_wait3A_78 : memref<2x40xi32, #tpu.memory_space<hbm>>) dst(%arg9 : memref<2x40xi32, #tpu.memory_space<vmem>>)
    %dma_start3A_79 = arith.constant 0 : i32
    %dma_start3A_80 = arith.constant 0 : i32
    %dma_start3A_81 = tpu.memref_slice %arg9[%dma_start3A_79, %dma_start3A_80] : memref<2x40xi32, #tpu.memory_space<vmem>> -> memref<1x40xi32, #tpu.memory_space<vmem>>
    %dma_start3A_82 = tpu.memref_squeeze %dma_start3A_81 : memref<1x40xi32, #tpu.memory_space<vmem>> -> memref<40xi32, #tpu.memory_space<vmem>>
    %dma_start3A_83 = arith.constant 0 : i32
    %dma_start3A_84 = arith.constant 0 : i32
    %dma_start3A_85 = tpu.memref_slice %arg3[%dma_start3A_83, %dma_start3A_84] : memref<10000x144xf32, #tpu.memory_space<hbm>> -> memref<10000x144xf32, #tpu.memory_space<hbm>>
    tpu.enqueue_indirect_dma source(%dma_start3A_85 : memref<10000x144xf32, #tpu.memory_space<hbm>>) target(%arg19 : memref<40x144xf32, #tpu.memory_space<vmem>>) offsets(%dma_start3A_82 : memref<40xi32, #tpu.memory_space<vmem>>) semaphore(%arg35 : memref<!tpu.dma_semaphore, #tpu.memory_space<semaphore_mem>>)
    %dma_start3A_86 = arith.constant 1 : i32
    %dma_start3A_87 = arith.constant 0 : i32
    %dma_start3A_88 = tpu.memref_slice %arg9[%dma_start3A_86, %dma_start3A_87] : memref<2x40xi32, #tpu.memory_space<vmem>> -> memref<1x40xi32, #tpu.memory_space<vmem>>
    %dma_start3A_89 = tpu.memref_squeeze %dma_start3A_88 : memref<1x40xi32, #tpu.memory_space<vmem>> -> memref<40xi32, #tpu.memory_space<vmem>>
    %dma_start3A_90 = arith.constant 0 : i32
    %dma_start3A_91 = arith.constant 0 : i32
    %dma_start3A_92 = tpu.memref_slice %arg4[%dma_start3A_90, %dma_start3A_91] : memref<10000x16xf32, #tpu.memory_space<hbm>> -> memref<10000x16xf32, #tpu.memory_space<hbm>>
    tpu.enqueue_indirect_dma source(%dma_start3A_92 : memref<10000x16xf32, #tpu.memory_space<hbm>>) target(%arg24 : memref<40x16xf32, #tpu.memory_space<vmem>>) offsets(%dma_start3A_89 : memref<40xi32, #tpu.memory_space<vmem>>) semaphore(%arg35 : memref<!tpu.dma_semaphore, #tpu.memory_space<semaphore_mem>>)
    %dma_start3A_93 = arith.constant 0 : i32
    %dma_start3A_94 = arith.constant 120 : i32
    %dma_start3A_95 = tpu.memref_slice %arg2[%add3A, %dma_start3A_93, %dma_start3A_94] : memref<32x2x10000xi32, #tpu.memory_space<hbm>> -> memref<1x2x40xi32, #tpu.memory_space<hbm>>
    %dma_start3A_96 = tpu.memref_squeeze %dma_start3A_95 : memref<1x2x40xi32, #tpu.memory_space<hbm>> -> memref<2x40xi32, #tpu.memory_space<hbm>>
    %dma_start3A_97 = arith.constant 0 : i32
    %dma_start3A_98 = arith.constant 120 : i32
    %dma_start3A_99 = tpu.memref_slice %arg2[%add3A, %dma_start3A_97, %dma_start3A_98] : memref<32x2x10000xi32, #tpu.memory_space<hbm>> -> memref<1x2x40xi32, #tpu.memory_space<hbm>>
    %dma_start3A_100 = tpu.memref_squeeze %dma_start3A_99 : memref<1x2x40xi32, #tpu.memory_space<hbm>> -> memref<2x40xi32, #tpu.memory_space<hbm>>
    tpu.enqueue_dma source(%dma_start3A_100 : memref<2x40xi32, #tpu.memory_space<hbm>>) target(%arg10 : memref<2x40xi32, #tpu.memory_space<vmem>>) target_semaphore(%arg31 : memref<!tpu.dma_semaphore, #tpu.memory_space<semaphore_mem>>)
    %dma_start3A_101 = arith.constant 0 : i32
    %dma_start3A_102 = arith.constant 160 : i32
    %dma_start3A_103 = tpu.memref_slice %arg2[%add3A, %dma_start3A_101, %dma_start3A_102] : memref<32x2x10000xi32, #tpu.memory_space<hbm>> -> memref<1x2x40xi32, #tpu.memory_space<hbm>>
    %dma_start3A_104 = tpu.memref_squeeze %dma_start3A_103 : memref<1x2x40xi32, #tpu.memory_space<hbm>> -> memref<2x40xi32, #tpu.memory_space<hbm>>
    %dma_start3A_105 = arith.constant 0 : i32
    %dma_start3A_106 = arith.constant 160 : i32
    %dma_start3A_107 = tpu.memref_slice %arg2[%add3A, %dma_start3A_105, %dma_start3A_106] : memref<32x2x10000xi32, #tpu.memory_space<hbm>> -> memref<1x2x40xi32, #tpu.memory_space<hbm>>
    %dma_start3A_108 = tpu.memref_squeeze %dma_start3A_107 : memref<1x2x40xi32, #tpu.memory_space<hbm>> -> memref<2x40xi32, #tpu.memory_space<hbm>>
    tpu.enqueue_dma source(%dma_start3A_108 : memref<2x40xi32, #tpu.memory_space<hbm>>) target(%arg11 : memref<2x40xi32, #tpu.memory_space<vmem>>) target_semaphore(%arg32 : memref<!tpu.dma_semaphore, #tpu.memory_space<semaphore_mem>>)
    %scan3A = arith.constant 0 : i32
    %scan3A_109 = arith.constant 50 : i32
    %scan3A_110 = arith.addi %scan3A, %scan3A_109 : i32
    %scan3A_111 = arith.constant 1 : i32
    scf.for %scan3A_133 = %scan3A to %scan3A_110 step %scan3A_111  : i32 {
      %mul3A_134 = arith.constant 1 : i32
      %mul3A_135 = arith.muli %scan3A_133, %mul3A_134 : i32
      %add3A_136 = arith.constant 0 : i32
      %add3A_137 = arith.addi %add3A_136, %mul3A_135 : i32
      %dma_wait3A_138 = arith.constant 0 : i32
      %dma_wait3A_139 = arith.constant 0 : i32
      %dma_wait3A_140 = tpu.memref_slice %arg7[%dma_wait3A_138, %dma_wait3A_139] : memref<2x40xi32, #tpu.memory_space<vmem>> -> memref<1x40xi32, #tpu.memory_space<vmem>>
      %dma_wait3A_141 = tpu.memref_squeeze %dma_wait3A_140 : memref<1x40xi32, #tpu.memory_space<vmem>> -> memref<40xi32, #tpu.memory_space<vmem>>
      %dma_wait3A_142 = arith.constant 0 : i32
      %dma_wait3A_143 = arith.constant 0 : i32
      %dma_wait3A_144 = tpu.memref_slice %arg3[%dma_wait3A_142, %dma_wait3A_143] : memref<10000x144xf32, #tpu.memory_space<hbm>> -> memref<10000x144xf32, #tpu.memory_space<hbm>>
      tpu.wait_indirect_dma semaphore(%arg33 : memref<!tpu.dma_semaphore, #tpu.memory_space<semaphore_mem>>) src(%dma_wait3A_144 : memref<10000x144xf32, #tpu.memory_space<hbm>>) dst(%arg17 : memref<40x144xf32, #tpu.memory_space<vmem>>)
      %dma_wait3A_145 = arith.constant 1 : i32
      %dma_wait3A_146 = arith.constant 0 : i32
      %dma_wait3A_147 = tpu.memref_slice %arg7[%dma_wait3A_145, %dma_wait3A_146] : memref<2x40xi32, #tpu.memory_space<vmem>> -> memref<1x40xi32, #tpu.memory_space<vmem>>
      %dma_wait3A_148 = tpu.memref_squeeze %dma_wait3A_147 : memref<1x40xi32, #tpu.memory_space<vmem>> -> memref<40xi32, #tpu.memory_space<vmem>>
      %dma_wait3A_149 = arith.constant 0 : i32
      %dma_wait3A_150 = arith.constant 0 : i32
      %dma_wait3A_151 = tpu.memref_slice %arg4[%dma_wait3A_149, %dma_wait3A_150] : memref<10000x16xf32, #tpu.memory_space<hbm>> -> memref<10000x16xf32, #tpu.memory_space<hbm>>
      tpu.wait_indirect_dma semaphore(%arg33 : memref<!tpu.dma_semaphore, #tpu.memory_space<semaphore_mem>>) src(%dma_wait3A_151 : memref<10000x16xf32, #tpu.memory_space<hbm>>) dst(%arg22 : memref<40x16xf32, #tpu.memory_space<vmem>>)
      %get3A = arith.constant 1 : i32
      %get3A_152 = arith.index_cast %get3A : i32 to index
      %get3A_153 = arith.constant 0 : index
      %get3A_154 = tpu.vector_load %arg7[%get3A_152, %get3A_153] {strides = array<i32>} : memref<2x40xi32, #tpu.memory_space<vmem>>, vector<1x16xi32>,
      %get3A_155 = vector.shape_cast %get3A_154 : vector<1x16xi32> to vector<16xi32>
      %swap3A = arith.constant 0 : index
      %swap3A_156 = tpu.vector_load %arg12[%swap3A] {strides = array<i32>} : memref<40xi32, #tpu.memory_space<vmem>>, vector<16xi32>,
      %swap3A_157 = vector.shape_cast %swap3A_156 : vector<16xi32> to vector<16xi32>
      %swap3A_158 = vector.shape_cast %get3A_155 : vector<16xi32> to vector<16xi32>
      tpu.vector_store %arg12[%swap3A], %swap3A_158 {strides = array<i32>} : memref<40xi32, #tpu.memory_space<vmem>>, vector<16xi32>,
      %get3A_159 = arith.constant 1 : i32
      %get3A_160 = arith.index_cast %get3A_159 : i32 to index
      %get3A_161 = arith.constant 16 : index
      %get3A_162 = tpu.vector_load %arg7[%get3A_160, %get3A_161] {strides = array<i32>} : memref<2x40xi32, #tpu.memory_space<vmem>>, vector<1x16xi32>,
      %get3A_163 = vector.shape_cast %get3A_162 : vector<1x16xi32> to vector<16xi32>
      %swap3A_164 = arith.constant 16 : index
      %swap3A_165 = tpu.vector_load %arg12[%swap3A_164] {strides = array<i32>} : memref<40xi32, #tpu.memory_space<vmem>>, vector<16xi32>,
      %swap3A_166 = vector.shape_cast %swap3A_165 : vector<16xi32> to vector<16xi32>
      %swap3A_167 = vector.shape_cast %get3A_163 : vector<16xi32> to vector<16xi32>
      tpu.vector_store %arg12[%swap3A_164], %swap3A_167 {strides = array<i32>} : memref<40xi32, #tpu.memory_space<vmem>>, vector<16xi32>,
      %get3A_168 = arith.constant 1 : i32
      %get3A_169 = arith.index_cast %get3A_168 : i32 to index
      %get3A_170 = arith.constant 24 : index
      %get3A_171 = tpu.vector_load %arg7[%get3A_169, %get3A_170] {strides = array<i32>} : memref<2x40xi32, #tpu.memory_space<vmem>>, vector<1x16xi32>,
      %get3A_172 = vector.shape_cast %get3A_171 : vector<1x16xi32> to vector<16xi32>
      %swap3A_173 = arith.constant 24 : index
      %swap3A_174 = tpu.vector_load %arg12[%swap3A_173] {strides = array<i32>} : memref<40xi32, #tpu.memory_space<vmem>>, vector<16xi32>,
      %swap3A_175 = vector.shape_cast %swap3A_174 : vector<16xi32> to vector<16xi32>
      %swap3A_176 = vector.shape_cast %get3A_172 : vector<16xi32> to vector<16xi32>
      tpu.vector_store %arg12[%swap3A_173], %swap3A_176 {strides = array<i32>} : memref<40xi32, #tpu.memory_space<vmem>>, vector<16xi32>,
      %gt3A = arith.constant 0 : i32
      %gt3A_177 = arith.cmpi sgt, %add3A_137, %gt3A : i32
      %convert_element_type3A = arith.extui %gt3A_177 : i1 to i32
      %cond3A = arith.constant 0 : i32
      %cond3A_178 = arith.cmpi ne, %convert_element_type3A, %cond3A : i32
      scf.if %cond3A_178 {
        %dma_wait3A_460 = arith.constant 0 : i32
        %dma_wait3A_461 = arith.constant 0 : i32
        %dma_wait3A_462 = tpu.memref_slice %arg27[%dma_wait3A_460, %dma_wait3A_461] : memref<10000x144xf32, #tpu.memory_space<vmem_shared>> -> memref<10000x144xf32, #tpu.memory_space<vmem_shared>>
        tpu.wait_indirect_dma semaphore(%arg41 : memref<!tpu.dma_semaphore, #tpu.memory_space<semaphore_mem>>) src(%arg20 : memref<40x144xf32, #tpu.memory_space<vmem>>) dst(%dma_wait3A_462 : memref<10000x144xf32, #tpu.memory_space<vmem_shared>>)
      } else {
      }
      %dma_wait3A_179 = arith.constant 0 : i32
      %dma_wait3A_180 = arith.constant 0 : i32
      %dma_wait3A_181 = tpu.memref_slice %arg2[%add3A, %dma_wait3A_179, %dma_wait3A_180] : memref<32x2x10000xi32, #tpu.memory_space<hbm>> -> memref<1x2x40xi32, #tpu.memory_space<hbm>>
      %dma_wait3A_182 = tpu.memref_squeeze %dma_wait3A_181 : memref<1x2x40xi32, #tpu.memory_space<hbm>> -> memref<2x40xi32, #tpu.memory_space<hbm>>
      %dma_wait3A_183 = arith.constant 0 : i32
      %dma_wait3A_184 = arith.constant 0 : i32
      %dma_wait3A_185 = tpu.memref_slice %arg2[%add3A, %dma_wait3A_183, %dma_wait3A_184] : memref<32x2x10000xi32, #tpu.memory_space<hbm>> -> memref<1x2x40xi32, #tpu.memory_space<hbm>>
      %dma_wait3A_186 = tpu.memref_squeeze %dma_wait3A_185 : memref<1x2x40xi32, #tpu.memory_space<hbm>> -> memref<2x40xi32, #tpu.memory_space<hbm>>
      tpu.wait_dma2 semaphore(%arg31 : memref<!tpu.dma_semaphore, #tpu.memory_space<semaphore_mem>>) src(%dma_wait3A_186 : memref<2x40xi32, #tpu.memory_space<hbm>>) dst(%arg10 : memref<2x40xi32, #tpu.memory_space<vmem>>)
      %dma_start3A_187 = arith.constant 0 : i32
      %dma_start3A_188 = arith.constant 0 : i32
      %dma_start3A_189 = tpu.memref_slice %arg10[%dma_start3A_187, %dma_start3A_188] : memref<2x40xi32, #tpu.memory_space<vmem>> -> memref<1x40xi32, #tpu.memory_space<vmem>>
      %dma_start3A_190 = tpu.memref_squeeze %dma_start3A_189 : memref<1x40xi32, #tpu.memory_space<vmem>> -> memref<40xi32, #tpu.memory_space<vmem>>
      %dma_start3A_191 = arith.constant 0 : i32
      %dma_start3A_192 = arith.constant 0 : i32
      %dma_start3A_193 = tpu.memref_slice %arg3[%dma_start3A_191, %dma_start3A_192] : memref<10000x144xf32, #tpu.memory_space<hbm>> -> memref<10000x144xf32, #tpu.memory_space<hbm>>
      tpu.enqueue_indirect_dma source(%dma_start3A_193 : memref<10000x144xf32, #tpu.memory_space<hbm>>) target(%arg20 : memref<40x144xf32, #tpu.memory_space<vmem>>) offsets(%dma_start3A_190 : memref<40xi32, #tpu.memory_space<vmem>>) semaphore(%arg36 : memref<!tpu.dma_semaphore, #tpu.memory_space<semaphore_mem>>)
      %dma_start3A_194 = arith.constant 1 : i32
      %dma_start3A_195 = arith.constant 0 : i32
      %dma_start3A_196 = tpu.memref_slice %arg10[%dma_start3A_194, %dma_start3A_195] : memref<2x40xi32, #tpu.memory_space<vmem>> -> memref<1x40xi32, #tpu.memory_space<vmem>>
      %dma_start3A_197 = tpu.memref_squeeze %dma_start3A_196 : memref<1x40xi32, #tpu.memory_space<vmem>> -> memref<40xi32, #tpu.memory_space<vmem>>
      %dma_start3A_198 = arith.constant 0 : i32
      %dma_start3A_199 = arith.constant 0 : i32
      %dma_start3A_200 = tpu.memref_slice %arg4[%dma_start3A_198, %dma_start3A_199] : memref<10000x16xf32, #tpu.memory_space<hbm>> -> memref<10000x16xf32, #tpu.memory_space<hbm>>
      tpu.enqueue_indirect_dma source(%dma_start3A_200 : memref<10000x16xf32, #tpu.memory_space<hbm>>) target(%arg25 : memref<40x16xf32, #tpu.memory_space<vmem>>) offsets(%dma_start3A_197 : memref<40xi32, #tpu.memory_space<vmem>>) semaphore(%arg36 : memref<!tpu.dma_semaphore, #tpu.memory_space<semaphore_mem>>)
      %lt3A = arith.constant 49 : i32
      %lt3A_201 = arith.cmpi slt, %add3A_137, %lt3A : i32
      %convert_element_type3A_202 = arith.extui %lt3A_201 : i1 to i32
      %cond3A_203 = arith.constant 0 : i32
      %cond3A_204 = arith.cmpi ne, %convert_element_type3A_202, %cond3A_203 : i32
      scf.if %cond3A_204 {
        %mul3A_460 = arith.constant 5 : i32
        %mul3A_461 = arith.muli %mul3A_460, %add3A_137 : i32
        %add3A_462 = arith.constant 0 : i32
        %add3A_463 = arith.addi %mul3A_461, %add3A_462 : i32
        %add3A_464 = arith.constant 5 : i32
        %add3A_465 = arith.addi %add3A_463, %add3A_464 : i32
        %mul3A_466 = arith.constant 40 : i32
        %mul3A_467 = arith.muli %add3A_465, %mul3A_466 : i32
        %dma_start3A_468 = arith.constant 0 : i32
        %dma_start3A_469 = tpu.memref_slice %arg2[%add3A, %dma_start3A_468, %mul3A_467] : memref<32x2x10000xi32, #tpu.memory_space<hbm>> -> memref<1x2x40xi32, #tpu.memory_space<hbm>>
        %dma_start3A_470 = tpu.memref_squeeze %dma_start3A_469 : memref<1x2x40xi32, #tpu.memory_space<hbm>> -> memref<2x40xi32, #tpu.memory_space<hbm>>
        %dma_start3A_471 = arith.constant 0 : i32
        %dma_start3A_472 = tpu.memref_slice %arg2[%add3A, %dma_start3A_471, %mul3A_467] : memref<32x2x10000xi32, #tpu.memory_space<hbm>> -> memref<1x2x40xi32, #tpu.memory_space<hbm>>
        %dma_start3A_473 = tpu.memref_squeeze %dma_start3A_472 : memref<1x2x40xi32, #tpu.memory_space<hbm>> -> memref<2x40xi32, #tpu.memory_space<hbm>>
        tpu.enqueue_dma source(%dma_start3A_473 : memref<2x40xi32, #tpu.memory_space<hbm>>) target(%arg7 : memref<2x40xi32, #tpu.memory_space<vmem>>) target_semaphore(%arg28 : memref<!tpu.dma_semaphore, #tpu.memory_space<semaphore_mem>>)
      } else {
      }
      %parallel_loop3A = arith.constant 0 : i32
      %parallel_loop3A_205 = arith.constant 40 : i32
      %parallel_loop3A_206 = arith.constant 1 : i32
      scf.for %parallel_loop3A_460 = %parallel_loop3A to %parallel_loop3A_205 step %parallel_loop3A_206  : i32 {
        %parallel_loop3A_461 = arith.index_cast %parallel_loop3A_460 : i32 to index
        %parallel_loop3A_462 = arith.constant 128 : index
        %parallel_loop3A_463 = tpu.vector_load %arg17[%parallel_loop3A_461, %parallel_loop3A_462] {strides = array<i32>} : memref<40x144xf32, #tpu.memory_space<vmem>>, vector<1x16xf32>,
        %parallel_loop3A_464 = vector.shape_cast %parallel_loop3A_463 : vector<1x16xf32> to vector<16xf32>
        %parallel_loop3A_465 = arith.index_cast %parallel_loop3A_460 : i32 to index
        %parallel_loop3A_466 = arith.constant 0 : index
        %parallel_loop3A_467 = tpu.vector_load %arg22[%parallel_loop3A_465, %parallel_loop3A_466] {strides = array<i32>} : memref<40x16xf32, #tpu.memory_space<vmem>>, vector<1x16xf32>,
        %parallel_loop3A_468 = vector.shape_cast %parallel_loop3A_467 : vector<1x16xf32> to vector<16xf32>
        %parallel_loop3A_469 = arith.addf %parallel_loop3A_464, %parallel_loop3A_468 : vector<16xf32>
        %parallel_loop3A_470 = arith.constant 2.000000e-01 : f32
        %parallel_loop3A_471 = vector.broadcast %parallel_loop3A_470 : f32 to vector<16xf32>
        %parallel_loop3A_472 = arith.mulf %parallel_loop3A_469, %parallel_loop3A_471 : vector<16xf32>
        %parallel_loop3A_473 = arith.maximumf %parallel_loop3A_469, %parallel_loop3A_472 : vector<16xf32>
        %parallel_loop3A_474 = math.exp %parallel_loop3A_473 : vector<16xf32>
        %parallel_loop3A_475 = arith.index_cast %parallel_loop3A_460 : i32 to index
        %parallel_loop3A_476 = arith.constant 128 : index
        %parallel_loop3A_477 = tpu.vector_load %arg17[%parallel_loop3A_475, %parallel_loop3A_476] {strides = array<i32>} : memref<40x144xf32, #tpu.memory_space<vmem>>, vector<1x16xf32>,
        %parallel_loop3A_478 = vector.shape_cast %parallel_loop3A_477 : vector<1x16xf32> to vector<16xf32>
        %parallel_loop3A_479 = vector.shape_cast %parallel_loop3A_474 : vector<16xf32> to vector<1x16xf32>
        tpu.vector_store %arg17[%parallel_loop3A_475, %parallel_loop3A_476], %parallel_loop3A_479 {strides = array<i32>} : memref<40x144xf32, #tpu.memory_space<vmem>>, vector<1x16xf32>,
        %parallel_loop3A_480 = tpu.iota {dimensions = array<i32: 0>} : vector<16xi32>
        %parallel_loop3A_481 = arith.constant 8 : i32
        %parallel_loop3A_482 = arith.constant 0 : i32
        %parallel_loop3A_483 = arith.cmpi eq, %parallel_loop3A_481, %parallel_loop3A_482 : i32
        %parallel_loop3A_484 = arith.constant 1 : i32
        %parallel_loop3A_485 = arith.select %parallel_loop3A_483, %parallel_loop3A_484, %parallel_loop3A_481 : i32
        %parallel_loop3A_486 = vector.broadcast %parallel_loop3A_485 : i32 to vector<16xi32>
        %parallel_loop3A_487 = arith.remsi %parallel_loop3A_480, %parallel_loop3A_486 : vector<16xi32>
        %parallel_loop3A_488 = arith.constant 0 : i32
        %parallel_loop3A_489 = vector.broadcast %parallel_loop3A_488 : i32 to vector<16xi32>
        %parallel_loop3A_490 = arith.cmpi ne, %parallel_loop3A_487, %parallel_loop3A_489 : vector<16xi32>
        %parallel_loop3A_491 = arith.constant 0 : i32
        %parallel_loop3A_492 = vector.broadcast %parallel_loop3A_491 : i32 to vector<16xi32>
        %parallel_loop3A_493 = arith.cmpi slt, %parallel_loop3A_487, %parallel_loop3A_492 : vector<16xi32>
        %parallel_loop3A_494 = arith.constant 0 : i32
        %parallel_loop3A_495 = arith.cmpi slt, %parallel_loop3A_485, %parallel_loop3A_494 : i32
        %parallel_loop3A_496 = vector.broadcast %parallel_loop3A_495 : i1 to vector<16xi1>
        %parallel_loop3A_497 = vector.broadcast %parallel_loop3A_496 : vector<16xi1> to vector<16xi1>
        %parallel_loop3A_498 = arith.xori %parallel_loop3A_493, %parallel_loop3A_497 : vector<16xi1>
        %parallel_loop3A_499 = arith.andi %parallel_loop3A_498, %parallel_loop3A_490 : vector<16xi1>
        %parallel_loop3A_500 = vector.broadcast %parallel_loop3A_485 : i32 to vector<16xi32>
        %parallel_loop3A_501 = arith.addi %parallel_loop3A_487, %parallel_loop3A_500 : vector<16xi32>
        %parallel_loop3A_502 = arith.select %parallel_loop3A_499, %parallel_loop3A_501, %parallel_loop3A_487 : vector<16xi1>, vector<16xi32>
        %parallel_loop3A_503 = vector.shape_cast %parallel_loop3A_502 : vector<16xi32> to vector<16x1xi32>
        %parallel_loop3A_504 = vector.shape_cast %parallel_loop3A_503 : vector<16x1xi32> to vector<16xi32>
        %parallel_loop3A_505 = tpu.dynamic_gather %parallel_loop3A_474[%parallel_loop3A_504] in [0] : vector<16xf32>, vector<16xi32> -> vector<16xf32>
        %parallel_loop3A_506 = arith.index_cast %parallel_loop3A_460 : i32 to index
        %parallel_loop3A_507 = arith.constant 0 : index
        %parallel_loop3A_508 = tpu.vector_load %arg17[%parallel_loop3A_506, %parallel_loop3A_507] {strides = array<i32>} : memref<40x144xf32, #tpu.memory_space<vmem>>, vector<1x16xf32>,
        %parallel_loop3A_509 = vector.shape_cast %parallel_loop3A_508 : vector<1x16xf32> to vector<16xf32>
        %parallel_loop3A_510 = arith.mulf %parallel_loop3A_509, %parallel_loop3A_505 : vector<16xf32>
        %parallel_loop3A_511 = arith.index_cast %parallel_loop3A_460 : i32 to index
        %parallel_loop3A_512 = arith.constant 0 : index
        %parallel_loop3A_513 = tpu.vector_load %arg17[%parallel_loop3A_511, %parallel_loop3A_512] {strides = array<i32>} : memref<40x144xf32, #tpu.memory_space<vmem>>, vector<1x16xf32>,
        %parallel_loop3A_514 = vector.shape_cast %parallel_loop3A_513 : vector<1x16xf32> to vector<16xf32>
        %parallel_loop3A_515 = vector.shape_cast %parallel_loop3A_510 : vector<16xf32> to vector<1x16xf32>
        tpu.vector_store %arg17[%parallel_loop3A_511, %parallel_loop3A_512], %parallel_loop3A_515 {strides = array<i32>} : memref<40x144xf32, #tpu.memory_space<vmem>>, vector<1x16xf32>,
        %parallel_loop3A_516 = arith.index_cast %parallel_loop3A_460 : i32 to index
        %parallel_loop3A_517 = arith.constant 16 : index
        %parallel_loop3A_518 = tpu.vector_load %arg17[%parallel_loop3A_516, %parallel_loop3A_517] {strides = array<i32>} : memref<40x144xf32, #tpu.memory_space<vmem>>, vector<1x16xf32>,
        %parallel_loop3A_519 = vector.shape_cast %parallel_loop3A_518 : vector<1x16xf32> to vector<16xf32>
        %parallel_loop3A_520 = arith.mulf %parallel_loop3A_519, %parallel_loop3A_505 : vector<16xf32>
        %parallel_loop3A_521 = arith.index_cast %parallel_loop3A_460 : i32 to index
        %parallel_loop3A_522 = arith.constant 16 : index
        %parallel_loop3A_523 = tpu.vector_load %arg17[%parallel_loop3A_521, %parallel_loop3A_522] {strides = array<i32>} : memref<40x144xf32, #tpu.memory_space<vmem>>, vector<1x16xf32>,
        %parallel_loop3A_524 = vector.shape_cast %parallel_loop3A_523 : vector<1x16xf32> to vector<16xf32>
        %parallel_loop3A_525 = vector.shape_cast %parallel_loop3A_520 : vector<16xf32> to vector<1x16xf32>
        tpu.vector_store %arg17[%parallel_loop3A_521, %parallel_loop3A_522], %parallel_loop3A_525 {strides = array<i32>} : memref<40x144xf32, #tpu.memory_space<vmem>>, vector<1x16xf32>,
        %parallel_loop3A_526 = arith.index_cast %parallel_loop3A_460 : i32 to index
        %parallel_loop3A_527 = arith.constant 32 : index
        %parallel_loop3A_528 = tpu.vector_load %arg17[%parallel_loop3A_526, %parallel_loop3A_527] {strides = array<i32>} : memref<40x144xf32, #tpu.memory_space<vmem>>, vector<1x16xf32>,
        %parallel_loop3A_529 = vector.shape_cast %parallel_loop3A_528 : vector<1x16xf32> to vector<16xf32>
        %parallel_loop3A_530 = arith.mulf %parallel_loop3A_529, %parallel_loop3A_505 : vector<16xf32>
        %parallel_loop3A_531 = arith.index_cast %parallel_loop3A_460 : i32 to index
        %parallel_loop3A_532 = arith.constant 32 : index
        %parallel_loop3A_533 = tpu.vector_load %arg17[%parallel_loop3A_531, %parallel_loop3A_532] {strides = array<i32>} : memref<40x144xf32, #tpu.memory_space<vmem>>, vector<1x16xf32>,
        %parallel_loop3A_534 = vector.shape_cast %parallel_loop3A_533 : vector<1x16xf32> to vector<16xf32>
        %parallel_loop3A_535 = vector.shape_cast %parallel_loop3A_530 : vector<16xf32> to vector<1x16xf32>
        tpu.vector_store %arg17[%parallel_loop3A_531, %parallel_loop3A_532], %parallel_loop3A_535 {strides = array<i32>} : memref<40x144xf32, #tpu.memory_space<vmem>>, vector<1x16xf32>,
        %parallel_loop3A_536 = arith.index_cast %parallel_loop3A_460 : i32 to index
        %parallel_loop3A_537 = arith.constant 48 : index
        %parallel_loop3A_538 = tpu.vector_load %arg17[%parallel_loop3A_536, %parallel_loop3A_537] {strides = array<i32>} : memref<40x144xf32, #tpu.memory_space<vmem>>, vector<1x16xf32>,
        %parallel_loop3A_539 = vector.shape_cast %parallel_loop3A_538 : vector<1x16xf32> to vector<16xf32>
        %parallel_loop3A_540 = arith.mulf %parallel_loop3A_539, %parallel_loop3A_505 : vector<16xf32>
        %parallel_loop3A_541 = arith.index_cast %parallel_loop3A_460 : i32 to index
        %parallel_loop3A_542 = arith.constant 48 : index
        %parallel_loop3A_543 = tpu.vector_load %arg17[%parallel_loop3A_541, %parallel_loop3A_542] {strides = array<i32>} : memref<40x144xf32, #tpu.memory_space<vmem>>, vector<1x16xf32>,
        %parallel_loop3A_544 = vector.shape_cast %parallel_loop3A_543 : vector<1x16xf32> to vector<16xf32>
        %parallel_loop3A_545 = vector.shape_cast %parallel_loop3A_540 : vector<16xf32> to vector<1x16xf32>
        tpu.vector_store %arg17[%parallel_loop3A_541, %parallel_loop3A_542], %parallel_loop3A_545 {strides = array<i32>} : memref<40x144xf32, #tpu.memory_space<vmem>>, vector<1x16xf32>,
        %parallel_loop3A_546 = arith.index_cast %parallel_loop3A_460 : i32 to index
        %parallel_loop3A_547 = arith.constant 64 : index
        %parallel_loop3A_548 = tpu.vector_load %arg17[%parallel_loop3A_546, %parallel_loop3A_547] {strides = array<i32>} : memref<40x144xf32, #tpu.memory_space<vmem>>, vector<1x16xf32>,
        %parallel_loop3A_549 = vector.shape_cast %parallel_loop3A_548 : vector<1x16xf32> to vector<16xf32>
        %parallel_loop3A_550 = arith.mulf %parallel_loop3A_549, %parallel_loop3A_505 : vector<16xf32>
        %parallel_loop3A_551 = arith.index_cast %parallel_loop3A_460 : i32 to index
        %parallel_loop3A_552 = arith.constant 64 : index
        %parallel_loop3A_553 = tpu.vector_load %arg17[%parallel_loop3A_551, %parallel_loop3A_552] {strides = array<i32>} : memref<40x144xf32, #tpu.memory_space<vmem>>, vector<1x16xf32>,
        %parallel_loop3A_554 = vector.shape_cast %parallel_loop3A_553 : vector<1x16xf32> to vector<16xf32>
        %parallel_loop3A_555 = vector.shape_cast %parallel_loop3A_550 : vector<16xf32> to vector<1x16xf32>
        tpu.vector_store %arg17[%parallel_loop3A_551, %parallel_loop3A_552], %parallel_loop3A_555 {strides = array<i32>} : memref<40x144xf32, #tpu.memory_space<vmem>>, vector<1x16xf32>,
        %parallel_loop3A_556 = arith.index_cast %parallel_loop3A_460 : i32 to index
        %parallel_loop3A_557 = arith.constant 80 : index
        %parallel_loop3A_558 = tpu.vector_load %arg17[%parallel_loop3A_556, %parallel_loop3A_557] {strides = array<i32>} : memref<40x144xf32, #tpu.memory_space<vmem>>, vector<1x16xf32>,
        %parallel_loop3A_559 = vector.shape_cast %parallel_loop3A_558 : vector<1x16xf32> to vector<16xf32>
        %parallel_loop3A_560 = arith.mulf %parallel_loop3A_559, %parallel_loop3A_505 : vector<16xf32>
        %parallel_loop3A_561 = arith.index_cast %parallel_loop3A_460 : i32 to index
        %parallel_loop3A_562 = arith.constant 80 : index
        %parallel_loop3A_563 = tpu.vector_load %arg17[%parallel_loop3A_561, %parallel_loop3A_562] {strides = array<i32>} : memref<40x144xf32, #tpu.memory_space<vmem>>, vector<1x16xf32>,
        %parallel_loop3A_564 = vector.shape_cast %parallel_loop3A_563 : vector<1x16xf32> to vector<16xf32>
        %parallel_loop3A_565 = vector.shape_cast %parallel_loop3A_560 : vector<16xf32> to vector<1x16xf32>
        tpu.vector_store %arg17[%parallel_loop3A_561, %parallel_loop3A_562], %parallel_loop3A_565 {strides = array<i32>} : memref<40x144xf32, #tpu.memory_space<vmem>>, vector<1x16xf32>,
        %parallel_loop3A_566 = arith.index_cast %parallel_loop3A_460 : i32 to index
        %parallel_loop3A_567 = arith.constant 96 : index
        %parallel_loop3A_568 = tpu.vector_load %arg17[%parallel_loop3A_566, %parallel_loop3A_567] {strides = array<i32>} : memref<40x144xf32, #tpu.memory_space<vmem>>, vector<1x16xf32>,
        %parallel_loop3A_569 = vector.shape_cast %parallel_loop3A_568 : vector<1x16xf32> to vector<16xf32>
        %parallel_loop3A_570 = arith.mulf %parallel_loop3A_569, %parallel_loop3A_505 : vector<16xf32>
        %parallel_loop3A_571 = arith.index_cast %parallel_loop3A_460 : i32 to index
        %parallel_loop3A_572 = arith.constant 96 : index
        %parallel_loop3A_573 = tpu.vector_load %arg17[%parallel_loop3A_571, %parallel_loop3A_572] {strides = array<i32>} : memref<40x144xf32, #tpu.memory_space<vmem>>, vector<1x16xf32>,
        %parallel_loop3A_574 = vector.shape_cast %parallel_loop3A_573 : vector<1x16xf32> to vector<16xf32>
        %parallel_loop3A_575 = vector.shape_cast %parallel_loop3A_570 : vector<16xf32> to vector<1x16xf32>
        tpu.vector_store %arg17[%parallel_loop3A_571, %parallel_loop3A_572], %parallel_loop3A_575 {strides = array<i32>} : memref<40x144xf32, #tpu.memory_space<vmem>>, vector<1x16xf32>,
        %parallel_loop3A_576 = arith.index_cast %parallel_loop3A_460 : i32 to index
        %parallel_loop3A_577 = arith.constant 112 : index
        %parallel_loop3A_578 = tpu.vector_load %arg17[%parallel_loop3A_576, %parallel_loop3A_577] {strides = array<i32>} : memref<40x144xf32, #tpu.memory_space<vmem>>, vector<1x16xf32>,
        %parallel_loop3A_579 = vector.shape_cast %parallel_loop3A_578 : vector<1x16xf32> to vector<16xf32>
        %parallel_loop3A_580 = arith.mulf %parallel_loop3A_579, %parallel_loop3A_505 : vector<16xf32>
        %parallel_loop3A_581 = arith.index_cast %parallel_loop3A_460 : i32 to index
        %parallel_loop3A_582 = arith.constant 112 : index
        %parallel_loop3A_583 = tpu.vector_load %arg17[%parallel_loop3A_581, %parallel_loop3A_582] {strides = array<i32>} : memref<40x144xf32, #tpu.memory_space<vmem>>, vector<1x16xf32>,
        %parallel_loop3A_584 = vector.shape_cast %parallel_loop3A_583 : vector<1x16xf32> to vector<16xf32>
        %parallel_loop3A_585 = vector.shape_cast %parallel_loop3A_580 : vector<16xf32> to vector<1x16xf32>
        tpu.vector_store %arg17[%parallel_loop3A_581, %parallel_loop3A_582], %parallel_loop3A_585 {strides = array<i32>} : memref<40x144xf32, #tpu.memory_space<vmem>>, vector<1x16xf32>,
      } {sc.loop_unroll_factor = 1 : i64, sc.parallel_access}
      %dma_start3A_207 = arith.constant 0 : i32
      %dma_start3A_208 = arith.constant 0 : i32
      %dma_start3A_209 = tpu.memref_slice %arg27[%dma_start3A_207, %dma_start3A_208] : memref<10000x144xf32, #tpu.memory_space<vmem_shared>> -> memref<10000x144xf32, #tpu.memory_space<vmem_shared>>
      tpu.enqueue_indirect_dma source(%arg17 : memref<40x144xf32, #tpu.memory_space<vmem>>) target(%dma_start3A_209 : memref<10000x144xf32, #tpu.memory_space<vmem_shared>>) offsets(%arg12 : memref<40xi32, #tpu.memory_space<vmem>>) semaphore(%arg38 : memref<!tpu.dma_semaphore, #tpu.memory_space<semaphore_mem>>) {add = true}
      %dma_wait3A_210 = arith.constant 0 : i32
      %dma_wait3A_211 = arith.constant 0 : i32
      %dma_wait3A_212 = tpu.memref_slice %arg8[%dma_wait3A_210, %dma_wait3A_211] : memref<2x40xi32, #tpu.memory_space<vmem>> -> memref<1x40xi32, #tpu.memory_space<vmem>>
      %dma_wait3A_213 = tpu.memref_squeeze %dma_wait3A_212 : memref<1x40xi32, #tpu.memory_space<vmem>> -> memref<40xi32, #tpu.memory_space<vmem>>
      %dma_wait3A_214 = arith.constant 0 : i32
      %dma_wait3A_215 = arith.constant 0 : i32
      %dma_wait3A_216 = tpu.memref_slice %arg3[%dma_wait3A_214, %dma_wait3A_215] : memref<10000x144xf32, #tpu.memory_space<hbm>> -> memref<10000x144xf32, #tpu.memory_space<hbm>>
      tpu.wait_indirect_dma semaphore(%arg34 : memref<!tpu.dma_semaphore, #tpu.memory_space<semaphore_mem>>) src(%dma_wait3A_216 : memref<10000x144xf32, #tpu.memory_space<hbm>>) dst(%arg18 : memref<40x144xf32, #tpu.memory_space<vmem>>)
      %dma_wait3A_217 = arith.constant 1 : i32
      %dma_wait3A_218 = arith.constant 0 : i32
      %dma_wait3A_219 = tpu.memref_slice %arg8[%dma_wait3A_217, %dma_wait3A_218] : memref<2x40xi32, #tpu.memory_space<vmem>> -> memref<1x40xi32, #tpu.memory_space<vmem>>
      %dma_wait3A_220 = tpu.memref_squeeze %dma_wait3A_219 : memref<1x40xi32, #tpu.memory_space<vmem>> -> memref<40xi32, #tpu.memory_space<vmem>>
      %dma_wait3A_221 = arith.constant 0 : i32
      %dma_wait3A_222 = arith.constant 0 : i32
      %dma_wait3A_223 = tpu.memref_slice %arg4[%dma_wait3A_221, %dma_wait3A_222] : memref<10000x16xf32, #tpu.memory_space<hbm>> -> memref<10000x16xf32, #tpu.memory_space<hbm>>
      tpu.wait_indirect_dma semaphore(%arg34 : memref<!tpu.dma_semaphore, #tpu.memory_space<semaphore_mem>>) src(%dma_wait3A_223 : memref<10000x16xf32, #tpu.memory_space<hbm>>) dst(%arg23 : memref<40x16xf32, #tpu.memory_space<vmem>>)
      %get3A_224 = arith.constant 1 : i32
      %get3A_225 = arith.index_cast %get3A_224 : i32 to index
      %get3A_226 = arith.constant 0 : index
      %get3A_227 = tpu.vector_load %arg8[%get3A_225, %get3A_226] {strides = array<i32>} : memref<2x40xi32, #tpu.memory_space<vmem>>, vector<1x16xi32>,
      %get3A_228 = vector.shape_cast %get3A_227 : vector<1x16xi32> to vector<16xi32>
      %swap3A_229 = arith.constant 0 : index
      %swap3A_230 = tpu.vector_load %arg13[%swap3A_229] {strides = array<i32>} : memref<40xi32, #tpu.memory_space<vmem>>, vector<16xi32>,
      %swap3A_231 = vector.shape_cast %swap3A_230 : vector<16xi32> to vector<16xi32>
      %swap3A_232 = vector.shape_cast %get3A_228 : vector<16xi32> to vector<16xi32>
      tpu.vector_store %arg13[%swap3A_229], %swap3A_232 {strides = array<i32>} : memref<40xi32, #tpu.memory_space<vmem>>, vector<16xi32>,
      %get3A_233 = arith.constant 1 : i32
      %get3A_234 = arith.index_cast %get3A_233 : i32 to index
      %get3A_235 = arith.constant 16 : index
      %get3A_236 = tpu.vector_load %arg8[%get3A_234, %get3A_235] {strides = array<i32>} : memref<2x40xi32, #tpu.memory_space<vmem>>, vector<1x16xi32>,
      %get3A_237 = vector.shape_cast %get3A_236 : vector<1x16xi32> to vector<16xi32>
      %swap3A_238 = arith.constant 16 : index
      %swap3A_239 = tpu.vector_load %arg13[%swap3A_238] {strides = array<i32>} : memref<40xi32, #tpu.memory_space<vmem>>, vector<16xi32>,
      %swap3A_240 = vector.shape_cast %swap3A_239 : vector<16xi32> to vector<16xi32>
      %swap3A_241 = vector.shape_cast %get3A_237 : vector<16xi32> to vector<16xi32>
      tpu.vector_store %arg13[%swap3A_238], %swap3A_241 {strides = array<i32>} : memref<40xi32, #tpu.memory_space<vmem>>, vector<16xi32>,
      %get3A_242 = arith.constant 1 : i32
      %get3A_243 = arith.index_cast %get3A_242 : i32 to index
      %get3A_244 = arith.constant 24 : index
      %get3A_245 = tpu.vector_load %arg8[%get3A_243, %get3A_244] {strides = array<i32>} : memref<2x40xi32, #tpu.memory_space<vmem>>, vector<1x16xi32>,
      %get3A_246 = vector.shape_cast %get3A_245 : vector<1x16xi32> to vector<16xi32>
      %swap3A_247 = arith.constant 24 : index
      %swap3A_248 = tpu.vector_load %arg13[%swap3A_247] {strides = array<i32>} : memref<40xi32, #tpu.memory_space<vmem>>, vector<16xi32>,
      %swap3A_249 = vector.shape_cast %swap3A_248 : vector<16xi32> to vector<16xi32>
      %swap3A_250 = vector.shape_cast %get3A_246 : vector<16xi32> to vector<16xi32>
      tpu.vector_store %arg13[%swap3A_247], %swap3A_250 {strides = array<i32>} : memref<40xi32, #tpu.memory_space<vmem>>, vector<16xi32>,
      %gt3A_251 = arith.constant 0 : i32
      %gt3A_252 = arith.cmpi sgt, %add3A_137, %gt3A_251 : i32
      %convert_element_type3A_253 = arith.extui %gt3A_252 : i1 to i32
      %cond3A_254 = arith.constant 0 : i32
      %cond3A_255 = arith.cmpi ne, %convert_element_type3A_253, %cond3A_254 : i32
      scf.if %cond3A_255 {
        %dma_wait3A_460 = arith.constant 0 : i32
        %dma_wait3A_461 = arith.constant 0 : i32
        %dma_wait3A_462 = tpu.memref_slice %arg27[%dma_wait3A_460, %dma_wait3A_461] : memref<10000x144xf32, #tpu.memory_space<vmem_shared>> -> memref<10000x144xf32, #tpu.memory_space<vmem_shared>>
        tpu.wait_indirect_dma semaphore(%arg42 : memref<!tpu.dma_semaphore, #tpu.memory_space<semaphore_mem>>) src(%arg21 : memref<40x144xf32, #tpu.memory_space<vmem>>) dst(%dma_wait3A_462 : memref<10000x144xf32, #tpu.memory_space<vmem_shared>>)
      } else {
      }
      %dma_wait3A_256 = arith.constant 0 : i32
      %dma_wait3A_257 = arith.constant 0 : i32
      %dma_wait3A_258 = tpu.memref_slice %arg2[%add3A, %dma_wait3A_256, %dma_wait3A_257] : memref<32x2x10000xi32, #tpu.memory_space<hbm>> -> memref<1x2x40xi32, #tpu.memory_space<hbm>>
      %dma_wait3A_259 = tpu.memref_squeeze %dma_wait3A_258 : memref<1x2x40xi32, #tpu.memory_space<hbm>> -> memref<2x40xi32, #tpu.memory_space<hbm>>
      %dma_wait3A_260 = arith.constant 0 : i32
      %dma_wait3A_261 = arith.constant 0 : i32
      %dma_wait3A_262 = tpu.memref_slice %arg2[%add3A, %dma_wait3A_260, %dma_wait3A_261] : memref<32x2x10000xi32, #tpu.memory_space<hbm>> -> memref<1x2x40xi32, #tpu.memory_space<hbm>>
      %dma_wait3A_263 = tpu.memref_squeeze %dma_wait3A_262 : memref<1x2x40xi32, #tpu.memory_space<hbm>> -> memref<2x40xi32, #tpu.memory_space<hbm>>
      tpu.wait_dma2 semaphore(%arg32 : memref<!tpu.dma_semaphore, #tpu.memory_space<semaphore_mem>>) src(%dma_wait3A_263 : memref<2x40xi32, #tpu.memory_space<hbm>>) dst(%arg11 : memref<2x40xi32, #tpu.memory_space<vmem>>)
      %dma_start3A_264 = arith.constant 0 : i32
      %dma_start3A_265 = arith.constant 0 : i32
      %dma_start3A_266 = tpu.memref_slice %arg11[%dma_start3A_264, %dma_start3A_265] : memref<2x40xi32, #tpu.memory_space<vmem>> -> memref<1x40xi32, #tpu.memory_space<vmem>>
      %dma_start3A_267 = tpu.memref_squeeze %dma_start3A_266 : memref<1x40xi32, #tpu.memory_space<vmem>> -> memref<40xi32, #tpu.memory_space<vmem>>
      %dma_start3A_268 = arith.constant 0 : i32
      %dma_start3A_269 = arith.constant 0 : i32
      %dma_start3A_270 = tpu.memref_slice %arg3[%dma_start3A_268, %dma_start3A_269] : memref<10000x144xf32, #tpu.memory_space<hbm>> -> memref<10000x144xf32, #tpu.memory_space<hbm>>
      tpu.enqueue_indirect_dma source(%dma_start3A_270 : memref<10000x144xf32, #tpu.memory_space<hbm>>) target(%arg21 : memref<40x144xf32, #tpu.memory_space<vmem>>) offsets(%dma_start3A_267 : memref<40xi32, #tpu.memory_space<vmem>>) semaphore(%arg37 : memref<!tpu.dma_semaphore, #tpu.memory_space<semaphore_mem>>)
      %dma_start3A_271 = arith.constant 1 : i32
      %dma_start3A_272 = arith.constant 0 : i32
      %dma_start3A_273 = tpu.memref_slice %arg11[%dma_start3A_271, %dma_start3A_272] : memref<2x40xi32, #tpu.memory_space<vmem>> -> memref<1x40xi32, #tpu.memory_space<vmem>>
      %dma_start3A_274 = tpu.memref_squeeze %dma_start3A_273 : memref<1x40xi32, #tpu.memory_space<vmem>> -> memref<40xi32, #tpu.memory_space<vmem>>
      %dma_start3A_275 = arith.constant 0 : i32
      %dma_start3A_276 = arith.constant 0 : i32
      %dma_start3A_277 = tpu.memref_slice %arg4[%dma_start3A_275, %dma_start3A_276] : memref<10000x16xf32, #tpu.memory_space<hbm>> -> memref<10000x16xf32, #tpu.memory_space<hbm>>
      tpu.enqueue_indirect_dma source(%dma_start3A_277 : memref<10000x16xf32, #tpu.memory_space<hbm>>) target(%arg26 : memref<40x16xf32, #tpu.memory_space<vmem>>) offsets(%dma_start3A_274 : memref<40xi32, #tpu.memory_space<vmem>>) semaphore(%arg37 : memref<!tpu.dma_semaphore, #tpu.memory_space<semaphore_mem>>)
      %lt3A_278 = arith.constant 49 : i32
      %lt3A_279 = arith.cmpi slt, %add3A_137, %lt3A_278 : i32
      %convert_element_type3A_280 = arith.extui %lt3A_279 : i1 to i32
      %cond3A_281 = arith.constant 0 : i32
      %cond3A_282 = arith.cmpi ne, %convert_element_type3A_280, %cond3A_281 : i32
      scf.if %cond3A_282 {
        %mul3A_460 = arith.constant 5 : i32
        %mul3A_461 = arith.muli %mul3A_460, %add3A_137 : i32
        %add3A_462 = arith.constant 1 : i32
        %add3A_463 = arith.addi %mul3A_461, %add3A_462 : i32
        %add3A_464 = arith.constant 5 : i32
        %add3A_465 = arith.addi %add3A_463, %add3A_464 : i32
        %mul3A_466 = arith.constant 40 : i32
        %mul3A_467 = arith.muli %add3A_465, %mul3A_466 : i32
        %dma_start3A_468 = arith.constant 0 : i32
        %dma_start3A_469 = tpu.memref_slice %arg2[%add3A, %dma_start3A_468, %mul3A_467] : memref<32x2x10000xi32, #tpu.memory_space<hbm>> -> memref<1x2x40xi32, #tpu.memory_space<hbm>>
        %dma_start3A_470 = tpu.memref_squeeze %dma_start3A_469 : memref<1x2x40xi32, #tpu.memory_space<hbm>> -> memref<2x40xi32, #tpu.memory_space<hbm>>
        %dma_start3A_471 = arith.constant 0 : i32
        %dma_start3A_472 = tpu.memref_slice %arg2[%add3A, %dma_start3A_471, %mul3A_467] : memref<32x2x10000xi32, #tpu.memory_space<hbm>> -> memref<1x2x40xi32, #tpu.memory_space<hbm>>
        %dma_start3A_473 = tpu.memref_squeeze %dma_start3A_472 : memref<1x2x40xi32, #tpu.memory_space<hbm>> -> memref<2x40xi32, #tpu.memory_space<hbm>>
        tpu.enqueue_dma source(%dma_start3A_473 : memref<2x40xi32, #tpu.memory_space<hbm>>) target(%arg8 : memref<2x40xi32, #tpu.memory_space<vmem>>) target_semaphore(%arg29 : memref<!tpu.dma_semaphore, #tpu.memory_space<semaphore_mem>>)
      } else {
      }
      %parallel_loop3A_283 = arith.constant 0 : i32
      %parallel_loop3A_284 = arith.constant 40 : i32
      %parallel_loop3A_285 = arith.constant 1 : i32
      scf.for %parallel_loop3A_460 = %parallel_loop3A_283 to %parallel_loop3A_284 step %parallel_loop3A_285  : i32 {
        %parallel_loop3A_461 = arith.index_cast %parallel_loop3A_460 : i32 to index
        %parallel_loop3A_462 = arith.constant 128 : index
        %parallel_loop3A_463 = tpu.vector_load %arg18[%parallel_loop3A_461, %parallel_loop3A_462] {strides = array<i32>} : memref<40x144xf32, #tpu.memory_space<vmem>>, vector<1x16xf32>,
        %parallel_loop3A_464 = vector.shape_cast %parallel_loop3A_463 : vector<1x16xf32> to vector<16xf32>
        %parallel_loop3A_465 = arith.index_cast %parallel_loop3A_460 : i32 to index
        %parallel_loop3A_466 = arith.constant 0 : index
        %parallel_loop3A_467 = tpu.vector_load %arg23[%parallel_loop3A_465, %parallel_loop3A_466] {strides = array<i32>} : memref<40x16xf32, #tpu.memory_space<vmem>>, vector<1x16xf32>,
        %parallel_loop3A_468 = vector.shape_cast %parallel_loop3A_467 : vector<1x16xf32> to vector<16xf32>
        %parallel_loop3A_469 = arith.addf %parallel_loop3A_464, %parallel_loop3A_468 : vector<16xf32>
        %parallel_loop3A_470 = arith.constant 2.000000e-01 : f32
        %parallel_loop3A_471 = vector.broadcast %parallel_loop3A_470 : f32 to vector<16xf32>
        %parallel_loop3A_472 = arith.mulf %parallel_loop3A_469, %parallel_loop3A_471 : vector<16xf32>
        %parallel_loop3A_473 = arith.maximumf %parallel_loop3A_469, %parallel_loop3A_472 : vector<16xf32>
        %parallel_loop3A_474 = math.exp %parallel_loop3A_473 : vector<16xf32>
        %parallel_loop3A_475 = arith.index_cast %parallel_loop3A_460 : i32 to index
        %parallel_loop3A_476 = arith.constant 128 : index
        %parallel_loop3A_477 = tpu.vector_load %arg18[%parallel_loop3A_475, %parallel_loop3A_476] {strides = array<i32>} : memref<40x144xf32, #tpu.memory_space<vmem>>, vector<1x16xf32>,
        %parallel_loop3A_478 = vector.shape_cast %parallel_loop3A_477 : vector<1x16xf32> to vector<16xf32>
        %parallel_loop3A_479 = vector.shape_cast %parallel_loop3A_474 : vector<16xf32> to vector<1x16xf32>
        tpu.vector_store %arg18[%parallel_loop3A_475, %parallel_loop3A_476], %parallel_loop3A_479 {strides = array<i32>} : memref<40x144xf32, #tpu.memory_space<vmem>>, vector<1x16xf32>,
        %parallel_loop3A_480 = tpu.iota {dimensions = array<i32: 0>} : vector<16xi32>
        %parallel_loop3A_481 = arith.constant 8 : i32
        %parallel_loop3A_482 = arith.constant 0 : i32
        %parallel_loop3A_483 = arith.cmpi eq, %parallel_loop3A_481, %parallel_loop3A_482 : i32
        %parallel_loop3A_484 = arith.constant 1 : i32
        %parallel_loop3A_485 = arith.select %parallel_loop3A_483, %parallel_loop3A_484, %parallel_loop3A_481 : i32
        %parallel_loop3A_486 = vector.broadcast %parallel_loop3A_485 : i32 to vector<16xi32>
        %parallel_loop3A_487 = arith.remsi %parallel_loop3A_480, %parallel_loop3A_486 : vector<16xi32>
        %parallel_loop3A_488 = arith.constant 0 : i32
        %parallel_loop3A_489 = vector.broadcast %parallel_loop3A_488 : i32 to vector<16xi32>
        %parallel_loop3A_490 = arith.cmpi ne, %parallel_loop3A_487, %parallel_loop3A_489 : vector<16xi32>
        %parallel_loop3A_491 = arith.constant 0 : i32
        %parallel_loop3A_492 = vector.broadcast %parallel_loop3A_491 : i32 to vector<16xi32>
        %parallel_loop3A_493 = arith.cmpi slt, %parallel_loop3A_487, %parallel_loop3A_492 : vector<16xi32>
        %parallel_loop3A_494 = arith.constant 0 : i32
        %parallel_loop3A_495 = arith.cmpi slt, %parallel_loop3A_485, %parallel_loop3A_494 : i32
        %parallel_loop3A_496 = vector.broadcast %parallel_loop3A_495 : i1 to vector<16xi1>
        %parallel_loop3A_497 = vector.broadcast %parallel_loop3A_496 : vector<16xi1> to vector<16xi1>
        %parallel_loop3A_498 = arith.xori %parallel_loop3A_493, %parallel_loop3A_497 : vector<16xi1>
        %parallel_loop3A_499 = arith.andi %parallel_loop3A_498, %parallel_loop3A_490 : vector<16xi1>
        %parallel_loop3A_500 = vector.broadcast %parallel_loop3A_485 : i32 to vector<16xi32>
        %parallel_loop3A_501 = arith.addi %parallel_loop3A_487, %parallel_loop3A_500 : vector<16xi32>
        %parallel_loop3A_502 = arith.select %parallel_loop3A_499, %parallel_loop3A_501, %parallel_loop3A_487 : vector<16xi1>, vector<16xi32>
        %parallel_loop3A_503 = vector.shape_cast %parallel_loop3A_502 : vector<16xi32> to vector<16x1xi32>
        %parallel_loop3A_504 = vector.shape_cast %parallel_loop3A_503 : vector<16x1xi32> to vector<16xi32>
        %parallel_loop3A_505 = tpu.dynamic_gather %parallel_loop3A_474[%parallel_loop3A_504] in [0] : vector<16xf32>, vector<16xi32> -> vector<16xf32>
        %parallel_loop3A_506 = arith.index_cast %parallel_loop3A_460 : i32 to index
        %parallel_loop3A_507 = arith.constant 0 : index
        %parallel_loop3A_508 = tpu.vector_load %arg18[%parallel_loop3A_506, %parallel_loop3A_507] {strides = array<i32>} : memref<40x144xf32, #tpu.memory_space<vmem>>, vector<1x16xf32>,
        %parallel_loop3A_509 = vector.shape_cast %parallel_loop3A_508 : vector<1x16xf32> to vector<16xf32>
        %parallel_loop3A_510 = arith.mulf %parallel_loop3A_509, %parallel_loop3A_505 : vector<16xf32>
        %parallel_loop3A_511 = arith.index_cast %parallel_loop3A_460 : i32 to index
        %parallel_loop3A_512 = arith.constant 0 : index
        %parallel_loop3A_513 = tpu.vector_load %arg18[%parallel_loop3A_511, %parallel_loop3A_512] {strides = array<i32>} : memref<40x144xf32, #tpu.memory_space<vmem>>, vector<1x16xf32>,
        %parallel_loop3A_514 = vector.shape_cast %parallel_loop3A_513 : vector<1x16xf32> to vector<16xf32>
        %parallel_loop3A_515 = vector.shape_cast %parallel_loop3A_510 : vector<16xf32> to vector<1x16xf32>
        tpu.vector_store %arg18[%parallel_loop3A_511, %parallel_loop3A_512], %parallel_loop3A_515 {strides = array<i32>} : memref<40x144xf32, #tpu.memory_space<vmem>>, vector<1x16xf32>,
        %parallel_loop3A_516 = arith.index_cast %parallel_loop3A_460 : i32 to index
        %parallel_loop3A_517 = arith.constant 16 : index
        %parallel_loop3A_518 = tpu.vector_load %arg18[%parallel_loop3A_516, %parallel_loop3A_517] {strides = array<i32>} : memref<40x144xf32, #tpu.memory_space<vmem>>, vector<1x16xf32>,
        %parallel_loop3A_519 = vector.shape_cast %parallel_loop3A_518 : vector<1x16xf32> to vector<16xf32>
        %parallel_loop3A_520 = arith.mulf %parallel_loop3A_519, %parallel_loop3A_505 : vector<16xf32>
        %parallel_loop3A_521 = arith.index_cast %parallel_loop3A_460 : i32 to index
        %parallel_loop3A_522 = arith.constant 16 : index
        %parallel_loop3A_523 = tpu.vector_load %arg18[%parallel_loop3A_521, %parallel_loop3A_522] {strides = array<i32>} : memref<40x144xf32, #tpu.memory_space<vmem>>, vector<1x16xf32>,
        %parallel_loop3A_524 = vector.shape_cast %parallel_loop3A_523 : vector<1x16xf32> to vector<16xf32>
        %parallel_loop3A_525 = vector.shape_cast %parallel_loop3A_520 : vector<16xf32> to vector<1x16xf32>
        tpu.vector_store %arg18[%parallel_loop3A_521, %parallel_loop3A_522], %parallel_loop3A_525 {strides = array<i32>} : memref<40x144xf32, #tpu.memory_space<vmem>>, vector<1x16xf32>,
        %parallel_loop3A_526 = arith.index_cast %parallel_loop3A_460 : i32 to index
        %parallel_loop3A_527 = arith.constant 32 : index
        %parallel_loop3A_528 = tpu.vector_load %arg18[%parallel_loop3A_526, %parallel_loop3A_527] {strides = array<i32>} : memref<40x144xf32, #tpu.memory_space<vmem>>, vector<1x16xf32>,
        %parallel_loop3A_529 = vector.shape_cast %parallel_loop3A_528 : vector<1x16xf32> to vector<16xf32>
        %parallel_loop3A_530 = arith.mulf %parallel_loop3A_529, %parallel_loop3A_505 : vector<16xf32>
        %parallel_loop3A_531 = arith.index_cast %parallel_loop3A_460 : i32 to index
        %parallel_loop3A_532 = arith.constant 32 : index
        %parallel_loop3A_533 = tpu.vector_load %arg18[%parallel_loop3A_531, %parallel_loop3A_532] {strides = array<i32>} : memref<40x144xf32, #tpu.memory_space<vmem>>, vector<1x16xf32>,
        %parallel_loop3A_534 = vector.shape_cast %parallel_loop3A_533 : vector<1x16xf32> to vector<16xf32>
        %parallel_loop3A_535 = vector.shape_cast %parallel_loop3A_530 : vector<16xf32> to vector<1x16xf32>
        tpu.vector_store %arg18[%parallel_loop3A_531, %parallel_loop3A_532], %parallel_loop3A_535 {strides = array<i32>} : memref<40x144xf32, #tpu.memory_space<vmem>>, vector<1x16xf32>,
        %parallel_loop3A_536 = arith.index_cast %parallel_loop3A_460 : i32 to index
        %parallel_loop3A_537 = arith.constant 48 : index
        %parallel_loop3A_538 = tpu.vector_load %arg18[%parallel_loop3A_536, %parallel_loop3A_537] {strides = array<i32>} : memref<40x144xf32, #tpu.memory_space<vmem>>, vector<1x16xf32>,
        %parallel_loop3A_539 = vector.shape_cast %parallel_loop3A_538 : vector<1x16xf32> to vector<16xf32>
        %parallel_loop3A_540 = arith.mulf %parallel_loop3A_539, %parallel_loop3A_505 : vector<16xf32>
        %parallel_loop3A_541 = arith.index_cast %parallel_loop3A_460 : i32 to index
        %parallel_loop3A_542 = arith.constant 48 : index
        %parallel_loop3A_543 = tpu.vector_load %arg18[%parallel_loop3A_541, %parallel_loop3A_542] {strides = array<i32>} : memref<40x144xf32, #tpu.memory_space<vmem>>, vector<1x16xf32>,
        %parallel_loop3A_544 = vector.shape_cast %parallel_loop3A_543 : vector<1x16xf32> to vector<16xf32>
        %parallel_loop3A_545 = vector.shape_cast %parallel_loop3A_540 : vector<16xf32> to vector<1x16xf32>
        tpu.vector_store %arg18[%parallel_loop3A_541, %parallel_loop3A_542], %parallel_loop3A_545 {strides = array<i32>} : memref<40x144xf32, #tpu.memory_space<vmem>>, vector<1x16xf32>,
        %parallel_loop3A_546 = arith.index_cast %parallel_loop3A_460 : i32 to index
        %parallel_loop3A_547 = arith.constant 64 : index
        %parallel_loop3A_548 = tpu.vector_load %arg18[%parallel_loop3A_546, %parallel_loop3A_547] {strides = array<i32>} : memref<40x144xf32, #tpu.memory_space<vmem>>, vector<1x16xf32>,
        %parallel_loop3A_549 = vector.shape_cast %parallel_loop3A_548 : vector<1x16xf32> to vector<16xf32>
        %parallel_loop3A_550 = arith.mulf %parallel_loop3A_549, %parallel_loop3A_505 : vector<16xf32>
        %parallel_loop3A_551 = arith.index_cast %parallel_loop3A_460 : i32 to index
        %parallel_loop3A_552 = arith.constant 64 : index
        %parallel_loop3A_553 = tpu.vector_load %arg18[%parallel_loop3A_551, %parallel_loop3A_552] {strides = array<i32>} : memref<40x144xf32, #tpu.memory_space<vmem>>, vector<1x16xf32>,
        %parallel_loop3A_554 = vector.shape_cast %parallel_loop3A_553 : vector<1x16xf32> to vector<16xf32>
        %parallel_loop3A_555 = vector.shape_cast %parallel_loop3A_550 : vector<16xf32> to vector<1x16xf32>
        tpu.vector_store %arg18[%parallel_loop3A_551, %parallel_loop3A_552], %parallel_loop3A_555 {strides = array<i32>} : memref<40x144xf32, #tpu.memory_space<vmem>>, vector<1x16xf32>,
        %parallel_loop3A_556 = arith.index_cast %parallel_loop3A_460 : i32 to index
        %parallel_loop3A_557 = arith.constant 80 : index
        %parallel_loop3A_558 = tpu.vector_load %arg18[%parallel_loop3A_556, %parallel_loop3A_557] {strides = array<i32>} : memref<40x144xf32, #tpu.memory_space<vmem>>, vector<1x16xf32>,
        %parallel_loop3A_559 = vector.shape_cast %parallel_loop3A_558 : vector<1x16xf32> to vector<16xf32>
        %parallel_loop3A_560 = arith.mulf %parallel_loop3A_559, %parallel_loop3A_505 : vector<16xf32>
        %parallel_loop3A_561 = arith.index_cast %parallel_loop3A_460 : i32 to index
        %parallel_loop3A_562 = arith.constant 80 : index
        %parallel_loop3A_563 = tpu.vector_load %arg18[%parallel_loop3A_561, %parallel_loop3A_562] {strides = array<i32>} : memref<40x144xf32, #tpu.memory_space<vmem>>, vector<1x16xf32>,
        %parallel_loop3A_564 = vector.shape_cast %parallel_loop3A_563 : vector<1x16xf32> to vector<16xf32>
        %parallel_loop3A_565 = vector.shape_cast %parallel_loop3A_560 : vector<16xf32> to vector<1x16xf32>
        tpu.vector_store %arg18[%parallel_loop3A_561, %parallel_loop3A_562], %parallel_loop3A_565 {strides = array<i32>} : memref<40x144xf32, #tpu.memory_space<vmem>>, vector<1x16xf32>,
        %parallel_loop3A_566 = arith.index_cast %parallel_loop3A_460 : i32 to index
        %parallel_loop3A_567 = arith.constant 96 : index
        %parallel_loop3A_568 = tpu.vector_load %arg18[%parallel_loop3A_566, %parallel_loop3A_567] {strides = array<i32>} : memref<40x144xf32, #tpu.memory_space<vmem>>, vector<1x16xf32>,
        %parallel_loop3A_569 = vector.shape_cast %parallel_loop3A_568 : vector<1x16xf32> to vector<16xf32>
        %parallel_loop3A_570 = arith.mulf %parallel_loop3A_569, %parallel_loop3A_505 : vector<16xf32>
        %parallel_loop3A_571 = arith.index_cast %parallel_loop3A_460 : i32 to index
        %parallel_loop3A_572 = arith.constant 96 : index
        %parallel_loop3A_573 = tpu.vector_load %arg18[%parallel_loop3A_571, %parallel_loop3A_572] {strides = array<i32>} : memref<40x144xf32, #tpu.memory_space<vmem>>, vector<1x16xf32>,
        %parallel_loop3A_574 = vector.shape_cast %parallel_loop3A_573 : vector<1x16xf32> to vector<16xf32>
        %parallel_loop3A_575 = vector.shape_cast %parallel_loop3A_570 : vector<16xf32> to vector<1x16xf32>
        tpu.vector_store %arg18[%parallel_loop3A_571, %parallel_loop3A_572], %parallel_loop3A_575 {strides = array<i32>} : memref<40x144xf32, #tpu.memory_space<vmem>>, vector<1x16xf32>,
        %parallel_loop3A_576 = arith.index_cast %parallel_loop3A_460 : i32 to index
        %parallel_loop3A_577 = arith.constant 112 : index
        %parallel_loop3A_578 = tpu.vector_load %arg18[%parallel_loop3A_576, %parallel_loop3A_577] {strides = array<i32>} : memref<40x144xf32, #tpu.memory_space<vmem>>, vector<1x16xf32>,
        %parallel_loop3A_579 = vector.shape_cast %parallel_loop3A_578 : vector<1x16xf32> to vector<16xf32>
        %parallel_loop3A_580 = arith.mulf %parallel_loop3A_579, %parallel_loop3A_505 : vector<16xf32>
        %parallel_loop3A_581 = arith.index_cast %parallel_loop3A_460 : i32 to index
        %parallel_loop3A_582 = arith.constant 112 : index
        %parallel_loop3A_583 = tpu.vector_load %arg18[%parallel_loop3A_581, %parallel_loop3A_582] {strides = array<i32>} : memref<40x144xf32, #tpu.memory_space<vmem>>, vector<1x16xf32>,
        %parallel_loop3A_584 = vector.shape_cast %parallel_loop3A_583 : vector<1x16xf32> to vector<16xf32>
        %parallel_loop3A_585 = vector.shape_cast %parallel_loop3A_580 : vector<16xf32> to vector<1x16xf32>
        tpu.vector_store %arg18[%parallel_loop3A_581, %parallel_loop3A_582], %parallel_loop3A_585 {strides = array<i32>} : memref<40x144xf32, #tpu.memory_space<vmem>>, vector<1x16xf32>,
      } {sc.loop_unroll_factor = 1 : i64, sc.parallel_access}
      %dma_start3A_286 = arith.constant 0 : i32
      %dma_start3A_287 = arith.constant 0 : i32
      %dma_start3A_288 = tpu.memref_slice %arg27[%dma_start3A_286, %dma_start3A_287] : memref<10000x144xf32, #tpu.memory_space<vmem_shared>> -> memref<10000x144xf32, #tpu.memory_space<vmem_shared>>
      tpu.enqueue_indirect_dma source(%arg18 : memref<40x144xf32, #tpu.memory_space<vmem>>) target(%dma_start3A_288 : memref<10000x144xf32, #tpu.memory_space<vmem_shared>>) offsets(%arg13 : memref<40xi32, #tpu.memory_space<vmem>>) semaphore(%arg39 : memref<!tpu.dma_semaphore, #tpu.memory_space<semaphore_mem>>) {add = true}
      %dma_wait3A_289 = arith.constant 0 : i32
      %dma_wait3A_290 = arith.constant 0 : i32
      %dma_wait3A_291 = tpu.memref_slice %arg9[%dma_wait3A_289, %dma_wait3A_290] : memref<2x40xi32, #tpu.memory_space<vmem>> -> memref<1x40xi32, #tpu.memory_space<vmem>>
      %dma_wait3A_292 = tpu.memref_squeeze %dma_wait3A_291 : memref<1x40xi32, #tpu.memory_space<vmem>> -> memref<40xi32, #tpu.memory_space<vmem>>
      %dma_wait3A_293 = arith.constant 0 : i32
      %dma_wait3A_294 = arith.constant 0 : i32
      %dma_wait3A_295 = tpu.memref_slice %arg3[%dma_wait3A_293, %dma_wait3A_294] : memref<10000x144xf32, #tpu.memory_space<hbm>> -> memref<10000x144xf32, #tpu.memory_space<hbm>>
      tpu.wait_indirect_dma semaphore(%arg35 : memref<!tpu.dma_semaphore, #tpu.memory_space<semaphore_mem>>) src(%dma_wait3A_295 : memref<10000x144xf32, #tpu.memory_space<hbm>>) dst(%arg19 : memref<40x144xf32, #tpu.memory_space<vmem>>)
      %dma_wait3A_296 = arith.constant 1 : i32
      %dma_wait3A_297 = arith.constant 0 : i32
      %dma_wait3A_298 = tpu.memref_slice %arg9[%dma_wait3A_296, %dma_wait3A_297] : memref<2x40xi32, #tpu.memory_space<vmem>> -> memref<1x40xi32, #tpu.memory_space<vmem>>
      %dma_wait3A_299 = tpu.memref_squeeze %dma_wait3A_298 : memref<1x40xi32, #tpu.memory_space<vmem>> -> memref<40xi32, #tpu.memory_space<vmem>>
      %dma_wait3A_300 = arith.constant 0 : i32
      %dma_wait3A_301 = arith.constant 0 : i32
      %dma_wait3A_302 = tpu.memref_slice %arg4[%dma_wait3A_300, %dma_wait3A_301] : memref<10000x16xf32, #tpu.memory_space<hbm>> -> memref<10000x16xf32, #tpu.memory_space<hbm>>
      tpu.wait_indirect_dma semaphore(%arg35 : memref<!tpu.dma_semaphore, #tpu.memory_space<semaphore_mem>>) src(%dma_wait3A_302 : memref<10000x16xf32, #tpu.memory_space<hbm>>) dst(%arg24 : memref<40x16xf32, #tpu.memory_space<vmem>>)
      %get3A_303 = arith.constant 1 : i32
      %get3A_304 = arith.index_cast %get3A_303 : i32 to index
      %get3A_305 = arith.constant 0 : index
      %get3A_306 = tpu.vector_load %arg9[%get3A_304, %get3A_305] {strides = array<i32>} : memref<2x40xi32, #tpu.memory_space<vmem>>, vector<1x16xi32>,
      %get3A_307 = vector.shape_cast %get3A_306 : vector<1x16xi32> to vector<16xi32>
      %swap3A_308 = arith.constant 0 : index
      %swap3A_309 = tpu.vector_load %arg14[%swap3A_308] {strides = array<i32>} : memref<40xi32, #tpu.memory_space<vmem>>, vector<16xi32>,
      %swap3A_310 = vector.shape_cast %swap3A_309 : vector<16xi32> to vector<16xi32>
      %swap3A_311 = vector.shape_cast %get3A_307 : vector<16xi32> to vector<16xi32>
      tpu.vector_store %arg14[%swap3A_308], %swap3A_311 {strides = array<i32>} : memref<40xi32, #tpu.memory_space<vmem>>, vector<16xi32>,
      %get3A_312 = arith.constant 1 : i32
      %get3A_313 = arith.index_cast %get3A_312 : i32 to index
      %get3A_314 = arith.constant 16 : index
      %get3A_315 = tpu.vector_load %arg9[%get3A_313, %get3A_314] {strides = array<i32>} : memref<2x40xi32, #tpu.memory_space<vmem>>, vector<1x16xi32>,
      %get3A_316 = vector.shape_cast %get3A_315 : vector<1x16xi32> to vector<16xi32>
      %swap3A_317 = arith.constant 16 : index
      %swap3A_318 = tpu.vector_load %arg14[%swap3A_317] {strides = array<i32>} : memref<40xi32, #tpu.memory_space<vmem>>, vector<16xi32>,
      %swap3A_319 = vector.shape_cast %swap3A_318 : vector<16xi32> to vector<16xi32>
      %swap3A_320 = vector.shape_cast %get3A_316 : vector<16xi32> to vector<16xi32>
      tpu.vector_store %arg14[%swap3A_317], %swap3A_320 {strides = array<i32>} : memref<40xi32, #tpu.memory_space<vmem>>, vector<16xi32>,
      %get3A_321 = arith.constant 1 : i32
      %get3A_322 = arith.index_cast %get3A_321 : i32 to index
      %get3A_323 = arith.constant 24 : index
      %get3A_324 = tpu.vector_load %arg9[%get3A_322, %get3A_323] {strides = array<i32>} : memref<2x40xi32, #tpu.memory_space<vmem>>, vector<1x16xi32>,
      %get3A_325 = vector.shape_cast %get3A_324 : vector<1x16xi32> to vector<16xi32>
      %swap3A_326 = arith.constant 24 : index
      %swap3A_327 = tpu.vector_load %arg14[%swap3A_326] {strides = array<i32>} : memref<40xi32, #tpu.memory_space<vmem>>, vector<16xi32>,
      %swap3A_328 = vector.shape_cast %swap3A_327 : vector<16xi32> to vector<16xi32>
      %swap3A_329 = vector.shape_cast %get3A_325 : vector<16xi32> to vector<16xi32>
      tpu.vector_store %arg14[%swap3A_326], %swap3A_329 {strides = array<i32>} : memref<40xi32, #tpu.memory_space<vmem>>, vector<16xi32>,
      %lt3A_330 = arith.constant 49 : i32
      %lt3A_331 = arith.cmpi slt, %add3A_137, %lt3A_330 : i32
      %convert_element_type3A_332 = arith.extui %lt3A_331 : i1 to i32
      %cond3A_333 = arith.constant 0 : i32
      %cond3A_334 = arith.cmpi ne, %convert_element_type3A_332, %cond3A_333 : i32
      scf.if %cond3A_334 {
        %dma_wait3A_460 = arith.constant 0 : i32
        %dma_wait3A_461 = arith.constant 0 : i32
        %dma_wait3A_462 = tpu.memref_slice %arg27[%dma_wait3A_460, %dma_wait3A_461] : memref<10000x144xf32, #tpu.memory_space<vmem_shared>> -> memref<10000x144xf32, #tpu.memory_space<vmem_shared>>
        tpu.wait_indirect_dma semaphore(%arg38 : memref<!tpu.dma_semaphore, #tpu.memory_space<semaphore_mem>>) src(%arg17 : memref<40x144xf32, #tpu.memory_space<vmem>>) dst(%dma_wait3A_462 : memref<10000x144xf32, #tpu.memory_space<vmem_shared>>)
        %dma_wait3A_463 = arith.constant 0 : i32
        %dma_wait3A_464 = arith.constant 0 : i32
        %dma_wait3A_465 = tpu.memref_slice %arg2[%add3A, %dma_wait3A_463, %dma_wait3A_464] : memref<32x2x10000xi32, #tpu.memory_space<hbm>> -> memref<1x2x40xi32, #tpu.memory_space<hbm>>
        %dma_wait3A_466 = tpu.memref_squeeze %dma_wait3A_465 : memref<1x2x40xi32, #tpu.memory_space<hbm>> -> memref<2x40xi32, #tpu.memory_space<hbm>>
        %dma_wait3A_467 = arith.constant 0 : i32
        %dma_wait3A_468 = arith.constant 0 : i32
        %dma_wait3A_469 = tpu.memref_slice %arg2[%add3A, %dma_wait3A_467, %dma_wait3A_468] : memref<32x2x10000xi32, #tpu.memory_space<hbm>> -> memref<1x2x40xi32, #tpu.memory_space<hbm>>
        %dma_wait3A_470 = tpu.memref_squeeze %dma_wait3A_469 : memref<1x2x40xi32, #tpu.memory_space<hbm>> -> memref<2x40xi32, #tpu.memory_space<hbm>>
        tpu.wait_dma2 semaphore(%arg28 : memref<!tpu.dma_semaphore, #tpu.memory_space<semaphore_mem>>) src(%dma_wait3A_470 : memref<2x40xi32, #tpu.memory_space<hbm>>) dst(%arg7 : memref<2x40xi32, #tpu.memory_space<vmem>>)
        %dma_start3A_471 = arith.constant 0 : i32
        %dma_start3A_472 = arith.constant 0 : i32
        %dma_start3A_473 = tpu.memref_slice %arg7[%dma_start3A_471, %dma_start3A_472] : memref<2x40xi32, #tpu.memory_space<vmem>> -> memref<1x40xi32, #tpu.memory_space<vmem>>
        %dma_start3A_474 = tpu.memref_squeeze %dma_start3A_473 : memref<1x40xi32, #tpu.memory_space<vmem>> -> memref<40xi32, #tpu.memory_space<vmem>>
        %dma_start3A_475 = arith.constant 0 : i32
        %dma_start3A_476 = arith.constant 0 : i32
        %dma_start3A_477 = tpu.memref_slice %arg3[%dma_start3A_475, %dma_start3A_476] : memref<10000x144xf32, #tpu.memory_space<hbm>> -> memref<10000x144xf32, #tpu.memory_space<hbm>>
        tpu.enqueue_indirect_dma source(%dma_start3A_477 : memref<10000x144xf32, #tpu.memory_space<hbm>>) target(%arg17 : memref<40x144xf32, #tpu.memory_space<vmem>>) offsets(%dma_start3A_474 : memref<40xi32, #tpu.memory_space<vmem>>) semaphore(%arg33 : memref<!tpu.dma_semaphore, #tpu.memory_space<semaphore_mem>>)
        %dma_start3A_478 = arith.constant 1 : i32
        %dma_start3A_479 = arith.constant 0 : i32
        %dma_start3A_480 = tpu.memref_slice %arg7[%dma_start3A_478, %dma_start3A_479] : memref<2x40xi32, #tpu.memory_space<vmem>> -> memref<1x40xi32, #tpu.memory_space<vmem>>
        %dma_start3A_481 = tpu.memref_squeeze %dma_start3A_480 : memref<1x40xi32, #tpu.memory_space<vmem>> -> memref<40xi32, #tpu.memory_space<vmem>>
        %dma_start3A_482 = arith.constant 0 : i32
        %dma_start3A_483 = arith.constant 0 : i32
        %dma_start3A_484 = tpu.memref_slice %arg4[%dma_start3A_482, %dma_start3A_483] : memref<10000x16xf32, #tpu.memory_space<hbm>> -> memref<10000x16xf32, #tpu.memory_space<hbm>>
        tpu.enqueue_indirect_dma source(%dma_start3A_484 : memref<10000x16xf32, #tpu.memory_space<hbm>>) target(%arg22 : memref<40x16xf32, #tpu.memory_space<vmem>>) offsets(%dma_start3A_481 : memref<40xi32, #tpu.memory_space<vmem>>) semaphore(%arg33 : memref<!tpu.dma_semaphore, #tpu.memory_space<semaphore_mem>>)
      } else {
      }
      %lt3A_335 = arith.constant 49 : i32
      %lt3A_336 = arith.cmpi slt, %add3A_137, %lt3A_335 : i32
      %convert_element_type3A_337 = arith.extui %lt3A_336 : i1 to i32
      %cond3A_338 = arith.constant 0 : i32
      %cond3A_339 = arith.cmpi ne, %convert_element_type3A_337, %cond3A_338 : i32
      scf.if %cond3A_339 {
        %mul3A_460 = arith.constant 5 : i32
        %mul3A_461 = arith.muli %mul3A_460, %add3A_137 : i32
        %add3A_462 = arith.constant 2 : i32
        %add3A_463 = arith.addi %mul3A_461, %add3A_462 : i32
        %add3A_464 = arith.constant 5 : i32
        %add3A_465 = arith.addi %add3A_463, %add3A_464 : i32
        %mul3A_466 = arith.constant 40 : i32
        %mul3A_467 = arith.muli %add3A_465, %mul3A_466 : i32
        %dma_start3A_468 = arith.constant 0 : i32
        %dma_start3A_469 = tpu.memref_slice %arg2[%add3A, %dma_start3A_468, %mul3A_467] : memref<32x2x10000xi32, #tpu.memory_space<hbm>> -> memref<1x2x40xi32, #tpu.memory_space<hbm>>
        %dma_start3A_470 = tpu.memref_squeeze %dma_start3A_469 : memref<1x2x40xi32, #tpu.memory_space<hbm>> -> memref<2x40xi32, #tpu.memory_space<hbm>>
        %dma_start3A_471 = arith.constant 0 : i32
        %dma_start3A_472 = tpu.memref_slice %arg2[%add3A, %dma_start3A_471, %mul3A_467] : memref<32x2x10000xi32, #tpu.memory_space<hbm>> -> memref<1x2x40xi32, #tpu.memory_space<hbm>>
        %dma_start3A_473 = tpu.memref_squeeze %dma_start3A_472 : memref<1x2x40xi32, #tpu.memory_space<hbm>> -> memref<2x40xi32, #tpu.memory_space<hbm>>
        tpu.enqueue_dma source(%dma_start3A_473 : memref<2x40xi32, #tpu.memory_space<hbm>>) target(%arg9 : memref<2x40xi32, #tpu.memory_space<vmem>>) target_semaphore(%arg30 : memref<!tpu.dma_semaphore, #tpu.memory_space<semaphore_mem>>)
      } else {
      }
      %parallel_loop3A_340 = arith.constant 0 : i32
      %parallel_loop3A_341 = arith.constant 40 : i32
      %parallel_loop3A_342 = arith.constant 1 : i32
      scf.for %parallel_loop3A_460 = %parallel_loop3A_340 to %parallel_loop3A_341 step %parallel_loop3A_342  : i32 {
        %parallel_loop3A_461 = arith.index_cast %parallel_loop3A_460 : i32 to index
        %parallel_loop3A_462 = arith.constant 128 : index
        %parallel_loop3A_463 = tpu.vector_load %arg19[%parallel_loop3A_461, %parallel_loop3A_462] {strides = array<i32>} : memref<40x144xf32, #tpu.memory_space<vmem>>, vector<1x16xf32>,
        %parallel_loop3A_464 = vector.shape_cast %parallel_loop3A_463 : vector<1x16xf32> to vector<16xf32>
        %parallel_loop3A_465 = arith.index_cast %parallel_loop3A_460 : i32 to index
        %parallel_loop3A_466 = arith.constant 0 : index
        %parallel_loop3A_467 = tpu.vector_load %arg24[%parallel_loop3A_465, %parallel_loop3A_466] {strides = array<i32>} : memref<40x16xf32, #tpu.memory_space<vmem>>, vector<1x16xf32>,
        %parallel_loop3A_468 = vector.shape_cast %parallel_loop3A_467 : vector<1x16xf32> to vector<16xf32>
        %parallel_loop3A_469 = arith.addf %parallel_loop3A_464, %parallel_loop3A_468 : vector<16xf32>
        %parallel_loop3A_470 = arith.constant 2.000000e-01 : f32
        %parallel_loop3A_471 = vector.broadcast %parallel_loop3A_470 : f32 to vector<16xf32>
        %parallel_loop3A_472 = arith.mulf %parallel_loop3A_469, %parallel_loop3A_471 : vector<16xf32>
        %parallel_loop3A_473 = arith.maximumf %parallel_loop3A_469, %parallel_loop3A_472 : vector<16xf32>
        %parallel_loop3A_474 = math.exp %parallel_loop3A_473 : vector<16xf32>
        %parallel_loop3A_475 = arith.index_cast %parallel_loop3A_460 : i32 to index
        %parallel_loop3A_476 = arith.constant 128 : index
        %parallel_loop3A_477 = tpu.vector_load %arg19[%parallel_loop3A_475, %parallel_loop3A_476] {strides = array<i32>} : memref<40x144xf32, #tpu.memory_space<vmem>>, vector<1x16xf32>,
        %parallel_loop3A_478 = vector.shape_cast %parallel_loop3A_477 : vector<1x16xf32> to vector<16xf32>
        %parallel_loop3A_479 = vector.shape_cast %parallel_loop3A_474 : vector<16xf32> to vector<1x16xf32>
        tpu.vector_store %arg19[%parallel_loop3A_475, %parallel_loop3A_476], %parallel_loop3A_479 {strides = array<i32>} : memref<40x144xf32, #tpu.memory_space<vmem>>, vector<1x16xf32>,
        %parallel_loop3A_480 = tpu.iota {dimensions = array<i32: 0>} : vector<16xi32>
        %parallel_loop3A_481 = arith.constant 8 : i32
        %parallel_loop3A_482 = arith.constant 0 : i32
        %parallel_loop3A_483 = arith.cmpi eq, %parallel_loop3A_481, %parallel_loop3A_482 : i32
        %parallel_loop3A_484 = arith.constant 1 : i32
        %parallel_loop3A_485 = arith.select %parallel_loop3A_483, %parallel_loop3A_484, %parallel_loop3A_481 : i32
        %parallel_loop3A_486 = vector.broadcast %parallel_loop3A_485 : i32 to vector<16xi32>
        %parallel_loop3A_487 = arith.remsi %parallel_loop3A_480, %parallel_loop3A_486 : vector<16xi32>
        %parallel_loop3A_488 = arith.constant 0 : i32
        %parallel_loop3A_489 = vector.broadcast %parallel_loop3A_488 : i32 to vector<16xi32>
        %parallel_loop3A_490 = arith.cmpi ne, %parallel_loop3A_487, %parallel_loop3A_489 : vector<16xi32>
        %parallel_loop3A_491 = arith.constant 0 : i32
        %parallel_loop3A_492 = vector.broadcast %parallel_loop3A_491 : i32 to vector<16xi32>
        %parallel_loop3A_493 = arith.cmpi slt, %parallel_loop3A_487, %parallel_loop3A_492 : vector<16xi32>
        %parallel_loop3A_494 = arith.constant 0 : i32
        %parallel_loop3A_495 = arith.cmpi slt, %parallel_loop3A_485, %parallel_loop3A_494 : i32
        %parallel_loop3A_496 = vector.broadcast %parallel_loop3A_495 : i1 to vector<16xi1>
        %parallel_loop3A_497 = vector.broadcast %parallel_loop3A_496 : vector<16xi1> to vector<16xi1>
        %parallel_loop3A_498 = arith.xori %parallel_loop3A_493, %parallel_loop3A_497 : vector<16xi1>
        %parallel_loop3A_499 = arith.andi %parallel_loop3A_498, %parallel_loop3A_490 : vector<16xi1>
        %parallel_loop3A_500 = vector.broadcast %parallel_loop3A_485 : i32 to vector<16xi32>
        %parallel_loop3A_501 = arith.addi %parallel_loop3A_487, %parallel_loop3A_500 : vector<16xi32>
        %parallel_loop3A_502 = arith.select %parallel_loop3A_499, %parallel_loop3A_501, %parallel_loop3A_487 : vector<16xi1>, vector<16xi32>
        %parallel_loop3A_503 = vector.shape_cast %parallel_loop3A_502 : vector<16xi32> to vector<16x1xi32>
        %parallel_loop3A_504 = vector.shape_cast %parallel_loop3A_503 : vector<16x1xi32> to vector<16xi32>
        %parallel_loop3A_505 = tpu.dynamic_gather %parallel_loop3A_474[%parallel_loop3A_504] in [0] : vector<16xf32>, vector<16xi32> -> vector<16xf32>
        %parallel_loop3A_506 = arith.index_cast %parallel_loop3A_460 : i32 to index
        %parallel_loop3A_507 = arith.constant 0 : index
        %parallel_loop3A_508 = tpu.vector_load %arg19[%parallel_loop3A_506, %parallel_loop3A_507] {strides = array<i32>} : memref<40x144xf32, #tpu.memory_space<vmem>>, vector<1x16xf32>,
        %parallel_loop3A_509 = vector.shape_cast %parallel_loop3A_508 : vector<1x16xf32> to vector<16xf32>
        %parallel_loop3A_510 = arith.mulf %parallel_loop3A_509, %parallel_loop3A_505 : vector<16xf32>
        %parallel_loop3A_511 = arith.index_cast %parallel_loop3A_460 : i32 to index
        %parallel_loop3A_512 = arith.constant 0 : index
        %parallel_loop3A_513 = tpu.vector_load %arg19[%parallel_loop3A_511, %parallel_loop3A_512] {strides = array<i32>} : memref<40x144xf32, #tpu.memory_space<vmem>>, vector<1x16xf32>,
        %parallel_loop3A_514 = vector.shape_cast %parallel_loop3A_513 : vector<1x16xf32> to vector<16xf32>
        %parallel_loop3A_515 = vector.shape_cast %parallel_loop3A_510 : vector<16xf32> to vector<1x16xf32>
        tpu.vector_store %arg19[%parallel_loop3A_511, %parallel_loop3A_512], %parallel_loop3A_515 {strides = array<i32>} : memref<40x144xf32, #tpu.memory_space<vmem>>, vector<1x16xf32>,
        %parallel_loop3A_516 = arith.index_cast %parallel_loop3A_460 : i32 to index
        %parallel_loop3A_517 = arith.constant 16 : index
        %parallel_loop3A_518 = tpu.vector_load %arg19[%parallel_loop3A_516, %parallel_loop3A_517] {strides = array<i32>} : memref<40x144xf32, #tpu.memory_space<vmem>>, vector<1x16xf32>,
        %parallel_loop3A_519 = vector.shape_cast %parallel_loop3A_518 : vector<1x16xf32> to vector<16xf32>
        %parallel_loop3A_520 = arith.mulf %parallel_loop3A_519, %parallel_loop3A_505 : vector<16xf32>
        %parallel_loop3A_521 = arith.index_cast %parallel_loop3A_460 : i32 to index
        %parallel_loop3A_522 = arith.constant 16 : index
        %parallel_loop3A_523 = tpu.vector_load %arg19[%parallel_loop3A_521, %parallel_loop3A_522] {strides = array<i32>} : memref<40x144xf32, #tpu.memory_space<vmem>>, vector<1x16xf32>,
        %parallel_loop3A_524 = vector.shape_cast %parallel_loop3A_523 : vector<1x16xf32> to vector<16xf32>
        %parallel_loop3A_525 = vector.shape_cast %parallel_loop3A_520 : vector<16xf32> to vector<1x16xf32>
        tpu.vector_store %arg19[%parallel_loop3A_521, %parallel_loop3A_522], %parallel_loop3A_525 {strides = array<i32>} : memref<40x144xf32, #tpu.memory_space<vmem>>, vector<1x16xf32>,
        %parallel_loop3A_526 = arith.index_cast %parallel_loop3A_460 : i32 to index
        %parallel_loop3A_527 = arith.constant 32 : index
        %parallel_loop3A_528 = tpu.vector_load %arg19[%parallel_loop3A_526, %parallel_loop3A_527] {strides = array<i32>} : memref<40x144xf32, #tpu.memory_space<vmem>>, vector<1x16xf32>,
        %parallel_loop3A_529 = vector.shape_cast %parallel_loop3A_528 : vector<1x16xf32> to vector<16xf32>
        %parallel_loop3A_530 = arith.mulf %parallel_loop3A_529, %parallel_loop3A_505 : vector<16xf32>
        %parallel_loop3A_531 = arith.index_cast %parallel_loop3A_460 : i32 to index
        %parallel_loop3A_532 = arith.constant 32 : index
        %parallel_loop3A_533 = tpu.vector_load %arg19[%parallel_loop3A_531, %parallel_loop3A_532] {strides = array<i32>} : memref<40x144xf32, #tpu.memory_space<vmem>>, vector<1x16xf32>,
        %parallel_loop3A_534 = vector.shape_cast %parallel_loop3A_533 : vector<1x16xf32> to vector<16xf32>
        %parallel_loop3A_535 = vector.shape_cast %parallel_loop3A_530 : vector<16xf32> to vector<1x16xf32>
        tpu.vector_store %arg19[%parallel_loop3A_531, %parallel_loop3A_532], %parallel_loop3A_535 {strides = array<i32>} : memref<40x144xf32, #tpu.memory_space<vmem>>, vector<1x16xf32>,
        %parallel_loop3A_536 = arith.index_cast %parallel_loop3A_460 : i32 to index
        %parallel_loop3A_537 = arith.constant 48 : index
        %parallel_loop3A_538 = tpu.vector_load %arg19[%parallel_loop3A_536, %parallel_loop3A_537] {strides = array<i32>} : memref<40x144xf32, #tpu.memory_space<vmem>>, vector<1x16xf32>,
        %parallel_loop3A_539 = vector.shape_cast %parallel_loop3A_538 : vector<1x16xf32> to vector<16xf32>
        %parallel_loop3A_540 = arith.mulf %parallel_loop3A_539, %parallel_loop3A_505 : vector<16xf32>
        %parallel_loop3A_541 = arith.index_cast %parallel_loop3A_460 : i32 to index
        %parallel_loop3A_542 = arith.constant 48 : index
        %parallel_loop3A_543 = tpu.vector_load %arg19[%parallel_loop3A_541, %parallel_loop3A_542] {strides = array<i32>} : memref<40x144xf32, #tpu.memory_space<vmem>>, vector<1x16xf32>,
        %parallel_loop3A_544 = vector.shape_cast %parallel_loop3A_543 : vector<1x16xf32> to vector<16xf32>
        %parallel_loop3A_545 = vector.shape_cast %parallel_loop3A_540 : vector<16xf32> to vector<1x16xf32>
        tpu.vector_store %arg19[%parallel_loop3A_541, %parallel_loop3A_542], %parallel_loop3A_545 {strides = array<i32>} : memref<40x144xf32, #tpu.memory_space<vmem>>, vector<1x16xf32>,
        %parallel_loop3A_546 = arith.index_cast %parallel_loop3A_460 : i32 to index
        %parallel_loop3A_547 = arith.constant 64 : index
        %parallel_loop3A_548 = tpu.vector_load %arg19[%parallel_loop3A_546, %parallel_loop3A_547] {strides = array<i32>} : memref<40x144xf32, #tpu.memory_space<vmem>>, vector<1x16xf32>,
        %parallel_loop3A_549 = vector.shape_cast %parallel_loop3A_548 : vector<1x16xf32> to vector<16xf32>
        %parallel_loop3A_550 = arith.mulf %parallel_loop3A_549, %parallel_loop3A_505 : vector<16xf32>
        %parallel_loop3A_551 = arith.index_cast %parallel_loop3A_460 : i32 to index
        %parallel_loop3A_552 = arith.constant 64 : index
        %parallel_loop3A_553 = tpu.vector_load %arg19[%parallel_loop3A_551, %parallel_loop3A_552] {strides = array<i32>} : memref<40x144xf32, #tpu.memory_space<vmem>>, vector<1x16xf32>,
        %parallel_loop3A_554 = vector.shape_cast %parallel_loop3A_553 : vector<1x16xf32> to vector<16xf32>
        %parallel_loop3A_555 = vector.shape_cast %parallel_loop3A_550 : vector<16xf32> to vector<1x16xf32>
        tpu.vector_store %arg19[%parallel_loop3A_551, %parallel_loop3A_552], %parallel_loop3A_555 {strides = array<i32>} : memref<40x144xf32, #tpu.memory_space<vmem>>, vector<1x16xf32>,
        %parallel_loop3A_556 = arith.index_cast %parallel_loop3A_460 : i32 to index
        %parallel_loop3A_557 = arith.constant 80 : index
        %parallel_loop3A_558 = tpu.vector_load %arg19[%parallel_loop3A_556, %parallel_loop3A_557] {strides = array<i32>} : memref<40x144xf32, #tpu.memory_space<vmem>>, vector<1x16xf32>,
        %parallel_loop3A_559 = vector.shape_cast %parallel_loop3A_558 : vector<1x16xf32> to vector<16xf32>
        %parallel_loop3A_560 = arith.mulf %parallel_loop3A_559, %parallel_loop3A_505 : vector<16xf32>
        %parallel_loop3A_561 = arith.index_cast %parallel_loop3A_460 : i32 to index
        %parallel_loop3A_562 = arith.constant 80 : index
        %parallel_loop3A_563 = tpu.vector_load %arg19[%parallel_loop3A_561, %parallel_loop3A_562] {strides = array<i32>} : memref<40x144xf32, #tpu.memory_space<vmem>>, vector<1x16xf32>,
        %parallel_loop3A_564 = vector.shape_cast %parallel_loop3A_563 : vector<1x16xf32> to vector<16xf32>
        %parallel_loop3A_565 = vector.shape_cast %parallel_loop3A_560 : vector<16xf32> to vector<1x16xf32>
        tpu.vector_store %arg19[%parallel_loop3A_561, %parallel_loop3A_562], %parallel_loop3A_565 {strides = array<i32>} : memref<40x144xf32, #tpu.memory_space<vmem>>, vector<1x16xf32>,
        %parallel_loop3A_566 = arith.index_cast %parallel_loop3A_460 : i32 to index
        %parallel_loop3A_567 = arith.constant 96 : index
        %parallel_loop3A_568 = tpu.vector_load %arg19[%parallel_loop3A_566, %parallel_loop3A_567] {strides = array<i32>} : memref<40x144xf32, #tpu.memory_space<vmem>>, vector<1x16xf32>,
        %parallel_loop3A_569 = vector.shape_cast %parallel_loop3A_568 : vector<1x16xf32> to vector<16xf32>
        %parallel_loop3A_570 = arith.mulf %parallel_loop3A_569, %parallel_loop3A_505 : vector<16xf32>
        %parallel_loop3A_571 = arith.index_cast %parallel_loop3A_460 : i32 to index
        %parallel_loop3A_572 = arith.constant 96 : index
        %parallel_loop3A_573 = tpu.vector_load %arg19[%parallel_loop3A_571, %parallel_loop3A_572] {strides = array<i32>} : memref<40x144xf32, #tpu.memory_space<vmem>>, vector<1x16xf32>,
        %parallel_loop3A_574 = vector.shape_cast %parallel_loop3A_573 : vector<1x16xf32> to vector<16xf32>
        %parallel_loop3A_575 = vector.shape_cast %parallel_loop3A_570 : vector<16xf32> to vector<1x16xf32>
        tpu.vector_store %arg19[%parallel_loop3A_571, %parallel_loop3A_572], %parallel_loop3A_575 {strides = array<i32>} : memref<40x144xf32, #tpu.memory_space<vmem>>, vector<1x16xf32>,
        %parallel_loop3A_576 = arith.index_cast %parallel_loop3A_460 : i32 to index
        %parallel_loop3A_577 = arith.constant 112 : index
        %parallel_loop3A_578 = tpu.vector_load %arg19[%parallel_loop3A_576, %parallel_loop3A_577] {strides = array<i32>} : memref<40x144xf32, #tpu.memory_space<vmem>>, vector<1x16xf32>,
        %parallel_loop3A_579 = vector.shape_cast %parallel_loop3A_578 : vector<1x16xf32> to vector<16xf32>
        %parallel_loop3A_580 = arith.mulf %parallel_loop3A_579, %parallel_loop3A_505 : vector<16xf32>
        %parallel_loop3A_581 = arith.index_cast %parallel_loop3A_460 : i32 to index
        %parallel_loop3A_582 = arith.constant 112 : index
        %parallel_loop3A_583 = tpu.vector_load %arg19[%parallel_loop3A_581, %parallel_loop3A_582] {strides = array<i32>} : memref<40x144xf32, #tpu.memory_space<vmem>>, vector<1x16xf32>,
        %parallel_loop3A_584 = vector.shape_cast %parallel_loop3A_583 : vector<1x16xf32> to vector<16xf32>
        %parallel_loop3A_585 = vector.shape_cast %parallel_loop3A_580 : vector<16xf32> to vector<1x16xf32>
        tpu.vector_store %arg19[%parallel_loop3A_581, %parallel_loop3A_582], %parallel_loop3A_585 {strides = array<i32>} : memref<40x144xf32, #tpu.memory_space<vmem>>, vector<1x16xf32>,
      } {sc.loop_unroll_factor = 1 : i64, sc.parallel_access}
      %dma_start3A_343 = arith.constant 0 : i32
      %dma_start3A_344 = arith.constant 0 : i32
      %dma_start3A_345 = tpu.memref_slice %arg27[%dma_start3A_343, %dma_start3A_344] : memref<10000x144xf32, #tpu.memory_space<vmem_shared>> -> memref<10000x144xf32, #tpu.memory_space<vmem_shared>>
      tpu.enqueue_indirect_dma source(%arg19 : memref<40x144xf32, #tpu.memory_space<vmem>>) target(%dma_start3A_345 : memref<10000x144xf32, #tpu.memory_space<vmem_shared>>) offsets(%arg14 : memref<40xi32, #tpu.memory_space<vmem>>) semaphore(%arg40 : memref<!tpu.dma_semaphore, #tpu.memory_space<semaphore_mem>>) {add = true}
      %dma_wait3A_346 = arith.constant 0 : i32
      %dma_wait3A_347 = arith.constant 0 : i32
      %dma_wait3A_348 = tpu.memref_slice %arg10[%dma_wait3A_346, %dma_wait3A_347] : memref<2x40xi32, #tpu.memory_space<vmem>> -> memref<1x40xi32, #tpu.memory_space<vmem>>
      %dma_wait3A_349 = tpu.memref_squeeze %dma_wait3A_348 : memref<1x40xi32, #tpu.memory_space<vmem>> -> memref<40xi32, #tpu.memory_space<vmem>>
      %dma_wait3A_350 = arith.constant 0 : i32
      %dma_wait3A_351 = arith.constant 0 : i32
      %dma_wait3A_352 = tpu.memref_slice %arg3[%dma_wait3A_350, %dma_wait3A_351] : memref<10000x144xf32, #tpu.memory_space<hbm>> -> memref<10000x144xf32, #tpu.memory_space<hbm>>
      tpu.wait_indirect_dma semaphore(%arg36 : memref<!tpu.dma_semaphore, #tpu.memory_space<semaphore_mem>>) src(%dma_wait3A_352 : memref<10000x144xf32, #tpu.memory_space<hbm>>) dst(%arg20 : memref<40x144xf32, #tpu.memory_space<vmem>>)
      %dma_wait3A_353 = arith.constant 1 : i32
      %dma_wait3A_354 = arith.constant 0 : i32
      %dma_wait3A_355 = tpu.memref_slice %arg10[%dma_wait3A_353, %dma_wait3A_354] : memref<2x40xi32, #tpu.memory_space<vmem>> -> memref<1x40xi32, #tpu.memory_space<vmem>>
      %dma_wait3A_356 = tpu.memref_squeeze %dma_wait3A_355 : memref<1x40xi32, #tpu.memory_space<vmem>> -> memref<40xi32, #tpu.memory_space<vmem>>
      %dma_wait3A_357 = arith.constant 0 : i32
      %dma_wait3A_358 = arith.constant 0 : i32
      %dma_wait3A_359 = tpu.memref_slice %arg4[%dma_wait3A_357, %dma_wait3A_358] : memref<10000x16xf32, #tpu.memory_space<hbm>> -> memref<10000x16xf32, #tpu.memory_space<hbm>>
      tpu.wait_indirect_dma semaphore(%arg36 : memref<!tpu.dma_semaphore, #tpu.memory_space<semaphore_mem>>) src(%dma_wait3A_359 : memref<10000x16xf32, #tpu.memory_space<hbm>>) dst(%arg25 : memref<40x16xf32, #tpu.memory_space<vmem>>)
      %get3A_360 = arith.constant 1 : i32
      %get3A_361 = arith.index_cast %get3A_360 : i32 to index
      %get3A_362 = arith.constant 0 : index
      %get3A_363 = tpu.vector_load %arg10[%get3A_361, %get3A_362] {strides = array<i32>} : memref<2x40xi32, #tpu.memory_space<vmem>>, vector<1x16xi32>,
      %get3A_364 = vector.shape_cast %get3A_363 : vector<1x16xi32> to vector<16xi32>
      %swap3A_365 = arith.constant 0 : index
      %swap3A_366 = tpu.vector_load %arg15[%swap3A_365] {strides = array<i32>} : memref<40xi32, #tpu.memory_space<vmem>>, vector<16xi32>,
      %swap3A_367 = vector.shape_cast %swap3A_366 : vector<16xi32> to vector<16xi32>
      %swap3A_368 = vector.shape_cast %get3A_364 : vector<16xi32> to vector<16xi32>
      tpu.vector_store %arg15[%swap3A_365], %swap3A_368 {strides = array<i32>} : memref<40xi32, #tpu.memory_space<vmem>>, vector<16xi32>,
      %get3A_369 = arith.constant 1 : i32
      %get3A_370 = arith.index_cast %get3A_369 : i32 to index
      %get3A_371 = arith.constant 16 : index
      %get3A_372 = tpu.vector_load %arg10[%get3A_370, %get3A_371] {strides = array<i32>} : memref<2x40xi32, #tpu.memory_space<vmem>>, vector<1x16xi32>,
      %get3A_373 = vector.shape_cast %get3A_372 : vector<1x16xi32> to vector<16xi32>
      %swap3A_374 = arith.constant 16 : index
      %swap3A_375 = tpu.vector_load %arg15[%swap3A_374] {strides = array<i32>} : memref<40xi32, #tpu.memory_space<vmem>>, vector<16xi32>,
      %swap3A_376 = vector.shape_cast %swap3A_375 : vector<16xi32> to vector<16xi32>
      %swap3A_377 = vector.shape_cast %get3A_373 : vector<16xi32> to vector<16xi32>
      tpu.vector_store %arg15[%swap3A_374], %swap3A_377 {strides = array<i32>} : memref<40xi32, #tpu.memory_space<vmem>>, vector<16xi32>,
      %get3A_378 = arith.constant 1 : i32
      %get3A_379 = arith.index_cast %get3A_378 : i32 to index
      %get3A_380 = arith.constant 24 : index
      %get3A_381 = tpu.vector_load %arg10[%get3A_379, %get3A_380] {strides = array<i32>} : memref<2x40xi32, #tpu.memory_space<vmem>>, vector<1x16xi32>,
      %get3A_382 = vector.shape_cast %get3A_381 : vector<1x16xi32> to vector<16xi32>
      %swap3A_383 = arith.constant 24 : index
      %swap3A_384 = tpu.vector_load %arg15[%swap3A_383] {strides = array<i32>} : memref<40xi32, #tpu.memory_space<vmem>>, vector<16xi32>,
      %swap3A_385 = vector.shape_cast %swap3A_384 : vector<16xi32> to vector<16xi32>
      %swap3A_386 = vector.shape_cast %get3A_382 : vector<16xi32> to vector<16xi32>
      tpu.vector_store %arg15[%swap3A_383], %swap3A_386 {strides = array<i32>} : memref<40xi32, #tpu.memory_space<vmem>>, vector<16xi32>,
      %lt3A_387 = arith.constant 49 : i32
      %lt3A_388 = arith.cmpi slt, %add3A_137, %lt3A_387 : i32
      %convert_element_type3A_389 = arith.extui %lt3A_388 : i1 to i32
      %cond3A_390 = arith.constant 0 : i32
      %cond3A_391 = arith.cmpi ne, %convert_element_type3A_389, %cond3A_390 : i32
      scf.if %cond3A_391 {
        %dma_wait3A_460 = arith.constant 0 : i32
        %dma_wait3A_461 = arith.constant 0 : i32
        %dma_wait3A_462 = tpu.memref_slice %arg27[%dma_wait3A_460, %dma_wait3A_461] : memref<10000x144xf32, #tpu.memory_space<vmem_shared>> -> memref<10000x144xf32, #tpu.memory_space<vmem_shared>>
        tpu.wait_indirect_dma semaphore(%arg39 : memref<!tpu.dma_semaphore, #tpu.memory_space<semaphore_mem>>) src(%arg18 : memref<40x144xf32, #tpu.memory_space<vmem>>) dst(%dma_wait3A_462 : memref<10000x144xf32, #tpu.memory_space<vmem_shared>>)
        %dma_wait3A_463 = arith.constant 0 : i32
        %dma_wait3A_464 = arith.constant 0 : i32
        %dma_wait3A_465 = tpu.memref_slice %arg2[%add3A, %dma_wait3A_463, %dma_wait3A_464] : memref<32x2x10000xi32, #tpu.memory_space<hbm>> -> memref<1x2x40xi32, #tpu.memory_space<hbm>>
        %dma_wait3A_466 = tpu.memref_squeeze %dma_wait3A_465 : memref<1x2x40xi32, #tpu.memory_space<hbm>> -> memref<2x40xi32, #tpu.memory_space<hbm>>
        %dma_wait3A_467 = arith.constant 0 : i32
        %dma_wait3A_468 = arith.constant 0 : i32
        %dma_wait3A_469 = tpu.memref_slice %arg2[%add3A, %dma_wait3A_467, %dma_wait3A_468] : memref<32x2x10000xi32, #tpu.memory_space<hbm>> -> memref<1x2x40xi32, #tpu.memory_space<hbm>>
        %dma_wait3A_470 = tpu.memref_squeeze %dma_wait3A_469 : memref<1x2x40xi32, #tpu.memory_space<hbm>> -> memref<2x40xi32, #tpu.memory_space<hbm>>
        tpu.wait_dma2 semaphore(%arg29 : memref<!tpu.dma_semaphore, #tpu.memory_space<semaphore_mem>>) src(%dma_wait3A_470 : memref<2x40xi32, #tpu.memory_space<hbm>>) dst(%arg8 : memref<2x40xi32, #tpu.memory_space<vmem>>)
        %dma_start3A_471 = arith.constant 0 : i32
        %dma_start3A_472 = arith.constant 0 : i32
        %dma_start3A_473 = tpu.memref_slice %arg8[%dma_start3A_471, %dma_start3A_472] : memref<2x40xi32, #tpu.memory_space<vmem>> -> memref<1x40xi32, #tpu.memory_space<vmem>>
        %dma_start3A_474 = tpu.memref_squeeze %dma_start3A_473 : memref<1x40xi32, #tpu.memory_space<vmem>> -> memref<40xi32, #tpu.memory_space<vmem>>
        %dma_start3A_475 = arith.constant 0 : i32
        %dma_start3A_476 = arith.constant 0 : i32
        %dma_start3A_477 = tpu.memref_slice %arg3[%dma_start3A_475, %dma_start3A_476] : memref<10000x144xf32, #tpu.memory_space<hbm>> -> memref<10000x144xf32, #tpu.memory_space<hbm>>
        tpu.enqueue_indirect_dma source(%dma_start3A_477 : memref<10000x144xf32, #tpu.memory_space<hbm>>) target(%arg18 : memref<40x144xf32, #tpu.memory_space<vmem>>) offsets(%dma_start3A_474 : memref<40xi32, #tpu.memory_space<vmem>>) semaphore(%arg34 : memref<!tpu.dma_semaphore, #tpu.memory_space<semaphore_mem>>)
        %dma_start3A_478 = arith.constant 1 : i32
        %dma_start3A_479 = arith.constant 0 : i32
        %dma_start3A_480 = tpu.memref_slice %arg8[%dma_start3A_478, %dma_start3A_479] : memref<2x40xi32, #tpu.memory_space<vmem>> -> memref<1x40xi32, #tpu.memory_space<vmem>>
        %dma_start3A_481 = tpu.memref_squeeze %dma_start3A_480 : memref<1x40xi32, #tpu.memory_space<vmem>> -> memref<40xi32, #tpu.memory_space<vmem>>
        %dma_start3A_482 = arith.constant 0 : i32
        %dma_start3A_483 = arith.constant 0 : i32
        %dma_start3A_484 = tpu.memref_slice %arg4[%dma_start3A_482, %dma_start3A_483] : memref<10000x16xf32, #tpu.memory_space<hbm>> -> memref<10000x16xf32, #tpu.memory_space<hbm>>
        tpu.enqueue_indirect_dma source(%dma_start3A_484 : memref<10000x16xf32, #tpu.memory_space<hbm>>) target(%arg23 : memref<40x16xf32, #tpu.memory_space<vmem>>) offsets(%dma_start3A_481 : memref<40xi32, #tpu.memory_space<vmem>>) semaphore(%arg34 : memref<!tpu.dma_semaphore, #tpu.memory_space<semaphore_mem>>)
      } else {
      }
      %lt3A_392 = arith.constant 49 : i32
      %lt3A_393 = arith.cmpi slt, %add3A_137, %lt3A_392 : i32
      %convert_element_type3A_394 = arith.extui %lt3A_393 : i1 to i32
      %cond3A_395 = arith.constant 0 : i32
      %cond3A_396 = arith.cmpi ne, %convert_element_type3A_394, %cond3A_395 : i32
      scf.if %cond3A_396 {
        %mul3A_460 = arith.constant 5 : i32
        %mul3A_461 = arith.muli %mul3A_460, %add3A_137 : i32
        %add3A_462 = arith.constant 3 : i32
        %add3A_463 = arith.addi %mul3A_461, %add3A_462 : i32
        %add3A_464 = arith.constant 5 : i32
        %add3A_465 = arith.addi %add3A_463, %add3A_464 : i32
        %mul3A_466 = arith.constant 40 : i32
        %mul3A_467 = arith.muli %add3A_465, %mul3A_466 : i32
        %dma_start3A_468 = arith.constant 0 : i32
        %dma_start3A_469 = tpu.memref_slice %arg2[%add3A, %dma_start3A_468, %mul3A_467] : memref<32x2x10000xi32, #tpu.memory_space<hbm>> -> memref<1x2x40xi32, #tpu.memory_space<hbm>>
        %dma_start3A_470 = tpu.memref_squeeze %dma_start3A_469 : memref<1x2x40xi32, #tpu.memory_space<hbm>> -> memref<2x40xi32, #tpu.memory_space<hbm>>
        %dma_start3A_471 = arith.constant 0 : i32
        %dma_start3A_472 = tpu.memref_slice %arg2[%add3A, %dma_start3A_471, %mul3A_467] : memref<32x2x10000xi32, #tpu.memory_space<hbm>> -> memref<1x2x40xi32, #tpu.memory_space<hbm>>
        %dma_start3A_473 = tpu.memref_squeeze %dma_start3A_472 : memref<1x2x40xi32, #tpu.memory_space<hbm>> -> memref<2x40xi32, #tpu.memory_space<hbm>>
        tpu.enqueue_dma source(%dma_start3A_473 : memref<2x40xi32, #tpu.memory_space<hbm>>) target(%arg10 : memref<2x40xi32, #tpu.memory_space<vmem>>) target_semaphore(%arg31 : memref<!tpu.dma_semaphore, #tpu.memory_space<semaphore_mem>>)
      } else {
      }
      %parallel_loop3A_397 = arith.constant 0 : i32
      %parallel_loop3A_398 = arith.constant 40 : i32
      %parallel_loop3A_399 = arith.constant 1 : i32
      scf.for %parallel_loop3A_460 = %parallel_loop3A_397 to %parallel_loop3A_398 step %parallel_loop3A_399  : i32 {
        %parallel_loop3A_461 = arith.index_cast %parallel_loop3A_460 : i32 to index
        %parallel_loop3A_462 = arith.constant 128 : index
        %parallel_loop3A_463 = tpu.vector_load %arg20[%parallel_loop3A_461, %parallel_loop3A_462] {strides = array<i32>} : memref<40x144xf32, #tpu.memory_space<vmem>>, vector<1x16xf32>,
        %parallel_loop3A_464 = vector.shape_cast %parallel_loop3A_463 : vector<1x16xf32> to vector<16xf32>
        %parallel_loop3A_465 = arith.index_cast %parallel_loop3A_460 : i32 to index
        %parallel_loop3A_466 = arith.constant 0 : index
        %parallel_loop3A_467 = tpu.vector_load %arg25[%parallel_loop3A_465, %parallel_loop3A_466] {strides = array<i32>} : memref<40x16xf32, #tpu.memory_space<vmem>>, vector<1x16xf32>,
        %parallel_loop3A_468 = vector.shape_cast %parallel_loop3A_467 : vector<1x16xf32> to vector<16xf32>
        %parallel_loop3A_469 = arith.addf %parallel_loop3A_464, %parallel_loop3A_468 : vector<16xf32>
        %parallel_loop3A_470 = arith.constant 2.000000e-01 : f32
        %parallel_loop3A_471 = vector.broadcast %parallel_loop3A_470 : f32 to vector<16xf32>
        %parallel_loop3A_472 = arith.mulf %parallel_loop3A_469, %parallel_loop3A_471 : vector<16xf32>
        %parallel_loop3A_473 = arith.maximumf %parallel_loop3A_469, %parallel_loop3A_472 : vector<16xf32>
        %parallel_loop3A_474 = math.exp %parallel_loop3A_473 : vector<16xf32>
        %parallel_loop3A_475 = arith.index_cast %parallel_loop3A_460 : i32 to index
        %parallel_loop3A_476 = arith.constant 128 : index
        %parallel_loop3A_477 = tpu.vector_load %arg20[%parallel_loop3A_475, %parallel_loop3A_476] {strides = array<i32>} : memref<40x144xf32, #tpu.memory_space<vmem>>, vector<1x16xf32>,
        %parallel_loop3A_478 = vector.shape_cast %parallel_loop3A_477 : vector<1x16xf32> to vector<16xf32>
        %parallel_loop3A_479 = vector.shape_cast %parallel_loop3A_474 : vector<16xf32> to vector<1x16xf32>
        tpu.vector_store %arg20[%parallel_loop3A_475, %parallel_loop3A_476], %parallel_loop3A_479 {strides = array<i32>} : memref<40x144xf32, #tpu.memory_space<vmem>>, vector<1x16xf32>,
        %parallel_loop3A_480 = tpu.iota {dimensions = array<i32: 0>} : vector<16xi32>
        %parallel_loop3A_481 = arith.constant 8 : i32
        %parallel_loop3A_482 = arith.constant 0 : i32
        %parallel_loop3A_483 = arith.cmpi eq, %parallel_loop3A_481, %parallel_loop3A_482 : i32
        %parallel_loop3A_484 = arith.constant 1 : i32
        %parallel_loop3A_485 = arith.select %parallel_loop3A_483, %parallel_loop3A_484, %parallel_loop3A_481 : i32
        %parallel_loop3A_486 = vector.broadcast %parallel_loop3A_485 : i32 to vector<16xi32>
        %parallel_loop3A_487 = arith.remsi %parallel_loop3A_480, %parallel_loop3A_486 : vector<16xi32>
        %parallel_loop3A_488 = arith.constant 0 : i32
        %parallel_loop3A_489 = vector.broadcast %parallel_loop3A_488 : i32 to vector<16xi32>
        %parallel_loop3A_490 = arith.cmpi ne, %parallel_loop3A_487, %parallel_loop3A_489 : vector<16xi32>
        %parallel_loop3A_491 = arith.constant 0 : i32
        %parallel_loop3A_492 = vector.broadcast %parallel_loop3A_491 : i32 to vector<16xi32>
        %parallel_loop3A_493 = arith.cmpi slt, %parallel_loop3A_487, %parallel_loop3A_492 : vector<16xi32>
        %parallel_loop3A_494 = arith.constant 0 : i32
        %parallel_loop3A_495 = arith.cmpi slt, %parallel_loop3A_485, %parallel_loop3A_494 : i32
        %parallel_loop3A_496 = vector.broadcast %parallel_loop3A_495 : i1 to vector<16xi1>
        %parallel_loop3A_497 = vector.broadcast %parallel_loop3A_496 : vector<16xi1> to vector<16xi1>
        %parallel_loop3A_498 = arith.xori %parallel_loop3A_493, %parallel_loop3A_497 : vector<16xi1>
        %parallel_loop3A_499 = arith.andi %parallel_loop3A_498, %parallel_loop3A_490 : vector<16xi1>
        %parallel_loop3A_500 = vector.broadcast %parallel_loop3A_485 : i32 to vector<16xi32>
        %parallel_loop3A_501 = arith.addi %parallel_loop3A_487, %parallel_loop3A_500 : vector<16xi32>
        %parallel_loop3A_502 = arith.select %parallel_loop3A_499, %parallel_loop3A_501, %parallel_loop3A_487 : vector<16xi1>, vector<16xi32>
        %parallel_loop3A_503 = vector.shape_cast %parallel_loop3A_502 : vector<16xi32> to vector<16x1xi32>
        %parallel_loop3A_504 = vector.shape_cast %parallel_loop3A_503 : vector<16x1xi32> to vector<16xi32>
        %parallel_loop3A_505 = tpu.dynamic_gather %parallel_loop3A_474[%parallel_loop3A_504] in [0] : vector<16xf32>, vector<16xi32> -> vector<16xf32>
        %parallel_loop3A_506 = arith.index_cast %parallel_loop3A_460 : i32 to index
        %parallel_loop3A_507 = arith.constant 0 : index
        %parallel_loop3A_508 = tpu.vector_load %arg20[%parallel_loop3A_506, %parallel_loop3A_507] {strides = array<i32>} : memref<40x144xf32, #tpu.memory_space<vmem>>, vector<1x16xf32>,
        %parallel_loop3A_509 = vector.shape_cast %parallel_loop3A_508 : vector<1x16xf32> to vector<16xf32>
        %parallel_loop3A_510 = arith.mulf %parallel_loop3A_509, %parallel_loop3A_505 : vector<16xf32>
        %parallel_loop3A_511 = arith.index_cast %parallel_loop3A_460 : i32 to index
        %parallel_loop3A_512 = arith.constant 0 : index
        %parallel_loop3A_513 = tpu.vector_load %arg20[%parallel_loop3A_511, %parallel_loop3A_512] {strides = array<i32>} : memref<40x144xf32, #tpu.memory_space<vmem>>, vector<1x16xf32>,
        %parallel_loop3A_514 = vector.shape_cast %parallel_loop3A_513 : vector<1x16xf32> to vector<16xf32>
        %parallel_loop3A_515 = vector.shape_cast %parallel_loop3A_510 : vector<16xf32> to vector<1x16xf32>
        tpu.vector_store %arg20[%parallel_loop3A_511, %parallel_loop3A_512], %parallel_loop3A_515 {strides = array<i32>} : memref<40x144xf32, #tpu.memory_space<vmem>>, vector<1x16xf32>,
        %parallel_loop3A_516 = arith.index_cast %parallel_loop3A_460 : i32 to index
        %parallel_loop3A_517 = arith.constant 16 : index
        %parallel_loop3A_518 = tpu.vector_load %arg20[%parallel_loop3A_516, %parallel_loop3A_517] {strides = array<i32>} : memref<40x144xf32, #tpu.memory_space<vmem>>, vector<1x16xf32>,
        %parallel_loop3A_519 = vector.shape_cast %parallel_loop3A_518 : vector<1x16xf32> to vector<16xf32>
        %parallel_loop3A_520 = arith.mulf %parallel_loop3A_519, %parallel_loop3A_505 : vector<16xf32>
        %parallel_loop3A_521 = arith.index_cast %parallel_loop3A_460 : i32 to index
        %parallel_loop3A_522 = arith.constant 16 : index
        %parallel_loop3A_523 = tpu.vector_load %arg20[%parallel_loop3A_521, %parallel_loop3A_522] {strides = array<i32>} : memref<40x144xf32, #tpu.memory_space<vmem>>, vector<1x16xf32>,
        %parallel_loop3A_524 = vector.shape_cast %parallel_loop3A_523 : vector<1x16xf32> to vector<16xf32>
        %parallel_loop3A_525 = vector.shape_cast %parallel_loop3A_520 : vector<16xf32> to vector<1x16xf32>
        tpu.vector_store %arg20[%parallel_loop3A_521, %parallel_loop3A_522], %parallel_loop3A_525 {strides = array<i32>} : memref<40x144xf32, #tpu.memory_space<vmem>>, vector<1x16xf32>,
        %parallel_loop3A_526 = arith.index_cast %parallel_loop3A_460 : i32 to index
        %parallel_loop3A_527 = arith.constant 32 : index
        %parallel_loop3A_528 = tpu.vector_load %arg20[%parallel_loop3A_526, %parallel_loop3A_527] {strides = array<i32>} : memref<40x144xf32, #tpu.memory_space<vmem>>, vector<1x16xf32>,
        %parallel_loop3A_529 = vector.shape_cast %parallel_loop3A_528 : vector<1x16xf32> to vector<16xf32>
        %parallel_loop3A_530 = arith.mulf %parallel_loop3A_529, %parallel_loop3A_505 : vector<16xf32>
        %parallel_loop3A_531 = arith.index_cast %parallel_loop3A_460 : i32 to index
        %parallel_loop3A_532 = arith.constant 32 : index
        %parallel_loop3A_533 = tpu.vector_load %arg20[%parallel_loop3A_531, %parallel_loop3A_532] {strides = array<i32>} : memref<40x144xf32, #tpu.memory_space<vmem>>, vector<1x16xf32>,
        %parallel_loop3A_534 = vector.shape_cast %parallel_loop3A_533 : vector<1x16xf32> to vector<16xf32>
        %parallel_loop3A_535 = vector.shape_cast %parallel_loop3A_530 : vector<16xf32> to vector<1x16xf32>
        tpu.vector_store %arg20[%parallel_loop3A_531, %parallel_loop3A_532], %parallel_loop3A_535 {strides = array<i32>} : memref<40x144xf32, #tpu.memory_space<vmem>>, vector<1x16xf32>,
        %parallel_loop3A_536 = arith.index_cast %parallel_loop3A_460 : i32 to index
        %parallel_loop3A_537 = arith.constant 48 : index
        %parallel_loop3A_538 = tpu.vector_load %arg20[%parallel_loop3A_536, %parallel_loop3A_537] {strides = array<i32>} : memref<40x144xf32, #tpu.memory_space<vmem>>, vector<1x16xf32>,
        %parallel_loop3A_539 = vector.shape_cast %parallel_loop3A_538 : vector<1x16xf32> to vector<16xf32>
        %parallel_loop3A_540 = arith.mulf %parallel_loop3A_539, %parallel_loop3A_505 : vector<16xf32>
        %parallel_loop3A_541 = arith.index_cast %parallel_loop3A_460 : i32 to index
        %parallel_loop3A_542 = arith.constant 48 : index
        %parallel_loop3A_543 = tpu.vector_load %arg20[%parallel_loop3A_541, %parallel_loop3A_542] {strides = array<i32>} : memref<40x144xf32, #tpu.memory_space<vmem>>, vector<1x16xf32>,
        %parallel_loop3A_544 = vector.shape_cast %parallel_loop3A_543 : vector<1x16xf32> to vector<16xf32>
        %parallel_loop3A_545 = vector.shape_cast %parallel_loop3A_540 : vector<16xf32> to vector<1x16xf32>
        tpu.vector_store %arg20[%parallel_loop3A_541, %parallel_loop3A_542], %parallel_loop3A_545 {strides = array<i32>} : memref<40x144xf32, #tpu.memory_space<vmem>>, vector<1x16xf32>,
        %parallel_loop3A_546 = arith.index_cast %parallel_loop3A_460 : i32 to index
        %parallel_loop3A_547 = arith.constant 64 : index
        %parallel_loop3A_548 = tpu.vector_load %arg20[%parallel_loop3A_546, %parallel_loop3A_547] {strides = array<i32>} : memref<40x144xf32, #tpu.memory_space<vmem>>, vector<1x16xf32>,
        %parallel_loop3A_549 = vector.shape_cast %parallel_loop3A_548 : vector<1x16xf32> to vector<16xf32>
        %parallel_loop3A_550 = arith.mulf %parallel_loop3A_549, %parallel_loop3A_505 : vector<16xf32>
        %parallel_loop3A_551 = arith.index_cast %parallel_loop3A_460 : i32 to index
        %parallel_loop3A_552 = arith.constant 64 : index
        %parallel_loop3A_553 = tpu.vector_load %arg20[%parallel_loop3A_551, %parallel_loop3A_552] {strides = array<i32>} : memref<40x144xf32, #tpu.memory_space<vmem>>, vector<1x16xf32>,
        %parallel_loop3A_554 = vector.shape_cast %parallel_loop3A_553 : vector<1x16xf32> to vector<16xf32>
        %parallel_loop3A_555 = vector.shape_cast %parallel_loop3A_550 : vector<16xf32> to vector<1x16xf32>
        tpu.vector_store %arg20[%parallel_loop3A_551, %parallel_loop3A_552], %parallel_loop3A_555 {strides = array<i32>} : memref<40x144xf32, #tpu.memory_space<vmem>>, vector<1x16xf32>,
        %parallel_loop3A_556 = arith.index_cast %parallel_loop3A_460 : i32 to index
        %parallel_loop3A_557 = arith.constant 80 : index
        %parallel_loop3A_558 = tpu.vector_load %arg20[%parallel_loop3A_556, %parallel_loop3A_557] {strides = array<i32>} : memref<40x144xf32, #tpu.memory_space<vmem>>, vector<1x16xf32>,
        %parallel_loop3A_559 = vector.shape_cast %parallel_loop3A_558 : vector<1x16xf32> to vector<16xf32>
        %parallel_loop3A_560 = arith.mulf %parallel_loop3A_559, %parallel_loop3A_505 : vector<16xf32>
        %parallel_loop3A_561 = arith.index_cast %parallel_loop3A_460 : i32 to index
        %parallel_loop3A_562 = arith.constant 80 : index
        %parallel_loop3A_563 = tpu.vector_load %arg20[%parallel_loop3A_561, %parallel_loop3A_562] {strides = array<i32>} : memref<40x144xf32, #tpu.memory_space<vmem>>, vector<1x16xf32>,
        %parallel_loop3A_564 = vector.shape_cast %parallel_loop3A_563 : vector<1x16xf32> to vector<16xf32>
        %parallel_loop3A_565 = vector.shape_cast %parallel_loop3A_560 : vector<16xf32> to vector<1x16xf32>
        tpu.vector_store %arg20[%parallel_loop3A_561, %parallel_loop3A_562], %parallel_loop3A_565 {strides = array<i32>} : memref<40x144xf32, #tpu.memory_space<vmem>>, vector<1x16xf32>,
        %parallel_loop3A_566 = arith.index_cast %parallel_loop3A_460 : i32 to index
        %parallel_loop3A_567 = arith.constant 96 : index
        %parallel_loop3A_568 = tpu.vector_load %arg20[%parallel_loop3A_566, %parallel_loop3A_567] {strides = array<i32>} : memref<40x144xf32, #tpu.memory_space<vmem>>, vector<1x16xf32>,
        %parallel_loop3A_569 = vector.shape_cast %parallel_loop3A_568 : vector<1x16xf32> to vector<16xf32>
        %parallel_loop3A_570 = arith.mulf %parallel_loop3A_569, %parallel_loop3A_505 : vector<16xf32>
        %parallel_loop3A_571 = arith.index_cast %parallel_loop3A_460 : i32 to index
        %parallel_loop3A_572 = arith.constant 96 : index
        %parallel_loop3A_573 = tpu.vector_load %arg20[%parallel_loop3A_571, %parallel_loop3A_572] {strides = array<i32>} : memref<40x144xf32, #tpu.memory_space<vmem>>, vector<1x16xf32>,
        %parallel_loop3A_574 = vector.shape_cast %parallel_loop3A_573 : vector<1x16xf32> to vector<16xf32>
        %parallel_loop3A_575 = vector.shape_cast %parallel_loop3A_570 : vector<16xf32> to vector<1x16xf32>
        tpu.vector_store %arg20[%parallel_loop3A_571, %parallel_loop3A_572], %parallel_loop3A_575 {strides = array<i32>} : memref<40x144xf32, #tpu.memory_space<vmem>>, vector<1x16xf32>,
        %parallel_loop3A_576 = arith.index_cast %parallel_loop3A_460 : i32 to index
        %parallel_loop3A_577 = arith.constant 112 : index
        %parallel_loop3A_578 = tpu.vector_load %arg20[%parallel_loop3A_576, %parallel_loop3A_577] {strides = array<i32>} : memref<40x144xf32, #tpu.memory_space<vmem>>, vector<1x16xf32>,
        %parallel_loop3A_579 = vector.shape_cast %parallel_loop3A_578 : vector<1x16xf32> to vector<16xf32>
        %parallel_loop3A_580 = arith.mulf %parallel_loop3A_579, %parallel_loop3A_505 : vector<16xf32>
        %parallel_loop3A_581 = arith.index_cast %parallel_loop3A_460 : i32 to index
        %parallel_loop3A_582 = arith.constant 112 : index
        %parallel_loop3A_583 = tpu.vector_load %arg20[%parallel_loop3A_581, %parallel_loop3A_582] {strides = array<i32>} : memref<40x144xf32, #tpu.memory_space<vmem>>, vector<1x16xf32>,
        %parallel_loop3A_584 = vector.shape_cast %parallel_loop3A_583 : vector<1x16xf32> to vector<16xf32>
        %parallel_loop3A_585 = vector.shape_cast %parallel_loop3A_580 : vector<16xf32> to vector<1x16xf32>
        tpu.vector_store %arg20[%parallel_loop3A_581, %parallel_loop3A_582], %parallel_loop3A_585 {strides = array<i32>} : memref<40x144xf32, #tpu.memory_space<vmem>>, vector<1x16xf32>,
      } {sc.loop_unroll_factor = 1 : i64, sc.parallel_access}
      %dma_start3A_400 = arith.constant 0 : i32
      %dma_start3A_401 = arith.constant 0 : i32
      %dma_start3A_402 = tpu.memref_slice %arg27[%dma_start3A_400, %dma_start3A_401] : memref<10000x144xf32, #tpu.memory_space<vmem_shared>> -> memref<10000x144xf32, #tpu.memory_space<vmem_shared>>
      tpu.enqueue_indirect_dma source(%arg20 : memref<40x144xf32, #tpu.memory_space<vmem>>) target(%dma_start3A_402 : memref<10000x144xf32, #tpu.memory_space<vmem_shared>>) offsets(%arg15 : memref<40xi32, #tpu.memory_space<vmem>>) semaphore(%arg41 : memref<!tpu.dma_semaphore, #tpu.memory_space<semaphore_mem>>) {add = true}
      %dma_wait3A_403 = arith.constant 0 : i32
      %dma_wait3A_404 = arith.constant 0 : i32
      %dma_wait3A_405 = tpu.memref_slice %arg11[%dma_wait3A_403, %dma_wait3A_404] : memref<2x40xi32, #tpu.memory_space<vmem>> -> memref<1x40xi32, #tpu.memory_space<vmem>>
      %dma_wait3A_406 = tpu.memref_squeeze %dma_wait3A_405 : memref<1x40xi32, #tpu.memory_space<vmem>> -> memref<40xi32, #tpu.memory_space<vmem>>
      %dma_wait3A_407 = arith.constant 0 : i32
      %dma_wait3A_408 = arith.constant 0 : i32
      %dma_wait3A_409 = tpu.memref_slice %arg3[%dma_wait3A_407, %dma_wait3A_408] : memref<10000x144xf32, #tpu.memory_space<hbm>> -> memref<10000x144xf32, #tpu.memory_space<hbm>>
      tpu.wait_indirect_dma semaphore(%arg37 : memref<!tpu.dma_semaphore, #tpu.memory_space<semaphore_mem>>) src(%dma_wait3A_409 : memref<10000x144xf32, #tpu.memory_space<hbm>>) dst(%arg21 : memref<40x144xf32, #tpu.memory_space<vmem>>)
      %dma_wait3A_410 = arith.constant 1 : i32
      %dma_wait3A_411 = arith.constant 0 : i32
      %dma_wait3A_412 = tpu.memref_slice %arg11[%dma_wait3A_410, %dma_wait3A_411] : memref<2x40xi32, #tpu.memory_space<vmem>> -> memref<1x40xi32, #tpu.memory_space<vmem>>
      %dma_wait3A_413 = tpu.memref_squeeze %dma_wait3A_412 : memref<1x40xi32, #tpu.memory_space<vmem>> -> memref<40xi32, #tpu.memory_space<vmem>>
      %dma_wait3A_414 = arith.constant 0 : i32
      %dma_wait3A_415 = arith.constant 0 : i32
      %dma_wait3A_416 = tpu.memref_slice %arg4[%dma_wait3A_414, %dma_wait3A_415] : memref<10000x16xf32, #tpu.memory_space<hbm>> -> memref<10000x16xf32, #tpu.memory_space<hbm>>
      tpu.wait_indirect_dma semaphore(%arg37 : memref<!tpu.dma_semaphore, #tpu.memory_space<semaphore_mem>>) src(%dma_wait3A_416 : memref<10000x16xf32, #tpu.memory_space<hbm>>) dst(%arg26 : memref<40x16xf32, #tpu.memory_space<vmem>>)
      %get3A_417 = arith.constant 1 : i32
      %get3A_418 = arith.index_cast %get3A_417 : i32 to index
      %get3A_419 = arith.constant 0 : index
      %get3A_420 = tpu.vector_load %arg11[%get3A_418, %get3A_419] {strides = array<i32>} : memref<2x40xi32, #tpu.memory_space<vmem>>, vector<1x16xi32>,
      %get3A_421 = vector.shape_cast %get3A_420 : vector<1x16xi32> to vector<16xi32>
      %swap3A_422 = arith.constant 0 : index
      %swap3A_423 = tpu.vector_load %arg16[%swap3A_422] {strides = array<i32>} : memref<40xi32, #tpu.memory_space<vmem>>, vector<16xi32>,
      %swap3A_424 = vector.shape_cast %swap3A_423 : vector<16xi32> to vector<16xi32>
      %swap3A_425 = vector.shape_cast %get3A_421 : vector<16xi32> to vector<16xi32>
      tpu.vector_store %arg16[%swap3A_422], %swap3A_425 {strides = array<i32>} : memref<40xi32, #tpu.memory_space<vmem>>, vector<16xi32>,
      %get3A_426 = arith.constant 1 : i32
      %get3A_427 = arith.index_cast %get3A_426 : i32 to index
      %get3A_428 = arith.constant 16 : index
      %get3A_429 = tpu.vector_load %arg11[%get3A_427, %get3A_428] {strides = array<i32>} : memref<2x40xi32, #tpu.memory_space<vmem>>, vector<1x16xi32>,
      %get3A_430 = vector.shape_cast %get3A_429 : vector<1x16xi32> to vector<16xi32>
      %swap3A_431 = arith.constant 16 : index
      %swap3A_432 = tpu.vector_load %arg16[%swap3A_431] {strides = array<i32>} : memref<40xi32, #tpu.memory_space<vmem>>, vector<16xi32>,
      %swap3A_433 = vector.shape_cast %swap3A_432 : vector<16xi32> to vector<16xi32>
      %swap3A_434 = vector.shape_cast %get3A_430 : vector<16xi32> to vector<16xi32>
      tpu.vector_store %arg16[%swap3A_431], %swap3A_434 {strides = array<i32>} : memref<40xi32, #tpu.memory_space<vmem>>, vector<16xi32>,
      %get3A_435 = arith.constant 1 : i32
      %get3A_436 = arith.index_cast %get3A_435 : i32 to index
      %get3A_437 = arith.constant 24 : index
      %get3A_438 = tpu.vector_load %arg11[%get3A_436, %get3A_437] {strides = array<i32>} : memref<2x40xi32, #tpu.memory_space<vmem>>, vector<1x16xi32>,
      %get3A_439 = vector.shape_cast %get3A_438 : vector<1x16xi32> to vector<16xi32>
      %swap3A_440 = arith.constant 24 : index
      %swap3A_441 = tpu.vector_load %arg16[%swap3A_440] {strides = array<i32>} : memref<40xi32, #tpu.memory_space<vmem>>, vector<16xi32>,
      %swap3A_442 = vector.shape_cast %swap3A_441 : vector<16xi32> to vector<16xi32>
      %swap3A_443 = vector.shape_cast %get3A_439 : vector<16xi32> to vector<16xi32>
      tpu.vector_store %arg16[%swap3A_440], %swap3A_443 {strides = array<i32>} : memref<40xi32, #tpu.memory_space<vmem>>, vector<16xi32>,
      %lt3A_444 = arith.constant 49 : i32
      %lt3A_445 = arith.cmpi slt, %add3A_137, %lt3A_444 : i32
      %convert_element_type3A_446 = arith.extui %lt3A_445 : i1 to i32
      %cond3A_447 = arith.constant 0 : i32
      %cond3A_448 = arith.cmpi ne, %convert_element_type3A_446, %cond3A_447 : i32
      scf.if %cond3A_448 {
        %dma_wait3A_460 = arith.constant 0 : i32
        %dma_wait3A_461 = arith.constant 0 : i32
        %dma_wait3A_462 = tpu.memref_slice %arg27[%dma_wait3A_460, %dma_wait3A_461] : memref<10000x144xf32, #tpu.memory_space<vmem_shared>> -> memref<10000x144xf32, #tpu.memory_space<vmem_shared>>
        tpu.wait_indirect_dma semaphore(%arg40 : memref<!tpu.dma_semaphore, #tpu.memory_space<semaphore_mem>>) src(%arg19 : memref<40x144xf32, #tpu.memory_space<vmem>>) dst(%dma_wait3A_462 : memref<10000x144xf32, #tpu.memory_space<vmem_shared>>)
        %dma_wait3A_463 = arith.constant 0 : i32
        %dma_wait3A_464 = arith.constant 0 : i32
        %dma_wait3A_465 = tpu.memref_slice %arg2[%add3A, %dma_wait3A_463, %dma_wait3A_464] : memref<32x2x10000xi32, #tpu.memory_space<hbm>> -> memref<1x2x40xi32, #tpu.memory_space<hbm>>
        %dma_wait3A_466 = tpu.memref_squeeze %dma_wait3A_465 : memref<1x2x40xi32, #tpu.memory_space<hbm>> -> memref<2x40xi32, #tpu.memory_space<hbm>>
        %dma_wait3A_467 = arith.constant 0 : i32
        %dma_wait3A_468 = arith.constant 0 : i32
        %dma_wait3A_469 = tpu.memref_slice %arg2[%add3A, %dma_wait3A_467, %dma_wait3A_468] : memref<32x2x10000xi32, #tpu.memory_space<hbm>> -> memref<1x2x40xi32, #tpu.memory_space<hbm>>
        %dma_wait3A_470 = tpu.memref_squeeze %dma_wait3A_469 : memref<1x2x40xi32, #tpu.memory_space<hbm>> -> memref<2x40xi32, #tpu.memory_space<hbm>>
        tpu.wait_dma2 semaphore(%arg30 : memref<!tpu.dma_semaphore, #tpu.memory_space<semaphore_mem>>) src(%dma_wait3A_470 : memref<2x40xi32, #tpu.memory_space<hbm>>) dst(%arg9 : memref<2x40xi32, #tpu.memory_space<vmem>>)
        %dma_start3A_471 = arith.constant 0 : i32
        %dma_start3A_472 = arith.constant 0 : i32
        %dma_start3A_473 = tpu.memref_slice %arg9[%dma_start3A_471, %dma_start3A_472] : memref<2x40xi32, #tpu.memory_space<vmem>> -> memref<1x40xi32, #tpu.memory_space<vmem>>
        %dma_start3A_474 = tpu.memref_squeeze %dma_start3A_473 : memref<1x40xi32, #tpu.memory_space<vmem>> -> memref<40xi32, #tpu.memory_space<vmem>>
        %dma_start3A_475 = arith.constant 0 : i32
        %dma_start3A_476 = arith.constant 0 : i32
        %dma_start3A_477 = tpu.memref_slice %arg3[%dma_start3A_475, %dma_start3A_476] : memref<10000x144xf32, #tpu.memory_space<hbm>> -> memref<10000x144xf32, #tpu.memory_space<hbm>>
        tpu.enqueue_indirect_dma source(%dma_start3A_477 : memref<10000x144xf32, #tpu.memory_space<hbm>>) target(%arg19 : memref<40x144xf32, #tpu.memory_space<vmem>>) offsets(%dma_start3A_474 : memref<40xi32, #tpu.memory_space<vmem>>) semaphore(%arg35 : memref<!tpu.dma_semaphore, #tpu.memory_space<semaphore_mem>>)
        %dma_start3A_478 = arith.constant 1 : i32
        %dma_start3A_479 = arith.constant 0 : i32
        %dma_start3A_480 = tpu.memref_slice %arg9[%dma_start3A_478, %dma_start3A_479] : memref<2x40xi32, #tpu.memory_space<vmem>> -> memref<1x40xi32, #tpu.memory_space<vmem>>
        %dma_start3A_481 = tpu.memref_squeeze %dma_start3A_480 : memref<1x40xi32, #tpu.memory_space<vmem>> -> memref<40xi32, #tpu.memory_space<vmem>>
        %dma_start3A_482 = arith.constant 0 : i32
        %dma_start3A_483 = arith.constant 0 : i32
        %dma_start3A_484 = tpu.memref_slice %arg4[%dma_start3A_482, %dma_start3A_483] : memref<10000x16xf32, #tpu.memory_space<hbm>> -> memref<10000x16xf32, #tpu.memory_space<hbm>>
        tpu.enqueue_indirect_dma source(%dma_start3A_484 : memref<10000x16xf32, #tpu.memory_space<hbm>>) target(%arg24 : memref<40x16xf32, #tpu.memory_space<vmem>>) offsets(%dma_start3A_481 : memref<40xi32, #tpu.memory_space<vmem>>) semaphore(%arg35 : memref<!tpu.dma_semaphore, #tpu.memory_space<semaphore_mem>>)
      } else {
      }
      %lt3A_449 = arith.constant 49 : i32
      %lt3A_450 = arith.cmpi slt, %add3A_137, %lt3A_449 : i32
      %convert_element_type3A_451 = arith.extui %lt3A_450 : i1 to i32
      %cond3A_452 = arith.constant 0 : i32
      %cond3A_453 = arith.cmpi ne, %convert_element_type3A_451, %cond3A_452 : i32
      scf.if %cond3A_453 {
        %mul3A_460 = arith.constant 5 : i32
        %mul3A_461 = arith.muli %mul3A_460, %add3A_137 : i32
        %add3A_462 = arith.constant 4 : i32
        %add3A_463 = arith.addi %mul3A_461, %add3A_462 : i32
        %add3A_464 = arith.constant 5 : i32
        %add3A_465 = arith.addi %add3A_463, %add3A_464 : i32
        %mul3A_466 = arith.constant 40 : i32
        %mul3A_467 = arith.muli %add3A_465, %mul3A_466 : i32
        %dma_start3A_468 = arith.constant 0 : i32
        %dma_start3A_469 = tpu.memref_slice %arg2[%add3A, %dma_start3A_468, %mul3A_467] : memref<32x2x10000xi32, #tpu.memory_space<hbm>> -> memref<1x2x40xi32, #tpu.memory_space<hbm>>
        %dma_start3A_470 = tpu.memref_squeeze %dma_start3A_469 : memref<1x2x40xi32, #tpu.memory_space<hbm>> -> memref<2x40xi32, #tpu.memory_space<hbm>>
        %dma_start3A_471 = arith.constant 0 : i32
        %dma_start3A_472 = tpu.memref_slice %arg2[%add3A, %dma_start3A_471, %mul3A_467] : memref<32x2x10000xi32, #tpu.memory_space<hbm>> -> memref<1x2x40xi32, #tpu.memory_space<hbm>>
        %dma_start3A_473 = tpu.memref_squeeze %dma_start3A_472 : memref<1x2x40xi32, #tpu.memory_space<hbm>> -> memref<2x40xi32, #tpu.memory_space<hbm>>
        tpu.enqueue_dma source(%dma_start3A_473 : memref<2x40xi32, #tpu.memory_space<hbm>>) target(%arg11 : memref<2x40xi32, #tpu.memory_space<vmem>>) target_semaphore(%arg32 : memref<!tpu.dma_semaphore, #tpu.memory_space<semaphore_mem>>)
      } else {
      }
      %parallel_loop3A_454 = arith.constant 0 : i32
      %parallel_loop3A_455 = arith.constant 40 : i32
      %parallel_loop3A_456 = arith.constant 1 : i32
      scf.for %parallel_loop3A_460 = %parallel_loop3A_454 to %parallel_loop3A_455 step %parallel_loop3A_456  : i32 {
        %parallel_loop3A_461 = arith.index_cast %parallel_loop3A_460 : i32 to index
        %parallel_loop3A_462 = arith.constant 128 : index
        %parallel_loop3A_463 = tpu.vector_load %arg21[%parallel_loop3A_461, %parallel_loop3A_462] {strides = array<i32>} : memref<40x144xf32, #tpu.memory_space<vmem>>, vector<1x16xf32>,
        %parallel_loop3A_464 = vector.shape_cast %parallel_loop3A_463 : vector<1x16xf32> to vector<16xf32>
        %parallel_loop3A_465 = arith.index_cast %parallel_loop3A_460 : i32 to index
        %parallel_loop3A_466 = arith.constant 0 : index
        %parallel_loop3A_467 = tpu.vector_load %arg26[%parallel_loop3A_465, %parallel_loop3A_466] {strides = array<i32>} : memref<40x16xf32, #tpu.memory_space<vmem>>, vector<1x16xf32>,
        %parallel_loop3A_468 = vector.shape_cast %parallel_loop3A_467 : vector<1x16xf32> to vector<16xf32>
        %parallel_loop3A_469 = arith.addf %parallel_loop3A_464, %parallel_loop3A_468 : vector<16xf32>
        %parallel_loop3A_470 = arith.constant 2.000000e-01 : f32
        %parallel_loop3A_471 = vector.broadcast %parallel_loop3A_470 : f32 to vector<16xf32>
        %parallel_loop3A_472 = arith.mulf %parallel_loop3A_469, %parallel_loop3A_471 : vector<16xf32>
        %parallel_loop3A_473 = arith.maximumf %parallel_loop3A_469, %parallel_loop3A_472 : vector<16xf32>
        %parallel_loop3A_474 = math.exp %parallel_loop3A_473 : vector<16xf32>
        %parallel_loop3A_475 = arith.index_cast %parallel_loop3A_460 : i32 to index
        %parallel_loop3A_476 = arith.constant 128 : index
        %parallel_loop3A_477 = tpu.vector_load %arg21[%parallel_loop3A_475, %parallel_loop3A_476] {strides = array<i32>} : memref<40x144xf32, #tpu.memory_space<vmem>>, vector<1x16xf32>,
        %parallel_loop3A_478 = vector.shape_cast %parallel_loop3A_477 : vector<1x16xf32> to vector<16xf32>
        %parallel_loop3A_479 = vector.shape_cast %parallel_loop3A_474 : vector<16xf32> to vector<1x16xf32>
        tpu.vector_store %arg21[%parallel_loop3A_475, %parallel_loop3A_476], %parallel_loop3A_479 {strides = array<i32>} : memref<40x144xf32, #tpu.memory_space<vmem>>, vector<1x16xf32>,
        %parallel_loop3A_480 = tpu.iota {dimensions = array<i32: 0>} : vector<16xi32>
        %parallel_loop3A_481 = arith.constant 8 : i32
        %parallel_loop3A_482 = arith.constant 0 : i32
        %parallel_loop3A_483 = arith.cmpi eq, %parallel_loop3A_481, %parallel_loop3A_482 : i32
        %parallel_loop3A_484 = arith.constant 1 : i32
        %parallel_loop3A_485 = arith.select %parallel_loop3A_483, %parallel_loop3A_484, %parallel_loop3A_481 : i32
        %parallel_loop3A_486 = vector.broadcast %parallel_loop3A_485 : i32 to vector<16xi32>
        %parallel_loop3A_487 = arith.remsi %parallel_loop3A_480, %parallel_loop3A_486 : vector<16xi32>
        %parallel_loop3A_488 = arith.constant 0 : i32
        %parallel_loop3A_489 = vector.broadcast %parallel_loop3A_488 : i32 to vector<16xi32>
        %parallel_loop3A_490 = arith.cmpi ne, %parallel_loop3A_487, %parallel_loop3A_489 : vector<16xi32>
        %parallel_loop3A_491 = arith.constant 0 : i32
        %parallel_loop3A_492 = vector.broadcast %parallel_loop3A_491 : i32 to vector<16xi32>
        %parallel_loop3A_493 = arith.cmpi slt, %parallel_loop3A_487, %parallel_loop3A_492 : vector<16xi32>
        %parallel_loop3A_494 = arith.constant 0 : i32
        %parallel_loop3A_495 = arith.cmpi slt, %parallel_loop3A_485, %parallel_loop3A_494 : i32
        %parallel_loop3A_496 = vector.broadcast %parallel_loop3A_495 : i1 to vector<16xi1>
        %parallel_loop3A_497 = vector.broadcast %parallel_loop3A_496 : vector<16xi1> to vector<16xi1>
        %parallel_loop3A_498 = arith.xori %parallel_loop3A_493, %parallel_loop3A_497 : vector<16xi1>
        %parallel_loop3A_499 = arith.andi %parallel_loop3A_498, %parallel_loop3A_490 : vector<16xi1>
        %parallel_loop3A_500 = vector.broadcast %parallel_loop3A_485 : i32 to vector<16xi32>
        %parallel_loop3A_501 = arith.addi %parallel_loop3A_487, %parallel_loop3A_500 : vector<16xi32>
        %parallel_loop3A_502 = arith.select %parallel_loop3A_499, %parallel_loop3A_501, %parallel_loop3A_487 : vector<16xi1>, vector<16xi32>
        %parallel_loop3A_503 = vector.shape_cast %parallel_loop3A_502 : vector<16xi32> to vector<16x1xi32>
        %parallel_loop3A_504 = vector.shape_cast %parallel_loop3A_503 : vector<16x1xi32> to vector<16xi32>
        %parallel_loop3A_505 = tpu.dynamic_gather %parallel_loop3A_474[%parallel_loop3A_504] in [0] : vector<16xf32>, vector<16xi32> -> vector<16xf32>
        %parallel_loop3A_506 = arith.index_cast %parallel_loop3A_460 : i32 to index
        %parallel_loop3A_507 = arith.constant 0 : index
        %parallel_loop3A_508 = tpu.vector_load %arg21[%parallel_loop3A_506, %parallel_loop3A_507] {strides = array<i32>} : memref<40x144xf32, #tpu.memory_space<vmem>>, vector<1x16xf32>,
        %parallel_loop3A_509 = vector.shape_cast %parallel_loop3A_508 : vector<1x16xf32> to vector<16xf32>
        %parallel_loop3A_510 = arith.mulf %parallel_loop3A_509, %parallel_loop3A_505 : vector<16xf32>
        %parallel_loop3A_511 = arith.index_cast %parallel_loop3A_460 : i32 to index
        %parallel_loop3A_512 = arith.constant 0 : index
        %parallel_loop3A_513 = tpu.vector_load %arg21[%parallel_loop3A_511, %parallel_loop3A_512] {strides = array<i32>} : memref<40x144xf32, #tpu.memory_space<vmem>>, vector<1x16xf32>,
        %parallel_loop3A_514 = vector.shape_cast %parallel_loop3A_513 : vector<1x16xf32> to vector<16xf32>
        %parallel_loop3A_515 = vector.shape_cast %parallel_loop3A_510 : vector<16xf32> to vector<1x16xf32>
        tpu.vector_store %arg21[%parallel_loop3A_511, %parallel_loop3A_512], %parallel_loop3A_515 {strides = array<i32>} : memref<40x144xf32, #tpu.memory_space<vmem>>, vector<1x16xf32>,
        %parallel_loop3A_516 = arith.index_cast %parallel_loop3A_460 : i32 to index
        %parallel_loop3A_517 = arith.constant 16 : index
        %parallel_loop3A_518 = tpu.vector_load %arg21[%parallel_loop3A_516, %parallel_loop3A_517] {strides = array<i32>} : memref<40x144xf32, #tpu.memory_space<vmem>>, vector<1x16xf32>,
        %parallel_loop3A_519 = vector.shape_cast %parallel_loop3A_518 : vector<1x16xf32> to vector<16xf32>
        %parallel_loop3A_520 = arith.mulf %parallel_loop3A_519, %parallel_loop3A_505 : vector<16xf32>
        %parallel_loop3A_521 = arith.index_cast %parallel_loop3A_460 : i32 to index
        %parallel_loop3A_522 = arith.constant 16 : index
        %parallel_loop3A_523 = tpu.vector_load %arg21[%parallel_loop3A_521, %parallel_loop3A_522] {strides = array<i32>} : memref<40x144xf32, #tpu.memory_space<vmem>>, vector<1x16xf32>,
        %parallel_loop3A_524 = vector.shape_cast %parallel_loop3A_523 : vector<1x16xf32> to vector<16xf32>
        %parallel_loop3A_525 = vector.shape_cast %parallel_loop3A_520 : vector<16xf32> to vector<1x16xf32>
        tpu.vector_store %arg21[%parallel_loop3A_521, %parallel_loop3A_522], %parallel_loop3A_525 {strides = array<i32>} : memref<40x144xf32, #tpu.memory_space<vmem>>, vector<1x16xf32>,
        %parallel_loop3A_526 = arith.index_cast %parallel_loop3A_460 : i32 to index
        %parallel_loop3A_527 = arith.constant 32 : index
        %parallel_loop3A_528 = tpu.vector_load %arg21[%parallel_loop3A_526, %parallel_loop3A_527] {strides = array<i32>} : memref<40x144xf32, #tpu.memory_space<vmem>>, vector<1x16xf32>,
        %parallel_loop3A_529 = vector.shape_cast %parallel_loop3A_528 : vector<1x16xf32> to vector<16xf32>
        %parallel_loop3A_530 = arith.mulf %parallel_loop3A_529, %parallel_loop3A_505 : vector<16xf32>
        %parallel_loop3A_531 = arith.index_cast %parallel_loop3A_460 : i32 to index
        %parallel_loop3A_532 = arith.constant 32 : index
        %parallel_loop3A_533 = tpu.vector_load %arg21[%parallel_loop3A_531, %parallel_loop3A_532] {strides = array<i32>} : memref<40x144xf32, #tpu.memory_space<vmem>>, vector<1x16xf32>,
        %parallel_loop3A_534 = vector.shape_cast %parallel_loop3A_533 : vector<1x16xf32> to vector<16xf32>
        %parallel_loop3A_535 = vector.shape_cast %parallel_loop3A_530 : vector<16xf32> to vector<1x16xf32>
        tpu.vector_store %arg21[%parallel_loop3A_531, %parallel_loop3A_532], %parallel_loop3A_535 {strides = array<i32>} : memref<40x144xf32, #tpu.memory_space<vmem>>, vector<1x16xf32>,
        %parallel_loop3A_536 = arith.index_cast %parallel_loop3A_460 : i32 to index
        %parallel_loop3A_537 = arith.constant 48 : index
        %parallel_loop3A_538 = tpu.vector_load %arg21[%parallel_loop3A_536, %parallel_loop3A_537] {strides = array<i32>} : memref<40x144xf32, #tpu.memory_space<vmem>>, vector<1x16xf32>,
        %parallel_loop3A_539 = vector.shape_cast %parallel_loop3A_538 : vector<1x16xf32> to vector<16xf32>
        %parallel_loop3A_540 = arith.mulf %parallel_loop3A_539, %parallel_loop3A_505 : vector<16xf32>
        %parallel_loop3A_541 = arith.index_cast %parallel_loop3A_460 : i32 to index
        %parallel_loop3A_542 = arith.constant 48 : index
        %parallel_loop3A_543 = tpu.vector_load %arg21[%parallel_loop3A_541, %parallel_loop3A_542] {strides = array<i32>} : memref<40x144xf32, #tpu.memory_space<vmem>>, vector<1x16xf32>,
        %parallel_loop3A_544 = vector.shape_cast %parallel_loop3A_543 : vector<1x16xf32> to vector<16xf32>
        %parallel_loop3A_545 = vector.shape_cast %parallel_loop3A_540 : vector<16xf32> to vector<1x16xf32>
        tpu.vector_store %arg21[%parallel_loop3A_541, %parallel_loop3A_542], %parallel_loop3A_545 {strides = array<i32>} : memref<40x144xf32, #tpu.memory_space<vmem>>, vector<1x16xf32>,
        %parallel_loop3A_546 = arith.index_cast %parallel_loop3A_460 : i32 to index
        %parallel_loop3A_547 = arith.constant 64 : index
        %parallel_loop3A_548 = tpu.vector_load %arg21[%parallel_loop3A_546, %parallel_loop3A_547] {strides = array<i32>} : memref<40x144xf32, #tpu.memory_space<vmem>>, vector<1x16xf32>,
        %parallel_loop3A_549 = vector.shape_cast %parallel_loop3A_548 : vector<1x16xf32> to vector<16xf32>
        %parallel_loop3A_550 = arith.mulf %parallel_loop3A_549, %parallel_loop3A_505 : vector<16xf32>
        %parallel_loop3A_551 = arith.index_cast %parallel_loop3A_460 : i32 to index
        %parallel_loop3A_552 = arith.constant 64 : index
        %parallel_loop3A_553 = tpu.vector_load %arg21[%parallel_loop3A_551, %parallel_loop3A_552] {strides = array<i32>} : memref<40x144xf32, #tpu.memory_space<vmem>>, vector<1x16xf32>,
        %parallel_loop3A_554 = vector.shape_cast %parallel_loop3A_553 : vector<1x16xf32> to vector<16xf32>
        %parallel_loop3A_555 = vector.shape_cast %parallel_loop3A_550 : vector<16xf32> to vector<1x16xf32>
        tpu.vector_store %arg21[%parallel_loop3A_551, %parallel_loop3A_552], %parallel_loop3A_555 {strides = array<i32>} : memref<40x144xf32, #tpu.memory_space<vmem>>, vector<1x16xf32>,
        %parallel_loop3A_556 = arith.index_cast %parallel_loop3A_460 : i32 to index
        %parallel_loop3A_557 = arith.constant 80 : index
        %parallel_loop3A_558 = tpu.vector_load %arg21[%parallel_loop3A_556, %parallel_loop3A_557] {strides = array<i32>} : memref<40x144xf32, #tpu.memory_space<vmem>>, vector<1x16xf32>,
        %parallel_loop3A_559 = vector.shape_cast %parallel_loop3A_558 : vector<1x16xf32> to vector<16xf32>
        %parallel_loop3A_560 = arith.mulf %parallel_loop3A_559, %parallel_loop3A_505 : vector<16xf32>
        %parallel_loop3A_561 = arith.index_cast %parallel_loop3A_460 : i32 to index
        %parallel_loop3A_562 = arith.constant 80 : index
        %parallel_loop3A_563 = tpu.vector_load %arg21[%parallel_loop3A_561, %parallel_loop3A_562] {strides = array<i32>} : memref<40x144xf32, #tpu.memory_space<vmem>>, vector<1x16xf32>,
        %parallel_loop3A_564 = vector.shape_cast %parallel_loop3A_563 : vector<1x16xf32> to vector<16xf32>
        %parallel_loop3A_565 = vector.shape_cast %parallel_loop3A_560 : vector<16xf32> to vector<1x16xf32>
        tpu.vector_store %arg21[%parallel_loop3A_561, %parallel_loop3A_562], %parallel_loop3A_565 {strides = array<i32>} : memref<40x144xf32, #tpu.memory_space<vmem>>, vector<1x16xf32>,
        %parallel_loop3A_566 = arith.index_cast %parallel_loop3A_460 : i32 to index
        %parallel_loop3A_567 = arith.constant 96 : index
        %parallel_loop3A_568 = tpu.vector_load %arg21[%parallel_loop3A_566, %parallel_loop3A_567] {strides = array<i32>} : memref<40x144xf32, #tpu.memory_space<vmem>>, vector<1x16xf32>,
        %parallel_loop3A_569 = vector.shape_cast %parallel_loop3A_568 : vector<1x16xf32> to vector<16xf32>
        %parallel_loop3A_570 = arith.mulf %parallel_loop3A_569, %parallel_loop3A_505 : vector<16xf32>
        %parallel_loop3A_571 = arith.index_cast %parallel_loop3A_460 : i32 to index
        %parallel_loop3A_572 = arith.constant 96 : index
        %parallel_loop3A_573 = tpu.vector_load %arg21[%parallel_loop3A_571, %parallel_loop3A_572] {strides = array<i32>} : memref<40x144xf32, #tpu.memory_space<vmem>>, vector<1x16xf32>,
        %parallel_loop3A_574 = vector.shape_cast %parallel_loop3A_573 : vector<1x16xf32> to vector<16xf32>
        %parallel_loop3A_575 = vector.shape_cast %parallel_loop3A_570 : vector<16xf32> to vector<1x16xf32>
        tpu.vector_store %arg21[%parallel_loop3A_571, %parallel_loop3A_572], %parallel_loop3A_575 {strides = array<i32>} : memref<40x144xf32, #tpu.memory_space<vmem>>, vector<1x16xf32>,
        %parallel_loop3A_576 = arith.index_cast %parallel_loop3A_460 : i32 to index
        %parallel_loop3A_577 = arith.constant 112 : index
        %parallel_loop3A_578 = tpu.vector_load %arg21[%parallel_loop3A_576, %parallel_loop3A_577] {strides = array<i32>} : memref<40x144xf32, #tpu.memory_space<vmem>>, vector<1x16xf32>,
        %parallel_loop3A_579 = vector.shape_cast %parallel_loop3A_578 : vector<1x16xf32> to vector<16xf32>
        %parallel_loop3A_580 = arith.mulf %parallel_loop3A_579, %parallel_loop3A_505 : vector<16xf32>
        %parallel_loop3A_581 = arith.index_cast %parallel_loop3A_460 : i32 to index
        %parallel_loop3A_582 = arith.constant 112 : index
        %parallel_loop3A_583 = tpu.vector_load %arg21[%parallel_loop3A_581, %parallel_loop3A_582] {strides = array<i32>} : memref<40x144xf32, #tpu.memory_space<vmem>>, vector<1x16xf32>,
        %parallel_loop3A_584 = vector.shape_cast %parallel_loop3A_583 : vector<1x16xf32> to vector<16xf32>
        %parallel_loop3A_585 = vector.shape_cast %parallel_loop3A_580 : vector<16xf32> to vector<1x16xf32>
        tpu.vector_store %arg21[%parallel_loop3A_581, %parallel_loop3A_582], %parallel_loop3A_585 {strides = array<i32>} : memref<40x144xf32, #tpu.memory_space<vmem>>, vector<1x16xf32>,
      } {sc.loop_unroll_factor = 1 : i64, sc.parallel_access}
      %dma_start3A_457 = arith.constant 0 : i32
      %dma_start3A_458 = arith.constant 0 : i32
      %dma_start3A_459 = tpu.memref_slice %arg27[%dma_start3A_457, %dma_start3A_458] : memref<10000x144xf32, #tpu.memory_space<vmem_shared>> -> memref<10000x144xf32, #tpu.memory_space<vmem_shared>>
      tpu.enqueue_indirect_dma source(%arg21 : memref<40x144xf32, #tpu.memory_space<vmem>>) target(%dma_start3A_459 : memref<10000x144xf32, #tpu.memory_space<vmem_shared>>) offsets(%arg16 : memref<40xi32, #tpu.memory_space<vmem>>) semaphore(%arg42 : memref<!tpu.dma_semaphore, #tpu.memory_space<semaphore_mem>>) {add = true}
    }
    %scan3A_112 = arith.constant 50 : i32
    %dma_wait3A_113 = arith.constant 0 : i32
    %dma_wait3A_114 = arith.constant 0 : i32
    %dma_wait3A_115 = tpu.memref_slice %arg27[%dma_wait3A_113, %dma_wait3A_114] : memref<10000x144xf32, #tpu.memory_space<vmem_shared>> -> memref<10000x144xf32, #tpu.memory_space<vmem_shared>>
    tpu.wait_indirect_dma semaphore(%arg38 : memref<!tpu.dma_semaphore, #tpu.memory_space<semaphore_mem>>) src(%arg17 : memref<40x144xf32, #tpu.memory_space<vmem>>) dst(%dma_wait3A_115 : memref<10000x144xf32, #tpu.memory_space<vmem_shared>>)
    %dma_wait3A_116 = arith.constant 0 : i32
    %dma_wait3A_117 = arith.constant 0 : i32
    %dma_wait3A_118 = tpu.memref_slice %arg27[%dma_wait3A_116, %dma_wait3A_117] : memref<10000x144xf32, #tpu.memory_space<vmem_shared>> -> memref<10000x144xf32, #tpu.memory_space<vmem_shared>>
    tpu.wait_indirect_dma semaphore(%arg39 : memref<!tpu.dma_semaphore, #tpu.memory_space<semaphore_mem>>) src(%arg18 : memref<40x144xf32, #tpu.memory_space<vmem>>) dst(%dma_wait3A_118 : memref<10000x144xf32, #tpu.memory_space<vmem_shared>>)
    %dma_wait3A_119 = arith.constant 0 : i32
    %dma_wait3A_120 = arith.constant 0 : i32
    %dma_wait3A_121 = tpu.memref_slice %arg27[%dma_wait3A_119, %dma_wait3A_120] : memref<10000x144xf32, #tpu.memory_space<vmem_shared>> -> memref<10000x144xf32, #tpu.memory_space<vmem_shared>>
    tpu.wait_indirect_dma semaphore(%arg40 : memref<!tpu.dma_semaphore, #tpu.memory_space<semaphore_mem>>) src(%arg19 : memref<40x144xf32, #tpu.memory_space<vmem>>) dst(%dma_wait3A_121 : memref<10000x144xf32, #tpu.memory_space<vmem_shared>>)
    %dma_wait3A_122 = arith.constant 0 : i32
    %dma_wait3A_123 = arith.constant 0 : i32
    %dma_wait3A_124 = tpu.memref_slice %arg27[%dma_wait3A_122, %dma_wait3A_123] : memref<10000x144xf32, #tpu.memory_space<vmem_shared>> -> memref<10000x144xf32, #tpu.memory_space<vmem_shared>>
    tpu.wait_indirect_dma semaphore(%arg41 : memref<!tpu.dma_semaphore, #tpu.memory_space<semaphore_mem>>) src(%arg20 : memref<40x144xf32, #tpu.memory_space<vmem>>) dst(%dma_wait3A_124 : memref<10000x144xf32, #tpu.memory_space<vmem_shared>>)
    %dma_wait3A_125 = arith.constant 0 : i32
    %dma_wait3A_126 = arith.constant 0 : i32
    %dma_wait3A_127 = tpu.memref_slice %arg27[%dma_wait3A_125, %dma_wait3A_126] : memref<10000x144xf32, #tpu.memory_space<vmem_shared>> -> memref<10000x144xf32, #tpu.memory_space<vmem_shared>>
    tpu.wait_indirect_dma semaphore(%arg42 : memref<!tpu.dma_semaphore, #tpu.memory_space<semaphore_mem>>) src(%arg21 : memref<40x144xf32, #tpu.memory_space<vmem>>) dst(%dma_wait3A_127 : memref<10000x144xf32, #tpu.memory_space<vmem_shared>>)
    %barrier3A_128 = arith.constant 0 : index
    tpu.barrier barrier_id(%barrier3A_128)
    %mul3A_129 = arith.constant 625 : i32
    %mul3A_130 = arith.muli %arg1, %mul3A_129 : i32
    %mul3A_131 = arith.constant 625 : i32
    %mul3A_132 = arith.muli %arg1, %mul3A_131 : i32
    "tpu.region"() ({
      %run_scoped3A = tpu.sem_alloc : memref<!tpu.dma_semaphore, #tpu.memory_space<semaphore_mem>>
      %dma_start3A_133 = arith.constant 0 : i32
      %dma_start3A_134 = tpu.memref_slice %arg6[%arg0, %mul3A_132, %dma_start3A_133] : memref<2x10000x144xf32, #tpu.memory_space<hbm>> -> memref<1x625x144xf32, #tpu.memory_space<hbm>>
      %dma_start3A_135 = tpu.memref_squeeze %dma_start3A_134 : memref<1x625x144xf32, #tpu.memory_space<hbm>> -> memref<625x144xf32, #tpu.memory_space<hbm>>
      %dma_start3A_136 = arith.constant 0 : i32
      %dma_start3A_137 = tpu.memref_slice %arg27[%mul3A_130, %dma_start3A_136] : memref<10000x144xf32, #tpu.memory_space<vmem_shared>> -> memref<625x144xf32, #tpu.memory_space<vmem_shared>>
      tpu.enqueue_dma source(%dma_start3A_137 : memref<625x144xf32, #tpu.memory_space<vmem_shared>>) target(%dma_start3A_135 : memref<625x144xf32, #tpu.memory_space<hbm>>) target_semaphore(%run_scoped3A : memref<!tpu.dma_semaphore, #tpu.memory_space<semaphore_mem>>)
      %dma_wait3A_138 = arith.constant 0 : i32
      %dma_wait3A_139 = tpu.memref_slice %arg6[%arg0, %mul3A_132, %dma_wait3A_138] : memref<2x10000x144xf32, #tpu.memory_space<hbm>> -> memref<1x625x144xf32, #tpu.memory_space<hbm>>
      %dma_wait3A_140 = tpu.memref_squeeze %dma_wait3A_139 : memref<1x625x144xf32, #tpu.memory_space<hbm>> -> memref<625x144xf32, #tpu.memory_space<hbm>>
      %dma_wait3A_141 = arith.constant 0 : i32
      %dma_wait3A_142 = tpu.memref_slice %arg27[%mul3A_130, %dma_wait3A_141] : memref<10000x144xf32, #tpu.memory_space<vmem_shared>> -> memref<625x144xf32, #tpu.memory_space<vmem_shared>>
      tpu.wait_dma2 semaphore(%run_scoped3A : memref<!tpu.dma_semaphore, #tpu.memory_space<semaphore_mem>>) src(%dma_wait3A_142 : memref<625x144xf32, #tpu.memory_space<vmem_shared>>) dst(%dma_wait3A_140 : memref<625x144xf32, #tpu.memory_space<hbm>>)
      tpu.yield
    }) : () -> ()
    return
  }
}

#map = affine_map<(d0, d1) -> (0, 0, 0)>
#map1 = affine_map<(d0, d1) -> (0, 0)>
module attributes {stable_mosaic.version = 14 : i64} {
  func.func @_edge_kernel(%arg0: i32, %arg1: i32, %arg2: memref<32x2x10000xi32, #tpu.memory_space<hbm>>, %arg3: memref<10000x144xf32, #tpu.memory_space<hbm>>, %arg4: memref<10000x16xf32, #tpu.memory_space<hbm>>, %arg5: memref<10000x144xf32, #tpu.memory_space<hbm>>, %arg6: memref<2x10000x144xf32, #tpu.memory_space<hbm>>, %arg7: memref<2x40xi32, #tpu.memory_space<vmem>>, %arg8: memref<2x40xi32, #tpu.memory_space<vmem>>, %arg9: memref<2x40xi32, #tpu.memory_space<vmem>>, %arg10: memref<2x40xi32, #tpu.memory_space<vmem>>, %arg11: memref<2x40xi32, #tpu.memory_space<vmem>>, %arg12: memref<40xi32, #tpu.memory_space<vmem>>, %arg13: memref<40xi32, #tpu.memory_space<vmem>>, %arg14: memref<40xi32, #tpu.memory_space<vmem>>, %arg15: memref<40xi32, #tpu.memory_space<vmem>>, %arg16: memref<40xi32, #tpu.memory_space<vmem>>, %arg17: memref<40x144xf32, #tpu.memory_space<vmem>>, %arg18: memref<40x144xf32, #tpu.memory_space<vmem>>, %arg19: memref<40x144xf32, #tpu.memory_space<vmem>>, %arg20: memref<40x144xf32, #tpu.memory_space<vmem>>, %arg21: memref<40x144xf32, #tpu.memory_space<vmem>>, %arg22: memref<40x16xf32, #tpu.memory_space<vmem>>, %arg23: memref<40x16xf32, #tpu.memory_space<vmem>>, %arg24: memref<40x16xf32, #tpu.memory_space<vmem>>, %arg25: memref<40x16xf32, #tpu.memory_space<vmem>>, %arg26: memref<40x16xf32, #tpu.memory_space<vmem>>, %arg27: memref<10000x144xf32, #tpu.memory_space<vmem_shared>>, %arg28: memref<!tpu.dma_semaphore, #tpu.memory_space<semaphore_mem>>, %arg29: memref<!tpu.dma_semaphore, #tpu.memory_space<semaphore_mem>>, %arg30: memref<!tpu.dma_semaphore, #tpu.memory_space<semaphore_mem>>, %arg31: memref<!tpu.dma_semaphore, #tpu.memory_space<semaphore_mem>>, %arg32: memref<!tpu.dma_semaphore, #tpu.memory_space<semaphore_mem>>, %arg33: memref<!tpu.dma_semaphore, #tpu.memory_space<semaphore_mem>>, %arg34: memref<!tpu.dma_semaphore, #tpu.memory_space<semaphore_mem>>, %arg35: memref<!tpu.dma_semaphore, #tpu.memory_space<semaphore_mem>>, %arg36: memref<!tpu.dma_semaphore, #tpu.memory_space<semaphore_mem>>, %arg37: memref<!tpu.dma_semaphore, #tpu.memory_space<semaphore_mem>>, %arg38: memref<!tpu.dma_semaphore, #tpu.memory_space<semaphore_mem>>, %arg39: memref<!tpu.dma_semaphore, #tpu.memory_space<semaphore_mem>>, %arg40: memref<!tpu.dma_semaphore, #tpu.memory_space<semaphore_mem>>, %arg41: memref<!tpu.dma_semaphore, #tpu.memory_space<semaphore_mem>>, %arg42: memref<!tpu.dma_semaphore, #tpu.memory_space<semaphore_mem>>) attributes {dimension_semantics = [#tpu.dimension_semantics<core_parallel>, #tpu.dimension_semantics<subcore_parallel>], iteration_bounds = array<i64: 2, 16>, scalar_prefetch = 0 : i64, scratch_operands = 36 : i64, tpu.core_type = #tpu.core_type<sc_vector_subcore>, window_params = [{transform_indices = #map}, {transform_indices = #map1}, {transform_indices = #map1}, {transform_indices = #map1}, {transform_indices = #map}]} {
    %mul3A = arith.constant 625 : i32
    %mul3A_0 = arith.muli %arg1, %mul3A : i32
    %mul3A_1 = arith.constant 625 : i32
    %mul3A_2 = arith.muli %arg1, %mul3A_1 : i32
    "tpu.region"() ({
      %run_scoped3A = tpu.sem_alloc : memref<!tpu.dma_semaphore, #tpu.memory_space<semaphore_mem>>
      %dma_start3A_133 = arith.constant 0 : i32
      %dma_start3A_134 = tpu.memref_slice %arg27[%mul3A_2, %dma_start3A_133] : memref<10000x144xf32, #tpu.memory_space<vmem_shared>> -> memref<625x144xf32, #tpu.memory_space<vmem_shared>>
      %dma_start3A_135 = arith.constant 0 : i32
      %dma_start3A_136 = tpu.memref_slice %arg5[%mul3A_0, %dma_start3A_135] : memref<10000x144xf32, #tpu.memory_space<hbm>> -> memref<625x144xf32, #tpu.memory_space<hbm>>
      tpu.enqueue_dma source(%dma_start3A_136 : memref<625x144xf32, #tpu.memory_space<hbm>>) target(%dma_start3A_134 : memref<625x144xf32, #tpu.memory_space<vmem_shared>>) target_semaphore(%run_scoped3A : memref<!tpu.dma_semaphore, #tpu.memory_space<semaphore_mem>>)
      %dma_wait3A_137 = arith.constant 0 : i32
      %dma_wait3A_138 = tpu.memref_slice %arg27[%mul3A_2, %dma_wait3A_137] : memref<10000x144xf32, #tpu.memory_space<vmem_shared>> -> memref<625x144xf32, #tpu.memory_space<vmem_shared>>
      %dma_wait3A_139 = arith.constant 0 : i32
      %dma_wait3A_140 = tpu.memref_slice %arg5[%mul3A_0, %dma_wait3A_139] : memref<10000x144xf32, #tpu.memory_space<hbm>> -> memref<625x144xf32, #tpu.memory_space<hbm>>
      tpu.wait_dma2 semaphore(%run_scoped3A : memref<!tpu.dma_semaphore, #tpu.memory_space<semaphore_mem>>) src(%dma_wait3A_140 : memref<625x144xf32, #tpu.memory_space<hbm>>) dst(%dma_wait3A_138 : memref<625x144xf32, #tpu.memory_space<vmem_shared>>)
      tpu.yield
    }) : () -> ()
    %barrier3A = arith.constant 0 : index
    tpu.barrier barrier_id(%barrier3A)
    %mul3A_3 = arith.constant 16 : i32
    %mul3A_4 = arith.muli %arg0, %mul3A_3 : i32
    %add3A = arith.addi %mul3A_4, %arg1 : i32
    %dma_start3A = arith.constant 0 : i32
    %dma_start3A_5 = arith.constant 0 : i32
    %dma_start3A_6 = tpu.memref_slice %arg2[%add3A, %dma_start3A, %dma_start3A_5] : memref<32x2x10000xi32, #tpu.memory_space<hbm>> -> memref<1x2x40xi32, #tpu.memory_space<hbm>>
    %dma_start3A_7 = tpu.memref_squeeze %dma_start3A_6 : memref<1x2x40xi32, #tpu.memory_space<hbm>> -> memref<2x40xi32, #tpu.memory_space<hbm>>
    %dma_start3A_8 = arith.constant 0 : i32
    %dma_start3A_9 = arith.constant 0 : i32
    %dma_start3A_10 = tpu.memref_slice %arg2[%add3A, %dma_start3A_8, %dma_start3A_9] : memref<32x2x10000xi32, #tpu.memory_space<hbm>> -> memref<1x2x40xi32, #tpu.memory_space<hbm>>
    %dma_start3A_11 = tpu.memref_squeeze %dma_start3A_10 : memref<1x2x40xi32, #tpu.memory_space<hbm>> -> memref<2x40xi32, #tpu.memory_space<hbm>>
    tpu.enqueue_dma source(%dma_start3A_11 : memref<2x40xi32, #tpu.memory_space<hbm>>) target(%arg7 : memref<2x40xi32, #tpu.memory_space<vmem>>) target_semaphore(%arg28 : memref<!tpu.dma_semaphore, #tpu.memory_space<semaphore_mem>>)
    %dma_start3A_12 = arith.constant 0 : i32
    %dma_start3A_13 = arith.constant 40 : i32
    %dma_start3A_14 = tpu.memref_slice %arg2[%add3A, %dma_start3A_12, %dma_start3A_13] : memref<32x2x10000xi32, #tpu.memory_space<hbm>> -> memref<1x2x40xi32, #tpu.memory_space<hbm>>
    %dma_start3A_15 = tpu.memref_squeeze %dma_start3A_14 : memref<1x2x40xi32, #tpu.memory_space<hbm>> -> memref<2x40xi32, #tpu.memory_space<hbm>>
    %dma_start3A_16 = arith.constant 0 : i32
    %dma_start3A_17 = arith.constant 40 : i32
    %dma_start3A_18 = tpu.memref_slice %arg2[%add3A, %dma_start3A_16, %dma_start3A_17] : memref<32x2x10000xi32, #tpu.memory_space<hbm>> -> memref<1x2x40xi32, #tpu.memory_space<hbm>>
    %dma_start3A_19 = tpu.memref_squeeze %dma_start3A_18 : memref<1x2x40xi32, #tpu.memory_space<hbm>> -> memref<2x40xi32, #tpu.memory_space<hbm>>
    tpu.enqueue_dma source(%dma_start3A_19 : memref<2x40xi32, #tpu.memory_space<hbm>>) target(%arg8 : memref<2x40xi32, #tpu.memory_space<vmem>>) target_semaphore(%arg29 : memref<!tpu.dma_semaphore, #tpu.memory_space<semaphore_mem>>)
    %dma_start3A_20 = arith.constant 0 : i32
    %dma_start3A_21 = arith.constant 80 : i32
    %dma_start3A_22 = tpu.memref_slice %arg2[%add3A, %dma_start3A_20, %dma_start3A_21] : memref<32x2x10000xi32, #tpu.memory_space<hbm>> -> memref<1x2x40xi32, #tpu.memory_space<hbm>>
    %dma_start3A_23 = tpu.memref_squeeze %dma_start3A_22 : memref<1x2x40xi32, #tpu.memory_space<hbm>> -> memref<2x40xi32, #tpu.memory_space<hbm>>
    %dma_start3A_24 = arith.constant 0 : i32
    %dma_start3A_25 = arith.constant 80 : i32
    %dma_start3A_26 = tpu.memref_slice %arg2[%add3A, %dma_start3A_24, %dma_start3A_25] : memref<32x2x10000xi32, #tpu.memory_space<hbm>> -> memref<1x2x40xi32, #tpu.memory_space<hbm>>
    %dma_start3A_27 = tpu.memref_squeeze %dma_start3A_26 : memref<1x2x40xi32, #tpu.memory_space<hbm>> -> memref<2x40xi32, #tpu.memory_space<hbm>>
    tpu.enqueue_dma source(%dma_start3A_27 : memref<2x40xi32, #tpu.memory_space<hbm>>) target(%arg9 : memref<2x40xi32, #tpu.memory_space<vmem>>) target_semaphore(%arg30 : memref<!tpu.dma_semaphore, #tpu.memory_space<semaphore_mem>>)
    %dma_wait3A = arith.constant 0 : i32
    %dma_wait3A_28 = arith.constant 0 : i32
    %dma_wait3A_29 = tpu.memref_slice %arg2[%add3A, %dma_wait3A, %dma_wait3A_28] : memref<32x2x10000xi32, #tpu.memory_space<hbm>> -> memref<1x2x40xi32, #tpu.memory_space<hbm>>
    %dma_wait3A_30 = tpu.memref_squeeze %dma_wait3A_29 : memref<1x2x40xi32, #tpu.memory_space<hbm>> -> memref<2x40xi32, #tpu.memory_space<hbm>>
    %dma_wait3A_31 = arith.constant 0 : i32
    %dma_wait3A_32 = arith.constant 0 : i32
    %dma_wait3A_33 = tpu.memref_slice %arg2[%add3A, %dma_wait3A_31, %dma_wait3A_32] : memref<32x2x10000xi32, #tpu.memory_space<hbm>> -> memref<1x2x40xi32, #tpu.memory_space<hbm>>
    %dma_wait3A_34 = tpu.memref_squeeze %dma_wait3A_33 : memref<1x2x40xi32, #tpu.memory_space<hbm>> -> memref<2x40xi32, #tpu.memory_space<hbm>>
    tpu.wait_dma2 semaphore(%arg28 : memref<!tpu.dma_semaphore, #tpu.memory_space<semaphore_mem>>) src(%dma_wait3A_34 : memref<2x40xi32, #tpu.memory_space<hbm>>) dst(%arg7 : memref<2x40xi32, #tpu.memory_space<vmem>>)
    %dma_start3A_35 = arith.constant 0 : i32
    %dma_start3A_36 = arith.constant 0 : i32
    %dma_start3A_37 = tpu.memref_slice %arg7[%dma_start3A_35, %dma_start3A_36] : memref<2x40xi32, #tpu.memory_space<vmem>> -> memref<1x40xi32, #tpu.memory_space<vmem>>
    %dma_start3A_38 = tpu.memref_squeeze %dma_start3A_37 : memref<1x40xi32, #tpu.memory_space<vmem>> -> memref<40xi32, #tpu.memory_space<vmem>>
    %dma_start3A_39 = arith.constant 0 : i32
    %dma_start3A_40 = arith.constant 0 : i32
    %dma_start3A_41 = tpu.memref_slice %arg3[%dma_start3A_39, %dma_start3A_40] : memref<10000x144xf32, #tpu.memory_space<hbm>> -> memref<10000x144xf32, #tpu.memory_space<hbm>>
    tpu.enqueue_indirect_dma source(%dma_start3A_41 : memref<10000x144xf32, #tpu.memory_space<hbm>>) target(%arg17 : memref<40x144xf32, #tpu.memory_space<vmem>>) offsets(%dma_start3A_38 : memref<40xi32, #tpu.memory_space<vmem>>) semaphore(%arg33 : memref<!tpu.dma_semaphore, #tpu.memory_space<semaphore_mem>>)
    %dma_start3A_42 = arith.constant 1 : i32
    %dma_start3A_43 = arith.constant 0 : i32
    %dma_start3A_44 = tpu.memref_slice %arg7[%dma_start3A_42, %dma_start3A_43] : memref<2x40xi32, #tpu.memory_space<vmem>> -> memref<1x40xi32, #tpu.memory_space<vmem>>
    %dma_start3A_45 = tpu.memref_squeeze %dma_start3A_44 : memref<1x40xi32, #tpu.memory_space<vmem>> -> memref<40xi32, #tpu.memory_space<vmem>>
    %dma_start3A_46 = arith.constant 0 : i32
    %dma_start3A_47 = arith.constant 0 : i32
    %dma_start3A_48 = tpu.memref_slice %arg4[%dma_start3A_46, %dma_start3A_47] : memref<10000x16xf32, #tpu.memory_space<hbm>> -> memref<10000x16xf32, #tpu.memory_space<hbm>>
    tpu.enqueue_indirect_dma source(%dma_start3A_48 : memref<10000x16xf32, #tpu.memory_space<hbm>>) target(%arg22 : memref<40x16xf32, #tpu.memory_space<vmem>>) offsets(%dma_start3A_45 : memref<40xi32, #tpu.memory_space<vmem>>) semaphore(%arg33 : memref<!tpu.dma_semaphore, #tpu.memory_space<semaphore_mem>>)
    %dma_wait3A_49 = arith.constant 0 : i32
    %dma_wait3A_50 = arith.constant 0 : i32
    %dma_wait3A_51 = tpu.memref_slice %arg2[%add3A, %dma_wait3A_49, %dma_wait3A_50] : memref<32x2x10000xi32, #tpu.memory_space<hbm>> -> memref<1x2x40xi32, #tpu.memory_space<hbm>>
    %dma_wait3A_52 = tpu.memref_squeeze %dma_wait3A_51 : memref<1x2x40xi32, #tpu.memory_space<hbm>> -> memref<2x40xi32, #tpu.memory_space<hbm>>
    %dma_wait3A_53 = arith.constant 0 : i32
    %dma_wait3A_54 = arith.constant 0 : i32
    %dma_wait3A_55 = tpu.memref_slice %arg2[%add3A, %dma_wait3A_53, %dma_wait3A_54] : memref<32x2x10000xi32, #tpu.memory_space<hbm>> -> memref<1x2x40xi32, #tpu.memory_space<hbm>>
    %dma_wait3A_56 = tpu.memref_squeeze %dma_wait3A_55 : memref<1x2x40xi32, #tpu.memory_space<hbm>> -> memref<2x40xi32, #tpu.memory_space<hbm>>
    tpu.wait_dma2 semaphore(%arg29 : memref<!tpu.dma_semaphore, #tpu.memory_space<semaphore_mem>>) src(%dma_wait3A_56 : memref<2x40xi32, #tpu.memory_space<hbm>>) dst(%arg8 : memref<2x40xi32, #tpu.memory_space<vmem>>)
    %dma_start3A_57 = arith.constant 0 : i32
    %dma_start3A_58 = arith.constant 0 : i32
    %dma_start3A_59 = tpu.memref_slice %arg8[%dma_start3A_57, %dma_start3A_58] : memref<2x40xi32, #tpu.memory_space<vmem>> -> memref<1x40xi32, #tpu.memory_space<vmem>>
    %dma_start3A_60 = tpu.memref_squeeze %dma_start3A_59 : memref<1x40xi32, #tpu.memory_space<vmem>> -> memref<40xi32, #tpu.memory_space<vmem>>
    %dma_start3A_61 = arith.constant 0 : i32
    %dma_start3A_62 = arith.constant 0 : i32
    %dma_start3A_63 = tpu.memref_slice %arg3[%dma_start3A_61, %dma_start3A_62] : memref<10000x144xf32, #tpu.memory_space<hbm>> -> memref<10000x144xf32, #tpu.memory_space<hbm>>
    tpu.enqueue_indirect_dma source(%dma_start3A_63 : memref<10000x144xf32, #tpu.memory_space<hbm>>) target(%arg18 : memref<40x144xf32, #tpu.memory_space<vmem>>) offsets(%dma_start3A_60 : memref<40xi32, #tpu.memory_space<vmem>>) semaphore(%arg34 : memref<!tpu.dma_semaphore, #tpu.memory_space<semaphore_mem>>)
    %dma_start3A_64 = arith.constant 1 : i32
    %dma_start3A_65 = arith.constant 0 : i32
    %dma_start3A_66 = tpu.memref_slice %arg8[%dma_start3A_64, %dma_start3A_65] : memref<2x40xi32, #tpu.memory_space<vmem>> -> memref<1x40xi32, #tpu.memory_space<vmem>>
    %dma_start3A_67 = tpu.memref_squeeze %dma_start3A_66 : memref<1x40xi32, #tpu.memory_space<vmem>> -> memref<40xi32, #tpu.memory_space<vmem>>
    %dma_start3A_68 = arith.constant 0 : i32
    %dma_start3A_69 = arith.constant 0 : i32
    %dma_start3A_70 = tpu.memref_slice %arg4[%dma_start3A_68, %dma_start3A_69] : memref<10000x16xf32, #tpu.memory_space<hbm>> -> memref<10000x16xf32, #tpu.memory_space<hbm>>
    tpu.enqueue_indirect_dma source(%dma_start3A_70 : memref<10000x16xf32, #tpu.memory_space<hbm>>) target(%arg23 : memref<40x16xf32, #tpu.memory_space<vmem>>) offsets(%dma_start3A_67 : memref<40xi32, #tpu.memory_space<vmem>>) semaphore(%arg34 : memref<!tpu.dma_semaphore, #tpu.memory_space<semaphore_mem>>)
    %dma_wait3A_71 = arith.constant 0 : i32
    %dma_wait3A_72 = arith.constant 0 : i32
    %dma_wait3A_73 = tpu.memref_slice %arg2[%add3A, %dma_wait3A_71, %dma_wait3A_72] : memref<32x2x10000xi32, #tpu.memory_space<hbm>> -> memref<1x2x40xi32, #tpu.memory_space<hbm>>
    %dma_wait3A_74 = tpu.memref_squeeze %dma_wait3A_73 : memref<1x2x40xi32, #tpu.memory_space<hbm>> -> memref<2x40xi32, #tpu.memory_space<hbm>>
    %dma_wait3A_75 = arith.constant 0 : i32
    %dma_wait3A_76 = arith.constant 0 : i32
    %dma_wait3A_77 = tpu.memref_slice %arg2[%add3A, %dma_wait3A_75, %dma_wait3A_76] : memref<32x2x10000xi32, #tpu.memory_space<hbm>> -> memref<1x2x40xi32, #tpu.memory_space<hbm>>
    %dma_wait3A_78 = tpu.memref_squeeze %dma_wait3A_77 : memref<1x2x40xi32, #tpu.memory_space<hbm>> -> memref<2x40xi32, #tpu.memory_space<hbm>>
    tpu.wait_dma2 semaphore(%arg30 : memref<!tpu.dma_semaphore, #tpu.memory_space<semaphore_mem>>) src(%dma_wait3A_78 : memref<2x40xi32, #tpu.memory_space<hbm>>) dst(%arg9 : memref<2x40xi32, #tpu.memory_space<vmem>>)
    %dma_start3A_79 = arith.constant 0 : i32
    %dma_start3A_80 = arith.constant 0 : i32
    %dma_start3A_81 = tpu.memref_slice %arg9[%dma_start3A_79, %dma_start3A_80] : memref<2x40xi32, #tpu.memory_space<vmem>> -> memref<1x40xi32, #tpu.memory_space<vmem>>
    %dma_start3A_82 = tpu.memref_squeeze %dma_start3A_81 : memref<1x40xi32, #tpu.memory_space<vmem>> -> memref<40xi32, #tpu.memory_space<vmem>>
    %dma_start3A_83 = arith.constant 0 : i32
    %dma_start3A_84 = arith.constant 0 : i32
    %dma_start3A_85 = tpu.memref_slice %arg3[%dma_start3A_83, %dma_start3A_84] : memref<10000x144xf32, #tpu.memory_space<hbm>> -> memref<10000x144xf32, #tpu.memory_space<hbm>>
    tpu.enqueue_indirect_dma source(%dma_start3A_85 : memref<10000x144xf32, #tpu.memory_space<hbm>>) target(%arg19 : memref<40x144xf32, #tpu.memory_space<vmem>>) offsets(%dma_start3A_82 : memref<40xi32, #tpu.memory_space<vmem>>) semaphore(%arg35 : memref<!tpu.dma_semaphore, #tpu.memory_space<semaphore_mem>>)
    %dma_start3A_86 = arith.constant 1 : i32
    %dma_start3A_87 = arith.constant 0 : i32
    %dma_start3A_88 = tpu.memref_slice %arg9[%dma_start3A_86, %dma_start3A_87] : memref<2x40xi32, #tpu.memory_space<vmem>> -> memref<1x40xi32, #tpu.memory_space<vmem>>
    %dma_start3A_89 = tpu.memref_squeeze %dma_start3A_88 : memref<1x40xi32, #tpu.memory_space<vmem>> -> memref<40xi32, #tpu.memory_space<vmem>>
    %dma_start3A_90 = arith.constant 0 : i32
    %dma_start3A_91 = arith.constant 0 : i32
    %dma_start3A_92 = tpu.memref_slice %arg4[%dma_start3A_90, %dma_start3A_91] : memref<10000x16xf32, #tpu.memory_space<hbm>> -> memref<10000x16xf32, #tpu.memory_space<hbm>>
    tpu.enqueue_indirect_dma source(%dma_start3A_92 : memref<10000x16xf32, #tpu.memory_space<hbm>>) target(%arg24 : memref<40x16xf32, #tpu.memory_space<vmem>>) offsets(%dma_start3A_89 : memref<40xi32, #tpu.memory_space<vmem>>) semaphore(%arg35 : memref<!tpu.dma_semaphore, #tpu.memory_space<semaphore_mem>>)
    %dma_start3A_93 = arith.constant 0 : i32
    %dma_start3A_94 = arith.constant 120 : i32
    %dma_start3A_95 = tpu.memref_slice %arg2[%add3A, %dma_start3A_93, %dma_start3A_94] : memref<32x2x10000xi32, #tpu.memory_space<hbm>> -> memref<1x2x40xi32, #tpu.memory_space<hbm>>
    %dma_start3A_96 = tpu.memref_squeeze %dma_start3A_95 : memref<1x2x40xi32, #tpu.memory_space<hbm>> -> memref<2x40xi32, #tpu.memory_space<hbm>>
    %dma_start3A_97 = arith.constant 0 : i32
    %dma_start3A_98 = arith.constant 120 : i32
    %dma_start3A_99 = tpu.memref_slice %arg2[%add3A, %dma_start3A_97, %dma_start3A_98] : memref<32x2x10000xi32, #tpu.memory_space<hbm>> -> memref<1x2x40xi32, #tpu.memory_space<hbm>>
    %dma_start3A_100 = tpu.memref_squeeze %dma_start3A_99 : memref<1x2x40xi32, #tpu.memory_space<hbm>> -> memref<2x40xi32, #tpu.memory_space<hbm>>
    tpu.enqueue_dma source(%dma_start3A_100 : memref<2x40xi32, #tpu.memory_space<hbm>>) target(%arg10 : memref<2x40xi32, #tpu.memory_space<vmem>>) target_semaphore(%arg31 : memref<!tpu.dma_semaphore, #tpu.memory_space<semaphore_mem>>)
    %dma_start3A_101 = arith.constant 0 : i32
    %dma_start3A_102 = arith.constant 160 : i32
    %dma_start3A_103 = tpu.memref_slice %arg2[%add3A, %dma_start3A_101, %dma_start3A_102] : memref<32x2x10000xi32, #tpu.memory_space<hbm>> -> memref<1x2x40xi32, #tpu.memory_space<hbm>>
    %dma_start3A_104 = tpu.memref_squeeze %dma_start3A_103 : memref<1x2x40xi32, #tpu.memory_space<hbm>> -> memref<2x40xi32, #tpu.memory_space<hbm>>
    %dma_start3A_105 = arith.constant 0 : i32
    %dma_start3A_106 = arith.constant 160 : i32
    %dma_start3A_107 = tpu.memref_slice %arg2[%add3A, %dma_start3A_105, %dma_start3A_106] : memref<32x2x10000xi32, #tpu.memory_space<hbm>> -> memref<1x2x40xi32, #tpu.memory_space<hbm>>
    %dma_start3A_108 = tpu.memref_squeeze %dma_start3A_107 : memref<1x2x40xi32, #tpu.memory_space<hbm>> -> memref<2x40xi32, #tpu.memory_space<hbm>>
    tpu.enqueue_dma source(%dma_start3A_108 : memref<2x40xi32, #tpu.memory_space<hbm>>) target(%arg11 : memref<2x40xi32, #tpu.memory_space<vmem>>) target_semaphore(%arg32 : memref<!tpu.dma_semaphore, #tpu.memory_space<semaphore_mem>>)
    %scan3A = arith.constant 0 : i32
    %scan3A_109 = arith.constant 50 : i32
    %scan3A_110 = arith.addi %scan3A, %scan3A_109 : i32
    %scan3A_111 = arith.constant 1 : i32
    scf.for %scan3A_133 = %scan3A to %scan3A_110 step %scan3A_111  : i32 {
      %mul3A_134 = arith.constant 1 : i32
      %mul3A_135 = arith.muli %scan3A_133, %mul3A_134 : i32
      %add3A_136 = arith.constant 0 : i32
      %add3A_137 = arith.addi %add3A_136, %mul3A_135 : i32
      %dma_wait3A_138 = arith.constant 0 : i32
      %dma_wait3A_139 = arith.constant 0 : i32
      %dma_wait3A_140 = tpu.memref_slice %arg7[%dma_wait3A_138, %dma_wait3A_139] : memref<2x40xi32, #tpu.memory_space<vmem>> -> memref<1x40xi32, #tpu.memory_space<vmem>>
      %dma_wait3A_141 = tpu.memref_squeeze %dma_wait3A_140 : memref<1x40xi32, #tpu.memory_space<vmem>> -> memref<40xi32, #tpu.memory_space<vmem>>
      %dma_wait3A_142 = arith.constant 0 : i32
      %dma_wait3A_143 = arith.constant 0 : i32
      %dma_wait3A_144 = tpu.memref_slice %arg3[%dma_wait3A_142, %dma_wait3A_143] : memref<10000x144xf32, #tpu.memory_space<hbm>> -> memref<10000x144xf32, #tpu.memory_space<hbm>>
      tpu.wait_indirect_dma semaphore(%arg33 : memref<!tpu.dma_semaphore, #tpu.memory_space<semaphore_mem>>) src(%dma_wait3A_144 : memref<10000x144xf32, #tpu.memory_space<hbm>>) dst(%arg17 : memref<40x144xf32, #tpu.memory_space<vmem>>)
      %dma_wait3A_145 = arith.constant 1 : i32
      %dma_wait3A_146 = arith.constant 0 : i32
      %dma_wait3A_147 = tpu.memref_slice %arg7[%dma_wait3A_145, %dma_wait3A_146] : memref<2x40xi32, #tpu.memory_space<vmem>> -> memref<1x40xi32, #tpu.memory_space<vmem>>
      %dma_wait3A_148 = tpu.memref_squeeze %dma_wait3A_147 : memref<1x40xi32, #tpu.memory_space<vmem>> -> memref<40xi32, #tpu.memory_space<vmem>>
      %dma_wait3A_149 = arith.constant 0 : i32
      %dma_wait3A_150 = arith.constant 0 : i32
      %dma_wait3A_151 = tpu.memref_slice %arg4[%dma_wait3A_149, %dma_wait3A_150] : memref<10000x16xf32, #tpu.memory_space<hbm>> -> memref<10000x16xf32, #tpu.memory_space<hbm>>
      tpu.wait_indirect_dma semaphore(%arg33 : memref<!tpu.dma_semaphore, #tpu.memory_space<semaphore_mem>>) src(%dma_wait3A_151 : memref<10000x16xf32, #tpu.memory_space<hbm>>) dst(%arg22 : memref<40x16xf32, #tpu.memory_space<vmem>>)
      %get3A = arith.constant 1 : i32
      %get3A_152 = arith.index_cast %get3A : i32 to index
      %get3A_153 = arith.constant 0 : index
      %get3A_154 = tpu.vector_load %arg7[%get3A_152, %get3A_153] {strides = array<i32>} : memref<2x40xi32, #tpu.memory_space<vmem>>, vector<1x16xi32>,
      %get3A_155 = vector.shape_cast %get3A_154 : vector<1x16xi32> to vector<16xi32>
      %swap3A = arith.constant 0 : index
      %swap3A_156 = tpu.vector_load %arg12[%swap3A] {strides = array<i32>} : memref<40xi32, #tpu.memory_space<vmem>>, vector<16xi32>,
      %swap3A_157 = vector.shape_cast %swap3A_156 : vector<16xi32> to vector<16xi32>
      %swap3A_158 = vector.shape_cast %get3A_155 : vector<16xi32> to vector<16xi32>
      tpu.vector_store %arg12[%swap3A], %swap3A_158 {strides = array<i32>} : memref<40xi32, #tpu.memory_space<vmem>>, vector<16xi32>,
      %get3A_159 = arith.constant 1 : i32
      %get3A_160 = arith.index_cast %get3A_159 : i32 to index
      %get3A_161 = arith.constant 16 : index
      %get3A_162 = tpu.vector_load %arg7[%get3A_160, %get3A_161] {strides = array<i32>} : memref<2x40xi32, #tpu.memory_space<vmem>>, vector<1x16xi32>,
      %get3A_163 = vector.shape_cast %get3A_162 : vector<1x16xi32> to vector<16xi32>
      %swap3A_164 = arith.constant 16 : index
      %swap3A_165 = tpu.vector_load %arg12[%swap3A_164] {strides = array<i32>} : memref<40xi32, #tpu.memory_space<vmem>>, vector<16xi32>,
      %swap3A_166 = vector.shape_cast %swap3A_165 : vector<16xi32> to vector<16xi32>
      %swap3A_167 = vector.shape_cast %get3A_163 : vector<16xi32> to vector<16xi32>
      tpu.vector_store %arg12[%swap3A_164], %swap3A_167 {strides = array<i32>} : memref<40xi32, #tpu.memory_space<vmem>>, vector<16xi32>,
      %get3A_168 = arith.constant 1 : i32
      %get3A_169 = arith.index_cast %get3A_168 : i32 to index
      %get3A_170 = arith.constant 24 : index
      %get3A_171 = tpu.vector_load %arg7[%get3A_169, %get3A_170] {strides = array<i32>} : memref<2x40xi32, #tpu.memory_space<vmem>>, vector<1x16xi32>,
      %get3A_172 = vector.shape_cast %get3A_171 : vector<1x16xi32> to vector<16xi32>
      %swap3A_173 = arith.constant 24 : index
      %swap3A_174 = tpu.vector_load %arg12[%swap3A_173] {strides = array<i32>} : memref<40xi32, #tpu.memory_space<vmem>>, vector<16xi32>,
      %swap3A_175 = vector.shape_cast %swap3A_174 : vector<16xi32> to vector<16xi32>
      %swap3A_176 = vector.shape_cast %get3A_172 : vector<16xi32> to vector<16xi32>
      tpu.vector_store %arg12[%swap3A_173], %swap3A_176 {strides = array<i32>} : memref<40xi32, #tpu.memory_space<vmem>>, vector<16xi32>,
      %gt3A = arith.constant 0 : i32
      %gt3A_177 = arith.cmpi sgt, %add3A_137, %gt3A : i32
      %convert_element_type3A = arith.extui %gt3A_177 : i1 to i32
      %cond3A = arith.constant 0 : i32
      %cond3A_178 = arith.cmpi ne, %convert_element_type3A, %cond3A : i32
      scf.if %cond3A_178 {
        %dma_wait3A_460 = arith.constant 0 : i32
        %dma_wait3A_461 = arith.constant 0 : i32
        %dma_wait3A_462 = tpu.memref_slice %arg27[%dma_wait3A_460, %dma_wait3A_461] : memref<10000x144xf32, #tpu.memory_space<vmem_shared>> -> memref<10000x144xf32, #tpu.memory_space<vmem_shared>>
        tpu.wait_indirect_dma semaphore(%arg41 : memref<!tpu.dma_semaphore, #tpu.memory_space<semaphore_mem>>) src(%arg20 : memref<40x144xf32, #tpu.memory_space<vmem>>) dst(%dma_wait3A_462 : memref<10000x144xf32, #tpu.memory_space<vmem_shared>>)
      } else {
      }
      %dma_wait3A_179 = arith.constant 0 : i32
      %dma_wait3A_180 = arith.constant 0 : i32
      %dma_wait3A_181 = tpu.memref_slice %arg2[%add3A, %dma_wait3A_179, %dma_wait3A_180] : memref<32x2x10000xi32, #tpu.memory_space<hbm>> -> memref<1x2x40xi32, #tpu.memory_space<hbm>>
      %dma_wait3A_182 = tpu.memref_squeeze %dma_wait3A_181 : memref<1x2x40xi32, #tpu.memory_space<hbm>> -> memref<2x40xi32, #tpu.memory_space<hbm>>
      %dma_wait3A_183 = arith.constant 0 : i32
      %dma_wait3A_184 = arith.constant 0 : i32
      %dma_wait3A_185 = tpu.memref_slice %arg2[%add3A, %dma_wait3A_183, %dma_wait3A_184] : memref<32x2x10000xi32, #tpu.memory_space<hbm>> -> memref<1x2x40xi32, #tpu.memory_space<hbm>>
      %dma_wait3A_186 = tpu.memref_squeeze %dma_wait3A_185 : memref<1x2x40xi32, #tpu.memory_space<hbm>> -> memref<2x40xi32, #tpu.memory_space<hbm>>
      tpu.wait_dma2 semaphore(%arg31 : memref<!tpu.dma_semaphore, #tpu.memory_space<semaphore_mem>>) src(%dma_wait3A_186 : memref<2x40xi32, #tpu.memory_space<hbm>>) dst(%arg10 : memref<2x40xi32, #tpu.memory_space<vmem>>)
      %dma_start3A_187 = arith.constant 0 : i32
      %dma_start3A_188 = arith.constant 0 : i32
      %dma_start3A_189 = tpu.memref_slice %arg10[%dma_start3A_187, %dma_start3A_188] : memref<2x40xi32, #tpu.memory_space<vmem>> -> memref<1x40xi32, #tpu.memory_space<vmem>>
      %dma_start3A_190 = tpu.memref_squeeze %dma_start3A_189 : memref<1x40xi32, #tpu.memory_space<vmem>> -> memref<40xi32, #tpu.memory_space<vmem>>
      %dma_start3A_191 = arith.constant 0 : i32
      %dma_start3A_192 = arith.constant 0 : i32
      %dma_start3A_193 = tpu.memref_slice %arg3[%dma_start3A_191, %dma_start3A_192] : memref<10000x144xf32, #tpu.memory_space<hbm>> -> memref<10000x144xf32, #tpu.memory_space<hbm>>
      tpu.enqueue_indirect_dma source(%dma_start3A_193 : memref<10000x144xf32, #tpu.memory_space<hbm>>) target(%arg20 : memref<40x144xf32, #tpu.memory_space<vmem>>) offsets(%dma_start3A_190 : memref<40xi32, #tpu.memory_space<vmem>>) semaphore(%arg36 : memref<!tpu.dma_semaphore, #tpu.memory_space<semaphore_mem>>)
      %dma_start3A_194 = arith.constant 1 : i32
      %dma_start3A_195 = arith.constant 0 : i32
      %dma_start3A_196 = tpu.memref_slice %arg10[%dma_start3A_194, %dma_start3A_195] : memref<2x40xi32, #tpu.memory_space<vmem>> -> memref<1x40xi32, #tpu.memory_space<vmem>>
      %dma_start3A_197 = tpu.memref_squeeze %dma_start3A_196 : memref<1x40xi32, #tpu.memory_space<vmem>> -> memref<40xi32, #tpu.memory_space<vmem>>
      %dma_start3A_198 = arith.constant 0 : i32
      %dma_start3A_199 = arith.constant 0 : i32
      %dma_start3A_200 = tpu.memref_slice %arg4[%dma_start3A_198, %dma_start3A_199] : memref<10000x16xf32, #tpu.memory_space<hbm>> -> memref<10000x16xf32, #tpu.memory_space<hbm>>
      tpu.enqueue_indirect_dma source(%dma_start3A_200 : memref<10000x16xf32, #tpu.memory_space<hbm>>) target(%arg25 : memref<40x16xf32, #tpu.memory_space<vmem>>) offsets(%dma_start3A_197 : memref<40xi32, #tpu.memory_space<vmem>>) semaphore(%arg36 : memref<!tpu.dma_semaphore, #tpu.memory_space<semaphore_mem>>)
      %lt3A = arith.constant 49 : i32
      %lt3A_201 = arith.cmpi slt, %add3A_137, %lt3A : i32
      %convert_element_type3A_202 = arith.extui %lt3A_201 : i1 to i32
      %cond3A_203 = arith.constant 0 : i32
      %cond3A_204 = arith.cmpi ne, %convert_element_type3A_202, %cond3A_203 : i32
      scf.if %cond3A_204 {
        %mul3A_460 = arith.constant 5 : i32
        %mul3A_461 = arith.muli %mul3A_460, %add3A_137 : i32
        %add3A_462 = arith.constant 0 : i32
        %add3A_463 = arith.addi %mul3A_461, %add3A_462 : i32
        %add3A_464 = arith.constant 5 : i32
        %add3A_465 = arith.addi %add3A_463, %add3A_464 : i32
        %mul3A_466 = arith.constant 40 : i32
        %mul3A_467 = arith.muli %add3A_465, %mul3A_466 : i32
        %dma_start3A_468 = arith.constant 0 : i32
        %dma_start3A_469 = tpu.memref_slice %arg2[%add3A, %dma_start3A_468, %mul3A_467] : memref<32x2x10000xi32, #tpu.memory_space<hbm>> -> memref<1x2x40xi32, #tpu.memory_space<hbm>>
        %dma_start3A_470 = tpu.memref_squeeze %dma_start3A_469 : memref<1x2x40xi32, #tpu.memory_space<hbm>> -> memref<2x40xi32, #tpu.memory_space<hbm>>
        %dma_start3A_471 = arith.constant 0 : i32
        %dma_start3A_472 = tpu.memref_slice %arg2[%add3A, %dma_start3A_471, %mul3A_467] : memref<32x2x10000xi32, #tpu.memory_space<hbm>> -> memref<1x2x40xi32, #tpu.memory_space<hbm>>
        %dma_start3A_473 = tpu.memref_squeeze %dma_start3A_472 : memref<1x2x40xi32, #tpu.memory_space<hbm>> -> memref<2x40xi32, #tpu.memory_space<hbm>>
        tpu.enqueue_dma source(%dma_start3A_473 : memref<2x40xi32, #tpu.memory_space<hbm>>) target(%arg7 : memref<2x40xi32, #tpu.memory_space<vmem>>) target_semaphore(%arg28 : memref<!tpu.dma_semaphore, #tpu.memory_space<semaphore_mem>>)
      } else {
      }
      %parallel_loop3A = arith.constant 0 : i32
      %parallel_loop3A_205 = arith.constant 40 : i32
      %parallel_loop3A_206 = arith.constant 1 : i32
      scf.for %parallel_loop3A_460 = %parallel_loop3A to %parallel_loop3A_205 step %parallel_loop3A_206  : i32 {
        %parallel_loop3A_461 = arith.index_cast %parallel_loop3A_460 : i32 to index
        %parallel_loop3A_462 = arith.constant 128 : index
        %parallel_loop3A_463 = tpu.vector_load %arg17[%parallel_loop3A_461, %parallel_loop3A_462] {strides = array<i32>} : memref<40x144xf32, #tpu.memory_space<vmem>>, vector<1x16xf32>,
        %parallel_loop3A_464 = vector.shape_cast %parallel_loop3A_463 : vector<1x16xf32> to vector<16xf32>
        %parallel_loop3A_465 = arith.index_cast %parallel_loop3A_460 : i32 to index
        %parallel_loop3A_466 = arith.constant 0 : index
        %parallel_loop3A_467 = tpu.vector_load %arg22[%parallel_loop3A_465, %parallel_loop3A_466] {strides = array<i32>} : memref<40x16xf32, #tpu.memory_space<vmem>>, vector<1x16xf32>,
        %parallel_loop3A_468 = vector.shape_cast %parallel_loop3A_467 : vector<1x16xf32> to vector<16xf32>
        %parallel_loop3A_469 = arith.addf %parallel_loop3A_464, %parallel_loop3A_468 : vector<16xf32>
        %parallel_loop3A_470 = arith.constant 2.000000e-01 : f32
        %parallel_loop3A_471 = vector.broadcast %parallel_loop3A_470 : f32 to vector<16xf32>
        %parallel_loop3A_472 = arith.mulf %parallel_loop3A_469, %parallel_loop3A_471 : vector<16xf32>
        %parallel_loop3A_473 = arith.maximumf %parallel_loop3A_469, %parallel_loop3A_472 : vector<16xf32>
        %parallel_loop3A_474 = math.exp %parallel_loop3A_473 : vector<16xf32>
        %parallel_loop3A_475 = arith.index_cast %parallel_loop3A_460 : i32 to index
        %parallel_loop3A_476 = arith.constant 128 : index
        %parallel_loop3A_477 = tpu.vector_load %arg17[%parallel_loop3A_475, %parallel_loop3A_476] {strides = array<i32>} : memref<40x144xf32, #tpu.memory_space<vmem>>, vector<1x16xf32>,
        %parallel_loop3A_478 = vector.shape_cast %parallel_loop3A_477 : vector<1x16xf32> to vector<16xf32>
        %parallel_loop3A_479 = vector.shape_cast %parallel_loop3A_474 : vector<16xf32> to vector<1x16xf32>
        tpu.vector_store %arg17[%parallel_loop3A_475, %parallel_loop3A_476], %parallel_loop3A_479 {strides = array<i32>} : memref<40x144xf32, #tpu.memory_space<vmem>>, vector<1x16xf32>,
        %parallel_loop3A_480 = tpu.iota {dimensions = array<i32: 0>} : vector<16xi32>
        %parallel_loop3A_481 = arith.constant 8 : i32
        %parallel_loop3A_482 = arith.constant 0 : i32
        %parallel_loop3A_483 = arith.cmpi eq, %parallel_loop3A_481, %parallel_loop3A_482 : i32
        %parallel_loop3A_484 = arith.constant 1 : i32
        %parallel_loop3A_485 = arith.select %parallel_loop3A_483, %parallel_loop3A_484, %parallel_loop3A_481 : i32
        %parallel_loop3A_486 = vector.broadcast %parallel_loop3A_485 : i32 to vector<16xi32>
        %parallel_loop3A_487 = arith.remsi %parallel_loop3A_480, %parallel_loop3A_486 : vector<16xi32>
        %parallel_loop3A_488 = arith.constant 0 : i32
        %parallel_loop3A_489 = vector.broadcast %parallel_loop3A_488 : i32 to vector<16xi32>
        %parallel_loop3A_490 = arith.cmpi ne, %parallel_loop3A_487, %parallel_loop3A_489 : vector<16xi32>
        %parallel_loop3A_491 = arith.constant 0 : i32
        %parallel_loop3A_492 = vector.broadcast %parallel_loop3A_491 : i32 to vector<16xi32>
        %parallel_loop3A_493 = arith.cmpi slt, %parallel_loop3A_487, %parallel_loop3A_492 : vector<16xi32>
        %parallel_loop3A_494 = arith.constant 0 : i32
        %parallel_loop3A_495 = arith.cmpi slt, %parallel_loop3A_485, %parallel_loop3A_494 : i32
        %parallel_loop3A_496 = vector.broadcast %parallel_loop3A_495 : i1 to vector<16xi1>
        %parallel_loop3A_497 = vector.broadcast %parallel_loop3A_496 : vector<16xi1> to vector<16xi1>
        %parallel_loop3A_498 = arith.xori %parallel_loop3A_493, %parallel_loop3A_497 : vector<16xi1>
        %parallel_loop3A_499 = arith.andi %parallel_loop3A_498, %parallel_loop3A_490 : vector<16xi1>
        %parallel_loop3A_500 = vector.broadcast %parallel_loop3A_485 : i32 to vector<16xi32>
        %parallel_loop3A_501 = arith.addi %parallel_loop3A_487, %parallel_loop3A_500 : vector<16xi32>
        %parallel_loop3A_502 = arith.select %parallel_loop3A_499, %parallel_loop3A_501, %parallel_loop3A_487 : vector<16xi1>, vector<16xi32>
        %parallel_loop3A_503 = vector.shape_cast %parallel_loop3A_502 : vector<16xi32> to vector<16x1xi32>
        %parallel_loop3A_504 = vector.shape_cast %parallel_loop3A_503 : vector<16x1xi32> to vector<16xi32>
        %parallel_loop3A_505 = tpu.dynamic_gather %parallel_loop3A_474[%parallel_loop3A_504] in [0] : vector<16xf32>, vector<16xi32> -> vector<16xf32>
        %parallel_loop3A_506 = arith.index_cast %parallel_loop3A_460 : i32 to index
        %parallel_loop3A_507 = arith.constant 0 : index
        %parallel_loop3A_508 = tpu.vector_load %arg17[%parallel_loop3A_506, %parallel_loop3A_507] {strides = array<i32>} : memref<40x144xf32, #tpu.memory_space<vmem>>, vector<1x16xf32>,
        %parallel_loop3A_509 = vector.shape_cast %parallel_loop3A_508 : vector<1x16xf32> to vector<16xf32>
        %parallel_loop3A_510 = arith.mulf %parallel_loop3A_509, %parallel_loop3A_505 : vector<16xf32>
        %parallel_loop3A_511 = arith.index_cast %parallel_loop3A_460 : i32 to index
        %parallel_loop3A_512 = arith.constant 0 : index
        %parallel_loop3A_513 = tpu.vector_load %arg17[%parallel_loop3A_511, %parallel_loop3A_512] {strides = array<i32>} : memref<40x144xf32, #tpu.memory_space<vmem>>, vector<1x16xf32>,
        %parallel_loop3A_514 = vector.shape_cast %parallel_loop3A_513 : vector<1x16xf32> to vector<16xf32>
        %parallel_loop3A_515 = vector.shape_cast %parallel_loop3A_510 : vector<16xf32> to vector<1x16xf32>
        tpu.vector_store %arg17[%parallel_loop3A_511, %parallel_loop3A_512], %parallel_loop3A_515 {strides = array<i32>} : memref<40x144xf32, #tpu.memory_space<vmem>>, vector<1x16xf32>,
        %parallel_loop3A_516 = arith.index_cast %parallel_loop3A_460 : i32 to index
        %parallel_loop3A_517 = arith.constant 16 : index
        %parallel_loop3A_518 = tpu.vector_load %arg17[%parallel_loop3A_516, %parallel_loop3A_517] {strides = array<i32>} : memref<40x144xf32, #tpu.memory_space<vmem>>, vector<1x16xf32>,
        %parallel_loop3A_519 = vector.shape_cast %parallel_loop3A_518 : vector<1x16xf32> to vector<16xf32>
        %parallel_loop3A_520 = arith.mulf %parallel_loop3A_519, %parallel_loop3A_505 : vector<16xf32>
        %parallel_loop3A_521 = arith.index_cast %parallel_loop3A_460 : i32 to index
        %parallel_loop3A_522 = arith.constant 16 : index
        %parallel_loop3A_523 = tpu.vector_load %arg17[%parallel_loop3A_521, %parallel_loop3A_522] {strides = array<i32>} : memref<40x144xf32, #tpu.memory_space<vmem>>, vector<1x16xf32>,
        %parallel_loop3A_524 = vector.shape_cast %parallel_loop3A_523 : vector<1x16xf32> to vector<16xf32>
        %parallel_loop3A_525 = vector.shape_cast %parallel_loop3A_520 : vector<16xf32> to vector<1x16xf32>
        tpu.vector_store %arg17[%parallel_loop3A_521, %parallel_loop3A_522], %parallel_loop3A_525 {strides = array<i32>} : memref<40x144xf32, #tpu.memory_space<vmem>>, vector<1x16xf32>,
        %parallel_loop3A_526 = arith.index_cast %parallel_loop3A_460 : i32 to index
        %parallel_loop3A_527 = arith.constant 32 : index
        %parallel_loop3A_528 = tpu.vector_load %arg17[%parallel_loop3A_526, %parallel_loop3A_527] {strides = array<i32>} : memref<40x144xf32, #tpu.memory_space<vmem>>, vector<1x16xf32>,
        %parallel_loop3A_529 = vector.shape_cast %parallel_loop3A_528 : vector<1x16xf32> to vector<16xf32>
        %parallel_loop3A_530 = arith.mulf %parallel_loop3A_529, %parallel_loop3A_505 : vector<16xf32>
        %parallel_loop3A_531 = arith.index_cast %parallel_loop3A_460 : i32 to index
        %parallel_loop3A_532 = arith.constant 32 : index
        %parallel_loop3A_533 = tpu.vector_load %arg17[%parallel_loop3A_531, %parallel_loop3A_532] {strides = array<i32>} : memref<40x144xf32, #tpu.memory_space<vmem>>, vector<1x16xf32>,
        %parallel_loop3A_534 = vector.shape_cast %parallel_loop3A_533 : vector<1x16xf32> to vector<16xf32>
        %parallel_loop3A_535 = vector.shape_cast %parallel_loop3A_530 : vector<16xf32> to vector<1x16xf32>
        tpu.vector_store %arg17[%parallel_loop3A_531, %parallel_loop3A_532], %parallel_loop3A_535 {strides = array<i32>} : memref<40x144xf32, #tpu.memory_space<vmem>>, vector<1x16xf32>,
        %parallel_loop3A_536 = arith.index_cast %parallel_loop3A_460 : i32 to index
        %parallel_loop3A_537 = arith.constant 48 : index
        %parallel_loop3A_538 = tpu.vector_load %arg17[%parallel_loop3A_536, %parallel_loop3A_537] {strides = array<i32>} : memref<40x144xf32, #tpu.memory_space<vmem>>, vector<1x16xf32>,
        %parallel_loop3A_539 = vector.shape_cast %parallel_loop3A_538 : vector<1x16xf32> to vector<16xf32>
        %parallel_loop3A_540 = arith.mulf %parallel_loop3A_539, %parallel_loop3A_505 : vector<16xf32>
        %parallel_loop3A_541 = arith.index_cast %parallel_loop3A_460 : i32 to index
        %parallel_loop3A_542 = arith.constant 48 : index
        %parallel_loop3A_543 = tpu.vector_load %arg17[%parallel_loop3A_541, %parallel_loop3A_542] {strides = array<i32>} : memref<40x144xf32, #tpu.memory_space<vmem>>, vector<1x16xf32>,
        %parallel_loop3A_544 = vector.shape_cast %parallel_loop3A_543 : vector<1x16xf32> to vector<16xf32>
        %parallel_loop3A_545 = vector.shape_cast %parallel_loop3A_540 : vector<16xf32> to vector<1x16xf32>
        tpu.vector_store %arg17[%parallel_loop3A_541, %parallel_loop3A_542], %parallel_loop3A_545 {strides = array<i32>} : memref<40x144xf32, #tpu.memory_space<vmem>>, vector<1x16xf32>,
        %parallel_loop3A_546 = arith.index_cast %parallel_loop3A_460 : i32 to index
        %parallel_loop3A_547 = arith.constant 64 : index
        %parallel_loop3A_548 = tpu.vector_load %arg17[%parallel_loop3A_546, %parallel_loop3A_547] {strides = array<i32>} : memref<40x144xf32, #tpu.memory_space<vmem>>, vector<1x16xf32>,
        %parallel_loop3A_549 = vector.shape_cast %parallel_loop3A_548 : vector<1x16xf32> to vector<16xf32>
        %parallel_loop3A_550 = arith.mulf %parallel_loop3A_549, %parallel_loop3A_505 : vector<16xf32>
        %parallel_loop3A_551 = arith.index_cast %parallel_loop3A_460 : i32 to index
        %parallel_loop3A_552 = arith.constant 64 : index
        %parallel_loop3A_553 = tpu.vector_load %arg17[%parallel_loop3A_551, %parallel_loop3A_552] {strides = array<i32>} : memref<40x144xf32, #tpu.memory_space<vmem>>, vector<1x16xf32>,
        %parallel_loop3A_554 = vector.shape_cast %parallel_loop3A_553 : vector<1x16xf32> to vector<16xf32>
        %parallel_loop3A_555 = vector.shape_cast %parallel_loop3A_550 : vector<16xf32> to vector<1x16xf32>
        tpu.vector_store %arg17[%parallel_loop3A_551, %parallel_loop3A_552], %parallel_loop3A_555 {strides = array<i32>} : memref<40x144xf32, #tpu.memory_space<vmem>>, vector<1x16xf32>,
        %parallel_loop3A_556 = arith.index_cast %parallel_loop3A_460 : i32 to index
        %parallel_loop3A_557 = arith.constant 80 : index
        %parallel_loop3A_558 = tpu.vector_load %arg17[%parallel_loop3A_556, %parallel_loop3A_557] {strides = array<i32>} : memref<40x144xf32, #tpu.memory_space<vmem>>, vector<1x16xf32>,
        %parallel_loop3A_559 = vector.shape_cast %parallel_loop3A_558 : vector<1x16xf32> to vector<16xf32>
        %parallel_loop3A_560 = arith.mulf %parallel_loop3A_559, %parallel_loop3A_505 : vector<16xf32>
        %parallel_loop3A_561 = arith.index_cast %parallel_loop3A_460 : i32 to index
        %parallel_loop3A_562 = arith.constant 80 : index
        %parallel_loop3A_563 = tpu.vector_load %arg17[%parallel_loop3A_561, %parallel_loop3A_562] {strides = array<i32>} : memref<40x144xf32, #tpu.memory_space<vmem>>, vector<1x16xf32>,
        %parallel_loop3A_564 = vector.shape_cast %parallel_loop3A_563 : vector<1x16xf32> to vector<16xf32>
        %parallel_loop3A_565 = vector.shape_cast %parallel_loop3A_560 : vector<16xf32> to vector<1x16xf32>
        tpu.vector_store %arg17[%parallel_loop3A_561, %parallel_loop3A_562], %parallel_loop3A_565 {strides = array<i32>} : memref<40x144xf32, #tpu.memory_space<vmem>>, vector<1x16xf32>,
        %parallel_loop3A_566 = arith.index_cast %parallel_loop3A_460 : i32 to index
        %parallel_loop3A_567 = arith.constant 96 : index
        %parallel_loop3A_568 = tpu.vector_load %arg17[%parallel_loop3A_566, %parallel_loop3A_567] {strides = array<i32>} : memref<40x144xf32, #tpu.memory_space<vmem>>, vector<1x16xf32>,
        %parallel_loop3A_569 = vector.shape_cast %parallel_loop3A_568 : vector<1x16xf32> to vector<16xf32>
        %parallel_loop3A_570 = arith.mulf %parallel_loop3A_569, %parallel_loop3A_505 : vector<16xf32>
        %parallel_loop3A_571 = arith.index_cast %parallel_loop3A_460 : i32 to index
        %parallel_loop3A_572 = arith.constant 96 : index
        %parallel_loop3A_573 = tpu.vector_load %arg17[%parallel_loop3A_571, %parallel_loop3A_572] {strides = array<i32>} : memref<40x144xf32, #tpu.memory_space<vmem>>, vector<1x16xf32>,
        %parallel_loop3A_574 = vector.shape_cast %parallel_loop3A_573 : vector<1x16xf32> to vector<16xf32>
        %parallel_loop3A_575 = vector.shape_cast %parallel_loop3A_570 : vector<16xf32> to vector<1x16xf32>
        tpu.vector_store %arg17[%parallel_loop3A_571, %parallel_loop3A_572], %parallel_loop3A_575 {strides = array<i32>} : memref<40x144xf32, #tpu.memory_space<vmem>>, vector<1x16xf32>,
        %parallel_loop3A_576 = arith.index_cast %parallel_loop3A_460 : i32 to index
        %parallel_loop3A_577 = arith.constant 112 : index
        %parallel_loop3A_578 = tpu.vector_load %arg17[%parallel_loop3A_576, %parallel_loop3A_577] {strides = array<i32>} : memref<40x144xf32, #tpu.memory_space<vmem>>, vector<1x16xf32>,
        %parallel_loop3A_579 = vector.shape_cast %parallel_loop3A_578 : vector<1x16xf32> to vector<16xf32>
        %parallel_loop3A_580 = arith.mulf %parallel_loop3A_579, %parallel_loop3A_505 : vector<16xf32>
        %parallel_loop3A_581 = arith.index_cast %parallel_loop3A_460 : i32 to index
        %parallel_loop3A_582 = arith.constant 112 : index
        %parallel_loop3A_583 = tpu.vector_load %arg17[%parallel_loop3A_581, %parallel_loop3A_582] {strides = array<i32>} : memref<40x144xf32, #tpu.memory_space<vmem>>, vector<1x16xf32>,
        %parallel_loop3A_584 = vector.shape_cast %parallel_loop3A_583 : vector<1x16xf32> to vector<16xf32>
        %parallel_loop3A_585 = vector.shape_cast %parallel_loop3A_580 : vector<16xf32> to vector<1x16xf32>
        tpu.vector_store %arg17[%parallel_loop3A_581, %parallel_loop3A_582], %parallel_loop3A_585 {strides = array<i32>} : memref<40x144xf32, #tpu.memory_space<vmem>>, vector<1x16xf32>,
      } {sc.loop_unroll_factor = 1 : i64, sc.parallel_access}
      %dma_start3A_207 = arith.constant 0 : i32
      %dma_start3A_208 = arith.constant 0 : i32
      %dma_start3A_209 = tpu.memref_slice %arg27[%dma_start3A_207, %dma_start3A_208] : memref<10000x144xf32, #tpu.memory_space<vmem_shared>> -> memref<10000x144xf32, #tpu.memory_space<vmem_shared>>
      tpu.enqueue_indirect_dma source(%arg17 : memref<40x144xf32, #tpu.memory_space<vmem>>) target(%dma_start3A_209 : memref<10000x144xf32, #tpu.memory_space<vmem_shared>>) offsets(%arg12 : memref<40xi32, #tpu.memory_space<vmem>>) semaphore(%arg38 : memref<!tpu.dma_semaphore, #tpu.memory_space<semaphore_mem>>) {add = true}
      %dma_wait3A_210 = arith.constant 0 : i32
      %dma_wait3A_211 = arith.constant 0 : i32
      %dma_wait3A_212 = tpu.memref_slice %arg8[%dma_wait3A_210, %dma_wait3A_211] : memref<2x40xi32, #tpu.memory_space<vmem>> -> memref<1x40xi32, #tpu.memory_space<vmem>>
      %dma_wait3A_213 = tpu.memref_squeeze %dma_wait3A_212 : memref<1x40xi32, #tpu.memory_space<vmem>> -> memref<40xi32, #tpu.memory_space<vmem>>
      %dma_wait3A_214 = arith.constant 0 : i32
      %dma_wait3A_215 = arith.constant 0 : i32
      %dma_wait3A_216 = tpu.memref_slice %arg3[%dma_wait3A_214, %dma_wait3A_215] : memref<10000x144xf32, #tpu.memory_space<hbm>> -> memref<10000x144xf32, #tpu.memory_space<hbm>>
      tpu.wait_indirect_dma semaphore(%arg34 : memref<!tpu.dma_semaphore, #tpu.memory_space<semaphore_mem>>) src(%dma_wait3A_216 : memref<10000x144xf32, #tpu.memory_space<hbm>>) dst(%arg18 : memref<40x144xf32, #tpu.memory_space<vmem>>)
      %dma_wait3A_217 = arith.constant 1 : i32
      %dma_wait3A_218 = arith.constant 0 : i32
      %dma_wait3A_219 = tpu.memref_slice %arg8[%dma_wait3A_217, %dma_wait3A_218] : memref<2x40xi32, #tpu.memory_space<vmem>> -> memref<1x40xi32, #tpu.memory_space<vmem>>
      %dma_wait3A_220 = tpu.memref_squeeze %dma_wait3A_219 : memref<1x40xi32, #tpu.memory_space<vmem>> -> memref<40xi32, #tpu.memory_space<vmem>>
      %dma_wait3A_221 = arith.constant 0 : i32
      %dma_wait3A_222 = arith.constant 0 : i32
      %dma_wait3A_223 = tpu.memref_slice %arg4[%dma_wait3A_221, %dma_wait3A_222] : memref<10000x16xf32, #tpu.memory_space<hbm>> -> memref<10000x16xf32, #tpu.memory_space<hbm>>
      tpu.wait_indirect_dma semaphore(%arg34 : memref<!tpu.dma_semaphore, #tpu.memory_space<semaphore_mem>>) src(%dma_wait3A_223 : memref<10000x16xf32, #tpu.memory_space<hbm>>) dst(%arg23 : memref<40x16xf32, #tpu.memory_space<vmem>>)
      %get3A_224 = arith.constant 1 : i32
      %get3A_225 = arith.index_cast %get3A_224 : i32 to index
      %get3A_226 = arith.constant 0 : index
      %get3A_227 = tpu.vector_load %arg8[%get3A_225, %get3A_226] {strides = array<i32>} : memref<2x40xi32, #tpu.memory_space<vmem>>, vector<1x16xi32>,
      %get3A_228 = vector.shape_cast %get3A_227 : vector<1x16xi32> to vector<16xi32>
      %swap3A_229 = arith.constant 0 : index
      %swap3A_230 = tpu.vector_load %arg13[%swap3A_229] {strides = array<i32>} : memref<40xi32, #tpu.memory_space<vmem>>, vector<16xi32>,
      %swap3A_231 = vector.shape_cast %swap3A_230 : vector<16xi32> to vector<16xi32>
      %swap3A_232 = vector.shape_cast %get3A_228 : vector<16xi32> to vector<16xi32>
      tpu.vector_store %arg13[%swap3A_229], %swap3A_232 {strides = array<i32>} : memref<40xi32, #tpu.memory_space<vmem>>, vector<16xi32>,
      %get3A_233 = arith.constant 1 : i32
      %get3A_234 = arith.index_cast %get3A_233 : i32 to index
      %get3A_235 = arith.constant 16 : index
      %get3A_236 = tpu.vector_load %arg8[%get3A_234, %get3A_235] {strides = array<i32>} : memref<2x40xi32, #tpu.memory_space<vmem>>, vector<1x16xi32>,
      %get3A_237 = vector.shape_cast %get3A_236 : vector<1x16xi32> to vector<16xi32>
      %swap3A_238 = arith.constant 16 : index
      %swap3A_239 = tpu.vector_load %arg13[%swap3A_238] {strides = array<i32>} : memref<40xi32, #tpu.memory_space<vmem>>, vector<16xi32>,
      %swap3A_240 = vector.shape_cast %swap3A_239 : vector<16xi32> to vector<16xi32>
      %swap3A_241 = vector.shape_cast %get3A_237 : vector<16xi32> to vector<16xi32>
      tpu.vector_store %arg13[%swap3A_238], %swap3A_241 {strides = array<i32>} : memref<40xi32, #tpu.memory_space<vmem>>, vector<16xi32>,
      %get3A_242 = arith.constant 1 : i32
      %get3A_243 = arith.index_cast %get3A_242 : i32 to index
      %get3A_244 = arith.constant 24 : index
      %get3A_245 = tpu.vector_load %arg8[%get3A_243, %get3A_244] {strides = array<i32>} : memref<2x40xi32, #tpu.memory_space<vmem>>, vector<1x16xi32>,
      %get3A_246 = vector.shape_cast %get3A_245 : vector<1x16xi32> to vector<16xi32>
      %swap3A_247 = arith.constant 24 : index
      %swap3A_248 = tpu.vector_load %arg13[%swap3A_247] {strides = array<i32>} : memref<40xi32, #tpu.memory_space<vmem>>, vector<16xi32>,
      %swap3A_249 = vector.shape_cast %swap3A_248 : vector<16xi32> to vector<16xi32>
      %swap3A_250 = vector.shape_cast %get3A_246 : vector<16xi32> to vector<16xi32>
      tpu.vector_store %arg13[%swap3A_247], %swap3A_250 {strides = array<i32>} : memref<40xi32, #tpu.memory_space<vmem>>, vector<16xi32>,
      %gt3A_251 = arith.constant 0 : i32
      %gt3A_252 = arith.cmpi sgt, %add3A_137, %gt3A_251 : i32
      %convert_element_type3A_253 = arith.extui %gt3A_252 : i1 to i32
      %cond3A_254 = arith.constant 0 : i32
      %cond3A_255 = arith.cmpi ne, %convert_element_type3A_253, %cond3A_254 : i32
      scf.if %cond3A_255 {
        %dma_wait3A_460 = arith.constant 0 : i32
        %dma_wait3A_461 = arith.constant 0 : i32
        %dma_wait3A_462 = tpu.memref_slice %arg27[%dma_wait3A_460, %dma_wait3A_461] : memref<10000x144xf32, #tpu.memory_space<vmem_shared>> -> memref<10000x144xf32, #tpu.memory_space<vmem_shared>>
        tpu.wait_indirect_dma semaphore(%arg42 : memref<!tpu.dma_semaphore, #tpu.memory_space<semaphore_mem>>) src(%arg21 : memref<40x144xf32, #tpu.memory_space<vmem>>) dst(%dma_wait3A_462 : memref<10000x144xf32, #tpu.memory_space<vmem_shared>>)
      } else {
      }
      %dma_wait3A_256 = arith.constant 0 : i32
      %dma_wait3A_257 = arith.constant 0 : i32
      %dma_wait3A_258 = tpu.memref_slice %arg2[%add3A, %dma_wait3A_256, %dma_wait3A_257] : memref<32x2x10000xi32, #tpu.memory_space<hbm>> -> memref<1x2x40xi32, #tpu.memory_space<hbm>>
      %dma_wait3A_259 = tpu.memref_squeeze %dma_wait3A_258 : memref<1x2x40xi32, #tpu.memory_space<hbm>> -> memref<2x40xi32, #tpu.memory_space<hbm>>
      %dma_wait3A_260 = arith.constant 0 : i32
      %dma_wait3A_261 = arith.constant 0 : i32
      %dma_wait3A_262 = tpu.memref_slice %arg2[%add3A, %dma_wait3A_260, %dma_wait3A_261] : memref<32x2x10000xi32, #tpu.memory_space<hbm>> -> memref<1x2x40xi32, #tpu.memory_space<hbm>>
      %dma_wait3A_263 = tpu.memref_squeeze %dma_wait3A_262 : memref<1x2x40xi32, #tpu.memory_space<hbm>> -> memref<2x40xi32, #tpu.memory_space<hbm>>
      tpu.wait_dma2 semaphore(%arg32 : memref<!tpu.dma_semaphore, #tpu.memory_space<semaphore_mem>>) src(%dma_wait3A_263 : memref<2x40xi32, #tpu.memory_space<hbm>>) dst(%arg11 : memref<2x40xi32, #tpu.memory_space<vmem>>)
      %dma_start3A_264 = arith.constant 0 : i32
      %dma_start3A_265 = arith.constant 0 : i32
      %dma_start3A_266 = tpu.memref_slice %arg11[%dma_start3A_264, %dma_start3A_265] : memref<2x40xi32, #tpu.memory_space<vmem>> -> memref<1x40xi32, #tpu.memory_space<vmem>>
      %dma_start3A_267 = tpu.memref_squeeze %dma_start3A_266 : memref<1x40xi32, #tpu.memory_space<vmem>> -> memref<40xi32, #tpu.memory_space<vmem>>
      %dma_start3A_268 = arith.constant 0 : i32
      %dma_start3A_269 = arith.constant 0 : i32
      %dma_start3A_270 = tpu.memref_slice %arg3[%dma_start3A_268, %dma_start3A_269] : memref<10000x144xf32, #tpu.memory_space<hbm>> -> memref<10000x144xf32, #tpu.memory_space<hbm>>
      tpu.enqueue_indirect_dma source(%dma_start3A_270 : memref<10000x144xf32, #tpu.memory_space<hbm>>) target(%arg21 : memref<40x144xf32, #tpu.memory_space<vmem>>) offsets(%dma_start3A_267 : memref<40xi32, #tpu.memory_space<vmem>>) semaphore(%arg37 : memref<!tpu.dma_semaphore, #tpu.memory_space<semaphore_mem>>)
      %dma_start3A_271 = arith.constant 1 : i32
      %dma_start3A_272 = arith.constant 0 : i32
      %dma_start3A_273 = tpu.memref_slice %arg11[%dma_start3A_271, %dma_start3A_272] : memref<2x40xi32, #tpu.memory_space<vmem>> -> memref<1x40xi32, #tpu.memory_space<vmem>>
      %dma_start3A_274 = tpu.memref_squeeze %dma_start3A_273 : memref<1x40xi32, #tpu.memory_space<vmem>> -> memref<40xi32, #tpu.memory_space<vmem>>
      %dma_start3A_275 = arith.constant 0 : i32
      %dma_start3A_276 = arith.constant 0 : i32
      %dma_start3A_277 = tpu.memref_slice %arg4[%dma_start3A_275, %dma_start3A_276] : memref<10000x16xf32, #tpu.memory_space<hbm>> -> memref<10000x16xf32, #tpu.memory_space<hbm>>
      tpu.enqueue_indirect_dma source(%dma_start3A_277 : memref<10000x16xf32, #tpu.memory_space<hbm>>) target(%arg26 : memref<40x16xf32, #tpu.memory_space<vmem>>) offsets(%dma_start3A_274 : memref<40xi32, #tpu.memory_space<vmem>>) semaphore(%arg37 : memref<!tpu.dma_semaphore, #tpu.memory_space<semaphore_mem>>)
      %lt3A_278 = arith.constant 49 : i32
      %lt3A_279 = arith.cmpi slt, %add3A_137, %lt3A_278 : i32
      %convert_element_type3A_280 = arith.extui %lt3A_279 : i1 to i32
      %cond3A_281 = arith.constant 0 : i32
      %cond3A_282 = arith.cmpi ne, %convert_element_type3A_280, %cond3A_281 : i32
      scf.if %cond3A_282 {
        %mul3A_460 = arith.constant 5 : i32
        %mul3A_461 = arith.muli %mul3A_460, %add3A_137 : i32
        %add3A_462 = arith.constant 1 : i32
        %add3A_463 = arith.addi %mul3A_461, %add3A_462 : i32
        %add3A_464 = arith.constant 5 : i32
        %add3A_465 = arith.addi %add3A_463, %add3A_464 : i32
        %mul3A_466 = arith.constant 40 : i32
        %mul3A_467 = arith.muli %add3A_465, %mul3A_466 : i32
        %dma_start3A_468 = arith.constant 0 : i32
        %dma_start3A_469 = tpu.memref_slice %arg2[%add3A, %dma_start3A_468, %mul3A_467] : memref<32x2x10000xi32, #tpu.memory_space<hbm>> -> memref<1x2x40xi32, #tpu.memory_space<hbm>>
        %dma_start3A_470 = tpu.memref_squeeze %dma_start3A_469 : memref<1x2x40xi32, #tpu.memory_space<hbm>> -> memref<2x40xi32, #tpu.memory_space<hbm>>
        %dma_start3A_471 = arith.constant 0 : i32
        %dma_start3A_472 = tpu.memref_slice %arg2[%add3A, %dma_start3A_471, %mul3A_467] : memref<32x2x10000xi32, #tpu.memory_space<hbm>> -> memref<1x2x40xi32, #tpu.memory_space<hbm>>
        %dma_start3A_473 = tpu.memref_squeeze %dma_start3A_472 : memref<1x2x40xi32, #tpu.memory_space<hbm>> -> memref<2x40xi32, #tpu.memory_space<hbm>>
        tpu.enqueue_dma source(%dma_start3A_473 : memref<2x40xi32, #tpu.memory_space<hbm>>) target(%arg8 : memref<2x40xi32, #tpu.memory_space<vmem>>) target_semaphore(%arg29 : memref<!tpu.dma_semaphore, #tpu.memory_space<semaphore_mem>>)
      } else {
      }
      %parallel_loop3A_283 = arith.constant 0 : i32
      %parallel_loop3A_284 = arith.constant 40 : i32
      %parallel_loop3A_285 = arith.constant 1 : i32
      scf.for %parallel_loop3A_460 = %parallel_loop3A_283 to %parallel_loop3A_284 step %parallel_loop3A_285  : i32 {
        %parallel_loop3A_461 = arith.index_cast %parallel_loop3A_460 : i32 to index
        %parallel_loop3A_462 = arith.constant 128 : index
        %parallel_loop3A_463 = tpu.vector_load %arg18[%parallel_loop3A_461, %parallel_loop3A_462] {strides = array<i32>} : memref<40x144xf32, #tpu.memory_space<vmem>>, vector<1x16xf32>,
        %parallel_loop3A_464 = vector.shape_cast %parallel_loop3A_463 : vector<1x16xf32> to vector<16xf32>
        %parallel_loop3A_465 = arith.index_cast %parallel_loop3A_460 : i32 to index
        %parallel_loop3A_466 = arith.constant 0 : index
        %parallel_loop3A_467 = tpu.vector_load %arg23[%parallel_loop3A_465, %parallel_loop3A_466] {strides = array<i32>} : memref<40x16xf32, #tpu.memory_space<vmem>>, vector<1x16xf32>,
        %parallel_loop3A_468 = vector.shape_cast %parallel_loop3A_467 : vector<1x16xf32> to vector<16xf32>
        %parallel_loop3A_469 = arith.addf %parallel_loop3A_464, %parallel_loop3A_468 : vector<16xf32>
        %parallel_loop3A_470 = arith.constant 2.000000e-01 : f32
        %parallel_loop3A_471 = vector.broadcast %parallel_loop3A_470 : f32 to vector<16xf32>
        %parallel_loop3A_472 = arith.mulf %parallel_loop3A_469, %parallel_loop3A_471 : vector<16xf32>
        %parallel_loop3A_473 = arith.maximumf %parallel_loop3A_469, %parallel_loop3A_472 : vector<16xf32>
        %parallel_loop3A_474 = math.exp %parallel_loop3A_473 : vector<16xf32>
        %parallel_loop3A_475 = arith.index_cast %parallel_loop3A_460 : i32 to index
        %parallel_loop3A_476 = arith.constant 128 : index
        %parallel_loop3A_477 = tpu.vector_load %arg18[%parallel_loop3A_475, %parallel_loop3A_476] {strides = array<i32>} : memref<40x144xf32, #tpu.memory_space<vmem>>, vector<1x16xf32>,
        %parallel_loop3A_478 = vector.shape_cast %parallel_loop3A_477 : vector<1x16xf32> to vector<16xf32>
        %parallel_loop3A_479 = vector.shape_cast %parallel_loop3A_474 : vector<16xf32> to vector<1x16xf32>
        tpu.vector_store %arg18[%parallel_loop3A_475, %parallel_loop3A_476], %parallel_loop3A_479 {strides = array<i32>} : memref<40x144xf32, #tpu.memory_space<vmem>>, vector<1x16xf32>,
        %parallel_loop3A_480 = tpu.iota {dimensions = array<i32: 0>} : vector<16xi32>
        %parallel_loop3A_481 = arith.constant 8 : i32
        %parallel_loop3A_482 = arith.constant 0 : i32
        %parallel_loop3A_483 = arith.cmpi eq, %parallel_loop3A_481, %parallel_loop3A_482 : i32
        %parallel_loop3A_484 = arith.constant 1 : i32
        %parallel_loop3A_485 = arith.select %parallel_loop3A_483, %parallel_loop3A_484, %parallel_loop3A_481 : i32
        %parallel_loop3A_486 = vector.broadcast %parallel_loop3A_485 : i32 to vector<16xi32>
        %parallel_loop3A_487 = arith.remsi %parallel_loop3A_480, %parallel_loop3A_486 : vector<16xi32>
        %parallel_loop3A_488 = arith.constant 0 : i32
        %parallel_loop3A_489 = vector.broadcast %parallel_loop3A_488 : i32 to vector<16xi32>
        %parallel_loop3A_490 = arith.cmpi ne, %parallel_loop3A_487, %parallel_loop3A_489 : vector<16xi32>
        %parallel_loop3A_491 = arith.constant 0 : i32
        %parallel_loop3A_492 = vector.broadcast %parallel_loop3A_491 : i32 to vector<16xi32>
        %parallel_loop3A_493 = arith.cmpi slt, %parallel_loop3A_487, %parallel_loop3A_492 : vector<16xi32>
        %parallel_loop3A_494 = arith.constant 0 : i32
        %parallel_loop3A_495 = arith.cmpi slt, %parallel_loop3A_485, %parallel_loop3A_494 : i32
        %parallel_loop3A_496 = vector.broadcast %parallel_loop3A_495 : i1 to vector<16xi1>
        %parallel_loop3A_497 = vector.broadcast %parallel_loop3A_496 : vector<16xi1> to vector<16xi1>
        %parallel_loop3A_498 = arith.xori %parallel_loop3A_493, %parallel_loop3A_497 : vector<16xi1>
        %parallel_loop3A_499 = arith.andi %parallel_loop3A_498, %parallel_loop3A_490 : vector<16xi1>
        %parallel_loop3A_500 = vector.broadcast %parallel_loop3A_485 : i32 to vector<16xi32>
        %parallel_loop3A_501 = arith.addi %parallel_loop3A_487, %parallel_loop3A_500 : vector<16xi32>
        %parallel_loop3A_502 = arith.select %parallel_loop3A_499, %parallel_loop3A_501, %parallel_loop3A_487 : vector<16xi1>, vector<16xi32>
        %parallel_loop3A_503 = vector.shape_cast %parallel_loop3A_502 : vector<16xi32> to vector<16x1xi32>
        %parallel_loop3A_504 = vector.shape_cast %parallel_loop3A_503 : vector<16x1xi32> to vector<16xi32>
        %parallel_loop3A_505 = tpu.dynamic_gather %parallel_loop3A_474[%parallel_loop3A_504] in [0] : vector<16xf32>, vector<16xi32> -> vector<16xf32>
        %parallel_loop3A_506 = arith.index_cast %parallel_loop3A_460 : i32 to index
        %parallel_loop3A_507 = arith.constant 0 : index
        %parallel_loop3A_508 = tpu.vector_load %arg18[%parallel_loop3A_506, %parallel_loop3A_507] {strides = array<i32>} : memref<40x144xf32, #tpu.memory_space<vmem>>, vector<1x16xf32>,
        %parallel_loop3A_509 = vector.shape_cast %parallel_loop3A_508 : vector<1x16xf32> to vector<16xf32>
        %parallel_loop3A_510 = arith.mulf %parallel_loop3A_509, %parallel_loop3A_505 : vector<16xf32>
        %parallel_loop3A_511 = arith.index_cast %parallel_loop3A_460 : i32 to index
        %parallel_loop3A_512 = arith.constant 0 : index
        %parallel_loop3A_513 = tpu.vector_load %arg18[%parallel_loop3A_511, %parallel_loop3A_512] {strides = array<i32>} : memref<40x144xf32, #tpu.memory_space<vmem>>, vector<1x16xf32>,
        %parallel_loop3A_514 = vector.shape_cast %parallel_loop3A_513 : vector<1x16xf32> to vector<16xf32>
        %parallel_loop3A_515 = vector.shape_cast %parallel_loop3A_510 : vector<16xf32> to vector<1x16xf32>
        tpu.vector_store %arg18[%parallel_loop3A_511, %parallel_loop3A_512], %parallel_loop3A_515 {strides = array<i32>} : memref<40x144xf32, #tpu.memory_space<vmem>>, vector<1x16xf32>,
        %parallel_loop3A_516 = arith.index_cast %parallel_loop3A_460 : i32 to index
        %parallel_loop3A_517 = arith.constant 16 : index
        %parallel_loop3A_518 = tpu.vector_load %arg18[%parallel_loop3A_516, %parallel_loop3A_517] {strides = array<i32>} : memref<40x144xf32, #tpu.memory_space<vmem>>, vector<1x16xf32>,
        %parallel_loop3A_519 = vector.shape_cast %parallel_loop3A_518 : vector<1x16xf32> to vector<16xf32>
        %parallel_loop3A_520 = arith.mulf %parallel_loop3A_519, %parallel_loop3A_505 : vector<16xf32>
        %parallel_loop3A_521 = arith.index_cast %parallel_loop3A_460 : i32 to index
        %parallel_loop3A_522 = arith.constant 16 : index
        %parallel_loop3A_523 = tpu.vector_load %arg18[%parallel_loop3A_521, %parallel_loop3A_522] {strides = array<i32>} : memref<40x144xf32, #tpu.memory_space<vmem>>, vector<1x16xf32>,
        %parallel_loop3A_524 = vector.shape_cast %parallel_loop3A_523 : vector<1x16xf32> to vector<16xf32>
        %parallel_loop3A_525 = vector.shape_cast %parallel_loop3A_520 : vector<16xf32> to vector<1x16xf32>
        tpu.vector_store %arg18[%parallel_loop3A_521, %parallel_loop3A_522], %parallel_loop3A_525 {strides = array<i32>} : memref<40x144xf32, #tpu.memory_space<vmem>>, vector<1x16xf32>,
        %parallel_loop3A_526 = arith.index_cast %parallel_loop3A_460 : i32 to index
        %parallel_loop3A_527 = arith.constant 32 : index
        %parallel_loop3A_528 = tpu.vector_load %arg18[%parallel_loop3A_526, %parallel_loop3A_527] {strides = array<i32>} : memref<40x144xf32, #tpu.memory_space<vmem>>, vector<1x16xf32>,
        %parallel_loop3A_529 = vector.shape_cast %parallel_loop3A_528 : vector<1x16xf32> to vector<16xf32>
        %parallel_loop3A_530 = arith.mulf %parallel_loop3A_529, %parallel_loop3A_505 : vector<16xf32>
        %parallel_loop3A_531 = arith.index_cast %parallel_loop3A_460 : i32 to index
        %parallel_loop3A_532 = arith.constant 32 : index
        %parallel_loop3A_533 = tpu.vector_load %arg18[%parallel_loop3A_531, %parallel_loop3A_532] {strides = array<i32>} : memref<40x144xf32, #tpu.memory_space<vmem>>, vector<1x16xf32>,
        %parallel_loop3A_534 = vector.shape_cast %parallel_loop3A_533 : vector<1x16xf32> to vector<16xf32>
        %parallel_loop3A_535 = vector.shape_cast %parallel_loop3A_530 : vector<16xf32> to vector<1x16xf32>
        tpu.vector_store %arg18[%parallel_loop3A_531, %parallel_loop3A_532], %parallel_loop3A_535 {strides = array<i32>} : memref<40x144xf32, #tpu.memory_space<vmem>>, vector<1x16xf32>,
        %parallel_loop3A_536 = arith.index_cast %parallel_loop3A_460 : i32 to index
        %parallel_loop3A_537 = arith.constant 48 : index
        %parallel_loop3A_538 = tpu.vector_load %arg18[%parallel_loop3A_536, %parallel_loop3A_537] {strides = array<i32>} : memref<40x144xf32, #tpu.memory_space<vmem>>, vector<1x16xf32>,
        %parallel_loop3A_539 = vector.shape_cast %parallel_loop3A_538 : vector<1x16xf32> to vector<16xf32>
        %parallel_loop3A_540 = arith.mulf %parallel_loop3A_539, %parallel_loop3A_505 : vector<16xf32>
        %parallel_loop3A_541 = arith.index_cast %parallel_loop3A_460 : i32 to index
        %parallel_loop3A_542 = arith.constant 48 : index
        %parallel_loop3A_543 = tpu.vector_load %arg18[%parallel_loop3A_541, %parallel_loop3A_542] {strides = array<i32>} : memref<40x144xf32, #tpu.memory_space<vmem>>, vector<1x16xf32>,
        %parallel_loop3A_544 = vector.shape_cast %parallel_loop3A_543 : vector<1x16xf32> to vector<16xf32>
        %parallel_loop3A_545 = vector.shape_cast %parallel_loop3A_540 : vector<16xf32> to vector<1x16xf32>
        tpu.vector_store %arg18[%parallel_loop3A_541, %parallel_loop3A_542], %parallel_loop3A_545 {strides = array<i32>} : memref<40x144xf32, #tpu.memory_space<vmem>>, vector<1x16xf32>,
        %parallel_loop3A_546 = arith.index_cast %parallel_loop3A_460 : i32 to index
        %parallel_loop3A_547 = arith.constant 64 : index
        %parallel_loop3A_548 = tpu.vector_load %arg18[%parallel_loop3A_546, %parallel_loop3A_547] {strides = array<i32>} : memref<40x144xf32, #tpu.memory_space<vmem>>, vector<1x16xf32>,
        %parallel_loop3A_549 = vector.shape_cast %parallel_loop3A_548 : vector<1x16xf32> to vector<16xf32>
        %parallel_loop3A_550 = arith.mulf %parallel_loop3A_549, %parallel_loop3A_505 : vector<16xf32>
        %parallel_loop3A_551 = arith.index_cast %parallel_loop3A_460 : i32 to index
        %parallel_loop3A_552 = arith.constant 64 : index
        %parallel_loop3A_553 = tpu.vector_load %arg18[%parallel_loop3A_551, %parallel_loop3A_552] {strides = array<i32>} : memref<40x144xf32, #tpu.memory_space<vmem>>, vector<1x16xf32>,
        %parallel_loop3A_554 = vector.shape_cast %parallel_loop3A_553 : vector<1x16xf32> to vector<16xf32>
        %parallel_loop3A_555 = vector.shape_cast %parallel_loop3A_550 : vector<16xf32> to vector<1x16xf32>
        tpu.vector_store %arg18[%parallel_loop3A_551, %parallel_loop3A_552], %parallel_loop3A_555 {strides = array<i32>} : memref<40x144xf32, #tpu.memory_space<vmem>>, vector<1x16xf32>,
        %parallel_loop3A_556 = arith.index_cast %parallel_loop3A_460 : i32 to index
        %parallel_loop3A_557 = arith.constant 80 : index
        %parallel_loop3A_558 = tpu.vector_load %arg18[%parallel_loop3A_556, %parallel_loop3A_557] {strides = array<i32>} : memref<40x144xf32, #tpu.memory_space<vmem>>, vector<1x16xf32>,
        %parallel_loop3A_559 = vector.shape_cast %parallel_loop3A_558 : vector<1x16xf32> to vector<16xf32>
        %parallel_loop3A_560 = arith.mulf %parallel_loop3A_559, %parallel_loop3A_505 : vector<16xf32>
        %parallel_loop3A_561 = arith.index_cast %parallel_loop3A_460 : i32 to index
        %parallel_loop3A_562 = arith.constant 80 : index
        %parallel_loop3A_563 = tpu.vector_load %arg18[%parallel_loop3A_561, %parallel_loop3A_562] {strides = array<i32>} : memref<40x144xf32, #tpu.memory_space<vmem>>, vector<1x16xf32>,
        %parallel_loop3A_564 = vector.shape_cast %parallel_loop3A_563 : vector<1x16xf32> to vector<16xf32>
        %parallel_loop3A_565 = vector.shape_cast %parallel_loop3A_560 : vector<16xf32> to vector<1x16xf32>
        tpu.vector_store %arg18[%parallel_loop3A_561, %parallel_loop3A_562], %parallel_loop3A_565 {strides = array<i32>} : memref<40x144xf32, #tpu.memory_space<vmem>>, vector<1x16xf32>,
        %parallel_loop3A_566 = arith.index_cast %parallel_loop3A_460 : i32 to index
        %parallel_loop3A_567 = arith.constant 96 : index
        %parallel_loop3A_568 = tpu.vector_load %arg18[%parallel_loop3A_566, %parallel_loop3A_567] {strides = array<i32>} : memref<40x144xf32, #tpu.memory_space<vmem>>, vector<1x16xf32>,
        %parallel_loop3A_569 = vector.shape_cast %parallel_loop3A_568 : vector<1x16xf32> to vector<16xf32>
        %parallel_loop3A_570 = arith.mulf %parallel_loop3A_569, %parallel_loop3A_505 : vector<16xf32>
        %parallel_loop3A_571 = arith.index_cast %parallel_loop3A_460 : i32 to index
        %parallel_loop3A_572 = arith.constant 96 : index
        %parallel_loop3A_573 = tpu.vector_load %arg18[%parallel_loop3A_571, %parallel_loop3A_572] {strides = array<i32>} : memref<40x144xf32, #tpu.memory_space<vmem>>, vector<1x16xf32>,
        %parallel_loop3A_574 = vector.shape_cast %parallel_loop3A_573 : vector<1x16xf32> to vector<16xf32>
        %parallel_loop3A_575 = vector.shape_cast %parallel_loop3A_570 : vector<16xf32> to vector<1x16xf32>
        tpu.vector_store %arg18[%parallel_loop3A_571, %parallel_loop3A_572], %parallel_loop3A_575 {strides = array<i32>} : memref<40x144xf32, #tpu.memory_space<vmem>>, vector<1x16xf32>,
        %parallel_loop3A_576 = arith.index_cast %parallel_loop3A_460 : i32 to index
        %parallel_loop3A_577 = arith.constant 112 : index
        %parallel_loop3A_578 = tpu.vector_load %arg18[%parallel_loop3A_576, %parallel_loop3A_577] {strides = array<i32>} : memref<40x144xf32, #tpu.memory_space<vmem>>, vector<1x16xf32>,
        %parallel_loop3A_579 = vector.shape_cast %parallel_loop3A_578 : vector<1x16xf32> to vector<16xf32>
        %parallel_loop3A_580 = arith.mulf %parallel_loop3A_579, %parallel_loop3A_505 : vector<16xf32>
        %parallel_loop3A_581 = arith.index_cast %parallel_loop3A_460 : i32 to index
        %parallel_loop3A_582 = arith.constant 112 : index
        %parallel_loop3A_583 = tpu.vector_load %arg18[%parallel_loop3A_581, %parallel_loop3A_582] {strides = array<i32>} : memref<40x144xf32, #tpu.memory_space<vmem>>, vector<1x16xf32>,
        %parallel_loop3A_584 = vector.shape_cast %parallel_loop3A_583 : vector<1x16xf32> to vector<16xf32>
        %parallel_loop3A_585 = vector.shape_cast %parallel_loop3A_580 : vector<16xf32> to vector<1x16xf32>
        tpu.vector_store %arg18[%parallel_loop3A_581, %parallel_loop3A_582], %parallel_loop3A_585 {strides = array<i32>} : memref<40x144xf32, #tpu.memory_space<vmem>>, vector<1x16xf32>,
      } {sc.loop_unroll_factor = 1 : i64, sc.parallel_access}
      %dma_start3A_286 = arith.constant 0 : i32
      %dma_start3A_287 = arith.constant 0 : i32
      %dma_start3A_288 = tpu.memref_slice %arg27[%dma_start3A_286, %dma_start3A_287] : memref<10000x144xf32, #tpu.memory_space<vmem_shared>> -> memref<10000x144xf32, #tpu.memory_space<vmem_shared>>
      tpu.enqueue_indirect_dma source(%arg18 : memref<40x144xf32, #tpu.memory_space<vmem>>) target(%dma_start3A_288 : memref<10000x144xf32, #tpu.memory_space<vmem_shared>>) offsets(%arg13 : memref<40xi32, #tpu.memory_space<vmem>>) semaphore(%arg39 : memref<!tpu.dma_semaphore, #tpu.memory_space<semaphore_mem>>) {add = true}
      %dma_wait3A_289 = arith.constant 0 : i32
      %dma_wait3A_290 = arith.constant 0 : i32
      %dma_wait3A_291 = tpu.memref_slice %arg9[%dma_wait3A_289, %dma_wait3A_290] : memref<2x40xi32, #tpu.memory_space<vmem>> -> memref<1x40xi32, #tpu.memory_space<vmem>>
      %dma_wait3A_292 = tpu.memref_squeeze %dma_wait3A_291 : memref<1x40xi32, #tpu.memory_space<vmem>> -> memref<40xi32, #tpu.memory_space<vmem>>
      %dma_wait3A_293 = arith.constant 0 : i32
      %dma_wait3A_294 = arith.constant 0 : i32
      %dma_wait3A_295 = tpu.memref_slice %arg3[%dma_wait3A_293, %dma_wait3A_294] : memref<10000x144xf32, #tpu.memory_space<hbm>> -> memref<10000x144xf32, #tpu.memory_space<hbm>>
      tpu.wait_indirect_dma semaphore(%arg35 : memref<!tpu.dma_semaphore, #tpu.memory_space<semaphore_mem>>) src(%dma_wait3A_295 : memref<10000x144xf32, #tpu.memory_space<hbm>>) dst(%arg19 : memref<40x144xf32, #tpu.memory_space<vmem>>)
      %dma_wait3A_296 = arith.constant 1 : i32
      %dma_wait3A_297 = arith.constant 0 : i32
      %dma_wait3A_298 = tpu.memref_slice %arg9[%dma_wait3A_296, %dma_wait3A_297] : memref<2x40xi32, #tpu.memory_space<vmem>> -> memref<1x40xi32, #tpu.memory_space<vmem>>
      %dma_wait3A_299 = tpu.memref_squeeze %dma_wait3A_298 : memref<1x40xi32, #tpu.memory_space<vmem>> -> memref<40xi32, #tpu.memory_space<vmem>>
      %dma_wait3A_300 = arith.constant 0 : i32
      %dma_wait3A_301 = arith.constant 0 : i32
      %dma_wait3A_302 = tpu.memref_slice %arg4[%dma_wait3A_300, %dma_wait3A_301] : memref<10000x16xf32, #tpu.memory_space<hbm>> -> memref<10000x16xf32, #tpu.memory_space<hbm>>
      tpu.wait_indirect_dma semaphore(%arg35 : memref<!tpu.dma_semaphore, #tpu.memory_space<semaphore_mem>>) src(%dma_wait3A_302 : memref<10000x16xf32, #tpu.memory_space<hbm>>) dst(%arg24 : memref<40x16xf32, #tpu.memory_space<vmem>>)
      %get3A_303 = arith.constant 1 : i32
      %get3A_304 = arith.index_cast %get3A_303 : i32 to index
      %get3A_305 = arith.constant 0 : index
      %get3A_306 = tpu.vector_load %arg9[%get3A_304, %get3A_305] {strides = array<i32>} : memref<2x40xi32, #tpu.memory_space<vmem>>, vector<1x16xi32>,
      %get3A_307 = vector.shape_cast %get3A_306 : vector<1x16xi32> to vector<16xi32>
      %swap3A_308 = arith.constant 0 : index
      %swap3A_309 = tpu.vector_load %arg14[%swap3A_308] {strides = array<i32>} : memref<40xi32, #tpu.memory_space<vmem>>, vector<16xi32>,
      %swap3A_310 = vector.shape_cast %swap3A_309 : vector<16xi32> to vector<16xi32>
      %swap3A_311 = vector.shape_cast %get3A_307 : vector<16xi32> to vector<16xi32>
      tpu.vector_store %arg14[%swap3A_308], %swap3A_311 {strides = array<i32>} : memref<40xi32, #tpu.memory_space<vmem>>, vector<16xi32>,
      %get3A_312 = arith.constant 1 : i32
      %get3A_313 = arith.index_cast %get3A_312 : i32 to index
      %get3A_314 = arith.constant 16 : index
      %get3A_315 = tpu.vector_load %arg9[%get3A_313, %get3A_314] {strides = array<i32>} : memref<2x40xi32, #tpu.memory_space<vmem>>, vector<1x16xi32>,
      %get3A_316 = vector.shape_cast %get3A_315 : vector<1x16xi32> to vector<16xi32>
      %swap3A_317 = arith.constant 16 : index
      %swap3A_318 = tpu.vector_load %arg14[%swap3A_317] {strides = array<i32>} : memref<40xi32, #tpu.memory_space<vmem>>, vector<16xi32>,
      %swap3A_319 = vector.shape_cast %swap3A_318 : vector<16xi32> to vector<16xi32>
      %swap3A_320 = vector.shape_cast %get3A_316 : vector<16xi32> to vector<16xi32>
      tpu.vector_store %arg14[%swap3A_317], %swap3A_320 {strides = array<i32>} : memref<40xi32, #tpu.memory_space<vmem>>, vector<16xi32>,
      %get3A_321 = arith.constant 1 : i32
      %get3A_322 = arith.index_cast %get3A_321 : i32 to index
      %get3A_323 = arith.constant 24 : index
      %get3A_324 = tpu.vector_load %arg9[%get3A_322, %get3A_323] {strides = array<i32>} : memref<2x40xi32, #tpu.memory_space<vmem>>, vector<1x16xi32>,
      %get3A_325 = vector.shape_cast %get3A_324 : vector<1x16xi32> to vector<16xi32>
      %swap3A_326 = arith.constant 24 : index
      %swap3A_327 = tpu.vector_load %arg14[%swap3A_326] {strides = array<i32>} : memref<40xi32, #tpu.memory_space<vmem>>, vector<16xi32>,
      %swap3A_328 = vector.shape_cast %swap3A_327 : vector<16xi32> to vector<16xi32>
      %swap3A_329 = vector.shape_cast %get3A_325 : vector<16xi32> to vector<16xi32>
      tpu.vector_store %arg14[%swap3A_326], %swap3A_329 {strides = array<i32>} : memref<40xi32, #tpu.memory_space<vmem>>, vector<16xi32>,
      %lt3A_330 = arith.constant 49 : i32
      %lt3A_331 = arith.cmpi slt, %add3A_137, %lt3A_330 : i32
      %convert_element_type3A_332 = arith.extui %lt3A_331 : i1 to i32
      %cond3A_333 = arith.constant 0 : i32
      %cond3A_334 = arith.cmpi ne, %convert_element_type3A_332, %cond3A_333 : i32
      scf.if %cond3A_334 {
        %dma_wait3A_460 = arith.constant 0 : i32
        %dma_wait3A_461 = arith.constant 0 : i32
        %dma_wait3A_462 = tpu.memref_slice %arg27[%dma_wait3A_460, %dma_wait3A_461] : memref<10000x144xf32, #tpu.memory_space<vmem_shared>> -> memref<10000x144xf32, #tpu.memory_space<vmem_shared>>
        tpu.wait_indirect_dma semaphore(%arg38 : memref<!tpu.dma_semaphore, #tpu.memory_space<semaphore_mem>>) src(%arg17 : memref<40x144xf32, #tpu.memory_space<vmem>>) dst(%dma_wait3A_462 : memref<10000x144xf32, #tpu.memory_space<vmem_shared>>)
        %dma_wait3A_463 = arith.constant 0 : i32
        %dma_wait3A_464 = arith.constant 0 : i32
        %dma_wait3A_465 = tpu.memref_slice %arg2[%add3A, %dma_wait3A_463, %dma_wait3A_464] : memref<32x2x10000xi32, #tpu.memory_space<hbm>> -> memref<1x2x40xi32, #tpu.memory_space<hbm>>
        %dma_wait3A_466 = tpu.memref_squeeze %dma_wait3A_465 : memref<1x2x40xi32, #tpu.memory_space<hbm>> -> memref<2x40xi32, #tpu.memory_space<hbm>>
        %dma_wait3A_467 = arith.constant 0 : i32
        %dma_wait3A_468 = arith.constant 0 : i32
        %dma_wait3A_469 = tpu.memref_slice %arg2[%add3A, %dma_wait3A_467, %dma_wait3A_468] : memref<32x2x10000xi32, #tpu.memory_space<hbm>> -> memref<1x2x40xi32, #tpu.memory_space<hbm>>
        %dma_wait3A_470 = tpu.memref_squeeze %dma_wait3A_469 : memref<1x2x40xi32, #tpu.memory_space<hbm>> -> memref<2x40xi32, #tpu.memory_space<hbm>>
        tpu.wait_dma2 semaphore(%arg28 : memref<!tpu.dma_semaphore, #tpu.memory_space<semaphore_mem>>) src(%dma_wait3A_470 : memref<2x40xi32, #tpu.memory_space<hbm>>) dst(%arg7 : memref<2x40xi32, #tpu.memory_space<vmem>>)
        %dma_start3A_471 = arith.constant 0 : i32
        %dma_start3A_472 = arith.constant 0 : i32
        %dma_start3A_473 = tpu.memref_slice %arg7[%dma_start3A_471, %dma_start3A_472] : memref<2x40xi32, #tpu.memory_space<vmem>> -> memref<1x40xi32, #tpu.memory_space<vmem>>
        %dma_start3A_474 = tpu.memref_squeeze %dma_start3A_473 : memref<1x40xi32, #tpu.memory_space<vmem>> -> memref<40xi32, #tpu.memory_space<vmem>>
        %dma_start3A_475 = arith.constant 0 : i32
        %dma_start3A_476 = arith.constant 0 : i32
        %dma_start3A_477 = tpu.memref_slice %arg3[%dma_start3A_475, %dma_start3A_476] : memref<10000x144xf32, #tpu.memory_space<hbm>> -> memref<10000x144xf32, #tpu.memory_space<hbm>>
        tpu.enqueue_indirect_dma source(%dma_start3A_477 : memref<10000x144xf32, #tpu.memory_space<hbm>>) target(%arg17 : memref<40x144xf32, #tpu.memory_space<vmem>>) offsets(%dma_start3A_474 : memref<40xi32, #tpu.memory_space<vmem>>) semaphore(%arg33 : memref<!tpu.dma_semaphore, #tpu.memory_space<semaphore_mem>>)
        %dma_start3A_478 = arith.constant 1 : i32
        %dma_start3A_479 = arith.constant 0 : i32
        %dma_start3A_480 = tpu.memref_slice %arg7[%dma_start3A_478, %dma_start3A_479] : memref<2x40xi32, #tpu.memory_space<vmem>> -> memref<1x40xi32, #tpu.memory_space<vmem>>
        %dma_start3A_481 = tpu.memref_squeeze %dma_start3A_480 : memref<1x40xi32, #tpu.memory_space<vmem>> -> memref<40xi32, #tpu.memory_space<vmem>>
        %dma_start3A_482 = arith.constant 0 : i32
        %dma_start3A_483 = arith.constant 0 : i32
        %dma_start3A_484 = tpu.memref_slice %arg4[%dma_start3A_482, %dma_start3A_483] : memref<10000x16xf32, #tpu.memory_space<hbm>> -> memref<10000x16xf32, #tpu.memory_space<hbm>>
        tpu.enqueue_indirect_dma source(%dma_start3A_484 : memref<10000x16xf32, #tpu.memory_space<hbm>>) target(%arg22 : memref<40x16xf32, #tpu.memory_space<vmem>>) offsets(%dma_start3A_481 : memref<40xi32, #tpu.memory_space<vmem>>) semaphore(%arg33 : memref<!tpu.dma_semaphore, #tpu.memory_space<semaphore_mem>>)
      } else {
      }
      %lt3A_335 = arith.constant 49 : i32
      %lt3A_336 = arith.cmpi slt, %add3A_137, %lt3A_335 : i32
      %convert_element_type3A_337 = arith.extui %lt3A_336 : i1 to i32
      %cond3A_338 = arith.constant 0 : i32
      %cond3A_339 = arith.cmpi ne, %convert_element_type3A_337, %cond3A_338 : i32
      scf.if %cond3A_339 {
        %mul3A_460 = arith.constant 5 : i32
        %mul3A_461 = arith.muli %mul3A_460, %add3A_137 : i32
        %add3A_462 = arith.constant 2 : i32
        %add3A_463 = arith.addi %mul3A_461, %add3A_462 : i32
        %add3A_464 = arith.constant 5 : i32
        %add3A_465 = arith.addi %add3A_463, %add3A_464 : i32
        %mul3A_466 = arith.constant 40 : i32
        %mul3A_467 = arith.muli %add3A_465, %mul3A_466 : i32
        %dma_start3A_468 = arith.constant 0 : i32
        %dma_start3A_469 = tpu.memref_slice %arg2[%add3A, %dma_start3A_468, %mul3A_467] : memref<32x2x10000xi32, #tpu.memory_space<hbm>> -> memref<1x2x40xi32, #tpu.memory_space<hbm>>
        %dma_start3A_470 = tpu.memref_squeeze %dma_start3A_469 : memref<1x2x40xi32, #tpu.memory_space<hbm>> -> memref<2x40xi32, #tpu.memory_space<hbm>>
        %dma_start3A_471 = arith.constant 0 : i32
        %dma_start3A_472 = tpu.memref_slice %arg2[%add3A, %dma_start3A_471, %mul3A_467] : memref<32x2x10000xi32, #tpu.memory_space<hbm>> -> memref<1x2x40xi32, #tpu.memory_space<hbm>>
        %dma_start3A_473 = tpu.memref_squeeze %dma_start3A_472 : memref<1x2x40xi32, #tpu.memory_space<hbm>> -> memref<2x40xi32, #tpu.memory_space<hbm>>
        tpu.enqueue_dma source(%dma_start3A_473 : memref<2x40xi32, #tpu.memory_space<hbm>>) target(%arg9 : memref<2x40xi32, #tpu.memory_space<vmem>>) target_semaphore(%arg30 : memref<!tpu.dma_semaphore, #tpu.memory_space<semaphore_mem>>)
      } else {
      }
      %parallel_loop3A_340 = arith.constant 0 : i32
      %parallel_loop3A_341 = arith.constant 40 : i32
      %parallel_loop3A_342 = arith.constant 1 : i32
      scf.for %parallel_loop3A_460 = %parallel_loop3A_340 to %parallel_loop3A_341 step %parallel_loop3A_342  : i32 {
        %parallel_loop3A_461 = arith.index_cast %parallel_loop3A_460 : i32 to index
        %parallel_loop3A_462 = arith.constant 128 : index
        %parallel_loop3A_463 = tpu.vector_load %arg19[%parallel_loop3A_461, %parallel_loop3A_462] {strides = array<i32>} : memref<40x144xf32, #tpu.memory_space<vmem>>, vector<1x16xf32>,
        %parallel_loop3A_464 = vector.shape_cast %parallel_loop3A_463 : vector<1x16xf32> to vector<16xf32>
        %parallel_loop3A_465 = arith.index_cast %parallel_loop3A_460 : i32 to index
        %parallel_loop3A_466 = arith.constant 0 : index
        %parallel_loop3A_467 = tpu.vector_load %arg24[%parallel_loop3A_465, %parallel_loop3A_466] {strides = array<i32>} : memref<40x16xf32, #tpu.memory_space<vmem>>, vector<1x16xf32>,
        %parallel_loop3A_468 = vector.shape_cast %parallel_loop3A_467 : vector<1x16xf32> to vector<16xf32>
        %parallel_loop3A_469 = arith.addf %parallel_loop3A_464, %parallel_loop3A_468 : vector<16xf32>
        %parallel_loop3A_470 = arith.constant 2.000000e-01 : f32
        %parallel_loop3A_471 = vector.broadcast %parallel_loop3A_470 : f32 to vector<16xf32>
        %parallel_loop3A_472 = arith.mulf %parallel_loop3A_469, %parallel_loop3A_471 : vector<16xf32>
        %parallel_loop3A_473 = arith.maximumf %parallel_loop3A_469, %parallel_loop3A_472 : vector<16xf32>
        %parallel_loop3A_474 = math.exp %parallel_loop3A_473 : vector<16xf32>
        %parallel_loop3A_475 = arith.index_cast %parallel_loop3A_460 : i32 to index
        %parallel_loop3A_476 = arith.constant 128 : index
        %parallel_loop3A_477 = tpu.vector_load %arg19[%parallel_loop3A_475, %parallel_loop3A_476] {strides = array<i32>} : memref<40x144xf32, #tpu.memory_space<vmem>>, vector<1x16xf32>,
        %parallel_loop3A_478 = vector.shape_cast %parallel_loop3A_477 : vector<1x16xf32> to vector<16xf32>
        %parallel_loop3A_479 = vector.shape_cast %parallel_loop3A_474 : vector<16xf32> to vector<1x16xf32>
        tpu.vector_store %arg19[%parallel_loop3A_475, %parallel_loop3A_476], %parallel_loop3A_479 {strides = array<i32>} : memref<40x144xf32, #tpu.memory_space<vmem>>, vector<1x16xf32>,
        %parallel_loop3A_480 = tpu.iota {dimensions = array<i32: 0>} : vector<16xi32>
        %parallel_loop3A_481 = arith.constant 8 : i32
        %parallel_loop3A_482 = arith.constant 0 : i32
        %parallel_loop3A_483 = arith.cmpi eq, %parallel_loop3A_481, %parallel_loop3A_482 : i32
        %parallel_loop3A_484 = arith.constant 1 : i32
        %parallel_loop3A_485 = arith.select %parallel_loop3A_483, %parallel_loop3A_484, %parallel_loop3A_481 : i32
        %parallel_loop3A_486 = vector.broadcast %parallel_loop3A_485 : i32 to vector<16xi32>
        %parallel_loop3A_487 = arith.remsi %parallel_loop3A_480, %parallel_loop3A_486 : vector<16xi32>
        %parallel_loop3A_488 = arith.constant 0 : i32
        %parallel_loop3A_489 = vector.broadcast %parallel_loop3A_488 : i32 to vector<16xi32>
        %parallel_loop3A_490 = arith.cmpi ne, %parallel_loop3A_487, %parallel_loop3A_489 : vector<16xi32>
        %parallel_loop3A_491 = arith.constant 0 : i32
        %parallel_loop3A_492 = vector.broadcast %parallel_loop3A_491 : i32 to vector<16xi32>
        %parallel_loop3A_493 = arith.cmpi slt, %parallel_loop3A_487, %parallel_loop3A_492 : vector<16xi32>
        %parallel_loop3A_494 = arith.constant 0 : i32
        %parallel_loop3A_495 = arith.cmpi slt, %parallel_loop3A_485, %parallel_loop3A_494 : i32
        %parallel_loop3A_496 = vector.broadcast %parallel_loop3A_495 : i1 to vector<16xi1>
        %parallel_loop3A_497 = vector.broadcast %parallel_loop3A_496 : vector<16xi1> to vector<16xi1>
        %parallel_loop3A_498 = arith.xori %parallel_loop3A_493, %parallel_loop3A_497 : vector<16xi1>
        %parallel_loop3A_499 = arith.andi %parallel_loop3A_498, %parallel_loop3A_490 : vector<16xi1>
        %parallel_loop3A_500 = vector.broadcast %parallel_loop3A_485 : i32 to vector<16xi32>
        %parallel_loop3A_501 = arith.addi %parallel_loop3A_487, %parallel_loop3A_500 : vector<16xi32>
        %parallel_loop3A_502 = arith.select %parallel_loop3A_499, %parallel_loop3A_501, %parallel_loop3A_487 : vector<16xi1>, vector<16xi32>
        %parallel_loop3A_503 = vector.shape_cast %parallel_loop3A_502 : vector<16xi32> to vector<16x1xi32>
        %parallel_loop3A_504 = vector.shape_cast %parallel_loop3A_503 : vector<16x1xi32> to vector<16xi32>
        %parallel_loop3A_505 = tpu.dynamic_gather %parallel_loop3A_474[%parallel_loop3A_504] in [0] : vector<16xf32>, vector<16xi32> -> vector<16xf32>
        %parallel_loop3A_506 = arith.index_cast %parallel_loop3A_460 : i32 to index
        %parallel_loop3A_507 = arith.constant 0 : index
        %parallel_loop3A_508 = tpu.vector_load %arg19[%parallel_loop3A_506, %parallel_loop3A_507] {strides = array<i32>} : memref<40x144xf32, #tpu.memory_space<vmem>>, vector<1x16xf32>,
        %parallel_loop3A_509 = vector.shape_cast %parallel_loop3A_508 : vector<1x16xf32> to vector<16xf32>
        %parallel_loop3A_510 = arith.mulf %parallel_loop3A_509, %parallel_loop3A_505 : vector<16xf32>
        %parallel_loop3A_511 = arith.index_cast %parallel_loop3A_460 : i32 to index
        %parallel_loop3A_512 = arith.constant 0 : index
        %parallel_loop3A_513 = tpu.vector_load %arg19[%parallel_loop3A_511, %parallel_loop3A_512] {strides = array<i32>} : memref<40x144xf32, #tpu.memory_space<vmem>>, vector<1x16xf32>,
        %parallel_loop3A_514 = vector.shape_cast %parallel_loop3A_513 : vector<1x16xf32> to vector<16xf32>
        %parallel_loop3A_515 = vector.shape_cast %parallel_loop3A_510 : vector<16xf32> to vector<1x16xf32>
        tpu.vector_store %arg19[%parallel_loop3A_511, %parallel_loop3A_512], %parallel_loop3A_515 {strides = array<i32>} : memref<40x144xf32, #tpu.memory_space<vmem>>, vector<1x16xf32>,
        %parallel_loop3A_516 = arith.index_cast %parallel_loop3A_460 : i32 to index
        %parallel_loop3A_517 = arith.constant 16 : index
        %parallel_loop3A_518 = tpu.vector_load %arg19[%parallel_loop3A_516, %parallel_loop3A_517] {strides = array<i32>} : memref<40x144xf32, #tpu.memory_space<vmem>>, vector<1x16xf32>,
        %parallel_loop3A_519 = vector.shape_cast %parallel_loop3A_518 : vector<1x16xf32> to vector<16xf32>
        %parallel_loop3A_520 = arith.mulf %parallel_loop3A_519, %parallel_loop3A_505 : vector<16xf32>
        %parallel_loop3A_521 = arith.index_cast %parallel_loop3A_460 : i32 to index
        %parallel_loop3A_522 = arith.constant 16 : index
        %parallel_loop3A_523 = tpu.vector_load %arg19[%parallel_loop3A_521, %parallel_loop3A_522] {strides = array<i32>} : memref<40x144xf32, #tpu.memory_space<vmem>>, vector<1x16xf32>,
        %parallel_loop3A_524 = vector.shape_cast %parallel_loop3A_523 : vector<1x16xf32> to vector<16xf32>
        %parallel_loop3A_525 = vector.shape_cast %parallel_loop3A_520 : vector<16xf32> to vector<1x16xf32>
        tpu.vector_store %arg19[%parallel_loop3A_521, %parallel_loop3A_522], %parallel_loop3A_525 {strides = array<i32>} : memref<40x144xf32, #tpu.memory_space<vmem>>, vector<1x16xf32>,
        %parallel_loop3A_526 = arith.index_cast %parallel_loop3A_460 : i32 to index
        %parallel_loop3A_527 = arith.constant 32 : index
        %parallel_loop3A_528 = tpu.vector_load %arg19[%parallel_loop3A_526, %parallel_loop3A_527] {strides = array<i32>} : memref<40x144xf32, #tpu.memory_space<vmem>>, vector<1x16xf32>,
        %parallel_loop3A_529 = vector.shape_cast %parallel_loop3A_528 : vector<1x16xf32> to vector<16xf32>
        %parallel_loop3A_530 = arith.mulf %parallel_loop3A_529, %parallel_loop3A_505 : vector<16xf32>
        %parallel_loop3A_531 = arith.index_cast %parallel_loop3A_460 : i32 to index
        %parallel_loop3A_532 = arith.constant 32 : index
        %parallel_loop3A_533 = tpu.vector_load %arg19[%parallel_loop3A_531, %parallel_loop3A_532] {strides = array<i32>} : memref<40x144xf32, #tpu.memory_space<vmem>>, vector<1x16xf32>,
        %parallel_loop3A_534 = vector.shape_cast %parallel_loop3A_533 : vector<1x16xf32> to vector<16xf32>
        %parallel_loop3A_535 = vector.shape_cast %parallel_loop3A_530 : vector<16xf32> to vector<1x16xf32>
        tpu.vector_store %arg19[%parallel_loop3A_531, %parallel_loop3A_532], %parallel_loop3A_535 {strides = array<i32>} : memref<40x144xf32, #tpu.memory_space<vmem>>, vector<1x16xf32>,
        %parallel_loop3A_536 = arith.index_cast %parallel_loop3A_460 : i32 to index
        %parallel_loop3A_537 = arith.constant 48 : index
        %parallel_loop3A_538 = tpu.vector_load %arg19[%parallel_loop3A_536, %parallel_loop3A_537] {strides = array<i32>} : memref<40x144xf32, #tpu.memory_space<vmem>>, vector<1x16xf32>,
        %parallel_loop3A_539 = vector.shape_cast %parallel_loop3A_538 : vector<1x16xf32> to vector<16xf32>
        %parallel_loop3A_540 = arith.mulf %parallel_loop3A_539, %parallel_loop3A_505 : vector<16xf32>
        %parallel_loop3A_541 = arith.index_cast %parallel_loop3A_460 : i32 to index
        %parallel_loop3A_542 = arith.constant 48 : index
        %parallel_loop3A_543 = tpu.vector_load %arg19[%parallel_loop3A_541, %parallel_loop3A_542] {strides = array<i32>} : memref<40x144xf32, #tpu.memory_space<vmem>>, vector<1x16xf32>,
        %parallel_loop3A_544 = vector.shape_cast %parallel_loop3A_543 : vector<1x16xf32> to vector<16xf32>
        %parallel_loop3A_545 = vector.shape_cast %parallel_loop3A_540 : vector<16xf32> to vector<1x16xf32>
        tpu.vector_store %arg19[%parallel_loop3A_541, %parallel_loop3A_542], %parallel_loop3A_545 {strides = array<i32>} : memref<40x144xf32, #tpu.memory_space<vmem>>, vector<1x16xf32>,
        %parallel_loop3A_546 = arith.index_cast %parallel_loop3A_460 : i32 to index
        %parallel_loop3A_547 = arith.constant 64 : index
        %parallel_loop3A_548 = tpu.vector_load %arg19[%parallel_loop3A_546, %parallel_loop3A_547] {strides = array<i32>} : memref<40x144xf32, #tpu.memory_space<vmem>>, vector<1x16xf32>,
        %parallel_loop3A_549 = vector.shape_cast %parallel_loop3A_548 : vector<1x16xf32> to vector<16xf32>
        %parallel_loop3A_550 = arith.mulf %parallel_loop3A_549, %parallel_loop3A_505 : vector<16xf32>
        %parallel_loop3A_551 = arith.index_cast %parallel_loop3A_460 : i32 to index
        %parallel_loop3A_552 = arith.constant 64 : index
        %parallel_loop3A_553 = tpu.vector_load %arg19[%parallel_loop3A_551, %parallel_loop3A_552] {strides = array<i32>} : memref<40x144xf32, #tpu.memory_space<vmem>>, vector<1x16xf32>,
        %parallel_loop3A_554 = vector.shape_cast %parallel_loop3A_553 : vector<1x16xf32> to vector<16xf32>
        %parallel_loop3A_555 = vector.shape_cast %parallel_loop3A_550 : vector<16xf32> to vector<1x16xf32>
        tpu.vector_store %arg19[%parallel_loop3A_551, %parallel_loop3A_552], %parallel_loop3A_555 {strides = array<i32>} : memref<40x144xf32, #tpu.memory_space<vmem>>, vector<1x16xf32>,
        %parallel_loop3A_556 = arith.index_cast %parallel_loop3A_460 : i32 to index
        %parallel_loop3A_557 = arith.constant 80 : index
        %parallel_loop3A_558 = tpu.vector_load %arg19[%parallel_loop3A_556, %parallel_loop3A_557] {strides = array<i32>} : memref<40x144xf32, #tpu.memory_space<vmem>>, vector<1x16xf32>,
        %parallel_loop3A_559 = vector.shape_cast %parallel_loop3A_558 : vector<1x16xf32> to vector<16xf32>
        %parallel_loop3A_560 = arith.mulf %parallel_loop3A_559, %parallel_loop3A_505 : vector<16xf32>
        %parallel_loop3A_561 = arith.index_cast %parallel_loop3A_460 : i32 to index
        %parallel_loop3A_562 = arith.constant 80 : index
        %parallel_loop3A_563 = tpu.vector_load %arg19[%parallel_loop3A_561, %parallel_loop3A_562] {strides = array<i32>} : memref<40x144xf32, #tpu.memory_space<vmem>>, vector<1x16xf32>,
        %parallel_loop3A_564 = vector.shape_cast %parallel_loop3A_563 : vector<1x16xf32> to vector<16xf32>
        %parallel_loop3A_565 = vector.shape_cast %parallel_loop3A_560 : vector<16xf32> to vector<1x16xf32>
        tpu.vector_store %arg19[%parallel_loop3A_561, %parallel_loop3A_562], %parallel_loop3A_565 {strides = array<i32>} : memref<40x144xf32, #tpu.memory_space<vmem>>, vector<1x16xf32>,
        %parallel_loop3A_566 = arith.index_cast %parallel_loop3A_460 : i32 to index
        %parallel_loop3A_567 = arith.constant 96 : index
        %parallel_loop3A_568 = tpu.vector_load %arg19[%parallel_loop3A_566, %parallel_loop3A_567] {strides = array<i32>} : memref<40x144xf32, #tpu.memory_space<vmem>>, vector<1x16xf32>,
        %parallel_loop3A_569 = vector.shape_cast %parallel_loop3A_568 : vector<1x16xf32> to vector<16xf32>
        %parallel_loop3A_570 = arith.mulf %parallel_loop3A_569, %parallel_loop3A_505 : vector<16xf32>
        %parallel_loop3A_571 = arith.index_cast %parallel_loop3A_460 : i32 to index
        %parallel_loop3A_572 = arith.constant 96 : index
        %parallel_loop3A_573 = tpu.vector_load %arg19[%parallel_loop3A_571, %parallel_loop3A_572] {strides = array<i32>} : memref<40x144xf32, #tpu.memory_space<vmem>>, vector<1x16xf32>,
        %parallel_loop3A_574 = vector.shape_cast %parallel_loop3A_573 : vector<1x16xf32> to vector<16xf32>
        %parallel_loop3A_575 = vector.shape_cast %parallel_loop3A_570 : vector<16xf32> to vector<1x16xf32>
        tpu.vector_store %arg19[%parallel_loop3A_571, %parallel_loop3A_572], %parallel_loop3A_575 {strides = array<i32>} : memref<40x144xf32, #tpu.memory_space<vmem>>, vector<1x16xf32>,
        %parallel_loop3A_576 = arith.index_cast %parallel_loop3A_460 : i32 to index
        %parallel_loop3A_577 = arith.constant 112 : index
        %parallel_loop3A_578 = tpu.vector_load %arg19[%parallel_loop3A_576, %parallel_loop3A_577] {strides = array<i32>} : memref<40x144xf32, #tpu.memory_space<vmem>>, vector<1x16xf32>,
        %parallel_loop3A_579 = vector.shape_cast %parallel_loop3A_578 : vector<1x16xf32> to vector<16xf32>
        %parallel_loop3A_580 = arith.mulf %parallel_loop3A_579, %parallel_loop3A_505 : vector<16xf32>
        %parallel_loop3A_581 = arith.index_cast %parallel_loop3A_460 : i32 to index
        %parallel_loop3A_582 = arith.constant 112 : index
        %parallel_loop3A_583 = tpu.vector_load %arg19[%parallel_loop3A_581, %parallel_loop3A_582] {strides = array<i32>} : memref<40x144xf32, #tpu.memory_space<vmem>>, vector<1x16xf32>,
        %parallel_loop3A_584 = vector.shape_cast %parallel_loop3A_583 : vector<1x16xf32> to vector<16xf32>
        %parallel_loop3A_585 = vector.shape_cast %parallel_loop3A_580 : vector<16xf32> to vector<1x16xf32>
        tpu.vector_store %arg19[%parallel_loop3A_581, %parallel_loop3A_582], %parallel_loop3A_585 {strides = array<i32>} : memref<40x144xf32, #tpu.memory_space<vmem>>, vector<1x16xf32>,
      } {sc.loop_unroll_factor = 1 : i64, sc.parallel_access}
      %dma_start3A_343 = arith.constant 0 : i32
      %dma_start3A_344 = arith.constant 0 : i32
      %dma_start3A_345 = tpu.memref_slice %arg27[%dma_start3A_343, %dma_start3A_344] : memref<10000x144xf32, #tpu.memory_space<vmem_shared>> -> memref<10000x144xf32, #tpu.memory_space<vmem_shared>>
      tpu.enqueue_indirect_dma source(%arg19 : memref<40x144xf32, #tpu.memory_space<vmem>>) target(%dma_start3A_345 : memref<10000x144xf32, #tpu.memory_space<vmem_shared>>) offsets(%arg14 : memref<40xi32, #tpu.memory_space<vmem>>) semaphore(%arg40 : memref<!tpu.dma_semaphore, #tpu.memory_space<semaphore_mem>>) {add = true}
      %dma_wait3A_346 = arith.constant 0 : i32
      %dma_wait3A_347 = arith.constant 0 : i32
      %dma_wait3A_348 = tpu.memref_slice %arg10[%dma_wait3A_346, %dma_wait3A_347] : memref<2x40xi32, #tpu.memory_space<vmem>> -> memref<1x40xi32, #tpu.memory_space<vmem>>
      %dma_wait3A_349 = tpu.memref_squeeze %dma_wait3A_348 : memref<1x40xi32, #tpu.memory_space<vmem>> -> memref<40xi32, #tpu.memory_space<vmem>>
      %dma_wait3A_350 = arith.constant 0 : i32
      %dma_wait3A_351 = arith.constant 0 : i32
      %dma_wait3A_352 = tpu.memref_slice %arg3[%dma_wait3A_350, %dma_wait3A_351] : memref<10000x144xf32, #tpu.memory_space<hbm>> -> memref<10000x144xf32, #tpu.memory_space<hbm>>
      tpu.wait_indirect_dma semaphore(%arg36 : memref<!tpu.dma_semaphore, #tpu.memory_space<semaphore_mem>>) src(%dma_wait3A_352 : memref<10000x144xf32, #tpu.memory_space<hbm>>) dst(%arg20 : memref<40x144xf32, #tpu.memory_space<vmem>>)
      %dma_wait3A_353 = arith.constant 1 : i32
      %dma_wait3A_354 = arith.constant 0 : i32
      %dma_wait3A_355 = tpu.memref_slice %arg10[%dma_wait3A_353, %dma_wait3A_354] : memref<2x40xi32, #tpu.memory_space<vmem>> -> memref<1x40xi32, #tpu.memory_space<vmem>>
      %dma_wait3A_356 = tpu.memref_squeeze %dma_wait3A_355 : memref<1x40xi32, #tpu.memory_space<vmem>> -> memref<40xi32, #tpu.memory_space<vmem>>
      %dma_wait3A_357 = arith.constant 0 : i32
      %dma_wait3A_358 = arith.constant 0 : i32
      %dma_wait3A_359 = tpu.memref_slice %arg4[%dma_wait3A_357, %dma_wait3A_358] : memref<10000x16xf32, #tpu.memory_space<hbm>> -> memref<10000x16xf32, #tpu.memory_space<hbm>>
      tpu.wait_indirect_dma semaphore(%arg36 : memref<!tpu.dma_semaphore, #tpu.memory_space<semaphore_mem>>) src(%dma_wait3A_359 : memref<10000x16xf32, #tpu.memory_space<hbm>>) dst(%arg25 : memref<40x16xf32, #tpu.memory_space<vmem>>)
      %get3A_360 = arith.constant 1 : i32
      %get3A_361 = arith.index_cast %get3A_360 : i32 to index
      %get3A_362 = arith.constant 0 : index
      %get3A_363 = tpu.vector_load %arg10[%get3A_361, %get3A_362] {strides = array<i32>} : memref<2x40xi32, #tpu.memory_space<vmem>>, vector<1x16xi32>,
      %get3A_364 = vector.shape_cast %get3A_363 : vector<1x16xi32> to vector<16xi32>
      %swap3A_365 = arith.constant 0 : index
      %swap3A_366 = tpu.vector_load %arg15[%swap3A_365] {strides = array<i32>} : memref<40xi32, #tpu.memory_space<vmem>>, vector<16xi32>,
      %swap3A_367 = vector.shape_cast %swap3A_366 : vector<16xi32> to vector<16xi32>
      %swap3A_368 = vector.shape_cast %get3A_364 : vector<16xi32> to vector<16xi32>
      tpu.vector_store %arg15[%swap3A_365], %swap3A_368 {strides = array<i32>} : memref<40xi32, #tpu.memory_space<vmem>>, vector<16xi32>,
      %get3A_369 = arith.constant 1 : i32
      %get3A_370 = arith.index_cast %get3A_369 : i32 to index
      %get3A_371 = arith.constant 16 : index
      %get3A_372 = tpu.vector_load %arg10[%get3A_370, %get3A_371] {strides = array<i32>} : memref<2x40xi32, #tpu.memory_space<vmem>>, vector<1x16xi32>,
      %get3A_373 = vector.shape_cast %get3A_372 : vector<1x16xi32> to vector<16xi32>
      %swap3A_374 = arith.constant 16 : index
      %swap3A_375 = tpu.vector_load %arg15[%swap3A_374] {strides = array<i32>} : memref<40xi32, #tpu.memory_space<vmem>>, vector<16xi32>,
      %swap3A_376 = vector.shape_cast %swap3A_375 : vector<16xi32> to vector<16xi32>
      %swap3A_377 = vector.shape_cast %get3A_373 : vector<16xi32> to vector<16xi32>
      tpu.vector_store %arg15[%swap3A_374], %swap3A_377 {strides = array<i32>} : memref<40xi32, #tpu.memory_space<vmem>>, vector<16xi32>,
      %get3A_378 = arith.constant 1 : i32
      %get3A_379 = arith.index_cast %get3A_378 : i32 to index
      %get3A_380 = arith.constant 24 : index
      %get3A_381 = tpu.vector_load %arg10[%get3A_379, %get3A_380] {strides = array<i32>} : memref<2x40xi32, #tpu.memory_space<vmem>>, vector<1x16xi32>,
      %get3A_382 = vector.shape_cast %get3A_381 : vector<1x16xi32> to vector<16xi32>
      %swap3A_383 = arith.constant 24 : index
      %swap3A_384 = tpu.vector_load %arg15[%swap3A_383] {strides = array<i32>} : memref<40xi32, #tpu.memory_space<vmem>>, vector<16xi32>,
      %swap3A_385 = vector.shape_cast %swap3A_384 : vector<16xi32> to vector<16xi32>
      %swap3A_386 = vector.shape_cast %get3A_382 : vector<16xi32> to vector<16xi32>
      tpu.vector_store %arg15[%swap3A_383], %swap3A_386 {strides = array<i32>} : memref<40xi32, #tpu.memory_space<vmem>>, vector<16xi32>,
      %lt3A_387 = arith.constant 49 : i32
      %lt3A_388 = arith.cmpi slt, %add3A_137, %lt3A_387 : i32
      %convert_element_type3A_389 = arith.extui %lt3A_388 : i1 to i32
      %cond3A_390 = arith.constant 0 : i32
      %cond3A_391 = arith.cmpi ne, %convert_element_type3A_389, %cond3A_390 : i32
      scf.if %cond3A_391 {
        %dma_wait3A_460 = arith.constant 0 : i32
        %dma_wait3A_461 = arith.constant 0 : i32
        %dma_wait3A_462 = tpu.memref_slice %arg27[%dma_wait3A_460, %dma_wait3A_461] : memref<10000x144xf32, #tpu.memory_space<vmem_shared>> -> memref<10000x144xf32, #tpu.memory_space<vmem_shared>>
        tpu.wait_indirect_dma semaphore(%arg39 : memref<!tpu.dma_semaphore, #tpu.memory_space<semaphore_mem>>) src(%arg18 : memref<40x144xf32, #tpu.memory_space<vmem>>) dst(%dma_wait3A_462 : memref<10000x144xf32, #tpu.memory_space<vmem_shared>>)
        %dma_wait3A_463 = arith.constant 0 : i32
        %dma_wait3A_464 = arith.constant 0 : i32
        %dma_wait3A_465 = tpu.memref_slice %arg2[%add3A, %dma_wait3A_463, %dma_wait3A_464] : memref<32x2x10000xi32, #tpu.memory_space<hbm>> -> memref<1x2x40xi32, #tpu.memory_space<hbm>>
        %dma_wait3A_466 = tpu.memref_squeeze %dma_wait3A_465 : memref<1x2x40xi32, #tpu.memory_space<hbm>> -> memref<2x40xi32, #tpu.memory_space<hbm>>
        %dma_wait3A_467 = arith.constant 0 : i32
        %dma_wait3A_468 = arith.constant 0 : i32
        %dma_wait3A_469 = tpu.memref_slice %arg2[%add3A, %dma_wait3A_467, %dma_wait3A_468] : memref<32x2x10000xi32, #tpu.memory_space<hbm>> -> memref<1x2x40xi32, #tpu.memory_space<hbm>>
        %dma_wait3A_470 = tpu.memref_squeeze %dma_wait3A_469 : memref<1x2x40xi32, #tpu.memory_space<hbm>> -> memref<2x40xi32, #tpu.memory_space<hbm>>
        tpu.wait_dma2 semaphore(%arg29 : memref<!tpu.dma_semaphore, #tpu.memory_space<semaphore_mem>>) src(%dma_wait3A_470 : memref<2x40xi32, #tpu.memory_space<hbm>>) dst(%arg8 : memref<2x40xi32, #tpu.memory_space<vmem>>)
        %dma_start3A_471 = arith.constant 0 : i32
        %dma_start3A_472 = arith.constant 0 : i32
        %dma_start3A_473 = tpu.memref_slice %arg8[%dma_start3A_471, %dma_start3A_472] : memref<2x40xi32, #tpu.memory_space<vmem>> -> memref<1x40xi32, #tpu.memory_space<vmem>>
        %dma_start3A_474 = tpu.memref_squeeze %dma_start3A_473 : memref<1x40xi32, #tpu.memory_space<vmem>> -> memref<40xi32, #tpu.memory_space<vmem>>
        %dma_start3A_475 = arith.constant 0 : i32
        %dma_start3A_476 = arith.constant 0 : i32
        %dma_start3A_477 = tpu.memref_slice %arg3[%dma_start3A_475, %dma_start3A_476] : memref<10000x144xf32, #tpu.memory_space<hbm>> -> memref<10000x144xf32, #tpu.memory_space<hbm>>
        tpu.enqueue_indirect_dma source(%dma_start3A_477 : memref<10000x144xf32, #tpu.memory_space<hbm>>) target(%arg18 : memref<40x144xf32, #tpu.memory_space<vmem>>) offsets(%dma_start3A_474 : memref<40xi32, #tpu.memory_space<vmem>>) semaphore(%arg34 : memref<!tpu.dma_semaphore, #tpu.memory_space<semaphore_mem>>)
        %dma_start3A_478 = arith.constant 1 : i32
        %dma_start3A_479 = arith.constant 0 : i32
        %dma_start3A_480 = tpu.memref_slice %arg8[%dma_start3A_478, %dma_start3A_479] : memref<2x40xi32, #tpu.memory_space<vmem>> -> memref<1x40xi32, #tpu.memory_space<vmem>>
        %dma_start3A_481 = tpu.memref_squeeze %dma_start3A_480 : memref<1x40xi32, #tpu.memory_space<vmem>> -> memref<40xi32, #tpu.memory_space<vmem>>
        %dma_start3A_482 = arith.constant 0 : i32
        %dma_start3A_483 = arith.constant 0 : i32
        %dma_start3A_484 = tpu.memref_slice %arg4[%dma_start3A_482, %dma_start3A_483] : memref<10000x16xf32, #tpu.memory_space<hbm>> -> memref<10000x16xf32, #tpu.memory_space<hbm>>
        tpu.enqueue_indirect_dma source(%dma_start3A_484 : memref<10000x16xf32, #tpu.memory_space<hbm>>) target(%arg23 : memref<40x16xf32, #tpu.memory_space<vmem>>) offsets(%dma_start3A_481 : memref<40xi32, #tpu.memory_space<vmem>>) semaphore(%arg34 : memref<!tpu.dma_semaphore, #tpu.memory_space<semaphore_mem>>)
      } else {
      }
      %lt3A_392 = arith.constant 49 : i32
      %lt3A_393 = arith.cmpi slt, %add3A_137, %lt3A_392 : i32
      %convert_element_type3A_394 = arith.extui %lt3A_393 : i1 to i32
      %cond3A_395 = arith.constant 0 : i32
      %cond3A_396 = arith.cmpi ne, %convert_element_type3A_394, %cond3A_395 : i32
      scf.if %cond3A_396 {
        %mul3A_460 = arith.constant 5 : i32
        %mul3A_461 = arith.muli %mul3A_460, %add3A_137 : i32
        %add3A_462 = arith.constant 3 : i32
        %add3A_463 = arith.addi %mul3A_461, %add3A_462 : i32
        %add3A_464 = arith.constant 5 : i32
        %add3A_465 = arith.addi %add3A_463, %add3A_464 : i32
        %mul3A_466 = arith.constant 40 : i32
        %mul3A_467 = arith.muli %add3A_465, %mul3A_466 : i32
        %dma_start3A_468 = arith.constant 0 : i32
        %dma_start3A_469 = tpu.memref_slice %arg2[%add3A, %dma_start3A_468, %mul3A_467] : memref<32x2x10000xi32, #tpu.memory_space<hbm>> -> memref<1x2x40xi32, #tpu.memory_space<hbm>>
        %dma_start3A_470 = tpu.memref_squeeze %dma_start3A_469 : memref<1x2x40xi32, #tpu.memory_space<hbm>> -> memref<2x40xi32, #tpu.memory_space<hbm>>
        %dma_start3A_471 = arith.constant 0 : i32
        %dma_start3A_472 = tpu.memref_slice %arg2[%add3A, %dma_start3A_471, %mul3A_467] : memref<32x2x10000xi32, #tpu.memory_space<hbm>> -> memref<1x2x40xi32, #tpu.memory_space<hbm>>
        %dma_start3A_473 = tpu.memref_squeeze %dma_start3A_472 : memref<1x2x40xi32, #tpu.memory_space<hbm>> -> memref<2x40xi32, #tpu.memory_space<hbm>>
        tpu.enqueue_dma source(%dma_start3A_473 : memref<2x40xi32, #tpu.memory_space<hbm>>) target(%arg10 : memref<2x40xi32, #tpu.memory_space<vmem>>) target_semaphore(%arg31 : memref<!tpu.dma_semaphore, #tpu.memory_space<semaphore_mem>>)
      } else {
      }
      %parallel_loop3A_397 = arith.constant 0 : i32
      %parallel_loop3A_398 = arith.constant 40 : i32
      %parallel_loop3A_399 = arith.constant 1 : i32
      scf.for %parallel_loop3A_460 = %parallel_loop3A_397 to %parallel_loop3A_398 step %parallel_loop3A_399  : i32 {
        %parallel_loop3A_461 = arith.index_cast %parallel_loop3A_460 : i32 to index
        %parallel_loop3A_462 = arith.constant 128 : index
        %parallel_loop3A_463 = tpu.vector_load %arg20[%parallel_loop3A_461, %parallel_loop3A_462] {strides = array<i32>} : memref<40x144xf32, #tpu.memory_space<vmem>>, vector<1x16xf32>,
        %parallel_loop3A_464 = vector.shape_cast %parallel_loop3A_463 : vector<1x16xf32> to vector<16xf32>
        %parallel_loop3A_465 = arith.index_cast %parallel_loop3A_460 : i32 to index
        %parallel_loop3A_466 = arith.constant 0 : index
        %parallel_loop3A_467 = tpu.vector_load %arg25[%parallel_loop3A_465, %parallel_loop3A_466] {strides = array<i32>} : memref<40x16xf32, #tpu.memory_space<vmem>>, vector<1x16xf32>,
        %parallel_loop3A_468 = vector.shape_cast %parallel_loop3A_467 : vector<1x16xf32> to vector<16xf32>
        %parallel_loop3A_469 = arith.addf %parallel_loop3A_464, %parallel_loop3A_468 : vector<16xf32>
        %parallel_loop3A_470 = arith.constant 2.000000e-01 : f32
        %parallel_loop3A_471 = vector.broadcast %parallel_loop3A_470 : f32 to vector<16xf32>
        %parallel_loop3A_472 = arith.mulf %parallel_loop3A_469, %parallel_loop3A_471 : vector<16xf32>
        %parallel_loop3A_473 = arith.maximumf %parallel_loop3A_469, %parallel_loop3A_472 : vector<16xf32>
        %parallel_loop3A_474 = math.exp %parallel_loop3A_473 : vector<16xf32>
        %parallel_loop3A_475 = arith.index_cast %parallel_loop3A_460 : i32 to index
        %parallel_loop3A_476 = arith.constant 128 : index
        %parallel_loop3A_477 = tpu.vector_load %arg20[%parallel_loop3A_475, %parallel_loop3A_476] {strides = array<i32>} : memref<40x144xf32, #tpu.memory_space<vmem>>, vector<1x16xf32>,
        %parallel_loop3A_478 = vector.shape_cast %parallel_loop3A_477 : vector<1x16xf32> to vector<16xf32>
        %parallel_loop3A_479 = vector.shape_cast %parallel_loop3A_474 : vector<16xf32> to vector<1x16xf32>
        tpu.vector_store %arg20[%parallel_loop3A_475, %parallel_loop3A_476], %parallel_loop3A_479 {strides = array<i32>} : memref<40x144xf32, #tpu.memory_space<vmem>>, vector<1x16xf32>,
        %parallel_loop3A_480 = tpu.iota {dimensions = array<i32: 0>} : vector<16xi32>
        %parallel_loop3A_481 = arith.constant 8 : i32
        %parallel_loop3A_482 = arith.constant 0 : i32
        %parallel_loop3A_483 = arith.cmpi eq, %parallel_loop3A_481, %parallel_loop3A_482 : i32
        %parallel_loop3A_484 = arith.constant 1 : i32
        %parallel_loop3A_485 = arith.select %parallel_loop3A_483, %parallel_loop3A_484, %parallel_loop3A_481 : i32
        %parallel_loop3A_486 = vector.broadcast %parallel_loop3A_485 : i32 to vector<16xi32>
        %parallel_loop3A_487 = arith.remsi %parallel_loop3A_480, %parallel_loop3A_486 : vector<16xi32>
        %parallel_loop3A_488 = arith.constant 0 : i32
        %parallel_loop3A_489 = vector.broadcast %parallel_loop3A_488 : i32 to vector<16xi32>
        %parallel_loop3A_490 = arith.cmpi ne, %parallel_loop3A_487, %parallel_loop3A_489 : vector<16xi32>
        %parallel_loop3A_491 = arith.constant 0 : i32
        %parallel_loop3A_492 = vector.broadcast %parallel_loop3A_491 : i32 to vector<16xi32>
        %parallel_loop3A_493 = arith.cmpi slt, %parallel_loop3A_487, %parallel_loop3A_492 : vector<16xi32>
        %parallel_loop3A_494 = arith.constant 0 : i32
        %parallel_loop3A_495 = arith.cmpi slt, %parallel_loop3A_485, %parallel_loop3A_494 : i32
        %parallel_loop3A_496 = vector.broadcast %parallel_loop3A_495 : i1 to vector<16xi1>
        %parallel_loop3A_497 = vector.broadcast %parallel_loop3A_496 : vector<16xi1> to vector<16xi1>
        %parallel_loop3A_498 = arith.xori %parallel_loop3A_493, %parallel_loop3A_497 : vector<16xi1>
        %parallel_loop3A_499 = arith.andi %parallel_loop3A_498, %parallel_loop3A_490 : vector<16xi1>
        %parallel_loop3A_500 = vector.broadcast %parallel_loop3A_485 : i32 to vector<16xi32>
        %parallel_loop3A_501 = arith.addi %parallel_loop3A_487, %parallel_loop3A_500 : vector<16xi32>
        %parallel_loop3A_502 = arith.select %parallel_loop3A_499, %parallel_loop3A_501, %parallel_loop3A_487 : vector<16xi1>, vector<16xi32>
        %parallel_loop3A_503 = vector.shape_cast %parallel_loop3A_502 : vector<16xi32> to vector<16x1xi32>
        %parallel_loop3A_504 = vector.shape_cast %parallel_loop3A_503 : vector<16x1xi32> to vector<16xi32>
        %parallel_loop3A_505 = tpu.dynamic_gather %parallel_loop3A_474[%parallel_loop3A_504] in [0] : vector<16xf32>, vector<16xi32> -> vector<16xf32>
        %parallel_loop3A_506 = arith.index_cast %parallel_loop3A_460 : i32 to index
        %parallel_loop3A_507 = arith.constant 0 : index
        %parallel_loop3A_508 = tpu.vector_load %arg20[%parallel_loop3A_506, %parallel_loop3A_507] {strides = array<i32>} : memref<40x144xf32, #tpu.memory_space<vmem>>, vector<1x16xf32>,
        %parallel_loop3A_509 = vector.shape_cast %parallel_loop3A_508 : vector<1x16xf32> to vector<16xf32>
        %parallel_loop3A_510 = arith.mulf %parallel_loop3A_509, %parallel_loop3A_505 : vector<16xf32>
        %parallel_loop3A_511 = arith.index_cast %parallel_loop3A_460 : i32 to index
        %parallel_loop3A_512 = arith.constant 0 : index
        %parallel_loop3A_513 = tpu.vector_load %arg20[%parallel_loop3A_511, %parallel_loop3A_512] {strides = array<i32>} : memref<40x144xf32, #tpu.memory_space<vmem>>, vector<1x16xf32>,
        %parallel_loop3A_514 = vector.shape_cast %parallel_loop3A_513 : vector<1x16xf32> to vector<16xf32>
        %parallel_loop3A_515 = vector.shape_cast %parallel_loop3A_510 : vector<16xf32> to vector<1x16xf32>
        tpu.vector_store %arg20[%parallel_loop3A_511, %parallel_loop3A_512], %parallel_loop3A_515 {strides = array<i32>} : memref<40x144xf32, #tpu.memory_space<vmem>>, vector<1x16xf32>,
        %parallel_loop3A_516 = arith.index_cast %parallel_loop3A_460 : i32 to index
        %parallel_loop3A_517 = arith.constant 16 : index
        %parallel_loop3A_518 = tpu.vector_load %arg20[%parallel_loop3A_516, %parallel_loop3A_517] {strides = array<i32>} : memref<40x144xf32, #tpu.memory_space<vmem>>, vector<1x16xf32>,
        %parallel_loop3A_519 = vector.shape_cast %parallel_loop3A_518 : vector<1x16xf32> to vector<16xf32>
        %parallel_loop3A_520 = arith.mulf %parallel_loop3A_519, %parallel_loop3A_505 : vector<16xf32>
        %parallel_loop3A_521 = arith.index_cast %parallel_loop3A_460 : i32 to index
        %parallel_loop3A_522 = arith.constant 16 : index
        %parallel_loop3A_523 = tpu.vector_load %arg20[%parallel_loop3A_521, %parallel_loop3A_522] {strides = array<i32>} : memref<40x144xf32, #tpu.memory_space<vmem>>, vector<1x16xf32>,
        %parallel_loop3A_524 = vector.shape_cast %parallel_loop3A_523 : vector<1x16xf32> to vector<16xf32>
        %parallel_loop3A_525 = vector.shape_cast %parallel_loop3A_520 : vector<16xf32> to vector<1x16xf32>
        tpu.vector_store %arg20[%parallel_loop3A_521, %parallel_loop3A_522], %parallel_loop3A_525 {strides = array<i32>} : memref<40x144xf32, #tpu.memory_space<vmem>>, vector<1x16xf32>,
        %parallel_loop3A_526 = arith.index_cast %parallel_loop3A_460 : i32 to index
        %parallel_loop3A_527 = arith.constant 32 : index
        %parallel_loop3A_528 = tpu.vector_load %arg20[%parallel_loop3A_526, %parallel_loop3A_527] {strides = array<i32>} : memref<40x144xf32, #tpu.memory_space<vmem>>, vector<1x16xf32>,
        %parallel_loop3A_529 = vector.shape_cast %parallel_loop3A_528 : vector<1x16xf32> to vector<16xf32>
        %parallel_loop3A_530 = arith.mulf %parallel_loop3A_529, %parallel_loop3A_505 : vector<16xf32>
        %parallel_loop3A_531 = arith.index_cast %parallel_loop3A_460 : i32 to index
        %parallel_loop3A_532 = arith.constant 32 : index
        %parallel_loop3A_533 = tpu.vector_load %arg20[%parallel_loop3A_531, %parallel_loop3A_532] {strides = array<i32>} : memref<40x144xf32, #tpu.memory_space<vmem>>, vector<1x16xf32>,
        %parallel_loop3A_534 = vector.shape_cast %parallel_loop3A_533 : vector<1x16xf32> to vector<16xf32>
        %parallel_loop3A_535 = vector.shape_cast %parallel_loop3A_530 : vector<16xf32> to vector<1x16xf32>
        tpu.vector_store %arg20[%parallel_loop3A_531, %parallel_loop3A_532], %parallel_loop3A_535 {strides = array<i32>} : memref<40x144xf32, #tpu.memory_space<vmem>>, vector<1x16xf32>,
        %parallel_loop3A_536 = arith.index_cast %parallel_loop3A_460 : i32 to index
        %parallel_loop3A_537 = arith.constant 48 : index
        %parallel_loop3A_538 = tpu.vector_load %arg20[%parallel_loop3A_536, %parallel_loop3A_537] {strides = array<i32>} : memref<40x144xf32, #tpu.memory_space<vmem>>, vector<1x16xf32>,
        %parallel_loop3A_539 = vector.shape_cast %parallel_loop3A_538 : vector<1x16xf32> to vector<16xf32>
        %parallel_loop3A_540 = arith.mulf %parallel_loop3A_539, %parallel_loop3A_505 : vector<16xf32>
        %parallel_loop3A_541 = arith.index_cast %parallel_loop3A_460 : i32 to index
        %parallel_loop3A_542 = arith.constant 48 : index
        %parallel_loop3A_543 = tpu.vector_load %arg20[%parallel_loop3A_541, %parallel_loop3A_542] {strides = array<i32>} : memref<40x144xf32, #tpu.memory_space<vmem>>, vector<1x16xf32>,
        %parallel_loop3A_544 = vector.shape_cast %parallel_loop3A_543 : vector<1x16xf32> to vector<16xf32>
        %parallel_loop3A_545 = vector.shape_cast %parallel_loop3A_540 : vector<16xf32> to vector<1x16xf32>
        tpu.vector_store %arg20[%parallel_loop3A_541, %parallel_loop3A_542], %parallel_loop3A_545 {strides = array<i32>} : memref<40x144xf32, #tpu.memory_space<vmem>>, vector<1x16xf32>,
        %parallel_loop3A_546 = arith.index_cast %parallel_loop3A_460 : i32 to index
        %parallel_loop3A_547 = arith.constant 64 : index
        %parallel_loop3A_548 = tpu.vector_load %arg20[%parallel_loop3A_546, %parallel_loop3A_547] {strides = array<i32>} : memref<40x144xf32, #tpu.memory_space<vmem>>, vector<1x16xf32>,
        %parallel_loop3A_549 = vector.shape_cast %parallel_loop3A_548 : vector<1x16xf32> to vector<16xf32>
        %parallel_loop3A_550 = arith.mulf %parallel_loop3A_549, %parallel_loop3A_505 : vector<16xf32>
        %parallel_loop3A_551 = arith.index_cast %parallel_loop3A_460 : i32 to index
        %parallel_loop3A_552 = arith.constant 64 : index
        %parallel_loop3A_553 = tpu.vector_load %arg20[%parallel_loop3A_551, %parallel_loop3A_552] {strides = array<i32>} : memref<40x144xf32, #tpu.memory_space<vmem>>, vector<1x16xf32>,
        %parallel_loop3A_554 = vector.shape_cast %parallel_loop3A_553 : vector<1x16xf32> to vector<16xf32>
        %parallel_loop3A_555 = vector.shape_cast %parallel_loop3A_550 : vector<16xf32> to vector<1x16xf32>
        tpu.vector_store %arg20[%parallel_loop3A_551, %parallel_loop3A_552], %parallel_loop3A_555 {strides = array<i32>} : memref<40x144xf32, #tpu.memory_space<vmem>>, vector<1x16xf32>,
        %parallel_loop3A_556 = arith.index_cast %parallel_loop3A_460 : i32 to index
        %parallel_loop3A_557 = arith.constant 80 : index
        %parallel_loop3A_558 = tpu.vector_load %arg20[%parallel_loop3A_556, %parallel_loop3A_557] {strides = array<i32>} : memref<40x144xf32, #tpu.memory_space<vmem>>, vector<1x16xf32>,
        %parallel_loop3A_559 = vector.shape_cast %parallel_loop3A_558 : vector<1x16xf32> to vector<16xf32>
        %parallel_loop3A_560 = arith.mulf %parallel_loop3A_559, %parallel_loop3A_505 : vector<16xf32>
        %parallel_loop3A_561 = arith.index_cast %parallel_loop3A_460 : i32 to index
        %parallel_loop3A_562 = arith.constant 80 : index
        %parallel_loop3A_563 = tpu.vector_load %arg20[%parallel_loop3A_561, %parallel_loop3A_562] {strides = array<i32>} : memref<40x144xf32, #tpu.memory_space<vmem>>, vector<1x16xf32>,
        %parallel_loop3A_564 = vector.shape_cast %parallel_loop3A_563 : vector<1x16xf32> to vector<16xf32>
        %parallel_loop3A_565 = vector.shape_cast %parallel_loop3A_560 : vector<16xf32> to vector<1x16xf32>
        tpu.vector_store %arg20[%parallel_loop3A_561, %parallel_loop3A_562], %parallel_loop3A_565 {strides = array<i32>} : memref<40x144xf32, #tpu.memory_space<vmem>>, vector<1x16xf32>,
        %parallel_loop3A_566 = arith.index_cast %parallel_loop3A_460 : i32 to index
        %parallel_loop3A_567 = arith.constant 96 : index
        %parallel_loop3A_568 = tpu.vector_load %arg20[%parallel_loop3A_566, %parallel_loop3A_567] {strides = array<i32>} : memref<40x144xf32, #tpu.memory_space<vmem>>, vector<1x16xf32>,
        %parallel_loop3A_569 = vector.shape_cast %parallel_loop3A_568 : vector<1x16xf32> to vector<16xf32>
        %parallel_loop3A_570 = arith.mulf %parallel_loop3A_569, %parallel_loop3A_505 : vector<16xf32>
        %parallel_loop3A_571 = arith.index_cast %parallel_loop3A_460 : i32 to index
        %parallel_loop3A_572 = arith.constant 96 : index
        %parallel_loop3A_573 = tpu.vector_load %arg20[%parallel_loop3A_571, %parallel_loop3A_572] {strides = array<i32>} : memref<40x144xf32, #tpu.memory_space<vmem>>, vector<1x16xf32>,
        %parallel_loop3A_574 = vector.shape_cast %parallel_loop3A_573 : vector<1x16xf32> to vector<16xf32>
        %parallel_loop3A_575 = vector.shape_cast %parallel_loop3A_570 : vector<16xf32> to vector<1x16xf32>
        tpu.vector_store %arg20[%parallel_loop3A_571, %parallel_loop3A_572], %parallel_loop3A_575 {strides = array<i32>} : memref<40x144xf32, #tpu.memory_space<vmem>>, vector<1x16xf32>,
        %parallel_loop3A_576 = arith.index_cast %parallel_loop3A_460 : i32 to index
        %parallel_loop3A_577 = arith.constant 112 : index
        %parallel_loop3A_578 = tpu.vector_load %arg20[%parallel_loop3A_576, %parallel_loop3A_577] {strides = array<i32>} : memref<40x144xf32, #tpu.memory_space<vmem>>, vector<1x16xf32>,
        %parallel_loop3A_579 = vector.shape_cast %parallel_loop3A_578 : vector<1x16xf32> to vector<16xf32>
        %parallel_loop3A_580 = arith.mulf %parallel_loop3A_579, %parallel_loop3A_505 : vector<16xf32>
        %parallel_loop3A_581 = arith.index_cast %parallel_loop3A_460 : i32 to index
        %parallel_loop3A_582 = arith.constant 112 : index
        %parallel_loop3A_583 = tpu.vector_load %arg20[%parallel_loop3A_581, %parallel_loop3A_582] {strides = array<i32>} : memref<40x144xf32, #tpu.memory_space<vmem>>, vector<1x16xf32>,
        %parallel_loop3A_584 = vector.shape_cast %parallel_loop3A_583 : vector<1x16xf32> to vector<16xf32>
        %parallel_loop3A_585 = vector.shape_cast %parallel_loop3A_580 : vector<16xf32> to vector<1x16xf32>
        tpu.vector_store %arg20[%parallel_loop3A_581, %parallel_loop3A_582], %parallel_loop3A_585 {strides = array<i32>} : memref<40x144xf32, #tpu.memory_space<vmem>>, vector<1x16xf32>,
      } {sc.loop_unroll_factor = 1 : i64, sc.parallel_access}
      %dma_start3A_400 = arith.constant 0 : i32
      %dma_start3A_401 = arith.constant 0 : i32
      %dma_start3A_402 = tpu.memref_slice %arg27[%dma_start3A_400, %dma_start3A_401] : memref<10000x144xf32, #tpu.memory_space<vmem_shared>> -> memref<10000x144xf32, #tpu.memory_space<vmem_shared>>
      tpu.enqueue_indirect_dma source(%arg20 : memref<40x144xf32, #tpu.memory_space<vmem>>) target(%dma_start3A_402 : memref<10000x144xf32, #tpu.memory_space<vmem_shared>>) offsets(%arg15 : memref<40xi32, #tpu.memory_space<vmem>>) semaphore(%arg41 : memref<!tpu.dma_semaphore, #tpu.memory_space<semaphore_mem>>) {add = true}
      %dma_wait3A_403 = arith.constant 0 : i32
      %dma_wait3A_404 = arith.constant 0 : i32
      %dma_wait3A_405 = tpu.memref_slice %arg11[%dma_wait3A_403, %dma_wait3A_404] : memref<2x40xi32, #tpu.memory_space<vmem>> -> memref<1x40xi32, #tpu.memory_space<vmem>>
      %dma_wait3A_406 = tpu.memref_squeeze %dma_wait3A_405 : memref<1x40xi32, #tpu.memory_space<vmem>> -> memref<40xi32, #tpu.memory_space<vmem>>
      %dma_wait3A_407 = arith.constant 0 : i32
      %dma_wait3A_408 = arith.constant 0 : i32
      %dma_wait3A_409 = tpu.memref_slice %arg3[%dma_wait3A_407, %dma_wait3A_408] : memref<10000x144xf32, #tpu.memory_space<hbm>> -> memref<10000x144xf32, #tpu.memory_space<hbm>>
      tpu.wait_indirect_dma semaphore(%arg37 : memref<!tpu.dma_semaphore, #tpu.memory_space<semaphore_mem>>) src(%dma_wait3A_409 : memref<10000x144xf32, #tpu.memory_space<hbm>>) dst(%arg21 : memref<40x144xf32, #tpu.memory_space<vmem>>)
      %dma_wait3A_410 = arith.constant 1 : i32
      %dma_wait3A_411 = arith.constant 0 : i32
      %dma_wait3A_412 = tpu.memref_slice %arg11[%dma_wait3A_410, %dma_wait3A_411] : memref<2x40xi32, #tpu.memory_space<vmem>> -> memref<1x40xi32, #tpu.memory_space<vmem>>
      %dma_wait3A_413 = tpu.memref_squeeze %dma_wait3A_412 : memref<1x40xi32, #tpu.memory_space<vmem>> -> memref<40xi32, #tpu.memory_space<vmem>>
      %dma_wait3A_414 = arith.constant 0 : i32
      %dma_wait3A_415 = arith.constant 0 : i32
      %dma_wait3A_416 = tpu.memref_slice %arg4[%dma_wait3A_414, %dma_wait3A_415] : memref<10000x16xf32, #tpu.memory_space<hbm>> -> memref<10000x16xf32, #tpu.memory_space<hbm>>
      tpu.wait_indirect_dma semaphore(%arg37 : memref<!tpu.dma_semaphore, #tpu.memory_space<semaphore_mem>>) src(%dma_wait3A_416 : memref<10000x16xf32, #tpu.memory_space<hbm>>) dst(%arg26 : memref<40x16xf32, #tpu.memory_space<vmem>>)
      %get3A_417 = arith.constant 1 : i32
      %get3A_418 = arith.index_cast %get3A_417 : i32 to index
      %get3A_419 = arith.constant 0 : index
      %get3A_420 = tpu.vector_load %arg11[%get3A_418, %get3A_419] {strides = array<i32>} : memref<2x40xi32, #tpu.memory_space<vmem>>, vector<1x16xi32>,
      %get3A_421 = vector.shape_cast %get3A_420 : vector<1x16xi32> to vector<16xi32>
      %swap3A_422 = arith.constant 0 : index
      %swap3A_423 = tpu.vector_load %arg16[%swap3A_422] {strides = array<i32>} : memref<40xi32, #tpu.memory_space<vmem>>, vector<16xi32>,
      %swap3A_424 = vector.shape_cast %swap3A_423 : vector<16xi32> to vector<16xi32>
      %swap3A_425 = vector.shape_cast %get3A_421 : vector<16xi32> to vector<16xi32>
      tpu.vector_store %arg16[%swap3A_422], %swap3A_425 {strides = array<i32>} : memref<40xi32, #tpu.memory_space<vmem>>, vector<16xi32>,
      %get3A_426 = arith.constant 1 : i32
      %get3A_427 = arith.index_cast %get3A_426 : i32 to index
      %get3A_428 = arith.constant 16 : index
      %get3A_429 = tpu.vector_load %arg11[%get3A_427, %get3A_428] {strides = array<i32>} : memref<2x40xi32, #tpu.memory_space<vmem>>, vector<1x16xi32>,
      %get3A_430 = vector.shape_cast %get3A_429 : vector<1x16xi32> to vector<16xi32>
      %swap3A_431 = arith.constant 16 : index
      %swap3A_432 = tpu.vector_load %arg16[%swap3A_431] {strides = array<i32>} : memref<40xi32, #tpu.memory_space<vmem>>, vector<16xi32>,
      %swap3A_433 = vector.shape_cast %swap3A_432 : vector<16xi32> to vector<16xi32>
      %swap3A_434 = vector.shape_cast %get3A_430 : vector<16xi32> to vector<16xi32>
      tpu.vector_store %arg16[%swap3A_431], %swap3A_434 {strides = array<i32>} : memref<40xi32, #tpu.memory_space<vmem>>, vector<16xi32>,
      %get3A_435 = arith.constant 1 : i32
      %get3A_436 = arith.index_cast %get3A_435 : i32 to index
      %get3A_437 = arith.constant 24 : index
      %get3A_438 = tpu.vector_load %arg11[%get3A_436, %get3A_437] {strides = array<i32>} : memref<2x40xi32, #tpu.memory_space<vmem>>, vector<1x16xi32>,
      %get3A_439 = vector.shape_cast %get3A_438 : vector<1x16xi32> to vector<16xi32>
      %swap3A_440 = arith.constant 24 : index
      %swap3A_441 = tpu.vector_load %arg16[%swap3A_440] {strides = array<i32>} : memref<40xi32, #tpu.memory_space<vmem>>, vector<16xi32>,
      %swap3A_442 = vector.shape_cast %swap3A_441 : vector<16xi32> to vector<16xi32>
      %swap3A_443 = vector.shape_cast %get3A_439 : vector<16xi32> to vector<16xi32>
      tpu.vector_store %arg16[%swap3A_440], %swap3A_443 {strides = array<i32>} : memref<40xi32, #tpu.memory_space<vmem>>, vector<16xi32>,
      %lt3A_444 = arith.constant 49 : i32
      %lt3A_445 = arith.cmpi slt, %add3A_137, %lt3A_444 : i32
      %convert_element_type3A_446 = arith.extui %lt3A_445 : i1 to i32
      %cond3A_447 = arith.constant 0 : i32
      %cond3A_448 = arith.cmpi ne, %convert_element_type3A_446, %cond3A_447 : i32
      scf.if %cond3A_448 {
        %dma_wait3A_460 = arith.constant 0 : i32
        %dma_wait3A_461 = arith.constant 0 : i32
        %dma_wait3A_462 = tpu.memref_slice %arg27[%dma_wait3A_460, %dma_wait3A_461] : memref<10000x144xf32, #tpu.memory_space<vmem_shared>> -> memref<10000x144xf32, #tpu.memory_space<vmem_shared>>
        tpu.wait_indirect_dma semaphore(%arg40 : memref<!tpu.dma_semaphore, #tpu.memory_space<semaphore_mem>>) src(%arg19 : memref<40x144xf32, #tpu.memory_space<vmem>>) dst(%dma_wait3A_462 : memref<10000x144xf32, #tpu.memory_space<vmem_shared>>)
        %dma_wait3A_463 = arith.constant 0 : i32
        %dma_wait3A_464 = arith.constant 0 : i32
        %dma_wait3A_465 = tpu.memref_slice %arg2[%add3A, %dma_wait3A_463, %dma_wait3A_464] : memref<32x2x10000xi32, #tpu.memory_space<hbm>> -> memref<1x2x40xi32, #tpu.memory_space<hbm>>
        %dma_wait3A_466 = tpu.memref_squeeze %dma_wait3A_465 : memref<1x2x40xi32, #tpu.memory_space<hbm>> -> memref<2x40xi32, #tpu.memory_space<hbm>>
        %dma_wait3A_467 = arith.constant 0 : i32
        %dma_wait3A_468 = arith.constant 0 : i32
        %dma_wait3A_469 = tpu.memref_slice %arg2[%add3A, %dma_wait3A_467, %dma_wait3A_468] : memref<32x2x10000xi32, #tpu.memory_space<hbm>> -> memref<1x2x40xi32, #tpu.memory_space<hbm>>
        %dma_wait3A_470 = tpu.memref_squeeze %dma_wait3A_469 : memref<1x2x40xi32, #tpu.memory_space<hbm>> -> memref<2x40xi32, #tpu.memory_space<hbm>>
        tpu.wait_dma2 semaphore(%arg30 : memref<!tpu.dma_semaphore, #tpu.memory_space<semaphore_mem>>) src(%dma_wait3A_470 : memref<2x40xi32, #tpu.memory_space<hbm>>) dst(%arg9 : memref<2x40xi32, #tpu.memory_space<vmem>>)
        %dma_start3A_471 = arith.constant 0 : i32
        %dma_start3A_472 = arith.constant 0 : i32
        %dma_start3A_473 = tpu.memref_slice %arg9[%dma_start3A_471, %dma_start3A_472] : memref<2x40xi32, #tpu.memory_space<vmem>> -> memref<1x40xi32, #tpu.memory_space<vmem>>
        %dma_start3A_474 = tpu.memref_squeeze %dma_start3A_473 : memref<1x40xi32, #tpu.memory_space<vmem>> -> memref<40xi32, #tpu.memory_space<vmem>>
        %dma_start3A_475 = arith.constant 0 : i32
        %dma_start3A_476 = arith.constant 0 : i32
        %dma_start3A_477 = tpu.memref_slice %arg3[%dma_start3A_475, %dma_start3A_476] : memref<10000x144xf32, #tpu.memory_space<hbm>> -> memref<10000x144xf32, #tpu.memory_space<hbm>>
        tpu.enqueue_indirect_dma source(%dma_start3A_477 : memref<10000x144xf32, #tpu.memory_space<hbm>>) target(%arg19 : memref<40x144xf32, #tpu.memory_space<vmem>>) offsets(%dma_start3A_474 : memref<40xi32, #tpu.memory_space<vmem>>) semaphore(%arg35 : memref<!tpu.dma_semaphore, #tpu.memory_space<semaphore_mem>>)
        %dma_start3A_478 = arith.constant 1 : i32
        %dma_start3A_479 = arith.constant 0 : i32
        %dma_start3A_480 = tpu.memref_slice %arg9[%dma_start3A_478, %dma_start3A_479] : memref<2x40xi32, #tpu.memory_space<vmem>> -> memref<1x40xi32, #tpu.memory_space<vmem>>
        %dma_start3A_481 = tpu.memref_squeeze %dma_start3A_480 : memref<1x40xi32, #tpu.memory_space<vmem>> -> memref<40xi32, #tpu.memory_space<vmem>>
        %dma_start3A_482 = arith.constant 0 : i32
        %dma_start3A_483 = arith.constant 0 : i32
        %dma_start3A_484 = tpu.memref_slice %arg4[%dma_start3A_482, %dma_start3A_483] : memref<10000x16xf32, #tpu.memory_space<hbm>> -> memref<10000x16xf32, #tpu.memory_space<hbm>>
        tpu.enqueue_indirect_dma source(%dma_start3A_484 : memref<10000x16xf32, #tpu.memory_space<hbm>>) target(%arg24 : memref<40x16xf32, #tpu.memory_space<vmem>>) offsets(%dma_start3A_481 : memref<40xi32, #tpu.memory_space<vmem>>) semaphore(%arg35 : memref<!tpu.dma_semaphore, #tpu.memory_space<semaphore_mem>>)
      } else {
      }
      %lt3A_449 = arith.constant 49 : i32
      %lt3A_450 = arith.cmpi slt, %add3A_137, %lt3A_449 : i32
      %convert_element_type3A_451 = arith.extui %lt3A_450 : i1 to i32
      %cond3A_452 = arith.constant 0 : i32
      %cond3A_453 = arith.cmpi ne, %convert_element_type3A_451, %cond3A_452 : i32
      scf.if %cond3A_453 {
        %mul3A_460 = arith.constant 5 : i32
        %mul3A_461 = arith.muli %mul3A_460, %add3A_137 : i32
        %add3A_462 = arith.constant 4 : i32
        %add3A_463 = arith.addi %mul3A_461, %add3A_462 : i32
        %add3A_464 = arith.constant 5 : i32
        %add3A_465 = arith.addi %add3A_463, %add3A_464 : i32
        %mul3A_466 = arith.constant 40 : i32
        %mul3A_467 = arith.muli %add3A_465, %mul3A_466 : i32
        %dma_start3A_468 = arith.constant 0 : i32
        %dma_start3A_469 = tpu.memref_slice %arg2[%add3A, %dma_start3A_468, %mul3A_467] : memref<32x2x10000xi32, #tpu.memory_space<hbm>> -> memref<1x2x40xi32, #tpu.memory_space<hbm>>
        %dma_start3A_470 = tpu.memref_squeeze %dma_start3A_469 : memref<1x2x40xi32, #tpu.memory_space<hbm>> -> memref<2x40xi32, #tpu.memory_space<hbm>>
        %dma_start3A_471 = arith.constant 0 : i32
        %dma_start3A_472 = tpu.memref_slice %arg2[%add3A, %dma_start3A_471, %mul3A_467] : memref<32x2x10000xi32, #tpu.memory_space<hbm>> -> memref<1x2x40xi32, #tpu.memory_space<hbm>>
        %dma_start3A_473 = tpu.memref_squeeze %dma_start3A_472 : memref<1x2x40xi32, #tpu.memory_space<hbm>> -> memref<2x40xi32, #tpu.memory_space<hbm>>
        tpu.enqueue_dma source(%dma_start3A_473 : memref<2x40xi32, #tpu.memory_space<hbm>>) target(%arg11 : memref<2x40xi32, #tpu.memory_space<vmem>>) target_semaphore(%arg32 : memref<!tpu.dma_semaphore, #tpu.memory_space<semaphore_mem>>)
      } else {
      }
      %parallel_loop3A_454 = arith.constant 0 : i32
      %parallel_loop3A_455 = arith.constant 40 : i32
      %parallel_loop3A_456 = arith.constant 1 : i32
      scf.for %parallel_loop3A_460 = %parallel_loop3A_454 to %parallel_loop3A_455 step %parallel_loop3A_456  : i32 {
        %parallel_loop3A_461 = arith.index_cast %parallel_loop3A_460 : i32 to index
        %parallel_loop3A_462 = arith.constant 128 : index
        %parallel_loop3A_463 = tpu.vector_load %arg21[%parallel_loop3A_461, %parallel_loop3A_462] {strides = array<i32>} : memref<40x144xf32, #tpu.memory_space<vmem>>, vector<1x16xf32>,
        %parallel_loop3A_464 = vector.shape_cast %parallel_loop3A_463 : vector<1x16xf32> to vector<16xf32>
        %parallel_loop3A_465 = arith.index_cast %parallel_loop3A_460 : i32 to index
        %parallel_loop3A_466 = arith.constant 0 : index
        %parallel_loop3A_467 = tpu.vector_load %arg26[%parallel_loop3A_465, %parallel_loop3A_466] {strides = array<i32>} : memref<40x16xf32, #tpu.memory_space<vmem>>, vector<1x16xf32>,
        %parallel_loop3A_468 = vector.shape_cast %parallel_loop3A_467 : vector<1x16xf32> to vector<16xf32>
        %parallel_loop3A_469 = arith.addf %parallel_loop3A_464, %parallel_loop3A_468 : vector<16xf32>
        %parallel_loop3A_470 = arith.constant 2.000000e-01 : f32
        %parallel_loop3A_471 = vector.broadcast %parallel_loop3A_470 : f32 to vector<16xf32>
        %parallel_loop3A_472 = arith.mulf %parallel_loop3A_469, %parallel_loop3A_471 : vector<16xf32>
        %parallel_loop3A_473 = arith.maximumf %parallel_loop3A_469, %parallel_loop3A_472 : vector<16xf32>
        %parallel_loop3A_474 = math.exp %parallel_loop3A_473 : vector<16xf32>
        %parallel_loop3A_475 = arith.index_cast %parallel_loop3A_460 : i32 to index
        %parallel_loop3A_476 = arith.constant 128 : index
        %parallel_loop3A_477 = tpu.vector_load %arg21[%parallel_loop3A_475, %parallel_loop3A_476] {strides = array<i32>} : memref<40x144xf32, #tpu.memory_space<vmem>>, vector<1x16xf32>,
        %parallel_loop3A_478 = vector.shape_cast %parallel_loop3A_477 : vector<1x16xf32> to vector<16xf32>
        %parallel_loop3A_479 = vector.shape_cast %parallel_loop3A_474 : vector<16xf32> to vector<1x16xf32>
        tpu.vector_store %arg21[%parallel_loop3A_475, %parallel_loop3A_476], %parallel_loop3A_479 {strides = array<i32>} : memref<40x144xf32, #tpu.memory_space<vmem>>, vector<1x16xf32>,
        %parallel_loop3A_480 = tpu.iota {dimensions = array<i32: 0>} : vector<16xi32>
        %parallel_loop3A_481 = arith.constant 8 : i32
        %parallel_loop3A_482 = arith.constant 0 : i32
        %parallel_loop3A_483 = arith.cmpi eq, %parallel_loop3A_481, %parallel_loop3A_482 : i32
        %parallel_loop3A_484 = arith.constant 1 : i32
        %parallel_loop3A_485 = arith.select %parallel_loop3A_483, %parallel_loop3A_484, %parallel_loop3A_481 : i32
        %parallel_loop3A_486 = vector.broadcast %parallel_loop3A_485 : i32 to vector<16xi32>
        %parallel_loop3A_487 = arith.remsi %parallel_loop3A_480, %parallel_loop3A_486 : vector<16xi32>
        %parallel_loop3A_488 = arith.constant 0 : i32
        %parallel_loop3A_489 = vector.broadcast %parallel_loop3A_488 : i32 to vector<16xi32>
        %parallel_loop3A_490 = arith.cmpi ne, %parallel_loop3A_487, %parallel_loop3A_489 : vector<16xi32>
        %parallel_loop3A_491 = arith.constant 0 : i32
        %parallel_loop3A_492 = vector.broadcast %parallel_loop3A_491 : i32 to vector<16xi32>
        %parallel_loop3A_493 = arith.cmpi slt, %parallel_loop3A_487, %parallel_loop3A_492 : vector<16xi32>
        %parallel_loop3A_494 = arith.constant 0 : i32
        %parallel_loop3A_495 = arith.cmpi slt, %parallel_loop3A_485, %parallel_loop3A_494 : i32
        %parallel_loop3A_496 = vector.broadcast %parallel_loop3A_495 : i1 to vector<16xi1>
        %parallel_loop3A_497 = vector.broadcast %parallel_loop3A_496 : vector<16xi1> to vector<16xi1>
        %parallel_loop3A_498 = arith.xori %parallel_loop3A_493, %parallel_loop3A_497 : vector<16xi1>
        %parallel_loop3A_499 = arith.andi %parallel_loop3A_498, %parallel_loop3A_490 : vector<16xi1>
        %parallel_loop3A_500 = vector.broadcast %parallel_loop3A_485 : i32 to vector<16xi32>
        %parallel_loop3A_501 = arith.addi %parallel_loop3A_487, %parallel_loop3A_500 : vector<16xi32>
        %parallel_loop3A_502 = arith.select %parallel_loop3A_499, %parallel_loop3A_501, %parallel_loop3A_487 : vector<16xi1>, vector<16xi32>
        %parallel_loop3A_503 = vector.shape_cast %parallel_loop3A_502 : vector<16xi32> to vector<16x1xi32>
        %parallel_loop3A_504 = vector.shape_cast %parallel_loop3A_503 : vector<16x1xi32> to vector<16xi32>
        %parallel_loop3A_505 = tpu.dynamic_gather %parallel_loop3A_474[%parallel_loop3A_504] in [0] : vector<16xf32>, vector<16xi32> -> vector<16xf32>
        %parallel_loop3A_506 = arith.index_cast %parallel_loop3A_460 : i32 to index
        %parallel_loop3A_507 = arith.constant 0 : index
        %parallel_loop3A_508 = tpu.vector_load %arg21[%parallel_loop3A_506, %parallel_loop3A_507] {strides = array<i32>} : memref<40x144xf32, #tpu.memory_space<vmem>>, vector<1x16xf32>,
        %parallel_loop3A_509 = vector.shape_cast %parallel_loop3A_508 : vector<1x16xf32> to vector<16xf32>
        %parallel_loop3A_510 = arith.mulf %parallel_loop3A_509, %parallel_loop3A_505 : vector<16xf32>
        %parallel_loop3A_511 = arith.index_cast %parallel_loop3A_460 : i32 to index
        %parallel_loop3A_512 = arith.constant 0 : index
        %parallel_loop3A_513 = tpu.vector_load %arg21[%parallel_loop3A_511, %parallel_loop3A_512] {strides = array<i32>} : memref<40x144xf32, #tpu.memory_space<vmem>>, vector<1x16xf32>,
        %parallel_loop3A_514 = vector.shape_cast %parallel_loop3A_513 : vector<1x16xf32> to vector<16xf32>
        %parallel_loop3A_515 = vector.shape_cast %parallel_loop3A_510 : vector<16xf32> to vector<1x16xf32>
        tpu.vector_store %arg21[%parallel_loop3A_511, %parallel_loop3A_512], %parallel_loop3A_515 {strides = array<i32>} : memref<40x144xf32, #tpu.memory_space<vmem>>, vector<1x16xf32>,
        %parallel_loop3A_516 = arith.index_cast %parallel_loop3A_460 : i32 to index
        %parallel_loop3A_517 = arith.constant 16 : index
        %parallel_loop3A_518 = tpu.vector_load %arg21[%parallel_loop3A_516, %parallel_loop3A_517] {strides = array<i32>} : memref<40x144xf32, #tpu.memory_space<vmem>>, vector<1x16xf32>,
        %parallel_loop3A_519 = vector.shape_cast %parallel_loop3A_518 : vector<1x16xf32> to vector<16xf32>
        %parallel_loop3A_520 = arith.mulf %parallel_loop3A_519, %parallel_loop3A_505 : vector<16xf32>
        %parallel_loop3A_521 = arith.index_cast %parallel_loop3A_460 : i32 to index
        %parallel_loop3A_522 = arith.constant 16 : index
        %parallel_loop3A_523 = tpu.vector_load %arg21[%parallel_loop3A_521, %parallel_loop3A_522] {strides = array<i32>} : memref<40x144xf32, #tpu.memory_space<vmem>>, vector<1x16xf32>,
        %parallel_loop3A_524 = vector.shape_cast %parallel_loop3A_523 : vector<1x16xf32> to vector<16xf32>
        %parallel_loop3A_525 = vector.shape_cast %parallel_loop3A_520 : vector<16xf32> to vector<1x16xf32>
        tpu.vector_store %arg21[%parallel_loop3A_521, %parallel_loop3A_522], %parallel_loop3A_525 {strides = array<i32>} : memref<40x144xf32, #tpu.memory_space<vmem>>, vector<1x16xf32>,
        %parallel_loop3A_526 = arith.index_cast %parallel_loop3A_460 : i32 to index
        %parallel_loop3A_527 = arith.constant 32 : index
        %parallel_loop3A_528 = tpu.vector_load %arg21[%parallel_loop3A_526, %parallel_loop3A_527] {strides = array<i32>} : memref<40x144xf32, #tpu.memory_space<vmem>>, vector<1x16xf32>,
        %parallel_loop3A_529 = vector.shape_cast %parallel_loop3A_528 : vector<1x16xf32> to vector<16xf32>
        %parallel_loop3A_530 = arith.mulf %parallel_loop3A_529, %parallel_loop3A_505 : vector<16xf32>
        %parallel_loop3A_531 = arith.index_cast %parallel_loop3A_460 : i32 to index
        %parallel_loop3A_532 = arith.constant 32 : index
        %parallel_loop3A_533 = tpu.vector_load %arg21[%parallel_loop3A_531, %parallel_loop3A_532] {strides = array<i32>} : memref<40x144xf32, #tpu.memory_space<vmem>>, vector<1x16xf32>,
        %parallel_loop3A_534 = vector.shape_cast %parallel_loop3A_533 : vector<1x16xf32> to vector<16xf32>
        %parallel_loop3A_535 = vector.shape_cast %parallel_loop3A_530 : vector<16xf32> to vector<1x16xf32>
        tpu.vector_store %arg21[%parallel_loop3A_531, %parallel_loop3A_532], %parallel_loop3A_535 {strides = array<i32>} : memref<40x144xf32, #tpu.memory_space<vmem>>, vector<1x16xf32>,
        %parallel_loop3A_536 = arith.index_cast %parallel_loop3A_460 : i32 to index
        %parallel_loop3A_537 = arith.constant 48 : index
        %parallel_loop3A_538 = tpu.vector_load %arg21[%parallel_loop3A_536, %parallel_loop3A_537] {strides = array<i32>} : memref<40x144xf32, #tpu.memory_space<vmem>>, vector<1x16xf32>,
        %parallel_loop3A_539 = vector.shape_cast %parallel_loop3A_538 : vector<1x16xf32> to vector<16xf32>
        %parallel_loop3A_540 = arith.mulf %parallel_loop3A_539, %parallel_loop3A_505 : vector<16xf32>
        %parallel_loop3A_541 = arith.index_cast %parallel_loop3A_460 : i32 to index
        %parallel_loop3A_542 = arith.constant 48 : index
        %parallel_loop3A_543 = tpu.vector_load %arg21[%parallel_loop3A_541, %parallel_loop3A_542] {strides = array<i32>} : memref<40x144xf32, #tpu.memory_space<vmem>>, vector<1x16xf32>,
        %parallel_loop3A_544 = vector.shape_cast %parallel_loop3A_543 : vector<1x16xf32> to vector<16xf32>
        %parallel_loop3A_545 = vector.shape_cast %parallel_loop3A_540 : vector<16xf32> to vector<1x16xf32>
        tpu.vector_store %arg21[%parallel_loop3A_541, %parallel_loop3A_542], %parallel_loop3A_545 {strides = array<i32>} : memref<40x144xf32, #tpu.memory_space<vmem>>, vector<1x16xf32>,
        %parallel_loop3A_546 = arith.index_cast %parallel_loop3A_460 : i32 to index
        %parallel_loop3A_547 = arith.constant 64 : index
        %parallel_loop3A_548 = tpu.vector_load %arg21[%parallel_loop3A_546, %parallel_loop3A_547] {strides = array<i32>} : memref<40x144xf32, #tpu.memory_space<vmem>>, vector<1x16xf32>,
        %parallel_loop3A_549 = vector.shape_cast %parallel_loop3A_548 : vector<1x16xf32> to vector<16xf32>
        %parallel_loop3A_550 = arith.mulf %parallel_loop3A_549, %parallel_loop3A_505 : vector<16xf32>
        %parallel_loop3A_551 = arith.index_cast %parallel_loop3A_460 : i32 to index
        %parallel_loop3A_552 = arith.constant 64 : index
        %parallel_loop3A_553 = tpu.vector_load %arg21[%parallel_loop3A_551, %parallel_loop3A_552] {strides = array<i32>} : memref<40x144xf32, #tpu.memory_space<vmem>>, vector<1x16xf32>,
        %parallel_loop3A_554 = vector.shape_cast %parallel_loop3A_553 : vector<1x16xf32> to vector<16xf32>
        %parallel_loop3A_555 = vector.shape_cast %parallel_loop3A_550 : vector<16xf32> to vector<1x16xf32>
        tpu.vector_store %arg21[%parallel_loop3A_551, %parallel_loop3A_552], %parallel_loop3A_555 {strides = array<i32>} : memref<40x144xf32, #tpu.memory_space<vmem>>, vector<1x16xf32>,
        %parallel_loop3A_556 = arith.index_cast %parallel_loop3A_460 : i32 to index
        %parallel_loop3A_557 = arith.constant 80 : index
        %parallel_loop3A_558 = tpu.vector_load %arg21[%parallel_loop3A_556, %parallel_loop3A_557] {strides = array<i32>} : memref<40x144xf32, #tpu.memory_space<vmem>>, vector<1x16xf32>,
        %parallel_loop3A_559 = vector.shape_cast %parallel_loop3A_558 : vector<1x16xf32> to vector<16xf32>
        %parallel_loop3A_560 = arith.mulf %parallel_loop3A_559, %parallel_loop3A_505 : vector<16xf32>
        %parallel_loop3A_561 = arith.index_cast %parallel_loop3A_460 : i32 to index
        %parallel_loop3A_562 = arith.constant 80 : index
        %parallel_loop3A_563 = tpu.vector_load %arg21[%parallel_loop3A_561, %parallel_loop3A_562] {strides = array<i32>} : memref<40x144xf32, #tpu.memory_space<vmem>>, vector<1x16xf32>,
        %parallel_loop3A_564 = vector.shape_cast %parallel_loop3A_563 : vector<1x16xf32> to vector<16xf32>
        %parallel_loop3A_565 = vector.shape_cast %parallel_loop3A_560 : vector<16xf32> to vector<1x16xf32>
        tpu.vector_store %arg21[%parallel_loop3A_561, %parallel_loop3A_562], %parallel_loop3A_565 {strides = array<i32>} : memref<40x144xf32, #tpu.memory_space<vmem>>, vector<1x16xf32>,
        %parallel_loop3A_566 = arith.index_cast %parallel_loop3A_460 : i32 to index
        %parallel_loop3A_567 = arith.constant 96 : index
        %parallel_loop3A_568 = tpu.vector_load %arg21[%parallel_loop3A_566, %parallel_loop3A_567] {strides = array<i32>} : memref<40x144xf32, #tpu.memory_space<vmem>>, vector<1x16xf32>,
        %parallel_loop3A_569 = vector.shape_cast %parallel_loop3A_568 : vector<1x16xf32> to vector<16xf32>
        %parallel_loop3A_570 = arith.mulf %parallel_loop3A_569, %parallel_loop3A_505 : vector<16xf32>
        %parallel_loop3A_571 = arith.index_cast %parallel_loop3A_460 : i32 to index
        %parallel_loop3A_572 = arith.constant 96 : index
        %parallel_loop3A_573 = tpu.vector_load %arg21[%parallel_loop3A_571, %parallel_loop3A_572] {strides = array<i32>} : memref<40x144xf32, #tpu.memory_space<vmem>>, vector<1x16xf32>,
        %parallel_loop3A_574 = vector.shape_cast %parallel_loop3A_573 : vector<1x16xf32> to vector<16xf32>
        %parallel_loop3A_575 = vector.shape_cast %parallel_loop3A_570 : vector<16xf32> to vector<1x16xf32>
        tpu.vector_store %arg21[%parallel_loop3A_571, %parallel_loop3A_572], %parallel_loop3A_575 {strides = array<i32>} : memref<40x144xf32, #tpu.memory_space<vmem>>, vector<1x16xf32>,
        %parallel_loop3A_576 = arith.index_cast %parallel_loop3A_460 : i32 to index
        %parallel_loop3A_577 = arith.constant 112 : index
        %parallel_loop3A_578 = tpu.vector_load %arg21[%parallel_loop3A_576, %parallel_loop3A_577] {strides = array<i32>} : memref<40x144xf32, #tpu.memory_space<vmem>>, vector<1x16xf32>,
        %parallel_loop3A_579 = vector.shape_cast %parallel_loop3A_578 : vector<1x16xf32> to vector<16xf32>
        %parallel_loop3A_580 = arith.mulf %parallel_loop3A_579, %parallel_loop3A_505 : vector<16xf32>
        %parallel_loop3A_581 = arith.index_cast %parallel_loop3A_460 : i32 to index
        %parallel_loop3A_582 = arith.constant 112 : index
        %parallel_loop3A_583 = tpu.vector_load %arg21[%parallel_loop3A_581, %parallel_loop3A_582] {strides = array<i32>} : memref<40x144xf32, #tpu.memory_space<vmem>>, vector<1x16xf32>,
        %parallel_loop3A_584 = vector.shape_cast %parallel_loop3A_583 : vector<1x16xf32> to vector<16xf32>
        %parallel_loop3A_585 = vector.shape_cast %parallel_loop3A_580 : vector<16xf32> to vector<1x16xf32>
        tpu.vector_store %arg21[%parallel_loop3A_581, %parallel_loop3A_582], %parallel_loop3A_585 {strides = array<i32>} : memref<40x144xf32, #tpu.memory_space<vmem>>, vector<1x16xf32>,
      } {sc.loop_unroll_factor = 1 : i64, sc.parallel_access}
      %dma_start3A_457 = arith.constant 0 : i32
      %dma_start3A_458 = arith.constant 0 : i32
      %dma_start3A_459 = tpu.memref_slice %arg27[%dma_start3A_457, %dma_start3A_458] : memref<10000x144xf32, #tpu.memory_space<vmem_shared>> -> memref<10000x144xf32, #tpu.memory_space<vmem_shared>>
      tpu.enqueue_indirect_dma source(%arg21 : memref<40x144xf32, #tpu.memory_space<vmem>>) target(%dma_start3A_459 : memref<10000x144xf32, #tpu.memory_space<vmem_shared>>) offsets(%arg16 : memref<40xi32, #tpu.memory_space<vmem>>) semaphore(%arg42 : memref<!tpu.dma_semaphore, #tpu.memory_space<semaphore_mem>>) {add = true}
    }
    %scan3A_112 = arith.constant 50 : i32
    %dma_wait3A_113 = arith.constant 0 : i32
    %dma_wait3A_114 = arith.constant 0 : i32
    %dma_wait3A_115 = tpu.memref_slice %arg27[%dma_wait3A_113, %dma_wait3A_114] : memref<10000x144xf32, #tpu.memory_space<vmem_shared>> -> memref<10000x144xf32, #tpu.memory_space<vmem_shared>>
    tpu.wait_indirect_dma semaphore(%arg38 : memref<!tpu.dma_semaphore, #tpu.memory_space<semaphore_mem>>) src(%arg17 : memref<40x144xf32, #tpu.memory_space<vmem>>) dst(%dma_wait3A_115 : memref<10000x144xf32, #tpu.memory_space<vmem_shared>>)
    %dma_wait3A_116 = arith.constant 0 : i32
    %dma_wait3A_117 = arith.constant 0 : i32
    %dma_wait3A_118 = tpu.memref_slice %arg27[%dma_wait3A_116, %dma_wait3A_117] : memref<10000x144xf32, #tpu.memory_space<vmem_shared>> -> memref<10000x144xf32, #tpu.memory_space<vmem_shared>>
    tpu.wait_indirect_dma semaphore(%arg39 : memref<!tpu.dma_semaphore, #tpu.memory_space<semaphore_mem>>) src(%arg18 : memref<40x144xf32, #tpu.memory_space<vmem>>) dst(%dma_wait3A_118 : memref<10000x144xf32, #tpu.memory_space<vmem_shared>>)
    %dma_wait3A_119 = arith.constant 0 : i32
    %dma_wait3A_120 = arith.constant 0 : i32
    %dma_wait3A_121 = tpu.memref_slice %arg27[%dma_wait3A_119, %dma_wait3A_120] : memref<10000x144xf32, #tpu.memory_space<vmem_shared>> -> memref<10000x144xf32, #tpu.memory_space<vmem_shared>>
    tpu.wait_indirect_dma semaphore(%arg40 : memref<!tpu.dma_semaphore, #tpu.memory_space<semaphore_mem>>) src(%arg19 : memref<40x144xf32, #tpu.memory_space<vmem>>) dst(%dma_wait3A_121 : memref<10000x144xf32, #tpu.memory_space<vmem_shared>>)
    %dma_wait3A_122 = arith.constant 0 : i32
    %dma_wait3A_123 = arith.constant 0 : i32
    %dma_wait3A_124 = tpu.memref_slice %arg27[%dma_wait3A_122, %dma_wait3A_123] : memref<10000x144xf32, #tpu.memory_space<vmem_shared>> -> memref<10000x144xf32, #tpu.memory_space<vmem_shared>>
    tpu.wait_indirect_dma semaphore(%arg41 : memref<!tpu.dma_semaphore, #tpu.memory_space<semaphore_mem>>) src(%arg20 : memref<40x144xf32, #tpu.memory_space<vmem>>) dst(%dma_wait3A_124 : memref<10000x144xf32, #tpu.memory_space<vmem_shared>>)
    %dma_wait3A_125 = arith.constant 0 : i32
    %dma_wait3A_126 = arith.constant 0 : i32
    %dma_wait3A_127 = tpu.memref_slice %arg27[%dma_wait3A_125, %dma_wait3A_126] : memref<10000x144xf32, #tpu.memory_space<vmem_shared>> -> memref<10000x144xf32, #tpu.memory_space<vmem_shared>>
    tpu.wait_indirect_dma semaphore(%arg42 : memref<!tpu.dma_semaphore, #tpu.memory_space<semaphore_mem>>) src(%arg21 : memref<40x144xf32, #tpu.memory_space<vmem>>) dst(%dma_wait3A_127 : memref<10000x144xf32, #tpu.memory_space<vmem_shared>>)
    %barrier3A_128 = arith.constant 0 : index
    tpu.barrier barrier_id(%barrier3A_128)
    %mul3A_129 = arith.constant 625 : i32
    %mul3A_130 = arith.muli %arg1, %mul3A_129 : i32
    %mul3A_131 = arith.constant 625 : i32
    %mul3A_132 = arith.muli %arg1, %mul3A_131 : i32
    "tpu.region"() ({
      %run_scoped3A = tpu.sem_alloc : memref<!tpu.dma_semaphore, #tpu.memory_space<semaphore_mem>>
      %dma_start3A_133 = arith.constant 0 : i32
      %dma_start3A_134 = tpu.memref_slice %arg6[%arg0, %mul3A_132, %dma_start3A_133] : memref<2x10000x144xf32, #tpu.memory_space<hbm>> -> memref<1x625x144xf32, #tpu.memory_space<hbm>>
      %dma_start3A_135 = tpu.memref_squeeze %dma_start3A_134 : memref<1x625x144xf32, #tpu.memory_space<hbm>> -> memref<625x144xf32, #tpu.memory_space<hbm>>
      %dma_start3A_136 = arith.constant 0 : i32
      %dma_start3A_137 = tpu.memref_slice %arg27[%mul3A_130, %dma_start3A_136] : memref<10000x144xf32, #tpu.memory_space<vmem_shared>> -> memref<625x144xf32, #tpu.memory_space<vmem_shared>>
      tpu.enqueue_dma source(%dma_start3A_137 : memref<625x144xf32, #tpu.memory_space<vmem_shared>>) target(%dma_start3A_135 : memref<625x144xf32, #tpu.memory_space<hbm>>) target_semaphore(%run_scoped3A : memref<!tpu.dma_semaphore, #tpu.memory_space<semaphore_mem>>)
      %dma_wait3A_138 = arith.constant 0 : i32
      %dma_wait3A_139 = tpu.memref_slice %arg6[%arg0, %mul3A_132, %dma_wait3A_138] : memref<2x10000x144xf32, #tpu.memory_space<hbm>> -> memref<1x625x144xf32, #tpu.memory_space<hbm>>
      %dma_wait3A_140 = tpu.memref_squeeze %dma_wait3A_139 : memref<1x625x144xf32, #tpu.memory_space<hbm>> -> memref<625x144xf32, #tpu.memory_space<hbm>>
      %dma_wait3A_141 = arith.constant 0 : i32
      %dma_wait3A_142 = tpu.memref_slice %arg27[%mul3A_130, %dma_wait3A_141] : memref<10000x144xf32, #tpu.memory_space<vmem_shared>> -> memref<625x144xf32, #tpu.memory_space<vmem_shared>>
      tpu.wait_dma2 semaphore(%run_scoped3A : memref<!tpu.dma_semaphore, #tpu.memory_space<semaphore_mem>>) src(%dma_wait3A_142 : memref<625x144xf32, #tpu.memory_space<vmem_shared>>) dst(%dma_wait3A_140 : memref<625x144xf32, #tpu.memory_space<hbm>>)
      tpu.yield
    }) : () -> ()
    return
  }
}

module attributes {stable_mosaic.version = 14 : i64} {
  func.func @_dense0_body(%arg0: i32, %arg1: memref<400x128xf32, #tpu.memory_space<vmem>>, %arg2: memref<128x128xf32, #tpu.memory_space<vmem>>, %arg3: memref<128x16xf32, #tpu.memory_space<vmem>>, %arg4: memref<128x16xf32, #tpu.memory_space<vmem>>, %arg5: memref<400x144xf32, #tpu.memory_space<vmem>>, %arg6: memref<400x16xf32, #tpu.memory_space<vmem>>) attributes {dimension_semantics = [#tpu.dimension_semantics<arbitrary>], iteration_bounds = array<i64: 25>, scalar_prefetch = 0 : i64, scratch_operands = 0 : i64, tpu.core_type = #tpu.core_type<tc>, window_params = [{transform_indices = @transform_0, window_bounds = array<i64: 400, 128>}, {pipeline_mode = #tpu.pipeline_mode<synchronous>, transform_indices = @transform_1, window_bounds = array<i64: 128, 128>}, {pipeline_mode = #tpu.pipeline_mode<synchronous>, transform_indices = @transform_2, window_bounds = array<i64: 128, 16>}, {pipeline_mode = #tpu.pipeline_mode<synchronous>, transform_indices = @transform_3, window_bounds = array<i64: 128, 16>}, {transform_indices = @transform_4, window_bounds = array<i64: 400, 144>}, {transform_indices = @transform_5, window_bounds = array<i64: 400, 16>}]} {
    %get3A = arith.constant 0 : index
    %get3A_0 = arith.constant 0 : index
    %get3A_1 = vector.load %arg1[%get3A, %get3A_0] : memref<400x128xf32, #tpu.memory_space<vmem>>, vector<400x128xf32>
    %get3A_2 = arith.constant 0 : index
    %get3A_3 = arith.constant 0 : index
    %get3A_4 = vector.load %arg2[%get3A_2, %get3A_3] : memref<128x128xf32, #tpu.memory_space<vmem>>, vector<128x128xf32>
    %dot_general3A = arith.constant dense<0.000000e+00> : vector<400x128xf32>
    %dot_general3A_5 = tpu.matmul %get3A_1, %get3A_4, %dot_general3A {dimension_numbers = #tpu.dot_dimension_numbers<[1], [0], [0], [1], [0, 0, 1, 1], [], []>, transpose_lhs_hint = false} : vector<400x128xf32>, vector<128x128xf32>, vector<400x128xf32> -> vector<400x128xf32>
    %get3A_6 = arith.constant 0 : index
    %get3A_7 = arith.constant 0 : index
    %get3A_8 = vector.load %arg3[%get3A_6, %get3A_7] : memref<128x16xf32, #tpu.memory_space<vmem>>, vector<128x16xf32>
    %dot_general3A_9 = arith.constant dense<0.000000e+00> : vector<400x16xf32>
    %dot_general3A_10 = tpu.matmul %dot_general3A_5, %get3A_8, %dot_general3A_9 {dimension_numbers = #tpu.dot_dimension_numbers<[1], [0], [0], [1], [0, 0, 1, 1], [], []>, transpose_lhs_hint = false} : vector<400x128xf32>, vector<128x16xf32>, vector<400x16xf32> -> vector<400x16xf32>
    %get3A_11 = arith.constant 0 : index
    %get3A_12 = arith.constant 0 : index
    %get3A_13 = vector.load %arg4[%get3A_11, %get3A_12] : memref<128x16xf32, #tpu.memory_space<vmem>>, vector<128x16xf32>
    %dot_general3A_14 = arith.constant dense<0.000000e+00> : vector<400x16xf32>
    %dot_general3A_15 = tpu.matmul %dot_general3A_5, %get3A_13, %dot_general3A_14 {dimension_numbers = #tpu.dot_dimension_numbers<[1], [0], [0], [1], [0, 0, 1, 1], [], []>, transpose_lhs_hint = false} : vector<400x128xf32>, vector<128x16xf32>, vector<400x16xf32> -> vector<400x16xf32>
    %swap3A = arith.constant 0 : index
    %swap3A_16 = arith.constant 0 : index
    %swap3A_17 = vector.load %arg5[%swap3A, %swap3A_16] : memref<400x144xf32, #tpu.memory_space<vmem>>, vector<400x128xf32>
    tpu.vector_store %arg5[%swap3A, %swap3A_16], %dot_general3A_5 {strides = array<i32>} : memref<400x144xf32, #tpu.memory_space<vmem>>, vector<400x128xf32>,
    %swap3A_18 = arith.constant 0 : index
    %swap3A_19 = arith.constant 128 : index
    %swap3A_20 = vector.load %arg5[%swap3A_18, %swap3A_19] : memref<400x144xf32, #tpu.memory_space<vmem>>, vector<400x16xf32>
    tpu.vector_store %arg5[%swap3A_18, %swap3A_19], %dot_general3A_10 {strides = array<i32>} : memref<400x144xf32, #tpu.memory_space<vmem>>, vector<400x16xf32>,
    %swap3A_21 = arith.constant 0 : index
    %swap3A_22 = arith.constant 0 : index
    %swap3A_23 = vector.load %arg6[%swap3A_21, %swap3A_22] : memref<400x16xf32, #tpu.memory_space<vmem>>, vector<400x16xf32>
    tpu.vector_store %arg6[%swap3A_21, %swap3A_22], %dot_general3A_15 {strides = array<i32>} : memref<400x16xf32, #tpu.memory_space<vmem>>, vector<400x16xf32>,
    return
  }
  func.func @transform_0(%arg0: i32) -> (i32, i32) {
    %c0_i32 = arith.constant 0 : i32
    %c0_i32_0 = arith.constant 0 : i32
    return %arg0, %c0_i32 : i32, i32
  }
  func.func @transform_1(%arg0: i32) -> (i32, i32) {
    %c0_i32 = arith.constant 0 : i32
    %c0_i32_0 = arith.constant 0 : i32
    %c0_i32_1 = arith.constant 0 : i32
    return %c0_i32, %c0_i32_0 : i32, i32
  }
  func.func @transform_2(%arg0: i32) -> (i32, i32) {
    %c0_i32 = arith.constant 0 : i32
    %c0_i32_0 = arith.constant 0 : i32
    %c0_i32_1 = arith.constant 0 : i32
    return %c0_i32, %c0_i32_0 : i32, i32
  }
  func.func @transform_3(%arg0: i32) -> (i32, i32) {
    %c0_i32 = arith.constant 0 : i32
    %c0_i32_0 = arith.constant 0 : i32
    %c0_i32_1 = arith.constant 0 : i32
    return %c0_i32, %c0_i32_0 : i32, i32
  }
  func.func @transform_4(%arg0: i32) -> (i32, i32) {
    %c0_i32 = arith.constant 0 : i32
    %c0_i32_0 = arith.constant 0 : i32
    return %arg0, %c0_i32 : i32, i32
  }
  func.func @transform_5(%arg0: i32) -> (i32, i32) {
    %c0_i32 = arith.constant 0 : i32
    %c0_i32_0 = arith.constant 0 : i32
    return %arg0, %c0_i32 : i32, i32
  }
}

module attributes {stable_mosaic.version = 14 : i64} {
  func.func @_dense1_body(%arg0: i32, %arg1: memref<400x144xf32, #tpu.memory_space<vmem>>, %arg2: memref<400x144xf32, #tpu.memory_space<vmem>>, %arg3: memref<400x128xf32, #tpu.memory_space<vmem>>, %arg4: memref<1x128xf32, #tpu.memory_space<vmem>>, %arg5: memref<16x128xf32, #tpu.memory_space<vmem>>, %arg6: memref<128x128xf32, #tpu.memory_space<vmem>>, %arg7: memref<128x128xf32, #tpu.memory_space<vmem>>, %arg8: memref<128x16xf32, #tpu.memory_space<vmem>>, %arg9: memref<128x16xf32, #tpu.memory_space<vmem>>, %arg10: memref<400x128xf32, #tpu.memory_space<vmem>>, %arg11: memref<400x144xf32, #tpu.memory_space<vmem>>, %arg12: memref<400x16xf32, #tpu.memory_space<vmem>>) attributes {dimension_semantics = [#tpu.dimension_semantics<arbitrary>], iteration_bounds = array<i64: 25>, scalar_prefetch = 0 : i64, scratch_operands = 0 : i64, tpu.core_type = #tpu.core_type<tc>, window_params = [{transform_indices = @transform_0, window_bounds = array<i64: 400, 144>}, {transform_indices = @transform_1, window_bounds = array<i64: 400, 144>}, {transform_indices = @transform_2, window_bounds = array<i64: 400, 128>}, {pipeline_mode = #tpu.pipeline_mode<synchronous>, transform_indices = @transform_3, window_bounds = array<i64: 1, 128>}, {pipeline_mode = #tpu.pipeline_mode<synchronous>, transform_indices = @transform_4, window_bounds = array<i64: 16, 128>}, {pipeline_mode = #tpu.pipeline_mode<synchronous>, transform_indices = @transform_5, window_bounds = array<i64: 128, 128>}, {pipeline_mode = #tpu.pipeline_mode<synchronous>, transform_indices = @transform_6, window_bounds = array<i64: 128, 128>}, {pipeline_mode = #tpu.pipeline_mode<synchronous>, transform_indices = @transform_7, window_bounds = array<i64: 128, 16>}, {pipeline_mode = #tpu.pipeline_mode<synchronous>, transform_indices = @transform_8, window_bounds = array<i64: 128, 16>}, {transform_indices = @transform_9, window_bounds = array<i64: 400, 128>}, {transform_indices = @transform_10, window_bounds = array<i64: 400, 144>}, {transform_indices = @transform_11, window_bounds = array<i64: 400, 16>}]} {
    %get3A = arith.constant 0 : index
    %get3A_0 = arith.constant 0 : index
    %get3A_1 = vector.load %arg1[%get3A, %get3A_0] : memref<400x144xf32, #tpu.memory_space<vmem>>, vector<400x144xf32>
    %get3A_2 = arith.constant 0 : index
    %get3A_3 = arith.constant 0 : index
    %get3A_4 = vector.load %arg2[%get3A_2, %get3A_3] : memref<400x144xf32, #tpu.memory_space<vmem>>, vector<400x144xf32>
    %get3A_5 = arith.constant 0 : index
    %get3A_6 = arith.constant 0 : index
    %get3A_7 = vector.load %arg3[%get3A_5, %get3A_6] : memref<400x128xf32, #tpu.memory_space<vmem>>, vector<400x128xf32>
    %get3A_8 = arith.constant 0 : index
    %get3A_9 = arith.constant 0 : index
    %get3A_10 = vector.load %arg4[%get3A_8, %get3A_9] : memref<1x128xf32, #tpu.memory_space<vmem>>, vector<1x128xf32>
    %get3A_11 = arith.constant 0 : index
    %get3A_12 = arith.constant 0 : index
    %get3A_13 = vector.load %arg5[%get3A_11, %get3A_12] : memref<16x128xf32, #tpu.memory_space<vmem>>, vector<16x128xf32>
    %get3A_14 = arith.constant 0 : index
    %get3A_15 = arith.constant 0 : index
    %get3A_16 = vector.load %arg6[%get3A_14, %get3A_15] : memref<128x128xf32, #tpu.memory_space<vmem>>, vector<128x128xf32>
    %add3A = arith.addf %get3A_1, %get3A_4 : vector<400x144xf32>
    %slice3A = vector.extract_strided_slice %add3A {offsets = [0, 0], sizes = [400, 128], strides = [1, 1]} : vector<400x144xf32> to vector<400x128xf32>
    %dot_general3A = arith.constant dense<0.000000e+00> : vector<400x128xf32>
    %dot_general3A_17 = tpu.matmul %slice3A, %get3A_16, %dot_general3A {dimension_numbers = #tpu.dot_dimension_numbers<[1], [0], [0], [1], [0, 0, 1, 1], [], []>, transpose_lhs_hint = false} : vector<400x128xf32>, vector<128x128xf32>, vector<400x128xf32> -> vector<400x128xf32>
    %slice3A_18 = vector.extract_strided_slice %add3A {offsets = [0, 128], sizes = [400, 16], strides = [1, 1]} : vector<400x144xf32> to vector<400x16xf32>
    %dot_general3A_19 = arith.constant dense<0.000000e+00> : vector<400x128xf32>
    %dot_general3A_20 = tpu.matmul %slice3A_18, %get3A_13, %dot_general3A_19 {dimension_numbers = #tpu.dot_dimension_numbers<[1], [0], [0], [1], [0, 0, 1, 1], [], []>, transpose_lhs_hint = false} : vector<400x16xf32>, vector<16x128xf32>, vector<400x128xf32> -> vector<400x128xf32>
    %max3A = arith.constant 1.000000e-30 : f32
    %max3A_21 = vector.broadcast %max3A : f32 to vector<400x128xf32>
    %max3A_22 = arith.maximumf %dot_general3A_20, %max3A_21 : vector<400x128xf32>
    %div3A = arith.divf %dot_general3A_17, %max3A_22 : vector<400x128xf32>
    %add3A_23 = arith.addf %div3A, %get3A_7 : vector<400x128xf32>
    %add3A_24 = vector.broadcast %get3A_10 : vector<1x128xf32> to vector<400x128xf32>
    %add3A_25 = arith.addf %add3A_23, %add3A_24 : vector<400x128xf32>
    %mul3A = arith.constant 0.00999999977 : f32
    %mul3A_26 = vector.broadcast %mul3A : f32 to vector<400x128xf32>
    %mul3A_27 = arith.mulf %add3A_25, %mul3A_26 : vector<400x128xf32>
    %max3A_28 = arith.maximumf %add3A_25, %mul3A_27 : vector<400x128xf32>
    %swap3A = arith.constant 0 : index
    %swap3A_29 = arith.constant 0 : index
    %swap3A_30 = vector.load %arg10[%swap3A, %swap3A_29] : memref<400x128xf32, #tpu.memory_space<vmem>>, vector<400x128xf32>
    tpu.vector_store %arg10[%swap3A, %swap3A_29], %max3A_28 {strides = array<i32>} : memref<400x128xf32, #tpu.memory_space<vmem>>, vector<400x128xf32>,
    %get3A_31 = arith.constant 0 : index
    %get3A_32 = arith.constant 0 : index
    %get3A_33 = vector.load %arg7[%get3A_31, %get3A_32] : memref<128x128xf32, #tpu.memory_space<vmem>>, vector<128x128xf32>
    %dot_general3A_34 = arith.constant dense<0.000000e+00> : vector<400x128xf32>
    %dot_general3A_35 = tpu.matmul %max3A_28, %get3A_33, %dot_general3A_34 {dimension_numbers = #tpu.dot_dimension_numbers<[1], [0], [0], [1], [0, 0, 1, 1], [], []>, transpose_lhs_hint = false} : vector<400x128xf32>, vector<128x128xf32>, vector<400x128xf32> -> vector<400x128xf32>
    %get3A_36 = arith.constant 0 : index
    %get3A_37 = arith.constant 0 : index
    %get3A_38 = vector.load %arg8[%get3A_36, %get3A_37] : memref<128x16xf32, #tpu.memory_space<vmem>>, vector<128x16xf32>
    %dot_general3A_39 = arith.constant dense<0.000000e+00> : vector<400x16xf32>
    %dot_general3A_40 = tpu.matmul %dot_general3A_35, %get3A_38, %dot_general3A_39 {dimension_numbers = #tpu.dot_dimension_numbers<[1], [0], [0], [1], [0, 0, 1, 1], [], []>, transpose_lhs_hint = false} : vector<400x128xf32>, vector<128x16xf32>, vector<400x16xf32> -> vector<400x16xf32>
    %get3A_41 = arith.constant 0 : index
    %get3A_42 = arith.constant 0 : index
    %get3A_43 = vector.load %arg9[%get3A_41, %get3A_42] : memref<128x16xf32, #tpu.memory_space<vmem>>, vector<128x16xf32>
    %dot_general3A_44 = arith.constant dense<0.000000e+00> : vector<400x16xf32>
    %dot_general3A_45 = tpu.matmul %dot_general3A_35, %get3A_43, %dot_general3A_44 {dimension_numbers = #tpu.dot_dimension_numbers<[1], [0], [0], [1], [0, 0, 1, 1], [], []>, transpose_lhs_hint = false} : vector<400x128xf32>, vector<128x16xf32>, vector<400x16xf32> -> vector<400x16xf32>
    %swap3A_46 = arith.constant 0 : index
    %swap3A_47 = arith.constant 0 : index
    %swap3A_48 = vector.load %arg11[%swap3A_46, %swap3A_47] : memref<400x144xf32, #tpu.memory_space<vmem>>, vector<400x128xf32>
    tpu.vector_store %arg11[%swap3A_46, %swap3A_47], %dot_general3A_35 {strides = array<i32>} : memref<400x144xf32, #tpu.memory_space<vmem>>, vector<400x128xf32>,
    %swap3A_49 = arith.constant 0 : index
    %swap3A_50 = arith.constant 128 : index
    %swap3A_51 = vector.load %arg11[%swap3A_49, %swap3A_50] : memref<400x144xf32, #tpu.memory_space<vmem>>, vector<400x16xf32>
    tpu.vector_store %arg11[%swap3A_49, %swap3A_50], %dot_general3A_40 {strides = array<i32>} : memref<400x144xf32, #tpu.memory_space<vmem>>, vector<400x16xf32>,
    %swap3A_52 = arith.constant 0 : index
    %swap3A_53 = arith.constant 0 : index
    %swap3A_54 = vector.load %arg12[%swap3A_52, %swap3A_53] : memref<400x16xf32, #tpu.memory_space<vmem>>, vector<400x16xf32>
    tpu.vector_store %arg12[%swap3A_52, %swap3A_53], %dot_general3A_45 {strides = array<i32>} : memref<400x16xf32, #tpu.memory_space<vmem>>, vector<400x16xf32>,
    return
  }
  func.func @transform_0(%arg0: i32) -> (i32, i32) {
    %c0_i32 = arith.constant 0 : i32
    %c0_i32_0 = arith.constant 0 : i32
    return %arg0, %c0_i32 : i32, i32
  }
  func.func @transform_1(%arg0: i32) -> (i32, i32) {
    %c0_i32 = arith.constant 0 : i32
    %c0_i32_0 = arith.constant 0 : i32
    return %arg0, %c0_i32 : i32, i32
  }
  func.func @transform_2(%arg0: i32) -> (i32, i32) {
    %c0_i32 = arith.constant 0 : i32
    %c0_i32_0 = arith.constant 0 : i32
    return %arg0, %c0_i32 : i32, i32
  }
  func.func @transform_3(%arg0: i32) -> (i32, i32) {
    %c0_i32 = arith.constant 0 : i32
    %c0_i32_0 = arith.constant 0 : i32
    %c0_i32_1 = arith.constant 0 : i32
    return %c0_i32, %c0_i32_0 : i32, i32
  }
  func.func @transform_4(%arg0: i32) -> (i32, i32) {
    %c0_i32 = arith.constant 0 : i32
    %c0_i32_0 = arith.constant 0 : i32
    %c0_i32_1 = arith.constant 0 : i32
    return %c0_i32, %c0_i32_0 : i32, i32
  }
  func.func @transform_5(%arg0: i32) -> (i32, i32) {
    %c0_i32 = arith.constant 0 : i32
    %c0_i32_0 = arith.constant 0 : i32
    %c0_i32_1 = arith.constant 0 : i32
    return %c0_i32, %c0_i32_0 : i32, i32
  }
  func.func @transform_6(%arg0: i32) -> (i32, i32) {
    %c0_i32 = arith.constant 0 : i32
    %c0_i32_0 = arith.constant 0 : i32
    %c0_i32_1 = arith.constant 0 : i32
    return %c0_i32, %c0_i32_0 : i32, i32
  }
  func.func @transform_7(%arg0: i32) -> (i32, i32) {
    %c0_i32 = arith.constant 0 : i32
    %c0_i32_0 = arith.constant 0 : i32
    %c0_i32_1 = arith.constant 0 : i32
    return %c0_i32, %c0_i32_0 : i32, i32
  }
  func.func @transform_8(%arg0: i32) -> (i32, i32) {
    %c0_i32 = arith.constant 0 : i32
    %c0_i32_0 = arith.constant 0 : i32
    %c0_i32_1 = arith.constant 0 : i32
    return %c0_i32, %c0_i32_0 : i32, i32
  }
  func.func @transform_9(%arg0: i32) -> (i32, i32) {
    %c0_i32 = arith.constant 0 : i32
    %c0_i32_0 = arith.constant 0 : i32
    return %arg0, %c0_i32 : i32, i32
  }
  func.func @transform_10(%arg0: i32) -> (i32, i32) {
    %c0_i32 = arith.constant 0 : i32
    %c0_i32_0 = arith.constant 0 : i32
    return %arg0, %c0_i32 : i32, i32
  }
  func.func @transform_11(%arg0: i32) -> (i32, i32) {
    %c0_i32 = arith.constant 0 : i32
    %c0_i32_0 = arith.constant 0 : i32
    return %arg0, %c0_i32 : i32, i32
  }
}

module attributes {stable_mosaic.version = 14 : i64} {
  func.func @_dense2_body(%arg0: i32, %arg1: memref<400x144xf32, #tpu.memory_space<vmem>>, %arg2: memref<400x144xf32, #tpu.memory_space<vmem>>, %arg3: memref<400x128xf32, #tpu.memory_space<vmem>>, %arg4: memref<1x128xf32, #tpu.memory_space<vmem>>, %arg5: memref<16x128xf32, #tpu.memory_space<vmem>>, %arg6: memref<128x128xf32, #tpu.memory_space<vmem>>, %arg7: memref<400x128xf32, #tpu.memory_space<vmem>>) attributes {dimension_semantics = [#tpu.dimension_semantics<arbitrary>], iteration_bounds = array<i64: 25>, scalar_prefetch = 0 : i64, scratch_operands = 0 : i64, tpu.core_type = #tpu.core_type<tc>, window_params = [{transform_indices = @transform_0, window_bounds = array<i64: 400, 144>}, {transform_indices = @transform_1, window_bounds = array<i64: 400, 144>}, {transform_indices = @transform_2, window_bounds = array<i64: 400, 128>}, {pipeline_mode = #tpu.pipeline_mode<synchronous>, transform_indices = @transform_3, window_bounds = array<i64: 1, 128>}, {pipeline_mode = #tpu.pipeline_mode<synchronous>, transform_indices = @transform_4, window_bounds = array<i64: 16, 128>}, {pipeline_mode = #tpu.pipeline_mode<synchronous>, transform_indices = @transform_5, window_bounds = array<i64: 128, 128>}, {transform_indices = @transform_6, window_bounds = array<i64: 400, 128>}]} {
    %get3A = arith.constant 0 : index
    %get3A_0 = arith.constant 0 : index
    %get3A_1 = vector.load %arg1[%get3A, %get3A_0] : memref<400x144xf32, #tpu.memory_space<vmem>>, vector<400x144xf32>
    %get3A_2 = arith.constant 0 : index
    %get3A_3 = arith.constant 0 : index
    %get3A_4 = vector.load %arg2[%get3A_2, %get3A_3] : memref<400x144xf32, #tpu.memory_space<vmem>>, vector<400x144xf32>
    %get3A_5 = arith.constant 0 : index
    %get3A_6 = arith.constant 0 : index
    %get3A_7 = vector.load %arg3[%get3A_5, %get3A_6] : memref<400x128xf32, #tpu.memory_space<vmem>>, vector<400x128xf32>
    %get3A_8 = arith.constant 0 : index
    %get3A_9 = arith.constant 0 : index
    %get3A_10 = vector.load %arg4[%get3A_8, %get3A_9] : memref<1x128xf32, #tpu.memory_space<vmem>>, vector<1x128xf32>
    %get3A_11 = arith.constant 0 : index
    %get3A_12 = arith.constant 0 : index
    %get3A_13 = vector.load %arg5[%get3A_11, %get3A_12] : memref<16x128xf32, #tpu.memory_space<vmem>>, vector<16x128xf32>
    %get3A_14 = arith.constant 0 : index
    %get3A_15 = arith.constant 0 : index
    %get3A_16 = vector.load %arg6[%get3A_14, %get3A_15] : memref<128x128xf32, #tpu.memory_space<vmem>>, vector<128x128xf32>
    %add3A = arith.addf %get3A_1, %get3A_4 : vector<400x144xf32>
    %slice3A = vector.extract_strided_slice %add3A {offsets = [0, 0], sizes = [400, 128], strides = [1, 1]} : vector<400x144xf32> to vector<400x128xf32>
    %dot_general3A = arith.constant dense<0.000000e+00> : vector<400x128xf32>
    %dot_general3A_17 = tpu.matmul %slice3A, %get3A_16, %dot_general3A {dimension_numbers = #tpu.dot_dimension_numbers<[1], [0], [0], [1], [0, 0, 1, 1], [], []>, transpose_lhs_hint = false} : vector<400x128xf32>, vector<128x128xf32>, vector<400x128xf32> -> vector<400x128xf32>
    %slice3A_18 = vector.extract_strided_slice %add3A {offsets = [0, 128], sizes = [400, 16], strides = [1, 1]} : vector<400x144xf32> to vector<400x16xf32>
    %dot_general3A_19 = arith.constant dense<0.000000e+00> : vector<400x128xf32>
    %dot_general3A_20 = tpu.matmul %slice3A_18, %get3A_13, %dot_general3A_19 {dimension_numbers = #tpu.dot_dimension_numbers<[1], [0], [0], [1], [0, 0, 1, 1], [], []>, transpose_lhs_hint = false} : vector<400x16xf32>, vector<16x128xf32>, vector<400x128xf32> -> vector<400x128xf32>
    %max3A = arith.constant 1.000000e-30 : f32
    %max3A_21 = vector.broadcast %max3A : f32 to vector<400x128xf32>
    %max3A_22 = arith.maximumf %dot_general3A_20, %max3A_21 : vector<400x128xf32>
    %div3A = arith.divf %dot_general3A_17, %max3A_22 : vector<400x128xf32>
    %add3A_23 = arith.addf %div3A, %get3A_7 : vector<400x128xf32>
    %add3A_24 = vector.broadcast %get3A_10 : vector<1x128xf32> to vector<400x128xf32>
    %add3A_25 = arith.addf %add3A_23, %add3A_24 : vector<400x128xf32>
    %mul3A = arith.mulf %add3A_25, %add3A_25 : vector<400x128xf32>
    %reduce_sum3A = arith.constant dense<0.000000e+00> : vector<400xf32>
    %reduce_sum3A_26 = vector.multi_reduction <add>, %mul3A, %reduce_sum3A [1] : vector<400x128xf32> to vector<400xf32>
    %broadcast_in_dim3A = vector.shape_cast %reduce_sum3A_26 : vector<400xf32> to vector<400x1xf32>
    %sqrt3A = math.sqrt %broadcast_in_dim3A : vector<400x1xf32>
    %max3A_27 = arith.constant 9.99999974E-6 : f32
    %max3A_28 = vector.broadcast %max3A_27 : f32 to vector<400x1xf32>
    %max3A_29 = arith.maximumf %sqrt3A, %max3A_28 : vector<400x1xf32>
    %div3A_30 = vector.broadcast %max3A_29 : vector<400x1xf32> to vector<400x128xf32>
    %div3A_31 = arith.divf %add3A_25, %div3A_30 : vector<400x128xf32>
    %swap3A = arith.constant 0 : index
    %swap3A_32 = arith.constant 0 : index
    %swap3A_33 = vector.load %arg7[%swap3A, %swap3A_32] : memref<400x128xf32, #tpu.memory_space<vmem>>, vector<400x128xf32>
    tpu.vector_store %arg7[%swap3A, %swap3A_32], %div3A_31 {strides = array<i32>} : memref<400x128xf32, #tpu.memory_space<vmem>>, vector<400x128xf32>,
    return
  }
  func.func @transform_0(%arg0: i32) -> (i32, i32) {
    %c0_i32 = arith.constant 0 : i32
    %c0_i32_0 = arith.constant 0 : i32
    return %arg0, %c0_i32 : i32, i32
  }
  func.func @transform_1(%arg0: i32) -> (i32, i32) {
    %c0_i32 = arith.constant 0 : i32
    %c0_i32_0 = arith.constant 0 : i32
    return %arg0, %c0_i32 : i32, i32
  }
  func.func @transform_2(%arg0: i32) -> (i32, i32) {
    %c0_i32 = arith.constant 0 : i32
    %c0_i32_0 = arith.constant 0 : i32
    return %arg0, %c0_i32 : i32, i32
  }
  func.func @transform_3(%arg0: i32) -> (i32, i32) {
    %c0_i32 = arith.constant 0 : i32
    %c0_i32_0 = arith.constant 0 : i32
    %c0_i32_1 = arith.constant 0 : i32
    return %c0_i32, %c0_i32_0 : i32, i32
  }
  func.func @transform_4(%arg0: i32) -> (i32, i32) {
    %c0_i32 = arith.constant 0 : i32
    %c0_i32_0 = arith.constant 0 : i32
    %c0_i32_1 = arith.constant 0 : i32
    return %c0_i32, %c0_i32_0 : i32, i32
  }
  func.func @transform_5(%arg0: i32) -> (i32, i32) {
    %c0_i32 = arith.constant 0 : i32
    %c0_i32_0 = arith.constant 0 : i32
    %c0_i32_1 = arith.constant 0 : i32
    return %c0_i32, %c0_i32_0 : i32, i32
  }
  func.func @transform_6(%arg0: i32) -> (i32, i32) {
    %c0_i32 = arith.constant 0 : i32
    %c0_i32_0 = arith.constant 0 : i32
    return %arg0, %c0_i32 : i32, i32
  }
}

</mosaic_0001>

<sc_bundles>
// kernel: kernel.12.cloned.1.call-start
scs
__scs_entry_jumppad:
0x0: {  	(pc) =	sbr.rel $0x88, $3  }
0x1: {  	(tag) =	ssettag $0x0;
	lr =	simm.s32 $0x1  }
0x2: {  	[smem:$0x3F95] =	sst lr;
	_ =	strace $0xD0000000  }
0x3: {  	_ = 	snop  }
0x4: {  	_ = 	snop  }
0x5: {  	_ = 	snop  }
0x6: {  	_ = 	snop  }
0x7: {  	_ = 	snop  }
__scs_overlays_trampoline_lowered:
0x8: {  	[smem:$0x3FA4] =	sst s0  }
0x9: {  	[smem:$0x3FA5] =	sst s1  }
0xa: {  	[smem:$0x3FA6] =	sst s2  }
0xb: {  	[smem:$0x3FA7] =	sst s3  }
0xc: {  	[smem:$0x3FA8] =	sst s4  }
0xd: {  	[smem:$0x3FA9] =	sst s5  }
0xe: {  	[smem:$0x3FAA] =	sst s6  }
0xf: {  	[smem:$0x3FAB] =	sst s7  }
0x10: {  	[smem:$0x3FAC] =	sst s8  }
0x11: {  	[smem:$0x3FAD] =	sst s9;
	s0 =	simm.s32 @!p0 $0x0  }
0x12: {  	s1 =	sld [smem:$0x3F93];
	s0 =	simm.s32 @p0 $0x1  }
0x13: {  	[smem:$0x3FAE] =	sst s0;
	s0 =	simm.s32 @!p1 $0x0  }
0x14: {  	s2 =	sld [smem:$0x3F92];
	s0 =	simm.s32 @p1 $0x1  }
0x15: {  	[smem:$0x3FAF] =	sst s0;
	s0 =	simm.s32 @!p2 $0x0  }
0x16: {  	s3 =	sld [smem:$0x3FDB];
	s0 =	simm.s32 @p2 $0x1  }
0x17: {  	s4 =	simm.s32 $0x1BF5;
	[smem:$0x3FB1] =	sst s0  }
0x18: {  	s0 =	sld [smem:$0x3F94];
	_ =	swait.ge [sflag:s4], $0x0  }
0x19: {  	s7 =	sld [smem:$0x3F95]  }
0x1a: {  	s8 =	sadd.s32 $0xFFFFE003, lr  }
0x1b: {  	s9 =	sadd.s32 $0xFFFFFEF7, lr;
	s5 =	simm.s32 $0xFFFFFFFF;
	p2 =	slt.u32 s8, $0xFFFFF086  }
0x1c: {  	p1 =	slt.u32 s9, $0xF7A;
	s5 =	simm.s32 @!p2 $0x0  }
0x1d: {  	s5 =	simm.s32 @p1 $0x1;
	p0 =	seq.s32 s7, s2  }
0x1e: {  	s7 =	smul.u32 @!p0 $0xF7A, s2;
	p2 =	seq.s32 @!p0 s5, $0x0  }
0x1f: {  	s9 =	smul.u32 $0xF7A, s1;
	s8 =	simm.s32 @!p0 $0x1BF5;
	p2 =	por !p2, p0  }
0x20: {  	[sflag:s8] =	ssyncset.s32 @!p0 $0xFFFFF086;
	s6 =	sadd.s32 @!p0 s3, s7;
	s7 =	simm.s32 @!p0 $0x108  }
0x21: {  	s3 =	sadd.s32 s3, s9;
	s6 =	sadd.s32 @!p0 $0x88, s6;
	s7 =	simm.s32 @p2 $0x1082  }
0x22: {  	[simem:s7], [sflag:s8] =	dma.local @!p0 [hbm:s6], $0xF7A  }
0x23: {  	s9 =	sor.u32 $0xD0000000, s2;
	s6 =	simm.s32 $0x108;
	_ =	swait.ge @!p0 [sflag:s8], $0x0  }
0x24: {  	s3 =	sadd.s32 $0x88, s3;
	s6 =	simm.s32 @!p1 $0x1082;
	[sflag:s4] =	ssyncset.s32 $0xFFFFF086  }
0x25: {  	[simem:s6], [sflag:s4] =	dma.local [hbm:s3], $0xF7A  }
0x26: {  	[smem:$0x3F95] =	sst s1;
	(tag) =	ssettag s2;
	_ =	strace s9  }
0x27: {  	s1 =	sld [smem:$0x3FA5]  }
0x28: {  	s2 =	sld [smem:$0x3FA6]  }
0x29: {  	s4 =	sld [smem:$0x3FA8]  }
0x2a: {  	p0 =	seq.s32 s5, $0x0;
	s5 =	sld [smem:$0x3FA9]  }
0x2b: {  	s6 =	sld [smem:$0x3FAA]  }
0x2c: {  	s7 =	sld [smem:$0x3FAB]  }
0x2d: {  	s3 =	simm.s32 $0x108;
	s8 =	sld [smem:$0x3FAC]  }
0x2e: {  	s3 =	simm.s32 @!p0 $0x1082;
	s9 =	sld [smem:$0x3FAD]  }
0x2f: {  	lr =	sadd.s32 s0, s3;
	s0 =	sld [smem:$0x3FA4]  }
0x30: {  	s3 =	sld [smem:$0x3FA7]  }
0x31: {  	[smem:$0x3FB0] =	sst s10  }
0x32: {  	s10 =	sld [smem:$0x3FAE];
	_ =	sdelay $0x3  }
0x33: {  	p0 =	seq.s32 s10, $0x1;
	s10 =	sld [smem:$0x3FB0];
	_ =	sdelay $0x3  }
0x34: {  	[smem:$0x3FB0] =	sst s10  }
0x35: {  	s10 =	sld [smem:$0x3FAF];
	_ =	sdelay $0x3  }
0x36: {  	p1 =	seq.s32 s10, $0x1;
	s10 =	sld [smem:$0x3FB0];
	_ =	sdelay $0x3  }
0x37: {  	[smem:$0x3FB0] =	sst s10  }
0x38: {  	s10 =	sld [smem:$0x3FB1]  }
0x39: {  	_ = 	snop;
	(pc) =	sbr.ind lr, $3  }
0x3a: {  	_ = 	snop  }
0x3b: {  	_ = 	snop  }
0x3c: {  	p2 =	seq.s32 s10, $0x1;
	s10 =	sld [smem:$0x3FB0]  }
0x3d: {  	_ =	shalt  }
0x3e: {  	_ =	shalt  }
0x3f: {  	_ =	shalt  }
0x40: {  	_ =	shalt  }
0x41: {  	_ =	shalt  }
0x42: {  	_ =	shalt  }
0x43: {  	_ =	shalt  }
0x44: {  	_ =	shalt  }
0x45: {  	_ =	shalt  }
0x46: {  	_ =	shalt  }
0x47: {  	_ =	shalt  }
0x48: {  	_ =	shalt  }
0x49: {  	_ =	shalt  }
0x4a: {  	_ =	shalt  }
0x4b: {  	_ =	shalt  }
0x4c: {  	_ =	shalt  }
0x4d: {  	_ =	shalt  }
0x4e: {  	_ =	shalt  }
0x4f: {  	_ =	shalt  }
0x50: {  	_ =	shalt  }
0x51: {  	_ =	shalt  }
0x52: {  	_ =	shalt  }
0x53: {  	_ =	shalt  }
0x54: {  	_ =	shalt  }
0x55: {  	_ =	shalt  }
0x56: {  	_ =	shalt  }
0x57: {  	_ =	shalt  }
0x58: {  	_ =	shalt  }
0x59: {  	_ =	shalt  }
0x5a: {  	_ =	shalt  }
0x5b: {  	_ =	shalt  }
0x5c: {  	_ =	shalt  }
0x5d: {  	_ =	shalt  }
0x5e: {  	_ =	shalt  }
0x5f: {  	_ =	shalt  }
0x60: {  	_ =	shalt  }
0x61: {  	_ =	shalt  }
0x62: {  	_ =	shalt  }
0x63: {  	_ =	shalt  }
0x64: {  	_ =	shalt  }
0x65: {  	_ =	shalt  }
0x66: {  	_ =	shalt  }
0x67: {  	_ =	shalt  }
0x68: {  	_ =	shalt  }
0x69: {  	_ =	shalt  }
0x6a: {  	_ =	shalt  }
0x6b: {  	_ =	shalt  }
0x6c: {  	_ =	shalt  }
0x6d: {  	_ =	shalt  }
0x6e: {  	_ =	shalt  }
0x6f: {  	_ =	shalt  }
0x70: {  	_ =	shalt  }
0x71: {  	_ =	shalt  }
0x72: {  	_ =	shalt  }
0x73: {  	_ =	shalt  }
0x74: {  	_ =	shalt  }
0x75: {  	_ =	shalt  }
0x76: {  	_ =	shalt  }
0x77: {  	_ =	shalt  }
0x78: {  	_ =	shalt  }
0x79: {  	_ =	shalt  }
0x7a: {  	_ =	shalt  }
0x7b: {  	_ =	shalt  }
0x7c: {  	_ =	shalt  }
0x7d: {  	_ =	shalt  }
0x7e: {  	_ =	shalt  }
0x7f: {  	_ =	shalt  }
0x80: {  	_ =	shalt  }
0x81: {  	_ =	shalt  }
0x82: {  	_ =	shalt  }
0x83: {  	_ =	shalt  }
0x84: {  	_ =	shalt  }
0x85: {  	_ =	shalt  }
0x86: {  	_ =	shalt  }
0x87: {  	_ =	shalt  }
.Lfunc_end0:
.L_simem_size_0:
called_computation.1_lowered:
.L_overlay_start_0:
0x88: {  	s2 =	sld [smem:$0x3FD9]  }
0x89: {  	s3 =	sld [smem:$0x3FFE];
	_ =	sdelay $0x1  }
0x8a: {  	s1 =	srdreg.scid  }
0x8b: {  	s0 =	sand.u32 $0x1, s1  }
0x8c: {  	s17 =	sshll.u32 s0, $0xA;
	s2 =	sadd.s32 s3, s2  }
0x8d: {  	s2 =	sadd.s32 s2, s17  }
0x8e: {  	[smem:$0x3FBC] =	sst s2  }
0x8f: {  	_ = 	snop  }
0x90: {  	s2 =	sld [smem:$0x3FD0];
	(tm) =	ssettm $0x1  }
0x91: {  	s18 =	sld [smem:$0x3FFB];
	_ =	sdelay $0x3  }
0x92: {  	_ =	strace s18  }
0x93: {  	s3 =	sld [smem:$0x3FFC];
	_ =	sdelay $0x3  }
0x94: {  	_ =	strace s3  }
0x95: {  	s3 =	sld [smem:$0x3FFD];
	_ =	sdelay $0x3  }
0x96: {  	_ =	strace s3  }
0x97: {  	_ =	strace $0x8FFFFFFF  }
0x98: {  	s19 =	sld [smem:$0x3FDB];
	_ =	sdelay $0x1  }
0x99: {  	s4 =	simm.s32 $_scs_section_size  }
0x9a: {  	s5 =	simm.s32 $_size__tile_overlayer_lowered;
	s6 =	simm.s32 $_tile_overlayer_lowered  }
0x9b: {  	s22 =	simm.s32 $0x1BFF;
	s21 =	sshll.u32 s6, $0x1;
	s3 =	sadd.s32 s4, s19  }
0x9c: {  	s7 =	simm.s32 $0x0;
	s20 =	sshll.u32 s5, $0x1;
	s5 =	sadd.s32 s21, s3  }
0x9d: {  	[timem:s7], [sflag:s22] =	dma.local [hbm:s5], s20  }
0x9e: {  	_ =	swait.ge [sflag:s22], s20  }
0x9f: {  	s4 =	ssub.s32 $0x0, s20;
	[sflag:s22] =	ssyncset.done $0x0  }
0xa0: {  	[sflag:s22] =	ssyncadd.s32 s4;
	_ =	sdelay $0x1  }
0xa1: {  	s23 =	simm.s32 $0x1B8B  }
0xa2: {  	_ =	swait.ge [sflag:s23], $0x1  }
0xa3: {  	[sflag:s23] =	ssyncset.done $0x0  }
0xa4: {  	s25 =	simm.s32 $0x1B8E;
	s24 =	sld [smem:$0x3FFE];
	[sflag:s23] =	ssyncadd.s32 $0xFFFFFFFF  }
0xa5: {  	s26 =	simm.s32 $execute0_lowered;
	[smem:$0x3FD2] =	sst s25  }
0xa6: {  	s5 =	sshll.u32 s26, $0x1;
	_ =	strace $0x80000049;
	[dreg:$0x1] =	wrdreg $0xFFFFFFFF  }
0xa7: {  	s28 =	simm.s32 $_size_execute0_lowered;
	s3 =	sadd.s32 s3, s5;
	[dreg:$0x0] =	wrdreg $0x0  }
0xa8: {  	s5 =	sshll.u32 s28, $0x1;
	[dreg:$0x2] =	wrdreg s3  }
0xa9: {  	[dreg:$0x3] =	wrdreg s5  }
0xaa: {  	[dreg:$0x4] =	wrdreg $0xC0  }
0xab: {  	_ =	task [dreg:s7], $0x5FFFF  }
0xac: {  	[dreg:$0x1] =	wrdreg $0xFFFFFFFF  }
0xad: {  	[dreg:$0x0] =	wrdreg $0x60  }
0xae: {  	[dreg:$0x2] =	wrdreg s2  }
0xaf: {  	[dreg:$0x3] =	wrdreg s24  }
0xb0: {  	[dreg:$0x4] =	wrdreg $0x7F580  }
0xb1: {  	[dreg:$0x5] =	wrdreg $0x9  }
0xb2: {  	_ =	task.clear_ibuf [dreg:s7], $0x6FFFF;
	_ =	strace $0x90000049  }
0xb3: {  	s29 =	simm.s32 $0x9;
	_ =	strace $0x8000004B  }
0xb4: {  	_ =	swait.ge [sflag:s29], $0x1  }
0xb5: {  	[sflag:s29] =	ssyncadd.s32 $0xFFFFFFFF  }
0xb6: {  	_ =	strace $0x9000004B  }
0xb7: {  	_ =	sfence  }
0xb8: {  	s30 =	sld [smem:$0x0];
	_ =	sdelay $0x2  }
0xb9: {  	s31 =	sshll.u32 s1, $0xD;
	s1 =	sshrl.u32 s1, $0x2  }
0xba: {  	s3 =	sand.u32 $0x4000, s31;
	s1 =	sadd.s32 s1, s30  }
0xbb: {  	s0 =	sor.u32 s3, s0;
	s1 =	sshll.u32 s1, $0x11  }
0xbc: {  	s0 =	sor.u32 s1, s0  }
0xbd: {  	s0 =	sadd.s32 $0x8F2B, s0  }
0xbe: {  	[sflag:s0] =	ssyncadd.remote.s32 $0x1  }
0xbf: {  	_ =	sfence.sel $0xFFFF  }
0xc0: {  	[dreg:$0x0] =	wrdreg $0xFFFFFFFF;
	(pc) =	sbr.abs _section_cstart, $3  }
0xc1: {  	[dreg:$0x1] =	wrdreg $0xFFFFFFFF  }
0xc2: {  	_ =	task.clear_ibuf [dreg:s7], $0x2FFFF;
	_ =	strace $0x9FFFFFFF  }
0xc3: {  	(tm) =	ssettm $0x7FFFFFFF  }
tec
execute0_lowered:
.L_overlay_start_1:
0x0: {  	(tag) =	ssettag $0x1  }
0x1: {  	s2 =	rddreg [dreg:$0x0]  }
0x2: {  	s0 =	rddreg [dreg:$0x1]  }
0x3: {  	s3 =	rddreg [dreg:$0x2]  }
0x4: {  	s10 =	stileid.u32;
	s1 =	srdreg.scid;
	s5 =	simm.s32 $0x0  }
0x5: {  	s30 =	simm.s32 $0x2F58;
	s4 =	smul.u32 $0x15F90, s10;
	s1 =	sand.u32 $0x1, s1  }
0x6: {  	[smem:$0x7FF] =	sst s5;
	s5 =	sadd.s32 $0x2400, s0;
	s6 =	sadd.s32 $0x2E400, s0  }
0x7: {  	s20 =	sshll.u32 s10, $0x6;
	s7 =	smul.u32 $0x15F900, s1;
	_ =	strace $0x8000004A  }
0x8: {  	s9 =	ssub.s32 $0x2, s1;
	s1 =	sshll.u32 s1, $0x4;
	s12 =	sor.u32 $0x1C10, s20  }
0x9: {  	s20 =	simm.s32 $0x5;
	s8 =	sshrl.u32 s4, $0x3;
	s19 =	sshrl.u32 s9, $0x1  }
0xa: {  	s1 =	sor.u32 s10, s1;
	s10 =	simm.s32 $0x45D8;
	[dreg:$0x5] =	wrdreg s12  }
0xb: {  	s8 =	sadd.s32 s8, s0;
	s7 =	sadd.s32 s4, s7;
	s1 =	smul.u32 $0x4E20, s1  }
0xc: {  	s4 =	sadd.s32 s4, s3;
	s7 =	sshrl.u32 s7, $0x3;
	s8 =	sadd.s32 $0x33400, s8  }
0xd: {  	s13 =	sshrl.u32 s4, $0x3;
	s4 =	simm.s32 $0xF0;
	s0 =	sadd.s32 s7, s0  }
0xe: {  	s7 =	ssub.s32 s9, s19;
	[dreg:$0x4] =	wrdreg s8;
	s21 =	sshrl.u32 s1, $0x3  }
0xf: {  	s22 =	sadd.s32 $0x28, s1;
	s23 =	sadd.s32 $0x78, s1;
	s14 =	sadd.s32 $0xC8, s1  }
0x10: {  	s15 =	sadd.s32 $0xF0, s1;
	s16 =	sadd.s32 $0x118, s1;
	s17 =	sadd.s32 $0x140, s1  }
0x11: {  	s18 =	sadd.s32 $0x168, s1;
	s19 =	simm.s32 $0x7;
	s9 =	simm.s32 $0x5C58  }
0x12: {  	[dreg:$0xd] =	wrdreg s13;
	s11 =	sadd.s32 s2, s21;
	s24 =	sshrl.u32 s22, $0x3  }
0x13: {  	s25 =	sshrl.u32 s23, $0x3;
	s0 =	sadd.s32 $0x5F400, s0;
	s31 =	smax.u32 s7, $0x1  }
0x14: {  	s21 =	simm.s32 $0x10;
	s23 =	simm.s32 $0x28;
	[dreg:$0x6] =	wrdreg s11  }
0x15: {  	s7 =	simm.s32 $0x140;
	s22 =	simm.s32 $0x0;
	[dreg:$0xb] =	wrdreg s0  }
0x16: {  	s8 =	sadd.s32 s2, s24;
	s26 =	sadd.s32 $0xA, s11;
	[dreg:$0xc] =	wrdreg s31  }
0x17: {  	s28 =	sadd.s32 s2, s25;
	s29 =	sadd.s32 $0x14, s11;
	[dreg:$0x7] =	wrdreg s8  }
0x18: {  	s0 =	simm.s32 $0x18D8;
	s25 =	simm.s32 $0x6;
	[dreg:$0x8] =	wrdreg s26  }
0x19: {  	v0 =	vlaneseq.u32;
	s24 =	simm.s32 $0x9;
	s11 =	simm.s32 $0xA;
	[dreg:$0x9] =	wrdreg s28  }
0x1a: {  	v0 =	vand.u32 $0x7, v0;
	[dreg:$0xa] =	wrdreg s29;
	s26 =	simm.s32 $0x4;
	s8 =	simm.s32 $0x8  }
.LBB2_1:
0x1b: {  	[dreg:$0xe] =	wrdreg s22  }
0x1c: {  	s1 =	rddreg [dreg:$0x4]  }
0x1d: {  	[spmem:s13], [sflag:s12] =	dma.local [hbm:s1], $0x2BF2  }
0x1e: {  	_ =	swait.ge [sflag:s21], $0x2BF2  }
0x1f: {  	[sflag:s21] =	ssyncset.done $0x0  }
0x20: {  	[sflag:s21] =	ssyncadd.s32 $0xFFFFD40E  }
0x21: {  	[bflag:$0x0] =	sbarrier.arrive $0xFFFF  }
0x22: {  	s1 =	simm.s32 $0x0;
	s13 =	simm.s32 $0x2710;
	s21 =	rddreg [dreg:$0x6]  }
0x23: {  	[tilespmem:s1], [sflag:$0x1] =	stream.strided.gather [hbm4b:s21+s23], $0x50, s13, s23, $0x38;
	[tilespmem:$0x1DEE8] =	vst v63  }
0x24: {  	s22 =	rddreg [dreg:$0x7];
	s21 =	simm.s32 $0x50  }
0x25: {  	[tilespmem:s21], [sflag:$0x2] =	stream.strided.gather [hbm4b:s22+s23], $0x50, s13, s23, $0x38;
	[tilespmem:$0x1DEE8] =	vst v63  }
0x26: {  	s29 =	simm.s32 $0x1;
	s28 =	rddreg [dreg:$0x8];
	s22 =	simm.s32 $0xA0  }
0x27: {  	[tilespmem:s22], [sflag:$0x3] =	stream.strided.gather [hbm4b:s28+s23], $0x50, s13, s23, $0x38;
	[tilespmem:$0x1DEE8] =	vst v63  }
0x28: {  	_ =	swait.ge [sflag:s29], $0x50  }
0x29: {  	[sflag:s29] =	ssyncset.done $0x0  }
0x2a: {  	s31 =	simm.s32 $0x258;
	[sflag:s29] =	ssyncadd.s32 $0xFFFFFFB0  }
0x2b: {  	[tilespmem:s31], [sflag:$0x6] =	stream.indirect.gather [hbm4b:s5+s23], $0x90, s1, s23, $0xb8;
	[tilespmem:$0x1DEE8] =	vst v63  }
0x2c: {  	s12 =	simm.s32 $0x72D8;
	s28 =	simm.s32 $0x2  }
0x2d: {  	[tilespmem:s12], [sflag:$0x6] =	stream.indirect.gather [hbm4b:s6+s23], $0x10, s23, s23, $0xb8;
	[tilespmem:$0x1DEE8] =	vst v63  }
0x2e: {  	_ =	swait.ge [sflag:s28], $0x50  }
0x2f: {  	[sflag:s28] =	ssyncset.done $0x0  }
0x30: {  	[sflag:s28] =	ssyncadd.s32 $0xFFFFFFB0  }
0x31: {  	[tilespmem:s0], [sflag:$0x7] =	stream.indirect.gather [hbm4b:s5+s23], $0x90, s21, s23, $0xb8;
	[tilespmem:$0x1DEE8] =	vst v63  }
0x32: {  	s29 =	simm.s32 $0x78;
	s31 =	simm.s32 $0x7558;
	s21 =	simm.s32 $0x3  }
0x33: {  	[tilespmem:s31], [sflag:$0x7] =	stream.indirect.gather [hbm4b:s6+s23], $0x10, s29, s23, $0xb8;
	[tilespmem:$0x1DEE8] =	vst v63  }
0x34: {  	_ =	swait.ge [sflag:s21], $0x50  }
0x35: {  	[sflag:s21] =	ssyncset.done $0x0  }
0x36: {  	[sflag:s21] =	ssyncadd.s32 $0xFFFFFFB0  }
0x37: {  	[tilespmem:s30], [sflag:$0x8] =	stream.indirect.gather [hbm4b:s5+s23], $0x90, s22, s23, $0xb8;
	[tilespmem:$0x1DEE8] =	vst v63  }
0x38: {  	s28 =	simm.s32 $0x77D8;
	s22 =	simm.s32 $0xC8  }
0x39: {  	[tilespmem:s28], [sflag:$0x8] =	stream.indirect.gather [hbm4b:s6+s23], $0x10, s22, s23, $0xb8;
	[tilespmem:$0x1DEE8] =	vst v63  }
0x3a: {  	s29 =	rddreg [dreg:$0x9]  }
0x3b: {  	[tilespmem:s4], [sflag:$0x4] =	stream.strided.gather [hbm4b:s29+s23], $0x50, s13, s23, $0x38;
	[tilespmem:$0x1DEE8] =	vst v63  }
0x3c: {  	s31 =	rddreg [dreg:$0xa]  }
0x3d: {  	[tilespmem:s7], [sflag:$0x5] =	stream.strided.gather [hbm4b:s31+s23], $0x50, s13, s23, $0x38;
	[tilespmem:$0x1DEE8] =	vst v63  }
0x3e: {  	s13 =	simm.s32 $0x0  }
.LBB2_2:
0x3f: {  	_ =	swait.ge [sflag:s25], $0x1680  }
0x40: {  	[sflag:s25] =	ssyncset.done $0x0  }
0x41: {  	[sflag:s25] =	ssyncadd.s32 $0xFFFFE980  }
0x42: {  	_ =	swait.ge [sflag:s25], $0x280  }
0x43: {  	[sflag:s25] =	ssyncset.done $0x0  }
0x44: {  	[sflag:s25] =	ssyncadd.s32 $0xFFFFFD80  }
0x45: {  	v1 =	vld [tilespmem:$0x28]  }
0x46: {  	v2 =	vld [tilespmem:$0x38]  }
0x47: {  	v3 =	vld [tilespmem:$0x40];
	_ =	sdelay $0x2  }
0x48: {  	[tilespmem:$0x190] =	vst v1  }
0x49: {  	p1 =	seq.s32 s13, $0x0;
	[tilespmem:$0x1A0] =	vst v2  }
0x4a: {  	s1 =	simm.s32 @!p1 $0xE;
	[tilespmem:$0x1A8] =	vst v3  }
0x4b: {  	_ =	swait.ge @!p1 [sflag:s1], $0x1680  }
0x4c: {  	[sflag:s1] =	ssyncset.done @!p1 $0x0  }
0x4d: {  	p0 =	seq.s32 s13, $0x31;
	[sflag:s1] =	ssyncadd.s32 @!p1 $0xFFFFE980  }
0x4e: {  	s28 =	smul.u32 @!p0 $0xC8, s13;
	_ =	swait.ge [sflag:s26], $0x50  }
0x4f: {  	[sflag:s26] =	ssyncset.done $0x0  }
0x50: {  	s22 =	simm.s32 $0x118;
	s1 =	sadd.s32 @!p0 s28, s14;
	[sflag:s26] =	ssyncadd.s32 $0xFFFFFFB0  }
0x51: {  	[tilespmem:s10], [sflag:$0x9] =	stream.indirect.gather [hbm4b:s5+s23], $0x90, s4, s23, $0xb8;
	[tilespmem:$0x1DEE8] =	vst v63  }
0x52: {  	s12 =	simm.s32 $0x7A58;
	s21 =	simm.s32 @!p0 $0x2710;
	s1 =	sshrl.u32 @!p0 s1, $0x3  }
0x53: {  	[tilespmem:s12], [sflag:$0x9] =	stream.indirect.gather [hbm4b:s6+s23], $0x10, s22, s23, $0xb8;
	[tilespmem:$0x1DEE8] =	vst v63  }
0x54: {  	s1 =	sadd.s32 @!p0 s2, s1;
	s12 =	simm.s32 @!p0 $0x28;
	s22 =	simm.s32 @!p0 $0x0  }
0x55: {  	[tilespmem:s22], [sflag:$0x1] =	stream.strided.gather @!p0 [hbm4b:s1+s12], $0x50, s21, s12, $0x38;
	[tilespmem:$0x1DEE8] =	vst v63  }
0x56: {  	s22 =	simm.s32 $0x298  }
0x57: {  	s21 =	simm.s32 $0x0;
	v1 =	vld [tilespmem:s22+$0x40]  }
0x58: {  	v2 =	vld [tilespmem:s21+$0x72D8];
	_ =	sdelay $0x1  }
0x59: {  	v12 =	vld [tilespmem:s22+$0xFFFFFFC0]  }
0x5a: {  	v13 =	vld [tilespmem:s22+$0xFFFFFFD0]  }
0x5b: {  	v14 =	vld [tilespmem:s22+$0xFFFFFFE0]  }
0x5c: {  	v15 =	vld [tilespmem:s22+$0xFFFFFFF0];
	v1 =	vadd.f32 v2, v1  }
0x5d: {  	v16 =	vld [tilespmem:s22+$0x0]  }
0x5e: {  	v17 =	vld [tilespmem:s22+$0x10];
	v2 =	vmul.f32 $2.000000030e-01, v1  }
0x5f: {  	s12 =	simm.s32 $0x10;
	v20 =	vld [tilespmem:s22+$0x20]  }
0x60: {  	s21 =	simm.s32 $0x328;
	v6 =	vld [tilespmem:s12+$0x72D8];
	v1 =	vmax.f32 v1, v2  }
0x61: {  	v4 =	vld [tilespmem:s21+$0x40];
	v1 =	vmul.f32 $1.442695020e+00, v1  }
0x62: {  	s31 =	simm.s32 $0x3B8;
	v18 =	vld [tilespmem:s22+$0x30]  }
0x63: {  	v19 =	vld [tilespmem:s31+$0x40];
	(erf) = vpow2.f32 v1  }
0x64: {  	v3 =	vld [tilespmem:s21+$0xFFFFFFC0]  }
0x65: {  	v9 =	vld [tilespmem:s21+$0xFFFFFFE0]  }
0x66: {  	v11 =	vld [tilespmem:s21+$0xFFFFFFF0];
	v8 =	vadd.f32 v6, v4  }
0x67: {  	v7 =	vld [tilespmem:s21+$0x0]  }
0x68: {  	s12 =	simm.s32 $0x20;
	v5 =	vld [tilespmem:s21+$0x10];
	v10 =	vmul.f32 $2.000000030e-01, v8  }
0x69: {  	v21 =	vld [tilespmem:s12+$0x72D8]  }
0x6a: {  	v4 =	vld [tilespmem:s31+$0xFFFFFFC0];
	v10 =	vmax.f32 v8, v10  }
0x6b: {  	v6 =	vld [tilespmem:s31+$0xFFFFFFD0];
	v24 =	vmul.f32 $1.442695020e+00, v10  }
0x6c: {  	v2 =	vld [tilespmem:s21+$0xFFFFFFD0];
	v22 =	vpop (erf)  }
0x6d: {  	v8 =	vld [tilespmem:s31+$0xFFFFFFE0];
	(erf) = vpow2.f32 v24;
	v23 =	vperm.xlane v22, v0  }
0x6e: {  	v10 =	vld [tilespmem:s31+$0xFFFFFFF0]  }
0x6f: {  	v1 =	vld [tilespmem:s21+$0x20];
	v18 =	vmul.f32 v18, v23  }
0x70: {  	v21 =	vadd.f32 v21, v19;
	[tilespmem:s22+$0x40] =	vst v22;
	v22 =	vmul.f32 v12, v23;
	v12 =	vld [tilespmem:s31+$0x0]  }
0x71: {  	v63 =	vmul.f32 v13, v23;
	v13 =	vld [tilespmem:s31+$0x10];
	[tilespmem:s22+$0x30] =	vst v18  }
0x72: {  	v26 =	vmul.f32 $2.000000030e-01, v21;
	v25 =	vmul.f32 v14, v23;
	v14 =	vld [tilespmem:s31+$0x20];
	[tilespmem:s22+$0xFFFFFFC0] =	vst v22  }
0x73: {  	s1 =	simm.s32 $0x448;
	v19 =	vmul.f32 v15, v23;
	v16 =	vmul.f32 v16, v23;
	v15 =	vld [tilespmem:s21+$0x30];
	[tilespmem:s22+$0xFFFFFFD0] =	vst v63  }
0x74: {  	s29 =	simm.s32 $0x30;
	s12 =	simm.s32 $0x100;
	v21 =	vmax.f32 v21, v26;
	v20 =	vmul.f32 v20, v23;
	v18 =	vmul.f32 v17, v23;
	v17 =	vld [tilespmem:s1+$0x40];
	[tilespmem:s22+$0xFFFFFFE0] =	vst v25  }
.LBB2_3:
0x75: {  	p2 =	sne.s32 s12, $0x9C0;
	v22 =	vld [tilespmem:s29+$0x72D8];
	v21 =	vmul.f32 $1.442695020e+00, v21;
	[tilespmem:s22+$0xFFFFFFF0] =	vst v19;
	v23 =	vmov v12  }
0x76: {  	v24 =	vld [tilespmem:s1+$0xFFFFFFC0];
	v12 =	vpop (erf);
	[tilespmem:s22+$0x0] =	vst v16;
	v25 =	vmov v13  }
0x77: {  	v26 =	vld [tilespmem:s1+$0xFFFFFFD0];
	(erf) = vpow2.f32 v21;
	v21 =	vperm.xlane v12, v0;
	[tilespmem:s22+$0x10] =	vst v18;
	v27 =	vmov v14  }
0x78: {  	v28 =	vld [tilespmem:s1+$0xFFFFFFE0];
	[tilespmem:s22+$0x20] =	vst v20;
	s22 =	smov.u32 s21;
	s21 =	smov.u32 s31;
	s31 =	smov.u32 s1  }
0x79: {  	v29 =	vld [tilespmem:s1+$0xFFFFFFF0];
	[tilespmem:s22+$0x40] =	vst v12;
	v18 =	vmul.f32 v3, v21;
	v14 =	vmul.f32 v15, v21;
	v3 =	vmov v4  }
.Ltmp0:
0x7a: {  	v30 =	vmul.f32 v9, v21;
	v22 =	vadd.f32 v22, v17;
	v12 =	vld [tilespmem:s1+$0x0];
	v17 =	vmul.f32 v2, v21;
	v2 =	vmovc v6;
	(pc) =	sbr.rel @p2 .LBB2_3-.Ltmp0, $4  }
0x7b: {  	v19 =	vmul.f32 v11, v21;
	v16 =	vmul.f32 v7, v21;
	v9 =	vmovc v8;
	v13 =	vld [tilespmem:s1+$0x10];
	[tilespmem:s22+$0x30] =	vst v14;
	v4 =	vmov v24  }
0x7c: {  	v11 =	vmovc v10;
	v7 =	vmovc v23;
	v24 =	vmul.f32 $2.000000030e-01, v22;
	v14 =	vld [tilespmem:s1+$0x20];
	[tilespmem:s22+$0xFFFFFFC0] =	vst v18;
	v18 =	vmul.f32 v5, v21;
	v6 =	vmov v26  }
0x7d: {  	v20 =	vmul.f32 v1, v21;
	v1 =	vmovc v27;
	s1 =	sadd.s32 $0x90, s1;
	v5 =	vmov v25;
	v15 =	vld [tilespmem:s21+$0x30];
	[tilespmem:s22+$0xFFFFFFD0] =	vst v17;
	v8 =	vmov v28  }
0x7e: {  	s29 =	sshra.s32 s12, $0x2;
	s12 =	sadd.s32 $0x40, s12;
	v17 =	vld [tilespmem:s1+$0x40];
	v21 =	vmax.f32 v22, v24;
	[tilespmem:s22+$0xFFFFFFE0] =	vst v30;
	v10 =	vmov v29  }
0x7f: {  	v22 =	vld [tilespmem:s29+$0x72D8]  }
0x80: {  	v21 =	vmul.f32 $1.442695020e+00, v21;
	_ =	sdelay $0x1  }
0x81: {  	[tilespmem:s22+$0xFFFFFFF0] =	vst v19;
	v19 =	vpop (erf);
	(erf) = vpow2.f32 v21  }
0x82: {  	[tilespmem:s22+$0x0] =	vst v16;
	v16 =	vperm.xlane v19, v0  }
0x83: {  	[tilespmem:s22+$0x10] =	vst v18;
	v17 =	vadd.f32 v22, v17  }
0x84: {  	[tilespmem:s22+$0x20] =	vst v20;
	v15 =	vmul.f32 v15, v16  }
0x85: {  	[tilespmem:s21+$0x40] =	vst v19;
	v3 =	vmul.f32 v3, v16;
	v18 =	vmul.f32 $2.000000030e-01, v17  }
0x86: {  	v2 =	vmul.f32 v2, v16;
	[tilespmem:s21+$0x30] =	vst v15  }
0x87: {  	v9 =	vmul.f32 v9, v16;
	[tilespmem:s21+$0xFFFFFFC0] =	vst v3;
	v3 =	vmax.f32 v17, v18  }
0x88: {  	v11 =	vmul.f32 v11, v16;
	[tilespmem:s21+$0xFFFFFFD0] =	vst v2;
	v2 =	vmul.f32 $1.442695020e+00, v3  }
0x89: {  	v5 =	vmul.f32 v5, v16;
	v1 =	vmul.f32 v1, v16;
	v15 =	vld [tilespmem:s31+$0x30];
	[tilespmem:s21+$0xFFFFFFE0] =	vst v9  }
0x8a: {  	[tilespmem:s21+$0xFFFFFFF0] =	vst v11;
	v3 =	vmul.f32 v7, v16;
	v7 =	vpop (erf);
	(erf) = vpow2.f32 v2  }
0x8b: {  	[tilespmem:s21+$0x10] =	vst v5;
	v2 =	vperm.xlane v7, v0  }
0x8c: {  	[tilespmem:s21+$0x20] =	vst v1  }
0x8d: {  	[tilespmem:s21+$0x0] =	vst v3;
	v3 =	vmul.f32 v4, v2  }
0x8e: {  	[tilespmem:s31+$0x40] =	vst v7;
	v1 =	vmul.f32 v15, v2  }
0x8f: {  	v5 =	vmul.f32 v6, v2;
	[tilespmem:s31+$0xFFFFFFC0] =	vst v3;
	v3 =	vmul.f32 v10, v2  }
0x90: {  	v6 =	vmul.f32 v8, v2;
	[tilespmem:s31+$0x30] =	vst v1  }
0x91: {  	v7 =	vld [tilespmem:s1+$0x30];
	[tilespmem:s31+$0xFFFFFFD0] =	vst v5  }
0x92: {  	v4 =	vld [tilespmem:s1+$0xFFFFFFC0];
	v8 =	vmul.f32 v12, v2;
	[tilespmem:s31+$0xFFFFFFE0] =	vst v6  }
0x93: {  	v9 =	vmul.f32 v13, v2;
	v1 =	vld [tilespmem:s1+$0xFFFFFFD0];
	[tilespmem:s31+$0xFFFFFFF0] =	vst v3;
	v3 =	vpop (erf)  }
0x94: {  	v5 =	vld [tilespmem:s1+$0xFFFFFFE0];
	v2 =	vmul.f32 v14, v2;
	[tilespmem:s31+$0x0] =	vst v8;
	v8 =	vperm.xlane v3, v0  }
0x95: {  	v6 =	vld [tilespmem:s1+$0xFFFFFFF0];
	[tilespmem:s31+$0x10] =	vst v9  }
0x96: {  	v10 =	vld [tilespmem:s1+$0x0];
	[tilespmem:s31+$0x20] =	vst v2;
	v2 =	vmul.f32 v7, v8  }
0x97: {  	v11 =	vld [tilespmem:s1+$0x10];
	[tilespmem:s1+$0x40] =	vst v3;
	v3 =	vmul.f32 v4, v8  }
0x98: {  	v9 =	vld [tilespmem:s1+$0x20];
	v1 =	vmul.f32 v1, v8;
	[tilespmem:s1+$0x30] =	vst v2  }
0x99: {  	v2 =	vmul.f32 v5, v8;
	[tilespmem:s1+$0xFFFFFFC0] =	vst v3  }
0x9a: {  	v3 =	vmul.f32 v6, v8;
	[tilespmem:s1+$0xFFFFFFD0] =	vst v1  }
0x9b: {  	v1 =	vmul.f32 v10, v8;
	[tilespmem:s1+$0xFFFFFFE0] =	vst v2  }
0x9c: {  	v2 =	vmul.f32 v11, v8;
	[tilespmem:s1+$0xFFFFFFF0] =	vst v3  }
0x9d: {  	v3 =	vmul.f32 v9, v8;
	[tilespmem:s1+$0x0] =	vst v1  }
0x9e: {  	[tilespmem:s1+$0x10] =	vst v2  }
0x9f: {  	s22 =	simm.s32 $0x258;
	s12 =	simm.s32 $0x190;
	[tilespmem:s1+$0x20] =	vst v3  }
0xa0: {  	[spmem:s3] =	stream.indirect.scatter.add.f32 [tilespmem:s22], [sflag:$0xB], $0x90, s12, s23, $0xb8;
	[tilespmem:$0x1DEE8] =	vst v63  }
0xa1: {  	_ =	swait.ge [sflag:s19], $0x1680  }
0xa2: {  	[sflag:s19] =	ssyncset.done $0x0  }
0xa3: {  	[sflag:s19] =	ssyncadd.s32 $0xFFFFE980  }
0xa4: {  	_ =	swait.ge [sflag:s19], $0x280  }
0xa5: {  	[sflag:s19] =	ssyncset.done $0x0  }
0xa6: {  	[sflag:s19] =	ssyncadd.s32 $0xFFFFFD80  }
0xa7: {  	v1 =	vld [tilespmem:$0x78]  }
0xa8: {  	v2 =	vld [tilespmem:$0x88]  }
0xa9: {  	v3 =	vld [tilespmem:$0x90];
	_ =	sdelay $0x2  }
0xaa: {  	[tilespmem:$0x1B8] =	vst v1  }
0xab: {  	[tilespmem:$0x1C8] =	vst v2  }
0xac: {  	s1 =	simm.s32 @!p1 $0xF;
	[tilespmem:$0x1D0] =	vst v3  }
0xad: {  	_ =	swait.ge @!p1 [sflag:s1], $0x1680  }
0xae: {  	[sflag:s1] =	ssyncset.done @!p1 $0x0  }
0xaf: {  	[sflag:s1] =	ssyncadd.s32 @!p1 $0xFFFFE980  }
0xb0: {  	_ =	swait.ge [sflag:s20], $0x50  }
0xb1: {  	[sflag:s20] =	ssyncset.done $0x0  }
0xb2: {  	s21 =	simm.s32 $0x168;
	s1 =	sadd.s32 @!p0 s28, s15;
	[sflag:s20] =	ssyncadd.s32 $0xFFFFFFB0  }
0xb3: {  	[tilespmem:s9], [sflag:$0xA] =	stream.indirect.gather [hbm4b:s5+s23], $0x90, s7, s23, $0xb8;
	[tilespmem:$0x1DEE8] =	vst v63  }
0xb4: {  	s22 =	simm.s32 $0x7CD8;
	s12 =	simm.s32 @!p0 $0x28;
	s1 =	sshrl.u32 @!p0 s1, $0x3  }
0xb5: {  	[tilespmem:s22], [sflag:$0xA] =	stream.indirect.gather [hbm4b:s6+s23], $0x10, s21, s23, $0xb8;
	[tilespmem:$0x1DEE8] =	vst v63  }
0xb6: {  	s1 =	sadd.s32 @!p0 s2, s1;
	s21 =	simm.s32 @!p0 $0x2710;
	s22 =	simm.s32 @!p0 $0x50  }
0xb7: {  	[tilespmem:s22], [sflag:$0x2] =	stream.strided.gather @!p0 [hbm4b:s1+s12], $0x50, s21, s12, $0x38;
	[tilespmem:$0x1DEE8] =	vst v63  }
0xb8: {  	s22 =	simm.s32 $0x1918  }
0xb9: {  	s21 =	simm.s32 $0x0;
	v1 =	vld [tilespmem:s22+$0x40]  }
0xba: {  	v2 =	vld [tilespmem:s21+$0x7558];
	_ =	sdelay $0x1  }
0xbb: {  	v12 =	vld [tilespmem:s22+$0xFFFFFFC0]  }
0xbc: {  	v13 =	vld [tilespmem:s22+$0xFFFFFFD0]  }
0xbd: {  	v14 =	vld [tilespmem:s22+$0xFFFFFFE0]  }
0xbe: {  	v15 =	vld [tilespmem:s22+$0xFFFFFFF0];
	v1 =	vadd.f32 v2, v1  }
0xbf: {  	v16 =	vld [tilespmem:s22+$0x0]  }
0xc0: {  	v17 =	vld [tilespmem:s22+$0x10];
	v2 =	vmul.f32 $2.000000030e-01, v1  }
0xc1: {  	s12 =	simm.s32 $0x10;
	v20 =	vld [tilespmem:s22+$0x20]  }
0xc2: {  	s21 =	simm.s32 $0x19A8;
	v6 =	vld [tilespmem:s12+$0x7558];
	v1 =	vmax.f32 v1, v2  }
0xc3: {  	v4 =	vld [tilespmem:s21+$0x40];
	v1 =	vmul.f32 $1.442695020e+00, v1  }
0xc4: {  	s31 =	simm.s32 $0x1A38;
	v18 =	vld [tilespmem:s22+$0x30]  }
0xc5: {  	v19 =	vld [tilespmem:s31+$0x40];
	(erf) = vpow2.f32 v1  }
0xc6: {  	v3 =	vld [tilespmem:s21+$0xFFFFFFC0]  }
0xc7: {  	v9 =	vld [tilespmem:s21+$0xFFFFFFE0]  }
0xc8: {  	v11 =	vld [tilespmem:s21+$0xFFFFFFF0];
	v8 =	vadd.f32 v6, v4  }
0xc9: {  	v7 =	vld [tilespmem:s21+$0x0]  }
0xca: {  	s12 =	simm.s32 $0x20;
	v5 =	vld [tilespmem:s21+$0x10];
	v10 =	vmul.f32 $2.000000030e-01, v8  }
0xcb: {  	v21 =	vld [tilespmem:s12+$0x7558]  }
0xcc: {  	v4 =	vld [tilespmem:s31+$0xFFFFFFC0];
	v10 =	vmax.f32 v8, v10  }
0xcd: {  	v6 =	vld [tilespmem:s31+$0xFFFFFFD0];
	v24 =	vmul.f32 $1.442695020e+00, v10  }
0xce: {  	v2 =	vld [tilespmem:s21+$0xFFFFFFD0];
	v22 =	vpop (erf)  }
0xcf: {  	v8 =	vld [tilespmem:s31+$0xFFFFFFE0];
	(erf) = vpow2.f32 v24;
	v23 =	vperm.xlane v22, v0  }
0xd0: {  	v10 =	vld [tilespmem:s31+$0xFFFFFFF0]  }
0xd1: {  	v1 =	vld [tilespmem:s21+$0x20];
	v18 =	vmul.f32 v18, v23  }
0xd2: {  	v21 =	vadd.f32 v21, v19;
	[tilespmem:s22+$0x40] =	vst v22;
	v22 =	vmul.f32 v12, v23;
	v12 =	vld [tilespmem:s31+$0x0]  }
0xd3: {  	v63 =	vmul.f32 v13, v23;
	v13 =	vld [tilespmem:s31+$0x10];
	[tilespmem:s22+$0x30] =	vst v18  }
0xd4: {  	v26 =	vmul.f32 $2.000000030e-01, v21;
	v25 =	vmul.f32 v14, v23;
	v14 =	vld [tilespmem:s31+$0x20];
	[tilespmem:s22+$0xFFFFFFC0] =	vst v22  }
0xd5: {  	s1 =	simm.s32 $0x1AC8;
	v19 =	vmul.f32 v15, v23;
	v16 =	vmul.f32 v16, v23;
	v15 =	vld [tilespmem:s21+$0x30];
	[tilespmem:s22+$0xFFFFFFD0] =	vst v63  }
0xd6: {  	s29 =	simm.s32 $0x30;
	s12 =	simm.s32 $0x100;
	v21 =	vmax.f32 v21, v26;
	v20 =	vmul.f32 v20, v23;
	v18 =	vmul.f32 v17, v23;
	v17 =	vld [tilespmem:s1+$0x40];
	[tilespmem:s22+$0xFFFFFFE0] =	vst v25  }
.LBB2_5:
0xd7: {  	p1 =	sne.s32 s12, $0x9C0;
	v22 =	vld [tilespmem:s29+$0x7558];
	v21 =	vmul.f32 $1.442695020e+00, v21;
	[tilespmem:s22+$0xFFFFFFF0] =	vst v19;
	v23 =	vmov v12  }
0xd8: {  	v24 =	vld [tilespmem:s1+$0xFFFFFFC0];
	v12 =	vpop (erf);
	[tilespmem:s22+$0x0] =	vst v16;
	v25 =	vmov v13  }
0xd9: {  	v26 =	vld [tilespmem:s1+$0xFFFFFFD0];
	(erf) = vpow2.f32 v21;
	v21 =	vperm.xlane v12, v0;
	[tilespmem:s22+$0x10] =	vst v18;
	v27 =	vmov v14  }
0xda: {  	v28 =	vld [tilespmem:s1+$0xFFFFFFE0];
	[tilespmem:s22+$0x20] =	vst v20;
	s22 =	smov.u32 s21;
	s21 =	smov.u32 s31;
	s31 =	smov.u32 s1  }
0xdb: {  	v29 =	vld [tilespmem:s1+$0xFFFFFFF0];
	[tilespmem:s22+$0x40] =	vst v12;
	v18 =	vmul.f32 v3, v21;
	v14 =	vmul.f32 v15, v21;
	v3 =	vmov v4  }
.Ltmp1:
0xdc: {  	v30 =	vmul.f32 v9, v21;
	v22 =	vadd.f32 v22, v17;
	v12 =	vld [tilespmem:s1+$0x0];
	v17 =	vmul.f32 v2, v21;
	v2 =	vmovc v6;
	(pc) =	sbr.rel @p1 .LBB2_5-.Ltmp1, $4  }
0xdd: {  	v19 =	vmul.f32 v11, v21;
	v16 =	vmul.f32 v7, v21;
	v9 =	vmovc v8;
	v13 =	vld [tilespmem:s1+$0x10];
	[tilespmem:s22+$0x30] =	vst v14;
	v4 =	vmov v24  }
0xde: {  	v11 =	vmovc v10;
	v7 =	vmovc v23;
	v24 =	vmul.f32 $2.000000030e-01, v22;
	v14 =	vld [tilespmem:s1+$0x20];
	[tilespmem:s22+$0xFFFFFFC0] =	vst v18;
	v18 =	vmul.f32 v5, v21;
	v6 =	vmov v26  }
0xdf: {  	v20 =	vmul.f32 v1, v21;
	v1 =	vmovc v27;
	s1 =	sadd.s32 $0x90, s1;
	v5 =	vmov v25;
	v15 =	vld [tilespmem:s21+$0x30];
	[tilespmem:s22+$0xFFFFFFD0] =	vst v17;
	v8 =	vmov v28  }
0xe0: {  	s29 =	sshra.s32 s12, $0x2;
	s12 =	sadd.s32 $0x40, s12;
	v17 =	vld [tilespmem:s1+$0x40];
	v21 =	vmax.f32 v22, v24;
	[tilespmem:s22+$0xFFFFFFE0] =	vst v30;
	v10 =	vmov v29  }
0xe1: {  	v22 =	vld [tilespmem:s29+$0x7558]  }
0xe2: {  	v21 =	vmul.f32 $1.442695020e+00, v21;
	_ =	sdelay $0x1  }
0xe3: {  	[tilespmem:s22+$0xFFFFFFF0] =	vst v19;
	v19 =	vpop (erf);
	(erf) = vpow2.f32 v21  }
0xe4: {  	[tilespmem:s22+$0x0] =	vst v16;
	v16 =	vperm.xlane v19, v0  }
0xe5: {  	[tilespmem:s22+$0x10] =	vst v18;
	v17 =	vadd.f32 v22, v17  }
0xe6: {  	[tilespmem:s22+$0x20] =	vst v20;
	v15 =	vmul.f32 v15, v16  }
0xe7: {  	[tilespmem:s21+$0x40] =	vst v19;
	v3 =	vmul.f32 v3, v16;
	v18 =	vmul.f32 $2.000000030e-01, v17  }
0xe8: {  	v2 =	vmul.f32 v2, v16;
	[tilespmem:s21+$0x30] =	vst v15  }
0xe9: {  	v9 =	vmul.f32 v9, v16;
	[tilespmem:s21+$0xFFFFFFC0] =	vst v3;
	v3 =	vmax.f32 v17, v18  }
0xea: {  	v11 =	vmul.f32 v11, v16;
	[tilespmem:s21+$0xFFFFFFD0] =	vst v2;
	v2 =	vmul.f32 $1.442695020e+00, v3  }
0xeb: {  	v5 =	vmul.f32 v5, v16;
	v1 =	vmul.f32 v1, v16;
	v15 =	vld [tilespmem:s31+$0x30];
	[tilespmem:s21+$0xFFFFFFE0] =	vst v9  }
0xec: {  	[tilespmem:s21+$0xFFFFFFF0] =	vst v11;
	v3 =	vmul.f32 v7, v16;
	v7 =	vpop (erf);
	(erf) = vpow2.f32 v2  }
0xed: {  	[tilespmem:s21+$0x10] =	vst v5;
	v2 =	vperm.xlane v7, v0  }
0xee: {  	[tilespmem:s21+$0x20] =	vst v1  }
0xef: {  	[tilespmem:s21+$0x0] =	vst v3;
	v3 =	vmul.f32 v4, v2  }
0xf0: {  	[tilespmem:s31+$0x40] =	vst v7;
	v1 =	vmul.f32 v15, v2  }
0xf1: {  	v5 =	vmul.f32 v6, v2;
	[tilespmem:s31+$0xFFFFFFC0] =	vst v3;
	v3 =	vmul.f32 v10, v2  }
0xf2: {  	v6 =	vmul.f32 v8, v2;
	[tilespmem:s31+$0x30] =	vst v1  }
0xf3: {  	v7 =	vld [tilespmem:s1+$0x30];
	[tilespmem:s31+$0xFFFFFFD0] =	vst v5  }
0xf4: {  	v4 =	vld [tilespmem:s1+$0xFFFFFFC0];
	v8 =	vmul.f32 v12, v2;
	[tilespmem:s31+$0xFFFFFFE0] =	vst v6  }
0xf5: {  	v9 =	vmul.f32 v13, v2;
	v1 =	vld [tilespmem:s1+$0xFFFFFFD0];
	[tilespmem:s31+$0xFFFFFFF0] =	vst v3;
	v3 =	vpop (erf)  }
0xf6: {  	v5 =	vld [tilespmem:s1+$0xFFFFFFE0];
	v2 =	vmul.f32 v14, v2;
	[tilespmem:s31+$0x0] =	vst v8;
	v8 =	vperm.xlane v3, v0  }
0xf7: {  	v6 =	vld [tilespmem:s1+$0xFFFFFFF0];
	[tilespmem:s31+$0x10] =	vst v9  }
0xf8: {  	v10 =	vld [tilespmem:s1+$0x0];
	[tilespmem:s31+$0x20] =	vst v2;
	v2 =	vmul.f32 v7, v8  }
0xf9: {  	v11 =	vld [tilespmem:s1+$0x10];
	[tilespmem:s1+$0x40] =	vst v3;
	v3 =	vmul.f32 v4, v8  }
0xfa: {  	v9 =	vld [tilespmem:s1+$0x20];
	v1 =	vmul.f32 v1, v8;
	[tilespmem:s1+$0x30] =	vst v2  }
0xfb: {  	v2 =	vmul.f32 v5, v8;
	[tilespmem:s1+$0xFFFFFFC0] =	vst v3  }
0xfc: {  	v3 =	vmul.f32 v6, v8;
	[tilespmem:s1+$0xFFFFFFD0] =	vst v1  }
0xfd: {  	v1 =	vmul.f32 v10, v8;
	[tilespmem:s1+$0xFFFFFFE0] =	vst v2  }
0xfe: {  	v2 =	vmul.f32 v11, v8;
	[tilespmem:s1+$0xFFFFFFF0] =	vst v3  }
0xff: {  	v3 =	vmul.f32 v9, v8;
	[tilespmem:s1+$0x0] =	vst v1  }
0x100: {  	[tilespmem:s1+$0x10] =	vst v2  }
0x101: {  	s12 =	simm.s32 $0x1B8;
	[tilespmem:s1+$0x20] =	vst v3  }
0x102: {  	[spmem:s3] =	stream.indirect.scatter.add.f32 [tilespmem:s0], [sflag:$0xC], $0x90, s12, s23, $0xb8;
	[tilespmem:$0x1DEE8] =	vst v63  }
0x103: {  	_ =	swait.ge [sflag:s8], $0x1680  }
0x104: {  	[sflag:s8] =	ssyncset.done $0x0  }
0x105: {  	[sflag:s8] =	ssyncadd.s32 $0xFFFFE980  }
0x106: {  	_ =	swait.ge [sflag:s8], $0x280  }
0x107: {  	[sflag:s8] =	ssyncset.done $0x0  }
0x108: {  	[sflag:s8] =	ssyncadd.s32 $0xFFFFFD80  }
0x109: {  	v1 =	vld [tilespmem:$0xC8]  }
0x10a: {  	v2 =	vld [tilespmem:$0xD8]  }
0x10b: {  	v3 =	vld [tilespmem:$0xE0];
	_ =	sdelay $0x2  }
0x10c: {  	[tilespmem:$0x1E0] =	vst v1  }
0x10d: {  	[tilespmem:$0x1F0] =	vst v2  }
0x10e: {  	s1 =	simm.s32 @!p0 $0xB;
	[tilespmem:$0x1F8] =	vst v3  }
0x10f: {  	_ =	swait.ge @!p0 [sflag:s1], $0x1680  }
0x110: {  	[sflag:s1] =	ssyncset.done @!p0 $0x0  }
0x111: {  	[sflag:s1] =	ssyncadd.s32 @!p0 $0xFFFFE980;
	s1 =	simm.s32 @!p0 $0x1  }
0x112: {  	_ =	swait.ge @!p0 [sflag:s1], $0x50  }
0x113: {  	s21 =	simm.s32 @!p0 $0x258;
	[sflag:s1] =	ssyncset.done @!p0 $0x0  }
0x114: {  	s12 =	simm.s32 @!p0 $0x0;
	[sflag:s1] =	ssyncadd.s32 @!p0 $0xFFFFFFB0;
	s1 =	simm.s32 @!p0 $0x28  }
0x115: {  	[tilespmem:s21], [sflag:$0x6] =	stream.indirect.gather @!p0 [hbm4b:s5+s1], $0x90, s12, s1, $0xb8;
	[tilespmem:$0x1DEE8] =	vst v63  }
0x116: {  	s12 =	simm.s32 @!p0 $0x72D8  }
0x117: {  	[tilespmem:s12], [sflag:$0x6] =	stream.indirect.gather @!p0 [hbm4b:s6+s1], $0x10, s1, s1, $0xb8;
	[tilespmem:$0x1DEE8] =	vst v63  }
0x118: {  	s12 =	sadd.s32 @!p0 s28, s16  }
0x119: {  	s12 =	sshrl.u32 @!p0 s12, $0x3  }
0x11a: {  	s22 =	simm.s32 @!p0 $0xA0;
	s21 =	simm.s32 @!p0 $0x2710;
	s12 =	sadd.s32 @!p0 s2, s12  }
0x11b: {  	[tilespmem:s22], [sflag:$0x3] =	stream.strided.gather @!p0 [hbm4b:s12+s1], $0x50, s21, s1, $0x38;
	[tilespmem:$0x1DEE8] =	vst v63  }
0x11c: {  	s22 =	simm.s32 $0x2F98  }
0x11d: {  	s21 =	simm.s32 $0x0;
	v1 =	vld [tilespmem:s22+$0x40]  }
0x11e: {  	v2 =	vld [tilespmem:s21+$0x77D8];
	_ =	sdelay $0x1  }
0x11f: {  	v12 =	vld [tilespmem:s22+$0xFFFFFFC0]  }
0x120: {  	v13 =	vld [tilespmem:s22+$0xFFFFFFD0]  }
0x121: {  	v14 =	vld [tilespmem:s22+$0xFFFFFFE0]  }
0x122: {  	v15 =	vld [tilespmem:s22+$0xFFFFFFF0];
	v1 =	vadd.f32 v2, v1  }
0x123: {  	v16 =	vld [tilespmem:s22+$0x0]  }
0x124: {  	v17 =	vld [tilespmem:s22+$0x10];
	v2 =	vmul.f32 $2.000000030e-01, v1  }
0x125: {  	s12 =	simm.s32 $0x10;
	v20 =	vld [tilespmem:s22+$0x20]  }
0x126: {  	s21 =	simm.s32 $0x3028;
	v6 =	vld [tilespmem:s12+$0x77D8];
	v1 =	vmax.f32 v1, v2  }
0x127: {  	v4 =	vld [tilespmem:s21+$0x40];
	v1 =	vmul.f32 $1.442695020e+00, v1  }
0x128: {  	s31 =	simm.s32 $0x30B8;
	v18 =	vld [tilespmem:s22+$0x30]  }
0x129: {  	v19 =	vld [tilespmem:s31+$0x40];
	(erf) = vpow2.f32 v1  }
0x12a: {  	v3 =	vld [tilespmem:s21+$0xFFFFFFC0]  }
0x12b: {  	v9 =	vld [tilespmem:s21+$0xFFFFFFE0]  }
0x12c: {  	v11 =	vld [tilespmem:s21+$0xFFFFFFF0];
	v8 =	vadd.f32 v6, v4  }
0x12d: {  	v7 =	vld [tilespmem:s21+$0x0]  }
0x12e: {  	s12 =	simm.s32 $0x20;
	v5 =	vld [tilespmem:s21+$0x10];
	v10 =	vmul.f32 $2.000000030e-01, v8  }
0x12f: {  	v21 =	vld [tilespmem:s12+$0x77D8]  }
0x130: {  	v4 =	vld [tilespmem:s31+$0xFFFFFFC0];
	v10 =	vmax.f32 v8, v10  }
0x131: {  	v6 =	vld [tilespmem:s31+$0xFFFFFFD0];
	v24 =	vmul.f32 $1.442695020e+00, v10  }
0x132: {  	v2 =	vld [tilespmem:s21+$0xFFFFFFD0];
	v22 =	vpop (erf)  }
0x133: {  	v8 =	vld [tilespmem:s31+$0xFFFFFFE0];
	(erf) = vpow2.f32 v24;
	v23 =	vperm.xlane v22, v0  }
0x134: {  	v10 =	vld [tilespmem:s31+$0xFFFFFFF0]  }
0x135: {  	v1 =	vld [tilespmem:s21+$0x20];
	v18 =	vmul.f32 v18, v23  }
0x136: {  	v21 =	vadd.f32 v21, v19;
	[tilespmem:s22+$0x40] =	vst v22;
	v22 =	vmul.f32 v12, v23;
	v12 =	vld [tilespmem:s31+$0x0]  }
0x137: {  	v63 =	vmul.f32 v13, v23;
	v13 =	vld [tilespmem:s31+$0x10];
	[tilespmem:s22+$0x30] =	vst v18  }
0x138: {  	v26 =	vmul.f32 $2.000000030e-01, v21;
	v25 =	vmul.f32 v14, v23;
	v14 =	vld [tilespmem:s31+$0x20];
	[tilespmem:s22+$0xFFFFFFC0] =	vst v22  }
0x139: {  	s1 =	simm.s32 $0x3148;
	v19 =	vmul.f32 v15, v23;
	v16 =	vmul.f32 v16, v23;
	v15 =	vld [tilespmem:s21+$0x30];
	[tilespmem:s22+$0xFFFFFFD0] =	vst v63  }
0x13a: {  	s29 =	simm.s32 $0x30;
	s12 =	simm.s32 $0x100;
	v21 =	vmax.f32 v21, v26;
	v20 =	vmul.f32 v20, v23;
	v18 =	vmul.f32 v17, v23;
	v17 =	vld [tilespmem:s1+$0x40];
	[tilespmem:s22+$0xFFFFFFE0] =	vst v25  }
.LBB2_7:
0x13b: {  	p1 =	sne.s32 s12, $0x9C0;
	v22 =	vld [tilespmem:s29+$0x77D8];
	v21 =	vmul.f32 $1.442695020e+00, v21;
	[tilespmem:s22+$0xFFFFFFF0] =	vst v19;
	v23 =	vmov v12  }
0x13c: {  	v24 =	vld [tilespmem:s1+$0xFFFFFFC0];
	v12 =	vpop (erf);
	[tilespmem:s22+$0x0] =	vst v16;
	v25 =	vmov v13  }
0x13d: {  	v26 =	vld [tilespmem:s1+$0xFFFFFFD0];
	(erf) = vpow2.f32 v21;
	v21 =	vperm.xlane v12, v0;
	[tilespmem:s22+$0x10] =	vst v18;
	v27 =	vmov v14  }
0x13e: {  	v28 =	vld [tilespmem:s1+$0xFFFFFFE0];
	[tilespmem:s22+$0x20] =	vst v20;
	s22 =	smov.u32 s21;
	s21 =	smov.u32 s31;
	s31 =	smov.u32 s1  }
0x13f: {  	v29 =	vld [tilespmem:s1+$0xFFFFFFF0];
	[tilespmem:s22+$0x40] =	vst v12;
	v18 =	vmul.f32 v3, v21;
	v14 =	vmul.f32 v15, v21;
	v3 =	vmov v4  }
.Ltmp2:
0x140: {  	v30 =	vmul.f32 v9, v21;
	v22 =	vadd.f32 v22, v17;
	v12 =	vld [tilespmem:s1+$0x0];
	v17 =	vmul.f32 v2, v21;
	v2 =	vmovc v6;
	(pc) =	sbr.rel @p1 .LBB2_7-.Ltmp2, $4  }
0x141: {  	v19 =	vmul.f32 v11, v21;
	v16 =	vmul.f32 v7, v21;
	v9 =	vmovc v8;
	v13 =	vld [tilespmem:s1+$0x10];
	[tilespmem:s22+$0x30] =	vst v14;
	v4 =	vmov v24  }
0x142: {  	v11 =	vmovc v10;
	v7 =	vmovc v23;
	v24 =	vmul.f32 $2.000000030e-01, v22;
	v14 =	vld [tilespmem:s1+$0x20];
	[tilespmem:s22+$0xFFFFFFC0] =	vst v18;
	v18 =	vmul.f32 v5, v21;
	v6 =	vmov v26  }
0x143: {  	v20 =	vmul.f32 v1, v21;
	v1 =	vmovc v27;
	s1 =	sadd.s32 $0x90, s1;
	v5 =	vmov v25;
	v15 =	vld [tilespmem:s21+$0x30];
	[tilespmem:s22+$0xFFFFFFD0] =	vst v17;
	v8 =	vmov v28  }
0x144: {  	s29 =	sshra.s32 s12, $0x2;
	s12 =	sadd.s32 $0x40, s12;
	v17 =	vld [tilespmem:s1+$0x40];
	v21 =	vmax.f32 v22, v24;
	[tilespmem:s22+$0xFFFFFFE0] =	vst v30;
	v10 =	vmov v29  }
0x145: {  	v22 =	vld [tilespmem:s29+$0x77D8]  }
0x146: {  	v21 =	vmul.f32 $1.442695020e+00, v21;
	_ =	sdelay $0x1  }
0x147: {  	[tilespmem:s22+$0xFFFFFFF0] =	vst v19;
	v19 =	vpop (erf);
	(erf) = vpow2.f32 v21  }
0x148: {  	[tilespmem:s22+$0x0] =	vst v16;
	v16 =	vperm.xlane v19, v0  }
0x149: {  	[tilespmem:s22+$0x10] =	vst v18;
	v17 =	vadd.f32 v22, v17  }
0x14a: {  	[tilespmem:s22+$0x20] =	vst v20;
	v15 =	vmul.f32 v15, v16  }
0x14b: {  	[tilespmem:s21+$0x40] =	vst v19;
	v3 =	vmul.f32 v3, v16;
	v18 =	vmul.f32 $2.000000030e-01, v17  }
0x14c: {  	v2 =	vmul.f32 v2, v16;
	[tilespmem:s21+$0x30] =	vst v15  }
0x14d: {  	v9 =	vmul.f32 v9, v16;
	[tilespmem:s21+$0xFFFFFFC0] =	vst v3;
	v3 =	vmax.f32 v17, v18  }
0x14e: {  	v11 =	vmul.f32 v11, v16;
	[tilespmem:s21+$0xFFFFFFD0] =	vst v2;
	v2 =	vmul.f32 $1.442695020e+00, v3  }
0x14f: {  	v5 =	vmul.f32 v5, v16;
	v1 =	vmul.f32 v1, v16;
	v15 =	vld [tilespmem:s31+$0x30];
	[tilespmem:s21+$0xFFFFFFE0] =	vst v9  }
0x150: {  	[tilespmem:s21+$0xFFFFFFF0] =	vst v11;
	v3 =	vmul.f32 v7, v16;
	v7 =	vpop (erf);
	(erf) = vpow2.f32 v2  }
0x151: {  	[tilespmem:s21+$0x10] =	vst v5;
	v2 =	vperm.xlane v7, v0  }
0x152: {  	[tilespmem:s21+$0x20] =	vst v1  }
0x153: {  	[tilespmem:s21+$0x0] =	vst v3;
	v3 =	vmul.f32 v4, v2  }
0x154: {  	[tilespmem:s31+$0x40] =	vst v7;
	v1 =	vmul.f32 v15, v2  }
0x155: {  	v5 =	vmul.f32 v6, v2;
	[tilespmem:s31+$0xFFFFFFC0] =	vst v3;
	v3 =	vmul.f32 v10, v2  }
0x156: {  	v6 =	vmul.f32 v8, v2;
	[tilespmem:s31+$0x30] =	vst v1  }
0x157: {  	v7 =	vld [tilespmem:s1+$0x30];
	[tilespmem:s31+$0xFFFFFFD0] =	vst v5  }
0x158: {  	v4 =	vld [tilespmem:s1+$0xFFFFFFC0];
	v8 =	vmul.f32 v12, v2;
	[tilespmem:s31+$0xFFFFFFE0] =	vst v6  }
0x159: {  	v9 =	vmul.f32 v13, v2;
	v1 =	vld [tilespmem:s1+$0xFFFFFFD0];
	[tilespmem:s31+$0xFFFFFFF0] =	vst v3;
	v3 =	vpop (erf)  }
0x15a: {  	v5 =	vld [tilespmem:s1+$0xFFFFFFE0];
	v2 =	vmul.f32 v14, v2;
	[tilespmem:s31+$0x0] =	vst v8;
	v8 =	vperm.xlane v3, v0  }
0x15b: {  	v6 =	vld [tilespmem:s1+$0xFFFFFFF0];
	[tilespmem:s31+$0x10] =	vst v9  }
0x15c: {  	v10 =	vld [tilespmem:s1+$0x0];
	[tilespmem:s31+$0x20] =	vst v2;
	v2 =	vmul.f32 v7, v8  }
0x15d: {  	v11 =	vld [tilespmem:s1+$0x10];
	[tilespmem:s1+$0x40] =	vst v3;
	v3 =	vmul.f32 v4, v8  }
0x15e: {  	v9 =	vld [tilespmem:s1+$0x20];
	v1 =	vmul.f32 v1, v8;
	[tilespmem:s1+$0x30] =	vst v2  }
0x15f: {  	v2 =	vmul.f32 v5, v8;
	[tilespmem:s1+$0xFFFFFFC0] =	vst v3  }
0x160: {  	v3 =	vmul.f32 v6, v8;
	[tilespmem:s1+$0xFFFFFFD0] =	vst v1  }
0x161: {  	v1 =	vmul.f32 v10, v8;
	[tilespmem:s1+$0xFFFFFFE0] =	vst v2  }
0x162: {  	v2 =	vmul.f32 v11, v8;
	[tilespmem:s1+$0xFFFFFFF0] =	vst v3  }
0x163: {  	v3 =	vmul.f32 v9, v8;
	[tilespmem:s1+$0x0] =	vst v1  }
0x164: {  	[tilespmem:s1+$0x10] =	vst v2  }
0x165: {  	s12 =	simm.s32 $0x1E0;
	[tilespmem:s1+$0x20] =	vst v3  }
0x166: {  	[spmem:s3] =	stream.indirect.scatter.add.f32 [tilespmem:s30], [sflag:$0xD], $0x90, s12, s23, $0xb8;
	[tilespmem:$0x1DEE8] =	vst v63  }
0x167: {  	_ =	swait.ge [sflag:s24], $0x1680  }
0x168: {  	[sflag:s24] =	ssyncset.done $0x0  }
0x169: {  	[sflag:s24] =	ssyncadd.s32 $0xFFFFE980  }
0x16a: {  	_ =	swait.ge [sflag:s24], $0x280  }
0x16b: {  	[sflag:s24] =	ssyncset.done $0x0  }
0x16c: {  	[sflag:s24] =	ssyncadd.s32 $0xFFFFFD80  }
0x16d: {  	v1 =	vld [tilespmem:$0x118]  }
0x16e: {  	v2 =	vld [tilespmem:$0x128]  }
0x16f: {  	v3 =	vld [tilespmem:$0x130];
	_ =	sdelay $0x2  }
0x170: {  	[tilespmem:$0x208] =	vst v1  }
0x171: {  	[tilespmem:$0x218] =	vst v2  }
0x172: {  	s1 =	simm.s32 @!p0 $0xC;
	[tilespmem:$0x220] =	vst v3  }
0x173: {  	_ =	swait.ge @!p0 [sflag:s1], $0x1680  }
0x174: {  	[sflag:s1] =	ssyncset.done @!p0 $0x0  }
0x175: {  	[sflag:s1] =	ssyncadd.s32 @!p0 $0xFFFFE980;
	s1 =	simm.s32 @!p0 $0x2  }
0x176: {  	_ =	swait.ge @!p0 [sflag:s1], $0x50  }
0x177: {  	s21 =	simm.s32 @!p0 $0x18D8;
	[sflag:s1] =	ssyncset.done @!p0 $0x0  }
0x178: {  	s12 =	simm.s32 @!p0 $0x50;
	[sflag:s1] =	ssyncadd.s32 @!p0 $0xFFFFFFB0;
	s1 =	simm.s32 @!p0 $0x28  }
0x179: {  	[tilespmem:s21], [sflag:$0x7] =	stream.indirect.gather @!p0 [hbm4b:s5+s1], $0x90, s12, s1, $0xb8;
	[tilespmem:$0x1DEE8] =	vst v63  }
0x17a: {  	s12 =	simm.s32 @!p0 $0x78;
	s21 =	simm.s32 @!p0 $0x7558  }
0x17b: {  	[tilespmem:s21], [sflag:$0x7] =	stream.indirect.gather @!p0 [hbm4b:s6+s1], $0x10, s12, s1, $0xb8;
	[tilespmem:$0x1DEE8] =	vst v63  }
0x17c: {  	s12 =	sadd.s32 @!p0 s28, s17  }
0x17d: {  	s12 =	sshrl.u32 @!p0 s12, $0x3  }
0x17e: {  	s22 =	simm.s32 @!p0 $0xF0;
	s21 =	simm.s32 @!p0 $0x2710;
	s12 =	sadd.s32 @!p0 s2, s12  }
0x17f: {  	[tilespmem:s22], [sflag:$0x4] =	stream.strided.gather @!p0 [hbm4b:s12+s1], $0x50, s21, s1, $0x38;
	[tilespmem:$0x1DEE8] =	vst v63  }
0x180: {  	s22 =	simm.s32 $0x4618  }
0x181: {  	s21 =	simm.s32 $0x0;
	v1 =	vld [tilespmem:s22+$0x40]  }
0x182: {  	v2 =	vld [tilespmem:s21+$0x7A58];
	_ =	sdelay $0x1  }
0x183: {  	v12 =	vld [tilespmem:s22+$0xFFFFFFC0]  }
0x184: {  	v13 =	vld [tilespmem:s22+$0xFFFFFFD0]  }
0x185: {  	v14 =	vld [tilespmem:s22+$0xFFFFFFE0]  }
0x186: {  	v15 =	vld [tilespmem:s22+$0xFFFFFFF0];
	v1 =	vadd.f32 v2, v1  }
0x187: {  	v16 =	vld [tilespmem:s22+$0x0]  }
0x188: {  	v17 =	vld [tilespmem:s22+$0x10];
	v2 =	vmul.f32 $2.000000030e-01, v1  }
0x189: {  	s12 =	simm.s32 $0x10;
	v20 =	vld [tilespmem:s22+$0x20]  }
0x18a: {  	s21 =	simm.s32 $0x46A8;
	v6 =	vld [tilespmem:s12+$0x7A58];
	v1 =	vmax.f32 v1, v2  }
0x18b: {  	v4 =	vld [tilespmem:s21+$0x40];
	v1 =	vmul.f32 $1.442695020e+00, v1  }
0x18c: {  	s31 =	simm.s32 $0x4738;
	v18 =	vld [tilespmem:s22+$0x30]  }
0x18d: {  	v19 =	vld [tilespmem:s31+$0x40];
	(erf) = vpow2.f32 v1  }
0x18e: {  	v3 =	vld [tilespmem:s21+$0xFFFFFFC0]  }
0x18f: {  	v9 =	vld [tilespmem:s21+$0xFFFFFFE0]  }
0x190: {  	v11 =	vld [tilespmem:s21+$0xFFFFFFF0];
	v8 =	vadd.f32 v6, v4  }
0x191: {  	v7 =	vld [tilespmem:s21+$0x0]  }
0x192: {  	s12 =	simm.s32 $0x20;
	v5 =	vld [tilespmem:s21+$0x10];
	v10 =	vmul.f32 $2.000000030e-01, v8  }
0x193: {  	v21 =	vld [tilespmem:s12+$0x7A58]  }
0x194: {  	v4 =	vld [tilespmem:s31+$0xFFFFFFC0];
	v10 =	vmax.f32 v8, v10  }
0x195: {  	v6 =	vld [tilespmem:s31+$0xFFFFFFD0];
	v24 =	vmul.f32 $1.442695020e+00, v10  }
0x196: {  	v2 =	vld [tilespmem:s21+$0xFFFFFFD0];
	v22 =	vpop (erf)  }
0x197: {  	v8 =	vld [tilespmem:s31+$0xFFFFFFE0];
	(erf) = vpow2.f32 v24;
	v23 =	vperm.xlane v22, v0  }
0x198: {  	v10 =	vld [tilespmem:s31+$0xFFFFFFF0]  }
0x199: {  	v1 =	vld [tilespmem:s21+$0x20];
	v18 =	vmul.f32 v18, v23  }
0x19a: {  	v21 =	vadd.f32 v21, v19;
	[tilespmem:s22+$0x40] =	vst v22;
	v22 =	vmul.f32 v12, v23;
	v12 =	vld [tilespmem:s31+$0x0]  }
0x19b: {  	v63 =	vmul.f32 v13, v23;
	v13 =	vld [tilespmem:s31+$0x10];
	[tilespmem:s22+$0x30] =	vst v18  }
0x19c: {  	v26 =	vmul.f32 $2.000000030e-01, v21;
	v25 =	vmul.f32 v14, v23;
	v14 =	vld [tilespmem:s31+$0x20];
	[tilespmem:s22+$0xFFFFFFC0] =	vst v22  }
0x19d: {  	s1 =	simm.s32 $0x47C8;
	v19 =	vmul.f32 v15, v23;
	v16 =	vmul.f32 v16, v23;
	v15 =	vld [tilespmem:s21+$0x30];
	[tilespmem:s22+$0xFFFFFFD0] =	vst v63  }
0x19e: {  	s29 =	simm.s32 $0x30;
	s12 =	simm.s32 $0x100;
	v21 =	vmax.f32 v21, v26;
	v20 =	vmul.f32 v20, v23;
	v18 =	vmul.f32 v17, v23;
	v17 =	vld [tilespmem:s1+$0x40];
	[tilespmem:s22+$0xFFFFFFE0] =	vst v25  }
.LBB2_9:
0x19f: {  	p1 =	sne.s32 s12, $0x9C0;
	v22 =	vld [tilespmem:s29+$0x7A58];
	v21 =	vmul.f32 $1.442695020e+00, v21;
	[tilespmem:s22+$0xFFFFFFF0] =	vst v19;
	v23 =	vmov v12  }
0x1a0: {  	v24 =	vld [tilespmem:s1+$0xFFFFFFC0];
	v12 =	vpop (erf);
	[tilespmem:s22+$0x0] =	vst v16;
	v25 =	vmov v13  }
0x1a1: {  	v26 =	vld [tilespmem:s1+$0xFFFFFFD0];
	(erf) = vpow2.f32 v21;
	v21 =	vperm.xlane v12, v0;
	[tilespmem:s22+$0x10] =	vst v18;
	v27 =	vmov v14  }
0x1a2: {  	v28 =	vld [tilespmem:s1+$0xFFFFFFE0];
	[tilespmem:s22+$0x20] =	vst v20;
	s22 =	smov.u32 s21;
	s21 =	smov.u32 s31;
	s31 =	smov.u32 s1  }
0x1a3: {  	v29 =	vld [tilespmem:s1+$0xFFFFFFF0];
	[tilespmem:s22+$0x40] =	vst v12;
	v18 =	vmul.f32 v3, v21;
	v14 =	vmul.f32 v15, v21;
	v3 =	vmov v4  }
.Ltmp3:
0x1a4: {  	v30 =	vmul.f32 v9, v21;
	v22 =	vadd.f32 v22, v17;
	v12 =	vld [tilespmem:s1+$0x0];
	v17 =	vmul.f32 v2, v21;
	v2 =	vmovc v6;
	(pc) =	sbr.rel @p1 .LBB2_9-.Ltmp3, $4  }
0x1a5: {  	v19 =	vmul.f32 v11, v21;
	v16 =	vmul.f32 v7, v21;
	v9 =	vmovc v8;
	v13 =	vld [tilespmem:s1+$0x10];
	[tilespmem:s22+$0x30] =	vst v14;
	v4 =	vmov v24  }
0x1a6: {  	v11 =	vmovc v10;
	v7 =	vmovc v23;
	v24 =	vmul.f32 $2.000000030e-01, v22;
	v14 =	vld [tilespmem:s1+$0x20];
	[tilespmem:s22+$0xFFFFFFC0] =	vst v18;
	v18 =	vmul.f32 v5, v21;
	v6 =	vmov v26  }
0x1a7: {  	v20 =	vmul.f32 v1, v21;
	v1 =	vmovc v27;
	s1 =	sadd.s32 $0x90, s1;
	v5 =	vmov v25;
	v15 =	vld [tilespmem:s21+$0x30];
	[tilespmem:s22+$0xFFFFFFD0] =	vst v17;
	v8 =	vmov v28  }
0x1a8: {  	s29 =	sshra.s32 s12, $0x2;
	s12 =	sadd.s32 $0x40, s12;
	v17 =	vld [tilespmem:s1+$0x40];
	v21 =	vmax.f32 v22, v24;
	[tilespmem:s22+$0xFFFFFFE0] =	vst v30;
	v10 =	vmov v29  }
0x1a9: {  	v22 =	vld [tilespmem:s29+$0x7A58]  }
0x1aa: {  	v21 =	vmul.f32 $1.442695020e+00, v21;
	_ =	sdelay $0x1  }
0x1ab: {  	[tilespmem:s22+$0xFFFFFFF0] =	vst v19;
	v19 =	vpop (erf);
	(erf) = vpow2.f32 v21  }
0x1ac: {  	[tilespmem:s22+$0x0] =	vst v16;
	v16 =	vperm.xlane v19, v0  }
0x1ad: {  	[tilespmem:s22+$0x10] =	vst v18;
	v17 =	vadd.f32 v22, v17  }
0x1ae: {  	[tilespmem:s22+$0x20] =	vst v20;
	v15 =	vmul.f32 v15, v16  }
0x1af: {  	[tilespmem:s21+$0x40] =	vst v19;
	v3 =	vmul.f32 v3, v16;
	v18 =	vmul.f32 $2.000000030e-01, v17  }
0x1b0: {  	v2 =	vmul.f32 v2, v16;
	[tilespmem:s21+$0x30] =	vst v15  }
0x1b1: {  	v9 =	vmul.f32 v9, v16;
	[tilespmem:s21+$0xFFFFFFC0] =	vst v3;
	v3 =	vmax.f32 v17, v18  }
0x1b2: {  	v11 =	vmul.f32 v11, v16;
	[tilespmem:s21+$0xFFFFFFD0] =	vst v2;
	v2 =	vmul.f32 $1.442695020e+00, v3  }
0x1b3: {  	v5 =	vmul.f32 v5, v16;
	v1 =	vmul.f32 v1, v16;
	v15 =	vld [tilespmem:s31+$0x30];
	[tilespmem:s21+$0xFFFFFFE0] =	vst v9  }
0x1b4: {  	[tilespmem:s21+$0xFFFFFFF0] =	vst v11;
	v3 =	vmul.f32 v7, v16;
	v7 =	vpop (erf);
	(erf) = vpow2.f32 v2  }
0x1b5: {  	[tilespmem:s21+$0x10] =	vst v5;
	v2 =	vperm.xlane v7, v0  }
0x1b6: {  	[tilespmem:s21+$0x20] =	vst v1  }
0x1b7: {  	[tilespmem:s21+$0x0] =	vst v3;
	v3 =	vmul.f32 v4, v2  }
0x1b8: {  	[tilespmem:s31+$0x40] =	vst v7;
	v1 =	vmul.f32 v15, v2  }
0x1b9: {  	v5 =	vmul.f32 v6, v2;
	[tilespmem:s31+$0xFFFFFFC0] =	vst v3;
	v3 =	vmul.f32 v10, v2  }
0x1ba: {  	v6 =	vmul.f32 v8, v2;
	[tilespmem:s31+$0x30] =	vst v1  }
0x1bb: {  	v7 =	vld [tilespmem:s1+$0x30];
	[tilespmem:s31+$0xFFFFFFD0] =	vst v5  }
0x1bc: {  	v4 =	vld [tilespmem:s1+$0xFFFFFFC0];
	v8 =	vmul.f32 v12, v2;
	[tilespmem:s31+$0xFFFFFFE0] =	vst v6  }
0x1bd: {  	v9 =	vmul.f32 v13, v2;
	v1 =	vld [tilespmem:s1+$0xFFFFFFD0];
	[tilespmem:s31+$0xFFFFFFF0] =	vst v3;
	v3 =	vpop (erf)  }
0x1be: {  	v5 =	vld [tilespmem:s1+$0xFFFFFFE0];
	v2 =	vmul.f32 v14, v2;
	[tilespmem:s31+$0x0] =	vst v8;
	v8 =	vperm.xlane v3, v0  }
0x1bf: {  	v6 =	vld [tilespmem:s1+$0xFFFFFFF0];
	[tilespmem:s31+$0x10] =	vst v9  }
0x1c0: {  	v10 =	vld [tilespmem:s1+$0x0];
	[tilespmem:s31+$0x20] =	vst v2;
	v2 =	vmul.f32 v7, v8  }
0x1c1: {  	v11 =	vld [tilespmem:s1+$0x10];
	[tilespmem:s1+$0x40] =	vst v3;
	v3 =	vmul.f32 v4, v8  }
0x1c2: {  	v9 =	vld [tilespmem:s1+$0x20];
	v1 =	vmul.f32 v1, v8;
	[tilespmem:s1+$0x30] =	vst v2  }
0x1c3: {  	v2 =	vmul.f32 v5, v8;
	[tilespmem:s1+$0xFFFFFFC0] =	vst v3  }
0x1c4: {  	v3 =	vmul.f32 v6, v8;
	[tilespmem:s1+$0xFFFFFFD0] =	vst v1  }
0x1c5: {  	v1 =	vmul.f32 v10, v8;
	[tilespmem:s1+$0xFFFFFFE0] =	vst v2  }
0x1c6: {  	v2 =	vmul.f32 v11, v8;
	[tilespmem:s1+$0xFFFFFFF0] =	vst v3  }
0x1c7: {  	v3 =	vmul.f32 v9, v8;
	[tilespmem:s1+$0x0] =	vst v1  }
0x1c8: {  	[tilespmem:s1+$0x10] =	vst v2  }
0x1c9: {  	s22 =	simm.s32 $0x208;
	[tilespmem:s1+$0x20] =	vst v3  }
0x1ca: {  	[spmem:s3] =	stream.indirect.scatter.add.f32 [tilespmem:s10], [sflag:$0xE], $0x90, s22, s23, $0xb8;
	[tilespmem:$0x1DEE8] =	vst v63  }
0x1cb: {  	_ =	swait.ge [sflag:s11], $0x1680  }
0x1cc: {  	[sflag:s11] =	ssyncset.done $0x0  }
0x1cd: {  	[sflag:s11] =	ssyncadd.s32 $0xFFFFE980  }
0x1ce: {  	_ =	swait.ge [sflag:s11], $0x280  }
0x1cf: {  	[sflag:s11] =	ssyncset.done $0x0  }
0x1d0: {  	[sflag:s11] =	ssyncadd.s32 $0xFFFFFD80  }
0x1d1: {  	v1 =	vld [tilespmem:$0x168]  }
0x1d2: {  	v2 =	vld [tilespmem:$0x178]  }
0x1d3: {  	v3 =	vld [tilespmem:$0x180];
	_ =	sdelay $0x2  }
0x1d4: {  	[tilespmem:$0x230] =	vst v1  }
0x1d5: {  	[tilespmem:$0x240] =	vst v2  }
0x1d6: {  	s1 =	simm.s32 @!p0 $0xD;
	[tilespmem:$0x248] =	vst v3  }
0x1d7: {  	_ =	swait.ge @!p0 [sflag:s1], $0x1680  }
0x1d8: {  	[sflag:s1] =	ssyncset.done @!p0 $0x0  }
0x1d9: {  	[sflag:s1] =	ssyncadd.s32 @!p0 $0xFFFFE980;
	s1 =	simm.s32 @!p0 $0x3  }
0x1da: {  	_ =	swait.ge @!p0 [sflag:s1], $0x50  }
0x1db: {  	s12 =	simm.s32 @!p0 $0xA0;
	[sflag:s1] =	ssyncset.done @!p0 $0x0  }
0x1dc: {  	s21 =	simm.s32 @!p0 $0x2F58;
	[sflag:s1] =	ssyncadd.s32 @!p0 $0xFFFFFFB0;
	s1 =	simm.s32 @!p0 $0x28  }
0x1dd: {  	[tilespmem:s21], [sflag:$0x8] =	stream.indirect.gather @!p0 [hbm4b:s5+s1], $0x90, s12, s1, $0xb8;
	[tilespmem:$0x1DEE8] =	vst v63  }
0x1de: {  	s12 =	simm.s32 @!p0 $0xC8;
	s21 =	simm.s32 @!p0 $0x77D8  }
0x1df: {  	[tilespmem:s21], [sflag:$0x8] =	stream.indirect.gather @!p0 [hbm4b:s6+s1], $0x10, s12, s1, $0xb8;
	[tilespmem:$0x1DEE8] =	vst v63  }
0x1e0: {  	s12 =	sadd.s32 @!p0 s28, s18  }
0x1e1: {  	s12 =	sshrl.u32 @!p0 s12, $0x3  }
0x1e2: {  	s22 =	simm.s32 @!p0 $0x140;
	s21 =	simm.s32 @!p0 $0x2710;
	s12 =	sadd.s32 @!p0 s2, s12  }
0x1e3: {  	[tilespmem:s22], [sflag:$0x5] =	stream.strided.gather @!p0 [hbm4b:s12+s1], $0x50, s21, s1, $0x38;
	[tilespmem:$0x1DEE8] =	vst v63  }
0x1e4: {  	s22 =	simm.s32 $0x5C98  }
0x1e5: {  	s31 =	simm.s32 $0x0;
	v1 =	vld [tilespmem:s22+$0x40]  }
0x1e6: {  	v2 =	vld [tilespmem:s31+$0x7CD8];
	_ =	sdelay $0x1  }
0x1e7: {  	v12 =	vld [tilespmem:s22+$0xFFFFFFC0]  }
0x1e8: {  	v13 =	vld [tilespmem:s22+$0xFFFFFFD0]  }
0x1e9: {  	v14 =	vld [tilespmem:s22+$0xFFFFFFE0]  }
0x1ea: {  	v15 =	vld [tilespmem:s22+$0xFFFFFFF0];
	v1 =	vadd.f32 v2, v1  }
0x1eb: {  	v16 =	vld [tilespmem:s22+$0x0]  }
0x1ec: {  	v17 =	vld [tilespmem:s22+$0x10];
	v2 =	vmul.f32 $2.000000030e-01, v1  }
0x1ed: {  	s21 =	simm.s32 $0x5D28;
	v20 =	vld [tilespmem:s22+$0x20]  }
0x1ee: {  	s12 =	simm.s32 $0x10;
	v4 =	vld [tilespmem:s21+$0x40];
	v1 =	vmax.f32 v1, v2  }
0x1ef: {  	v6 =	vld [tilespmem:s12+$0x7CD8];
	v1 =	vmul.f32 $1.442695020e+00, v1  }
0x1f0: {  	v3 =	vld [tilespmem:s21+$0xFFFFFFC0]  }
0x1f1: {  	v9 =	vld [tilespmem:s21+$0xFFFFFFE0];
	(erf) = vpow2.f32 v1  }
0x1f2: {  	v11 =	vld [tilespmem:s21+$0xFFFFFFF0]  }
0x1f3: {  	v7 =	vld [tilespmem:s21+$0x0]  }
0x1f4: {  	v5 =	vld [tilespmem:s21+$0x10];
	v8 =	vadd.f32 v6, v4  }
0x1f5: {  	s28 =	simm.s32 $0x5DB8;
	v18 =	vld [tilespmem:s22+$0x30]  }
0x1f6: {  	v19 =	vld [tilespmem:s28+$0x40];
	s31 =	simm.s32 $0x20;
	v10 =	vmul.f32 $2.000000030e-01, v8  }
0x1f7: {  	v21 =	vld [tilespmem:s31+$0x7CD8]  }
0x1f8: {  	v4 =	vld [tilespmem:s28+$0xFFFFFFC0];
	v10 =	vmax.f32 v8, v10  }
0x1f9: {  	v6 =	vld [tilespmem:s28+$0xFFFFFFD0];
	v24 =	vmul.f32 $1.442695020e+00, v10  }
0x1fa: {  	v2 =	vld [tilespmem:s21+$0xFFFFFFD0];
	v22 =	vpop (erf)  }
0x1fb: {  	v8 =	vld [tilespmem:s28+$0xFFFFFFE0];
	(erf) = vpow2.f32 v24;
	v23 =	vperm.xlane v22, v0  }
0x1fc: {  	v10 =	vld [tilespmem:s28+$0xFFFFFFF0]  }
0x1fd: {  	v1 =	vld [tilespmem:s21+$0x20];
	v18 =	vmul.f32 v18, v23  }
0x1fe: {  	v21 =	vadd.f32 v21, v19;
	[tilespmem:s22+$0x40] =	vst v22;
	v22 =	vmul.f32 v12, v23;
	v12 =	vld [tilespmem:s28+$0x0]  }
0x1ff: {  	v63 =	vmul.f32 v13, v23;
	v13 =	vld [tilespmem:s28+$0x10];
	[tilespmem:s22+$0x30] =	vst v18  }
0x200: {  	v26 =	vmul.f32 $2.000000030e-01, v21;
	v25 =	vmul.f32 v14, v23;
	v14 =	vld [tilespmem:s28+$0x20];
	[tilespmem:s22+$0xFFFFFFC0] =	vst v22  }
0x201: {  	s1 =	simm.s32 $0x5E48;
	v19 =	vmul.f32 v15, v23;
	v16 =	vmul.f32 v16, v23;
	v15 =	vld [tilespmem:s21+$0x30];
	[tilespmem:s22+$0xFFFFFFD0] =	vst v63  }
0x202: {  	s29 =	simm.s32 $0x30;
	s12 =	simm.s32 $0x100;
	v21 =	vmax.f32 v21, v26;
	v20 =	vmul.f32 v20, v23;
	v18 =	vmul.f32 v17, v23;
	v17 =	vld [tilespmem:s1+$0x40];
	[tilespmem:s22+$0xFFFFFFE0] =	vst v25  }
.LBB2_11:
0x203: {  	p0 =	sne.s32 s12, $0x9C0;
	v22 =	vld [tilespmem:s29+$0x7CD8];
	v21 =	vmul.f32 $1.442695020e+00, v21;
	[tilespmem:s22+$0xFFFFFFF0] =	vst v19;
	v23 =	vmov v12  }
0x204: {  	v24 =	vld [tilespmem:s1+$0xFFFFFFC0];
	v12 =	vpop (erf);
	[tilespmem:s22+$0x0] =	vst v16;
	v25 =	vmov v13  }
0x205: {  	v26 =	vld [tilespmem:s1+$0xFFFFFFD0];
	(erf) = vpow2.f32 v21;
	v21 =	vperm.xlane v12, v0;
	[tilespmem:s22+$0x10] =	vst v18;
	v27 =	vmov v14  }
0x206: {  	v28 =	vld [tilespmem:s1+$0xFFFFFFE0];
	[tilespmem:s22+$0x20] =	vst v20;
	s22 =	smov.u32 s21;
	s21 =	smov.u32 s28;
	s28 =	smov.u32 s1  }
0x207: {  	v29 =	vld [tilespmem:s1+$0xFFFFFFF0];
	[tilespmem:s22+$0x40] =	vst v12;
	v18 =	vmul.f32 v3, v21;
	v14 =	vmul.f32 v15, v21;
	v3 =	vmov v4  }
.Ltmp4:
0x208: {  	v30 =	vmul.f32 v9, v21;
	v22 =	vadd.f32 v22, v17;
	v12 =	vld [tilespmem:s1+$0x0];
	v17 =	vmul.f32 v2, v21;
	v2 =	vmovc v6;
	(pc) =	sbr.rel @p0 .LBB2_11-.Ltmp4, $4  }
0x209: {  	v19 =	vmul.f32 v11, v21;
	v16 =	vmul.f32 v7, v21;
	v9 =	vmovc v8;
	v13 =	vld [tilespmem:s1+$0x10];
	[tilespmem:s22+$0x30] =	vst v14;
	v4 =	vmov v24  }
0x20a: {  	v11 =	vmovc v10;
	v7 =	vmovc v23;
	v24 =	vmul.f32 $2.000000030e-01, v22;
	v14 =	vld [tilespmem:s1+$0x20];
	[tilespmem:s22+$0xFFFFFFC0] =	vst v18;
	v18 =	vmul.f32 v5, v21;
	v6 =	vmov v26  }
0x20b: {  	v20 =	vmul.f32 v1, v21;
	v1 =	vmovc v27;
	s1 =	sadd.s32 $0x90, s1;
	v5 =	vmov v25;
	v15 =	vld [tilespmem:s21+$0x30];
	[tilespmem:s22+$0xFFFFFFD0] =	vst v17;
	v8 =	vmov v28  }
0x20c: {  	s29 =	sshra.s32 s12, $0x2;
	s12 =	sadd.s32 $0x40, s12;
	v17 =	vld [tilespmem:s1+$0x40];
	v21 =	vmax.f32 v22, v24;
	[tilespmem:s22+$0xFFFFFFE0] =	vst v30;
	v10 =	vmov v29  }
0x20d: {  	v22 =	vld [tilespmem:s29+$0x7CD8]  }
0x20e: {  	v21 =	vmul.f32 $1.442695020e+00, v21;
	_ =	sdelay $0x1  }
0x20f: {  	[tilespmem:s22+$0xFFFFFFF0] =	vst v19;
	v47 =	vpop (erf);
	(erf) = vpow2.f32 v21  }
0x210: {  	[tilespmem:s22+$0x0] =	vst v16;
	v48 =	vperm.xlane v47, v0  }
0x211: {  	[tilespmem:s22+$0x10] =	vst v18;
	v17 =	vadd.f32 v22, v17  }
0x212: {  	[tilespmem:s22+$0x20] =	vst v20;
	v15 =	vmul.f32 v15, v48  }
0x213: {  	[tilespmem:s21+$0x40] =	vst v47;
	v3 =	vmul.f32 v3, v48;
	v49 =	vmul.f32 $2.000000030e-01, v17  }
0x214: {  	v2 =	vmul.f32 v2, v48;
	[tilespmem:s21+$0x30] =	vst v15  }
0x215: {  	v9 =	vmul.f32 v9, v48;
	[tilespmem:s21+$0xFFFFFFC0] =	vst v3;
	v3 =	vmax.f32 v17, v49  }
0x216: {  	v11 =	vmul.f32 v11, v48;
	[tilespmem:s21+$0xFFFFFFD0] =	vst v2;
	v2 =	vmul.f32 $1.442695020e+00, v3  }
0x217: {  	v50 =	vld [tilespmem:s28+$0x30];
	v5 =	vmul.f32 v5, v48;
	[tilespmem:s21+$0xFFFFFFE0] =	vst v9  }
0x218: {  	v1 =	vmul.f32 v1, v48;
	[tilespmem:s21+$0xFFFFFFF0] =	vst v11;
	v51 =	vpop (erf);
	(erf) = vpow2.f32 v2  }
0x219: {  	[tilespmem:s21+$0x10] =	vst v5;
	v3 =	vmul.f32 v7, v48;
	v2 =	vperm.xlane v51, v0  }
0x21a: {  	[tilespmem:s21+$0x20] =	vst v1  }
0x21b: {  	[tilespmem:s21+$0x0] =	vst v3;
	v3 =	vmul.f32 v4, v2  }
0x21c: {  	[tilespmem:s28+$0x40] =	vst v51;
	v1 =	vmul.f32 v50, v2  }
0x21d: {  	v53 =	vmul.f32 v6, v2;
	[tilespmem:s28+$0xFFFFFFC0] =	vst v3;
	v3 =	vmul.f32 v10, v2  }
0x21e: {  	v54 =	vmul.f32 v8, v2;
	[tilespmem:s28+$0x30] =	vst v1  }
0x21f: {  	v55 =	vld [tilespmem:s1+$0x30];
	[tilespmem:s28+$0xFFFFFFD0] =	vst v53  }
0x220: {  	v52 =	vld [tilespmem:s1+$0xFFFFFFC0];
	v57 =	vmul.f32 v12, v2;
	[tilespmem:s28+$0xFFFFFFE0] =	vst v54  }
0x221: {  	v59 =	vmul.f32 v13, v2;
	v1 =	vld [tilespmem:s1+$0xFFFFFFD0];
	[tilespmem:s28+$0xFFFFFFF0] =	vst v3;
	v3 =	vpop (erf)  }
0x222: {  	v56 =	vld [tilespmem:s1+$0xFFFFFFE0];
	v2 =	vmul.f32 v14, v2;
	[tilespmem:s28+$0x0] =	vst v57;
	v61 =	vperm.xlane v3, v0  }
0x223: {  	v58 =	vld [tilespmem:s1+$0xFFFFFFF0];
	[tilespmem:s28+$0x10] =	vst v59  }
0x224: {  	v60 =	vld [tilespmem:s1+$0x0];
	[tilespmem:s28+$0x20] =	vst v2;
	v2 =	vmul.f32 v55, v61  }
0x225: {  	v62 =	vld [tilespmem:s1+$0x10];
	[tilespmem:s1+$0x40] =	vst v3;
	v3 =	vmul.f32 v52, v61  }
0x226: {  	v63 =	vld [tilespmem:s1+$0x20];
	v1 =	vmul.f32 v1, v61;
	[tilespmem:s1+$0x30] =	vst v2  }
0x227: {  	v2 =	vmul.f32 v56, v61;
	[tilespmem:s1+$0xFFFFFFC0] =	vst v3  }
0x228: {  	s13 =	sadd.s32 $0x1, s13;
	v3 =	vmul.f32 v58, v61;
	[tilespmem:s1+$0xFFFFFFD0] =	vst v1  }
0x229: {  	p0 =	sne.s32 s13, $0x32;
	v1 =	vmul.f32 v60, v61;
	[tilespmem:s1+$0xFFFFFFE0] =	vst v2  }
.Ltmp5:
0x22a: {  	v2 =	vmul.f32 v62, v61;
	[tilespmem:s1+$0xFFFFFFF0] =	vst v3;
	(pc) =	sbr.rel @p0 .LBB2_2-.Ltmp5, $4  }
0x22b: {  	v3 =	vmul.f32 v63, v61;
	[tilespmem:s1+$0x0] =	vst v1  }
0x22c: {  	[tilespmem:s1+$0x10] =	vst v2  }
0x22d: {  	s31 =	simm.s32 $0x230;
	[tilespmem:s1+$0x20] =	vst v3  }
0x22e: {  	[spmem:s3] =	stream.indirect.scatter.add.f32 [tilespmem:s9], [sflag:$0xF], $0x90, s31, s23, $0xb8;
	[tilespmem:$0x1DEE8] =	vst v63  }
0x22f: {  	s1 =	simm.s32 $0xB  }
0x230: {  	_ =	swait.ge [sflag:s1], $0x1680  }
0x231: {  	[sflag:s1] =	ssyncset.done $0x0  }
0x232: {  	s13 =	simm.s32 $0xC;
	[sflag:s1] =	ssyncadd.s32 $0xFFFFE980  }
0x233: {  	_ =	swait.ge [sflag:s13], $0x1680  }
0x234: {  	[sflag:s13] =	ssyncset.done $0x0  }
0x235: {  	s21 =	simm.s32 $0xD;
	[sflag:s13] =	ssyncadd.s32 $0xFFFFE980  }
0x236: {  	_ =	swait.ge [sflag:s21], $0x1680  }
0x237: {  	[sflag:s21] =	ssyncset.done $0x0  }
0x238: {  	s22 =	simm.s32 $0xE;
	[sflag:s21] =	ssyncadd.s32 $0xFFFFE980  }
0x239: {  	_ =	swait.ge [sflag:s22], $0x1680  }
0x23a: {  	[sflag:s22] =	ssyncset.done $0x0  }
0x23b: {  	s28 =	simm.s32 $0xF;
	[sflag:s22] =	ssyncadd.s32 $0xFFFFE980  }
0x23c: {  	_ =	swait.ge [sflag:s28], $0x1680  }
0x23d: {  	[sflag:s28] =	ssyncset.done $0x0  }
0x23e: {  	[sflag:s28] =	ssyncadd.s32 $0xFFFFE980  }
0x23f: {  	[bflag:$0x0] =	sbarrier.arrive $0xFFFF  }
0x240: {  	s12 =	rddreg [dreg:$0x5]  }
0x241: {  	s29 =	rddreg [dreg:$0xb]  }
0x242: {  	s21 =	simm.s32 $0x10;
	s13 =	rddreg [dreg:$0xd]  }
0x243: {  	[hbm:s29], [sflag:s12] =	dma.local [spmem:s13], $0x2BF2  }
0x244: {  	_ =	swait.ge [sflag:s21], $0x2BF2  }
0x245: {  	s22 =	rddreg [dreg:$0xe]  }
0x246: {  	s31 =	rddreg [dreg:$0xc];
	s22 =	sadd.s32 $0x1, s22  }
0x247: {  	p0 =	sne.s32 s22, s31  }
.Ltmp6:
0x248: {  	_ = 	snop;
	(pc) =	sbr.rel @p0 .LBB2_1-.Ltmp6, $3  }
0x249: {  	_ =	sdelay $0x1  }
0x24a: {  	[sflag:s21] =	ssyncset.done $0x0  }
0x24b: {  	[sflag:s21] =	ssyncadd.s32 $0xFFFFD40E  }
0x24c: {  	_ =	sfence.sel $0x180000  }
0x24d: {  	[bflag:$0x0] =	sbarrier.arrive $0xFFFF  }
0x24e: {  	_ =	strace $0x9000004A  }
0x24f: {  	s0 =	stileid.u32;
	[bflag:$0x2] =	sbarrier.arrive $0xFFFF  }
0x250: {  	p0 =	sne.s32 s0, $0x0;
	s0 =	rddreg [dreg:$0x3]  }
0x251: {  	s0 =	sadd.s32 @!p0 $0x100000, s0  }
0x252: {  	[sflag:s0] =	ssyncadd.tile.s32 @!p0 $0x1;
	_ =	shalt  }
.Lfunc_end2:
_tile_overlayer_lowered:
.L_overlay_start_2:
0x253: {  	(tag) =	ssettag $0x2  }
0x254: {  	s0 =	rddreg [dreg:$0x0];
	s2 =	stileid.u32  }
0x255: {  	s1 =	rddreg [dreg:$0x1];
	p0 =	sne.s32 s2, $0x0  }
0x256: {  	s3 =	rddreg [dreg:$0x2];
	[bflag:$0x3] =	sbarrier.arrive $0xFFFF;
	s2 =	simm.s32 @!p0 $0x1C10  }
0x257: {  	[timem:s3], [sflag:s2] =	dma.local @!p0 [hbm:s0], s1  }
0x258: {  	s0 =	simm.s32 @!p0 $0x10  }
0x259: {  	_ =	swait.ge @!p0 [sflag:s0], s1  }
0x25a: {  	s1 =	ssub.s32 @!p0 $0x0, s1;
	[sflag:s0] =	ssyncset.done @!p0 $0x0  }
0x25b: {  	[sflag:s0] =	ssyncadd.s32 @!p0 s1  }
0x25c: {  	[bflag:$0x3] =	sbarrier.arrive $0xFFFF  }
0x25d: {  	_ =	shalt  }

// kernel: kernel.15.cloned.1.call-start
scs
__scs_entry_jumppad:
0x0: {  	(pc) =	sbr.rel $0x88, $3  }
0x1: {  	(tag) =	ssettag $0x0;
	lr =	simm.s32 $0x1  }
0x2: {  	[smem:$0x3F95] =	sst lr;
	_ =	strace $0xD0000000  }
0x3: {  	_ = 	snop  }
0x4: {  	_ = 	snop  }
0x5: {  	_ = 	snop  }
0x6: {  	_ = 	snop  }
0x7: {  	_ = 	snop  }
__scs_overlays_trampoline_lowered:
0x8: {  	[smem:$0x3FA4] =	sst s0  }
0x9: {  	[smem:$0x3FA5] =	sst s1  }
0xa: {  	[smem:$0x3FA6] =	sst s2  }
0xb: {  	[smem:$0x3FA7] =	sst s3  }
0xc: {  	[smem:$0x3FA8] =	sst s4  }
0xd: {  	[smem:$0x3FA9] =	sst s5  }
0xe: {  	[smem:$0x3FAA] =	sst s6  }
0xf: {  	[smem:$0x3FAB] =	sst s7  }
0x10: {  	[smem:$0x3FAC] =	sst s8  }
0x11: {  	[smem:$0x3FAD] =	sst s9;
	s0 =	simm.s32 @!p0 $0x0  }
0x12: {  	s1 =	sld [smem:$0x3F93];
	s0 =	simm.s32 @p0 $0x1  }
0x13: {  	[smem:$0x3FAE] =	sst s0;
	s0 =	simm.s32 @!p1 $0x0  }
0x14: {  	s2 =	sld [smem:$0x3F92];
	s0 =	simm.s32 @p1 $0x1  }
0x15: {  	[smem:$0x3FAF] =	sst s0;
	s0 =	simm.s32 @!p2 $0x0  }
0x16: {  	s3 =	sld [smem:$0x3FDB];
	s0 =	simm.s32 @p2 $0x1  }
0x17: {  	s4 =	simm.s32 $0x1BF5;
	[smem:$0x3FB1] =	sst s0  }
0x18: {  	s0 =	sld [smem:$0x3F94];
	_ =	swait.ge [sflag:s4], $0x0  }
0x19: {  	s7 =	sld [smem:$0x3F95]  }
0x1a: {  	s8 =	sadd.s32 $0xFFFFE003, lr  }
0x1b: {  	s9 =	sadd.s32 $0xFFFFFEF7, lr;
	s5 =	simm.s32 $0xFFFFFFFF;
	p2 =	slt.u32 s8, $0xFFFFF086  }
0x1c: {  	p1 =	slt.u32 s9, $0xF7A;
	s5 =	simm.s32 @!p2 $0x0  }
0x1d: {  	s5 =	simm.s32 @p1 $0x1;
	p0 =	seq.s32 s7, s2  }
0x1e: {  	s7 =	smul.u32 @!p0 $0xF7A, s2;
	p2 =	seq.s32 @!p0 s5, $0x0  }
0x1f: {  	s9 =	smul.u32 $0xF7A, s1;
	s8 =	simm.s32 @!p0 $0x1BF5;
	p2 =	por !p2, p0  }
0x20: {  	[sflag:s8] =	ssyncset.s32 @!p0 $0xFFFFF086;
	s6 =	sadd.s32 @!p0 s3, s7;
	s7 =	simm.s32 @!p0 $0x108  }
0x21: {  	s3 =	sadd.s32 s3, s9;
	s6 =	sadd.s32 @!p0 $0x88, s6;
	s7 =	simm.s32 @p2 $0x1082  }
0x22: {  	[simem:s7], [sflag:s8] =	dma.local @!p0 [hbm:s6], $0xF7A  }
0x23: {  	s9 =	sor.u32 $0xD0000000, s2;
	s6 =	simm.s32 $0x108;
	_ =	swait.ge @!p0 [sflag:s8], $0x0  }
0x24: {  	s3 =	sadd.s32 $0x88, s3;
	s6 =	simm.s32 @!p1 $0x1082;
	[sflag:s4] =	ssyncset.s32 $0xFFFFF086  }
0x25: {  	[simem:s6], [sflag:s4] =	dma.local [hbm:s3], $0xF7A  }
0x26: {  	[smem:$0x3F95] =	sst s1;
	(tag) =	ssettag s2;
	_ =	strace s9  }
0x27: {  	s1 =	sld [smem:$0x3FA5]  }
0x28: {  	s2 =	sld [smem:$0x3FA6]  }
0x29: {  	s4 =	sld [smem:$0x3FA8]  }
0x2a: {  	p0 =	seq.s32 s5, $0x0;
	s5 =	sld [smem:$0x3FA9]  }
0x2b: {  	s6 =	sld [smem:$0x3FAA]  }
0x2c: {  	s7 =	sld [smem:$0x3FAB]  }
0x2d: {  	s3 =	simm.s32 $0x108;
	s8 =	sld [smem:$0x3FAC]  }
0x2e: {  	s3 =	simm.s32 @!p0 $0x1082;
	s9 =	sld [smem:$0x3FAD]  }
0x2f: {  	lr =	sadd.s32 s0, s3;
	s0 =	sld [smem:$0x3FA4]  }
0x30: {  	s3 =	sld [smem:$0x3FA7]  }
0x31: {  	[smem:$0x3FB0] =	sst s10  }
0x32: {  	s10 =	sld [smem:$0x3FAE];
	_ =	sdelay $0x3  }
0x33: {  	p0 =	seq.s32 s10, $0x1;
	s10 =	sld [smem:$0x3FB0];
	_ =	sdelay $0x3  }
0x34: {  	[smem:$0x3FB0] =	sst s10  }
0x35: {  	s10 =	sld [smem:$0x3FAF];
	_ =	sdelay $0x3  }
0x36: {  	p1 =	seq.s32 s10, $0x1;
	s10 =	sld [smem:$0x3FB0];
	_ =	sdelay $0x3  }
0x37: {  	[smem:$0x3FB0] =	sst s10  }
0x38: {  	s10 =	sld [smem:$0x3FB1]  }
0x39: {  	_ = 	snop;
	(pc) =	sbr.ind lr, $3  }
0x3a: {  	_ = 	snop  }
0x3b: {  	_ = 	snop  }
0x3c: {  	p2 =	seq.s32 s10, $0x1;
	s10 =	sld [smem:$0x3FB0]  }
0x3d: {  	_ =	shalt  }
0x3e: {  	_ =	shalt  }
0x3f: {  	_ =	shalt  }
0x40: {  	_ =	shalt  }
0x41: {  	_ =	shalt  }
0x42: {  	_ =	shalt  }
0x43: {  	_ =	shalt  }
0x44: {  	_ =	shalt  }
0x45: {  	_ =	shalt  }
0x46: {  	_ =	shalt  }
0x47: {  	_ =	shalt  }
0x48: {  	_ =	shalt  }
0x49: {  	_ =	shalt  }
0x4a: {  	_ =	shalt  }
0x4b: {  	_ =	shalt  }
0x4c: {  	_ =	shalt  }
0x4d: {  	_ =	shalt  }
0x4e: {  	_ =	shalt  }
0x4f: {  	_ =	shalt  }
0x50: {  	_ =	shalt  }
0x51: {  	_ =	shalt  }
0x52: {  	_ =	shalt  }
0x53: {  	_ =	shalt  }
0x54: {  	_ =	shalt  }
0x55: {  	_ =	shalt  }
0x56: {  	_ =	shalt  }
0x57: {  	_ =	shalt  }
0x58: {  	_ =	shalt  }
0x59: {  	_ =	shalt  }
0x5a: {  	_ =	shalt  }
0x5b: {  	_ =	shalt  }
0x5c: {  	_ =	shalt  }
0x5d: {  	_ =	shalt  }
0x5e: {  	_ =	shalt  }
0x5f: {  	_ =	shalt  }
0x60: {  	_ =	shalt  }
0x61: {  	_ =	shalt  }
0x62: {  	_ =	shalt  }
0x63: {  	_ =	shalt  }
0x64: {  	_ =	shalt  }
0x65: {  	_ =	shalt  }
0x66: {  	_ =	shalt  }
0x67: {  	_ =	shalt  }
0x68: {  	_ =	shalt  }
0x69: {  	_ =	shalt  }
0x6a: {  	_ =	shalt  }
0x6b: {  	_ =	shalt  }
0x6c: {  	_ =	shalt  }
0x6d: {  	_ =	shalt  }
0x6e: {  	_ =	shalt  }
0x6f: {  	_ =	shalt  }
0x70: {  	_ =	shalt  }
0x71: {  	_ =	shalt  }
0x72: {  	_ =	shalt  }
0x73: {  	_ =	shalt  }
0x74: {  	_ =	shalt  }
0x75: {  	_ =	shalt  }
0x76: {  	_ =	shalt  }
0x77: {  	_ =	shalt  }
0x78: {  	_ =	shalt  }
0x79: {  	_ =	shalt  }
0x7a: {  	_ =	shalt  }
0x7b: {  	_ =	shalt  }
0x7c: {  	_ =	shalt  }
0x7d: {  	_ =	shalt  }
0x7e: {  	_ =	shalt  }
0x7f: {  	_ =	shalt  }
0x80: {  	_ =	shalt  }
0x81: {  	_ =	shalt  }
0x82: {  	_ =	shalt  }
0x83: {  	_ =	shalt  }
0x84: {  	_ =	shalt  }
0x85: {  	_ =	shalt  }
0x86: {  	_ =	shalt  }
0x87: {  	_ =	shalt  }
.Lfunc_end0:
.L_simem_size_0:
called_computation.2_lowered:
.L_overlay_start_0:
0x88: {  	s2 =	sld [smem:$0x3FD9]  }
0x89: {  	s3 =	sld [smem:$0x3FFE];
	_ =	sdelay $0x1  }
0x8a: {  	s1 =	srdreg.scid  }
0x8b: {  	s0 =	sand.u32 $0x1, s1  }
0x8c: {  	s17 =	sshll.u32 s0, $0xA;
	s2 =	sadd.s32 s3, s2  }
0x8d: {  	s2 =	sadd.s32 s2, s17  }
0x8e: {  	[smem:$0x3FBC] =	sst s2  }
0x8f: {  	_ = 	snop  }
0x90: {  	s2 =	sld [smem:$0x3FD0];
	(tm) =	ssettm $0x1  }
0x91: {  	s18 =	sld [smem:$0x3FFB];
	_ =	sdelay $0x3  }
0x92: {  	_ =	strace s18  }
0x93: {  	s3 =	sld [smem:$0x3FFC];
	_ =	sdelay $0x3  }
0x94: {  	_ =	strace s3  }
0x95: {  	s3 =	sld [smem:$0x3FFD];
	_ =	sdelay $0x3  }
0x96: {  	_ =	strace s3  }
0x97: {  	_ =	strace $0x8FFFFFFF  }
0x98: {  	s19 =	sld [smem:$0x3FDB];
	_ =	sdelay $0x1  }
0x99: {  	s4 =	simm.s32 $_scs_section_size  }
0x9a: {  	s5 =	simm.s32 $_size__tile_overlayer_lowered;
	s6 =	simm.s32 $_tile_overlayer_lowered  }
0x9b: {  	s22 =	simm.s32 $0x1BFF;
	s21 =	sshll.u32 s6, $0x1;
	s3 =	sadd.s32 s4, s19  }
0x9c: {  	s7 =	simm.s32 $0x0;
	s20 =	sshll.u32 s5, $0x1;
	s5 =	sadd.s32 s21, s3  }
0x9d: {  	[timem:s7], [sflag:s22] =	dma.local [hbm:s5], s20  }
0x9e: {  	_ =	swait.ge [sflag:s22], s20  }
0x9f: {  	s4 =	ssub.s32 $0x0, s20;
	[sflag:s22] =	ssyncset.done $0x0  }
0xa0: {  	[sflag:s22] =	ssyncadd.s32 s4;
	_ =	sdelay $0x1  }
0xa1: {  	s23 =	simm.s32 $0x1B8B  }
0xa2: {  	_ =	swait.ge [sflag:s23], $0x1  }
0xa3: {  	[sflag:s23] =	ssyncset.done $0x0  }
0xa4: {  	s25 =	simm.s32 $0x1B8E;
	s24 =	sld [smem:$0x3FFE];
	[sflag:s23] =	ssyncadd.s32 $0xFFFFFFFF  }
0xa5: {  	s26 =	simm.s32 $execute0_lowered;
	[smem:$0x3FD2] =	sst s25  }
0xa6: {  	s5 =	sshll.u32 s26, $0x1;
	_ =	strace $0x8000004C;
	[dreg:$0x1] =	wrdreg $0xFFFFFFFF  }
0xa7: {  	s28 =	simm.s32 $_size_execute0_lowered;
	s3 =	sadd.s32 s3, s5;
	[dreg:$0x0] =	wrdreg $0x0  }
0xa8: {  	s5 =	sshll.u32 s28, $0x1;
	[dreg:$0x2] =	wrdreg s3  }
0xa9: {  	[dreg:$0x3] =	wrdreg s5  }
0xaa: {  	[dreg:$0x4] =	wrdreg $0xC0  }
0xab: {  	_ =	task [dreg:s7], $0x5FFFF  }
0xac: {  	[dreg:$0x1] =	wrdreg $0xFFFFFFFF  }
0xad: {  	[dreg:$0x0] =	wrdreg $0x60  }
0xae: {  	[dreg:$0x2] =	wrdreg s2  }
0xaf: {  	[dreg:$0x3] =	wrdreg s24  }
0xb0: {  	[dreg:$0x4] =	wrdreg $0x7F580  }
0xb1: {  	[dreg:$0x5] =	wrdreg $0x9  }
0xb2: {  	_ =	task.clear_ibuf [dreg:s7], $0x6FFFF;
	_ =	strace $0x9000004C  }
0xb3: {  	s29 =	simm.s32 $0x9;
	_ =	strace $0x8000004E  }
0xb4: {  	_ =	swait.ge [sflag:s29], $0x1  }
0xb5: {  	[sflag:s29] =	ssyncadd.s32 $0xFFFFFFFF  }
0xb6: {  	_ =	strace $0x9000004E  }
0xb7: {  	_ =	sfence  }
0xb8: {  	s30 =	sld [smem:$0x0];
	_ =	sdelay $0x2  }
0xb9: {  	s31 =	sshll.u32 s1, $0xD;
	s1 =	sshrl.u32 s1, $0x2  }
0xba: {  	s3 =	sand.u32 $0x4000, s31;
	s1 =	sadd.s32 s1, s30  }
0xbb: {  	s0 =	sor.u32 s3, s0;
	s1 =	sshll.u32 s1, $0x11  }
0xbc: {  	s0 =	sor.u32 s1, s0  }
0xbd: {  	s0 =	sadd.s32 $0x8F2B, s0  }
0xbe: {  	[sflag:s0] =	ssyncadd.remote.s32 $0x1  }
0xbf: {  	_ =	sfence.sel $0xFFFF  }
0xc0: {  	[dreg:$0x0] =	wrdreg $0xFFFFFFFF;
	(pc) =	sbr.abs _section_cstart, $3  }
0xc1: {  	[dreg:$0x1] =	wrdreg $0xFFFFFFFF  }
0xc2: {  	_ =	task.clear_ibuf [dreg:s7], $0x2FFFF;
	_ =	strace $0x9FFFFFFF  }
0xc3: {  	(tm) =	ssettm $0x7FFFFFFF  }
tec
execute0_lowered:
.L_overlay_start_1:
0x0: {  	(tag) =	ssettag $0x1  }
0x1: {  	s2 =	rddreg [dreg:$0x0]  }
0x2: {  	s0 =	rddreg [dreg:$0x1]  }
0x3: {  	s3 =	rddreg [dreg:$0x2]  }
0x4: {  	s10 =	stileid.u32;
	s1 =	srdreg.scid;
	s5 =	simm.s32 $0x0  }
0x5: {  	s30 =	simm.s32 $0x2F58;
	s4 =	smul.u32 $0x15F90, s10;
	s1 =	sand.u32 $0x1, s1  }
0x6: {  	[smem:$0x7FF] =	sst s5;
	s5 =	sadd.s32 $0x2400, s0;
	s6 =	sadd.s32 $0x2E400, s0  }
0x7: {  	s20 =	sshll.u32 s10, $0x6;
	s7 =	smul.u32 $0x15F900, s1;
	_ =	strace $0x8000004D  }
0x8: {  	s9 =	ssub.s32 $0x2, s1;
	s1 =	sshll.u32 s1, $0x4;
	s12 =	sor.u32 $0x1C10, s20  }
0x9: {  	s20 =	simm.s32 $0x5;
	s8 =	sshrl.u32 s4, $0x3;
	s19 =	sshrl.u32 s9, $0x1  }
0xa: {  	s1 =	sor.u32 s10, s1;
	s10 =	simm.s32 $0x45D8;
	[dreg:$0x5] =	wrdreg s12  }
0xb: {  	s8 =	sadd.s32 s8, s0;
	s7 =	sadd.s32 s4, s7;
	s1 =	smul.u32 $0x4E20, s1  }
0xc: {  	s4 =	sadd.s32 s4, s3;
	s7 =	sshrl.u32 s7, $0x3;
	s8 =	sadd.s32 $0x33400, s8  }
0xd: {  	s13 =	sshrl.u32 s4, $0x3;
	s4 =	simm.s32 $0xF0;
	s0 =	sadd.s32 s7, s0  }
0xe: {  	s7 =	ssub.s32 s9, s19;
	[dreg:$0x4] =	wrdreg s8;
	s21 =	sshrl.u32 s1, $0x3  }
0xf: {  	s22 =	sadd.s32 $0x28, s1;
	s23 =	sadd.s32 $0x78, s1;
	s14 =	sadd.s32 $0xC8, s1  }
0x10: {  	s15 =	sadd.s32 $0xF0, s1;
	s16 =	sadd.s32 $0x118, s1;
	s17 =	sadd.s32 $0x140, s1  }
0x11: {  	s18 =	sadd.s32 $0x168, s1;
	s19 =	simm.s32 $0x7;
	s9 =	simm.s32 $0x5C58  }
0x12: {  	[dreg:$0xd] =	wrdreg s13;
	s11 =	sadd.s32 s2, s21;
	s24 =	sshrl.u32 s22, $0x3  }
0x13: {  	s25 =	sshrl.u32 s23, $0x3;
	s0 =	sadd.s32 $0x5F400, s0;
	s31 =	smax.u32 s7, $0x1  }
0x14: {  	s21 =	simm.s32 $0x10;
	s23 =	simm.s32 $0x28;
	[dreg:$0x6] =	wrdreg s11  }
0x15: {  	s7 =	simm.s32 $0x140;
	s22 =	simm.s32 $0x0;
	[dreg:$0xb] =	wrdreg s0  }
0x16: {  	s8 =	sadd.s32 s2, s24;
	s26 =	sadd.s32 $0xA, s11;
	[dreg:$0xc] =	wrdreg s31  }
0x17: {  	s28 =	sadd.s32 s2, s25;
	s29 =	sadd.s32 $0x14, s11;
	[dreg:$0x7] =	wrdreg s8  }
0x18: {  	s0 =	simm.s32 $0x18D8;
	s25 =	simm.s32 $0x6;
	[dreg:$0x8] =	wrdreg s26  }
0x19: {  	v0 =	vlaneseq.u32;
	s24 =	simm.s32 $0x9;
	s11 =	simm.s32 $0xA;
	[dreg:$0x9] =	wrdreg s28  }
0x1a: {  	v0 =	vand.u32 $0x7, v0;
	[dreg:$0xa] =	wrdreg s29;
	s26 =	simm.s32 $0x4;
	s8 =	simm.s32 $0x8  }
.LBB2_1:
0x1b: {  	[dreg:$0xe] =	wrdreg s22  }
0x1c: {  	s1 =	rddreg [dreg:$0x4]  }
0x1d: {  	[spmem:s13], [sflag:s12] =	dma.local [hbm:s1], $0x2BF2  }
0x1e: {  	_ =	swait.ge [sflag:s21], $0x2BF2  }
0x1f: {  	[sflag:s21] =	ssyncset.done $0x0  }
0x20: {  	[sflag:s21] =	ssyncadd.s32 $0xFFFFD40E  }
0x21: {  	[bflag:$0x0] =	sbarrier.arrive $0xFFFF  }
0x22: {  	s1 =	simm.s32 $0x0;
	s13 =	simm.s32 $0x2710;
	s21 =	rddreg [dreg:$0x6]  }
0x23: {  	[tilespmem:s1], [sflag:$0x1] =	stream.strided.gather [hbm4b:s21+s23], $0x50, s13, s23, $0x38;
	[tilespmem:$0x1DEE8] =	vst v63  }
0x24: {  	s22 =	rddreg [dreg:$0x7];
	s21 =	simm.s32 $0x50  }
0x25: {  	[tilespmem:s21], [sflag:$0x2] =	stream.strided.gather [hbm4b:s22+s23], $0x50, s13, s23, $0x38;
	[tilespmem:$0x1DEE8] =	vst v63  }
0x26: {  	s29 =	simm.s32 $0x1;
	s28 =	rddreg [dreg:$0x8];
	s22 =	simm.s32 $0xA0  }
0x27: {  	[tilespmem:s22], [sflag:$0x3] =	stream.strided.gather [hbm4b:s28+s23], $0x50, s13, s23, $0x38;
	[tilespmem:$0x1DEE8] =	vst v63  }
0x28: {  	_ =	swait.ge [sflag:s29], $0x50  }
0x29: {  	[sflag:s29] =	ssyncset.done $0x0  }
0x2a: {  	s31 =	simm.s32 $0x258;
	[sflag:s29] =	ssyncadd.s32 $0xFFFFFFB0  }
0x2b: {  	[tilespmem:s31], [sflag:$0x6] =	stream.indirect.gather [hbm4b:s5+s23], $0x90, s1, s23, $0xb8;
	[tilespmem:$0x1DEE8] =	vst v63  }
0x2c: {  	s12 =	simm.s32 $0x72D8;
	s28 =	simm.s32 $0x2  }
0x2d: {  	[tilespmem:s12], [sflag:$0x6] =	stream.indirect.gather [hbm4b:s6+s23], $0x10, s23, s23, $0xb8;
	[tilespmem:$0x1DEE8] =	vst v63  }
0x2e: {  	_ =	swait.ge [sflag:s28], $0x50  }
0x2f: {  	[sflag:s28] =	ssyncset.done $0x0  }
0x30: {  	[sflag:s28] =	ssyncadd.s32 $0xFFFFFFB0  }
0x31: {  	[tilespmem:s0], [sflag:$0x7] =	stream.indirect.gather [hbm4b:s5+s23], $0x90, s21, s23, $0xb8;
	[tilespmem:$0x1DEE8] =	vst v63  }
0x32: {  	s29 =	simm.s32 $0x78;
	s31 =	simm.s32 $0x7558;
	s21 =	simm.s32 $0x3  }
0x33: {  	[tilespmem:s31], [sflag:$0x7] =	stream.indirect.gather [hbm4b:s6+s23], $0x10, s29, s23, $0xb8;
	[tilespmem:$0x1DEE8] =	vst v63  }
0x34: {  	_ =	swait.ge [sflag:s21], $0x50  }
0x35: {  	[sflag:s21] =	ssyncset.done $0x0  }
0x36: {  	[sflag:s21] =	ssyncadd.s32 $0xFFFFFFB0  }
0x37: {  	[tilespmem:s30], [sflag:$0x8] =	stream.indirect.gather [hbm4b:s5+s23], $0x90, s22, s23, $0xb8;
	[tilespmem:$0x1DEE8] =	vst v63  }
0x38: {  	s28 =	simm.s32 $0x77D8;
	s22 =	simm.s32 $0xC8  }
0x39: {  	[tilespmem:s28], [sflag:$0x8] =	stream.indirect.gather [hbm4b:s6+s23], $0x10, s22, s23, $0xb8;
	[tilespmem:$0x1DEE8] =	vst v63  }
0x3a: {  	s29 =	rddreg [dreg:$0x9]  }
0x3b: {  	[tilespmem:s4], [sflag:$0x4] =	stream.strided.gather [hbm4b:s29+s23], $0x50, s13, s23, $0x38;
	[tilespmem:$0x1DEE8] =	vst v63  }
0x3c: {  	s31 =	rddreg [dreg:$0xa]  }
0x3d: {  	[tilespmem:s7], [sflag:$0x5] =	stream.strided.gather [hbm4b:s31+s23], $0x50, s13, s23, $0x38;
	[tilespmem:$0x1DEE8] =	vst v63  }
0x3e: {  	s13 =	simm.s32 $0x0  }
.LBB2_2:
0x3f: {  	_ =	swait.ge [sflag:s25], $0x1680  }
0x40: {  	[sflag:s25] =	ssyncset.done $0x0  }
0x41: {  	[sflag:s25] =	ssyncadd.s32 $0xFFFFE980  }
0x42: {  	_ =	swait.ge [sflag:s25], $0x280  }
0x43: {  	[sflag:s25] =	ssyncset.done $0x0  }
0x44: {  	[sflag:s25] =	ssyncadd.s32 $0xFFFFFD80  }
0x45: {  	v1 =	vld [tilespmem:$0x28]  }
0x46: {  	v2 =	vld [tilespmem:$0x38]  }
0x47: {  	v3 =	vld [tilespmem:$0x40];
	_ =	sdelay $0x2  }
0x48: {  	[tilespmem:$0x190] =	vst v1  }
0x49: {  	p1 =	seq.s32 s13, $0x0;
	[tilespmem:$0x1A0] =	vst v2  }
0x4a: {  	s1 =	simm.s32 @!p1 $0xE;
	[tilespmem:$0x1A8] =	vst v3  }
0x4b: {  	_ =	swait.ge @!p1 [sflag:s1], $0x1680  }
0x4c: {  	[sflag:s1] =	ssyncset.done @!p1 $0x0  }
0x4d: {  	p0 =	seq.s32 s13, $0x31;
	[sflag:s1] =	ssyncadd.s32 @!p1 $0xFFFFE980  }
0x4e: {  	s28 =	smul.u32 @!p0 $0xC8, s13;
	_ =	swait.ge [sflag:s26], $0x50  }
0x4f: {  	[sflag:s26] =	ssyncset.done $0x0  }
0x50: {  	s22 =	simm.s32 $0x118;
	s1 =	sadd.s32 @!p0 s28, s14;
	[sflag:s26] =	ssyncadd.s32 $0xFFFFFFB0  }
0x51: {  	[tilespmem:s10], [sflag:$0x9] =	stream.indirect.gather [hbm4b:s5+s23], $0x90, s4, s23, $0xb8;
	[tilespmem:$0x1DEE8] =	vst v63  }
0x52: {  	s12 =	simm.s32 $0x7A58;
	s21 =	simm.s32 @!p0 $0x2710;
	s1 =	sshrl.u32 @!p0 s1, $0x3  }
0x53: {  	[tilespmem:s12], [sflag:$0x9] =	stream.indirect.gather [hbm4b:s6+s23], $0x10, s22, s23, $0xb8;
	[tilespmem:$0x1DEE8] =	vst v63  }
0x54: {  	s1 =	sadd.s32 @!p0 s2, s1;
	s12 =	simm.s32 @!p0 $0x28;
	s22 =	simm.s32 @!p0 $0x0  }
0x55: {  	[tilespmem:s22], [sflag:$0x1] =	stream.strided.gather @!p0 [hbm4b:s1+s12], $0x50, s21, s12, $0x38;
	[tilespmem:$0x1DEE8] =	vst v63  }
0x56: {  	s22 =	simm.s32 $0x298  }
0x57: {  	s21 =	simm.s32 $0x0;
	v1 =	vld [tilespmem:s22+$0x40]  }
0x58: {  	v2 =	vld [tilespmem:s21+$0x72D8];
	_ =	sdelay $0x1  }
0x59: {  	v12 =	vld [tilespmem:s22+$0xFFFFFFC0]  }
0x5a: {  	v13 =	vld [tilespmem:s22+$0xFFFFFFD0]  }
0x5b: {  	v14 =	vld [tilespmem:s22+$0xFFFFFFE0]  }
0x5c: {  	v15 =	vld [tilespmem:s22+$0xFFFFFFF0];
	v1 =	vadd.f32 v2, v1  }
0x5d: {  	v16 =	vld [tilespmem:s22+$0x0]  }
0x5e: {  	v17 =	vld [tilespmem:s22+$0x10];
	v2 =	vmul.f32 $2.000000030e-01, v1  }
0x5f: {  	s12 =	simm.s32 $0x10;
	v20 =	vld [tilespmem:s22+$0x20]  }
0x60: {  	s21 =	simm.s32 $0x328;
	v6 =	vld [tilespmem:s12+$0x72D8];
	v1 =	vmax.f32 v1, v2  }
0x61: {  	v4 =	vld [tilespmem:s21+$0x40];
	v1 =	vmul.f32 $1.442695020e+00, v1  }
0x62: {  	s31 =	simm.s32 $0x3B8;
	v18 =	vld [tilespmem:s22+$0x30]  }
0x63: {  	v19 =	vld [tilespmem:s31+$0x40];
	(erf) = vpow2.f32 v1  }
0x64: {  	v3 =	vld [tilespmem:s21+$0xFFFFFFC0]  }
0x65: {  	v9 =	vld [tilespmem:s21+$0xFFFFFFE0]  }
0x66: {  	v11 =	vld [tilespmem:s21+$0xFFFFFFF0];
	v8 =	vadd.f32 v6, v4  }
0x67: {  	v7 =	vld [tilespmem:s21+$0x0]  }
0x68: {  	s12 =	simm.s32 $0x20;
	v5 =	vld [tilespmem:s21+$0x10];
	v10 =	vmul.f32 $2.000000030e-01, v8  }
0x69: {  	v21 =	vld [tilespmem:s12+$0x72D8]  }
0x6a: {  	v4 =	vld [tilespmem:s31+$0xFFFFFFC0];
	v10 =	vmax.f32 v8, v10  }
0x6b: {  	v6 =	vld [tilespmem:s31+$0xFFFFFFD0];
	v24 =	vmul.f32 $1.442695020e+00, v10  }
0x6c: {  	v2 =	vld [tilespmem:s21+$0xFFFFFFD0];
	v22 =	vpop (erf)  }
0x6d: {  	v8 =	vld [tilespmem:s31+$0xFFFFFFE0];
	(erf) = vpow2.f32 v24;
	v23 =	vperm.xlane v22, v0  }
0x6e: {  	v10 =	vld [tilespmem:s31+$0xFFFFFFF0]  }
0x6f: {  	v1 =	vld [tilespmem:s21+$0x20];
	v18 =	vmul.f32 v18, v23  }
0x70: {  	v21 =	vadd.f32 v21, v19;
	[tilespmem:s22+$0x40] =	vst v22;
	v22 =	vmul.f32 v12, v23;
	v12 =	vld [tilespmem:s31+$0x0]  }
0x71: {  	v63 =	vmul.f32 v13, v23;
	v13 =	vld [tilespmem:s31+$0x10];
	[tilespmem:s22+$0x30] =	vst v18  }
0x72: {  	v26 =	vmul.f32 $2.000000030e-01, v21;
	v25 =	vmul.f32 v14, v23;
	v14 =	vld [tilespmem:s31+$0x20];
	[tilespmem:s22+$0xFFFFFFC0] =	vst v22  }
0x73: {  	s1 =	simm.s32 $0x448;
	v19 =	vmul.f32 v15, v23;
	v16 =	vmul.f32 v16, v23;
	v15 =	vld [tilespmem:s21+$0x30];
	[tilespmem:s22+$0xFFFFFFD0] =	vst v63  }
0x74: {  	s29 =	simm.s32 $0x30;
	s12 =	simm.s32 $0x100;
	v21 =	vmax.f32 v21, v26;
	v20 =	vmul.f32 v20, v23;
	v18 =	vmul.f32 v17, v23;
	v17 =	vld [tilespmem:s1+$0x40];
	[tilespmem:s22+$0xFFFFFFE0] =	vst v25  }
.LBB2_3:
0x75: {  	p2 =	sne.s32 s12, $0x9C0;
	v22 =	vld [tilespmem:s29+$0x72D8];
	v21 =	vmul.f32 $1.442695020e+00, v21;
	[tilespmem:s22+$0xFFFFFFF0] =	vst v19;
	v23 =	vmov v12  }
0x76: {  	v24 =	vld [tilespmem:s1+$0xFFFFFFC0];
	v12 =	vpop (erf);
	[tilespmem:s22+$0x0] =	vst v16;
	v25 =	vmov v13  }
0x77: {  	v26 =	vld [tilespmem:s1+$0xFFFFFFD0];
	(erf) = vpow2.f32 v21;
	v21 =	vperm.xlane v12, v0;
	[tilespmem:s22+$0x10] =	vst v18;
	v27 =	vmov v14  }
0x78: {  	v28 =	vld [tilespmem:s1+$0xFFFFFFE0];
	[tilespmem:s22+$0x20] =	vst v20;
	s22 =	smov.u32 s21;
	s21 =	smov.u32 s31;
	s31 =	smov.u32 s1  }
0x79: {  	v29 =	vld [tilespmem:s1+$0xFFFFFFF0];
	[tilespmem:s22+$0x40] =	vst v12;
	v18 =	vmul.f32 v3, v21;
	v14 =	vmul.f32 v15, v21;
	v3 =	vmov v4  }
.Ltmp0:
0x7a: {  	v30 =	vmul.f32 v9, v21;
	v22 =	vadd.f32 v22, v17;
	v12 =	vld [tilespmem:s1+$0x0];
	v17 =	vmul.f32 v2, v21;
	v2 =	vmovc v6;
	(pc) =	sbr.rel @p2 .LBB2_3-.Ltmp0, $4  }
0x7b: {  	v19 =	vmul.f32 v11, v21;
	v16 =	vmul.f32 v7, v21;
	v9 =	vmovc v8;
	v13 =	vld [tilespmem:s1+$0x10];
	[tilespmem:s22+$0x30] =	vst v14;
	v4 =	vmov v24  }
0x7c: {  	v11 =	vmovc v10;
	v7 =	vmovc v23;
	v24 =	vmul.f32 $2.000000030e-01, v22;
	v14 =	vld [tilespmem:s1+$0x20];
	[tilespmem:s22+$0xFFFFFFC0] =	vst v18;
	v18 =	vmul.f32 v5, v21;
	v6 =	vmov v26  }
0x7d: {  	v20 =	vmul.f32 v1, v21;
	v1 =	vmovc v27;
	s1 =	sadd.s32 $0x90, s1;
	v5 =	vmov v25;
	v15 =	vld [tilespmem:s21+$0x30];
	[tilespmem:s22+$0xFFFFFFD0] =	vst v17;
	v8 =	vmov v28  }
0x7e: {  	s29 =	sshra.s32 s12, $0x2;
	s12 =	sadd.s32 $0x40, s12;
	v17 =	vld [tilespmem:s1+$0x40];
	v21 =	vmax.f32 v22, v24;
	[tilespmem:s22+$0xFFFFFFE0] =	vst v30;
	v10 =	vmov v29  }
0x7f: {  	v22 =	vld [tilespmem:s29+$0x72D8]  }
0x80: {  	v21 =	vmul.f32 $1.442695020e+00, v21;
	_ =	sdelay $0x1  }
0x81: {  	[tilespmem:s22+$0xFFFFFFF0] =	vst v19;
	v19 =	vpop (erf);
	(erf) = vpow2.f32 v21  }
0x82: {  	[tilespmem:s22+$0x0] =	vst v16;
	v16 =	vperm.xlane v19, v0  }
0x83: {  	[tilespmem:s22+$0x10] =	vst v18;
	v17 =	vadd.f32 v22, v17  }
0x84: {  	[tilespmem:s22+$0x20] =	vst v20;
	v15 =	vmul.f32 v15, v16  }
0x85: {  	[tilespmem:s21+$0x40] =	vst v19;
	v3 =	vmul.f32 v3, v16;
	v18 =	vmul.f32 $2.000000030e-01, v17  }
0x86: {  	v2 =	vmul.f32 v2, v16;
	[tilespmem:s21+$0x30] =	vst v15  }
0x87: {  	v9 =	vmul.f32 v9, v16;
	[tilespmem:s21+$0xFFFFFFC0] =	vst v3;
	v3 =	vmax.f32 v17, v18  }
0x88: {  	v11 =	vmul.f32 v11, v16;
	[tilespmem:s21+$0xFFFFFFD0] =	vst v2;
	v2 =	vmul.f32 $1.442695020e+00, v3  }
0x89: {  	v5 =	vmul.f32 v5, v16;
	v1 =	vmul.f32 v1, v16;
	v15 =	vld [tilespmem:s31+$0x30];
	[tilespmem:s21+$0xFFFFFFE0] =	vst v9  }
0x8a: {  	[tilespmem:s21+$0xFFFFFFF0] =	vst v11;
	v3 =	vmul.f32 v7, v16;
	v7 =	vpop (erf);
	(erf) = vpow2.f32 v2  }
0x8b: {  	[tilespmem:s21+$0x10] =	vst v5;
	v2 =	vperm.xlane v7, v0  }
0x8c: {  	[tilespmem:s21+$0x20] =	vst v1  }
0x8d: {  	[tilespmem:s21+$0x0] =	vst v3;
	v3 =	vmul.f32 v4, v2  }
0x8e: {  	[tilespmem:s31+$0x40] =	vst v7;
	v1 =	vmul.f32 v15, v2  }
0x8f: {  	v5 =	vmul.f32 v6, v2;
	[tilespmem:s31+$0xFFFFFFC0] =	vst v3;
	v3 =	vmul.f32 v10, v2  }
0x90: {  	v6 =	vmul.f32 v8, v2;
	[tilespmem:s31+$0x30] =	vst v1  }
0x91: {  	v7 =	vld [tilespmem:s1+$0x30];
	[tilespmem:s31+$0xFFFFFFD0] =	vst v5  }
0x92: {  	v4 =	vld [tilespmem:s1+$0xFFFFFFC0];
	v8 =	vmul.f32 v12, v2;
	[tilespmem:s31+$0xFFFFFFE0] =	vst v6  }
0x93: {  	v9 =	vmul.f32 v13, v2;
	v1 =	vld [tilespmem:s1+$0xFFFFFFD0];
	[tilespmem:s31+$0xFFFFFFF0] =	vst v3;
	v3 =	vpop (erf)  }
0x94: {  	v5 =	vld [tilespmem:s1+$0xFFFFFFE0];
	v2 =	vmul.f32 v14, v2;
	[tilespmem:s31+$0x0] =	vst v8;
	v8 =	vperm.xlane v3, v0  }
0x95: {  	v6 =	vld [tilespmem:s1+$0xFFFFFFF0];
	[tilespmem:s31+$0x10] =	vst v9  }
0x96: {  	v10 =	vld [tilespmem:s1+$0x0];
	[tilespmem:s31+$0x20] =	vst v2;
	v2 =	vmul.f32 v7, v8  }
0x97: {  	v11 =	vld [tilespmem:s1+$0x10];
	[tilespmem:s1+$0x40] =	vst v3;
	v3 =	vmul.f32 v4, v8  }
0x98: {  	v9 =	vld [tilespmem:s1+$0x20];
	v1 =	vmul.f32 v1, v8;
	[tilespmem:s1+$0x30] =	vst v2  }
0x99: {  	v2 =	vmul.f32 v5, v8;
	[tilespmem:s1+$0xFFFFFFC0] =	vst v3  }
0x9a: {  	v3 =	vmul.f32 v6, v8;
	[tilespmem:s1+$0xFFFFFFD0] =	vst v1  }
0x9b: {  	v1 =	vmul.f32 v10, v8;
	[tilespmem:s1+$0xFFFFFFE0] =	vst v2  }
0x9c: {  	v2 =	vmul.f32 v11, v8;
	[tilespmem:s1+$0xFFFFFFF0] =	vst v3  }
0x9d: {  	v3 =	vmul.f32 v9, v8;
	[tilespmem:s1+$0x0] =	vst v1  }
0x9e: {  	[tilespmem:s1+$0x10] =	vst v2  }
0x9f: {  	s22 =	simm.s32 $0x258;
	s12 =	simm.s32 $0x190;
	[tilespmem:s1+$0x20] =	vst v3  }
0xa0: {  	[spmem:s3] =	stream.indirect.scatter.add.f32 [tilespmem:s22], [sflag:$0xB], $0x90, s12, s23, $0xb8;
	[tilespmem:$0x1DEE8] =	vst v63  }
0xa1: {  	_ =	swait.ge [sflag:s19], $0x1680  }
0xa2: {  	[sflag:s19] =	ssyncset.done $0x0  }
0xa3: {  	[sflag:s19] =	ssyncadd.s32 $0xFFFFE980  }
0xa4: {  	_ =	swait.ge [sflag:s19], $0x280  }
0xa5: {  	[sflag:s19] =	ssyncset.done $0x0  }
0xa6: {  	[sflag:s19] =	ssyncadd.s32 $0xFFFFFD80  }
0xa7: {  	v1 =	vld [tilespmem:$0x78]  }
0xa8: {  	v2 =	vld [tilespmem:$0x88]  }
0xa9: {  	v3 =	vld [tilespmem:$0x90];
	_ =	sdelay $0x2  }
0xaa: {  	[tilespmem:$0x1B8] =	vst v1  }
0xab: {  	[tilespmem:$0x1C8] =	vst v2  }
0xac: {  	s1 =	simm.s32 @!p1 $0xF;
	[tilespmem:$0x1D0] =	vst v3  }
0xad: {  	_ =	swait.ge @!p1 [sflag:s1], $0x1680  }
0xae: {  	[sflag:s1] =	ssyncset.done @!p1 $0x0  }
0xaf: {  	[sflag:s1] =	ssyncadd.s32 @!p1 $0xFFFFE980  }
0xb0: {  	_ =	swait.ge [sflag:s20], $0x50  }
0xb1: {  	[sflag:s20] =	ssyncset.done $0x0  }
0xb2: {  	s21 =	simm.s32 $0x168;
	s1 =	sadd.s32 @!p0 s28, s15;
	[sflag:s20] =	ssyncadd.s32 $0xFFFFFFB0  }
0xb3: {  	[tilespmem:s9], [sflag:$0xA] =	stream.indirect.gather [hbm4b:s5+s23], $0x90, s7, s23, $0xb8;
	[tilespmem:$0x1DEE8] =	vst v63  }
0xb4: {  	s22 =	simm.s32 $0x7CD8;
	s12 =	simm.s32 @!p0 $0x28;
	s1 =	sshrl.u32 @!p0 s1, $0x3  }
0xb5: {  	[tilespmem:s22], [sflag:$0xA] =	stream.indirect.gather [hbm4b:s6+s23], $0x10, s21, s23, $0xb8;
	[tilespmem:$0x1DEE8] =	vst v63  }
0xb6: {  	s1 =	sadd.s32 @!p0 s2, s1;
	s21 =	simm.s32 @!p0 $0x2710;
	s22 =	simm.s32 @!p0 $0x50  }
0xb7: {  	[tilespmem:s22], [sflag:$0x2] =	stream.strided.gather @!p0 [hbm4b:s1+s12], $0x50, s21, s12, $0x38;
	[tilespmem:$0x1DEE8] =	vst v63  }
0xb8: {  	s22 =	simm.s32 $0x1918  }
0xb9: {  	s21 =	simm.s32 $0x0;
	v1 =	vld [tilespmem:s22+$0x40]  }
0xba: {  	v2 =	vld [tilespmem:s21+$0x7558];
	_ =	sdelay $0x1  }
0xbb: {  	v12 =	vld [tilespmem:s22+$0xFFFFFFC0]  }
0xbc: {  	v13 =	vld [tilespmem:s22+$0xFFFFFFD0]  }
0xbd: {  	v14 =	vld [tilespmem:s22+$0xFFFFFFE0]  }
0xbe: {  	v15 =	vld [tilespmem:s22+$0xFFFFFFF0];
	v1 =	vadd.f32 v2, v1  }
0xbf: {  	v16 =	vld [tilespmem:s22+$0x0]  }
0xc0: {  	v17 =	vld [tilespmem:s22+$0x10];
	v2 =	vmul.f32 $2.000000030e-01, v1  }
0xc1: {  	s12 =	simm.s32 $0x10;
	v20 =	vld [tilespmem:s22+$0x20]  }
0xc2: {  	s21 =	simm.s32 $0x19A8;
	v6 =	vld [tilespmem:s12+$0x7558];
	v1 =	vmax.f32 v1, v2  }
0xc3: {  	v4 =	vld [tilespmem:s21+$0x40];
	v1 =	vmul.f32 $1.442695020e+00, v1  }
0xc4: {  	s31 =	simm.s32 $0x1A38;
	v18 =	vld [tilespmem:s22+$0x30]  }
0xc5: {  	v19 =	vld [tilespmem:s31+$0x40];
	(erf) = vpow2.f32 v1  }
0xc6: {  	v3 =	vld [tilespmem:s21+$0xFFFFFFC0]  }
0xc7: {  	v9 =	vld [tilespmem:s21+$0xFFFFFFE0]  }
0xc8: {  	v11 =	vld [tilespmem:s21+$0xFFFFFFF0];
	v8 =	vadd.f32 v6, v4  }
0xc9: {  	v7 =	vld [tilespmem:s21+$0x0]  }
0xca: {  	s12 =	simm.s32 $0x20;
	v5 =	vld [tilespmem:s21+$0x10];
	v10 =	vmul.f32 $2.000000030e-01, v8  }
0xcb: {  	v21 =	vld [tilespmem:s12+$0x7558]  }
0xcc: {  	v4 =	vld [tilespmem:s31+$0xFFFFFFC0];
	v10 =	vmax.f32 v8, v10  }
0xcd: {  	v6 =	vld [tilespmem:s31+$0xFFFFFFD0];
	v24 =	vmul.f32 $1.442695020e+00, v10  }
0xce: {  	v2 =	vld [tilespmem:s21+$0xFFFFFFD0];
	v22 =	vpop (erf)  }
0xcf: {  	v8 =	vld [tilespmem:s31+$0xFFFFFFE0];
	(erf) = vpow2.f32 v24;
	v23 =	vperm.xlane v22, v0  }
0xd0: {  	v10 =	vld [tilespmem:s31+$0xFFFFFFF0]  }
0xd1: {  	v1 =	vld [tilespmem:s21+$0x20];
	v18 =	vmul.f32 v18, v23  }
0xd2: {  	v21 =	vadd.f32 v21, v19;
	[tilespmem:s22+$0x40] =	vst v22;
	v22 =	vmul.f32 v12, v23;
	v12 =	vld [tilespmem:s31+$0x0]  }
0xd3: {  	v63 =	vmul.f32 v13, v23;
	v13 =	vld [tilespmem:s31+$0x10];
	[tilespmem:s22+$0x30] =	vst v18  }
0xd4: {  	v26 =	vmul.f32 $2.000000030e-01, v21;
	v25 =	vmul.f32 v14, v23;
	v14 =	vld [tilespmem:s31+$0x20];
	[tilespmem:s22+$0xFFFFFFC0] =	vst v22  }
0xd5: {  	s1 =	simm.s32 $0x1AC8;
	v19 =	vmul.f32 v15, v23;
	v16 =	vmul.f32 v16, v23;
	v15 =	vld [tilespmem:s21+$0x30];
	[tilespmem:s22+$0xFFFFFFD0] =	vst v63  }
0xd6: {  	s29 =	simm.s32 $0x30;
	s12 =	simm.s32 $0x100;
	v21 =	vmax.f32 v21, v26;
	v20 =	vmul.f32 v20, v23;
	v18 =	vmul.f32 v17, v23;
	v17 =	vld [tilespmem:s1+$0x40];
	[tilespmem:s22+$0xFFFFFFE0] =	vst v25  }
.LBB2_5:
0xd7: {  	p1 =	sne.s32 s12, $0x9C0;
	v22 =	vld [tilespmem:s29+$0x7558];
	v21 =	vmul.f32 $1.442695020e+00, v21;
	[tilespmem:s22+$0xFFFFFFF0] =	vst v19;
	v23 =	vmov v12  }
0xd8: {  	v24 =	vld [tilespmem:s1+$0xFFFFFFC0];
	v12 =	vpop (erf);
	[tilespmem:s22+$0x0] =	vst v16;
	v25 =	vmov v13  }
0xd9: {  	v26 =	vld [tilespmem:s1+$0xFFFFFFD0];
	(erf) = vpow2.f32 v21;
	v21 =	vperm.xlane v12, v0;
	[tilespmem:s22+$0x10] =	vst v18;
	v27 =	vmov v14  }
0xda: {  	v28 =	vld [tilespmem:s1+$0xFFFFFFE0];
	[tilespmem:s22+$0x20] =	vst v20;
	s22 =	smov.u32 s21;
	s21 =	smov.u32 s31;
	s31 =	smov.u32 s1  }
0xdb: {  	v29 =	vld [tilespmem:s1+$0xFFFFFFF0];
	[tilespmem:s22+$0x40] =	vst v12;
	v18 =	vmul.f32 v3, v21;
	v14 =	vmul.f32 v15, v21;
	v3 =	vmov v4  }
.Ltmp1:
0xdc: {  	v30 =	vmul.f32 v9, v21;
	v22 =	vadd.f32 v22, v17;
	v12 =	vld [tilespmem:s1+$0x0];
	v17 =	vmul.f32 v2, v21;
	v2 =	vmovc v6;
	(pc) =	sbr.rel @p1 .LBB2_5-.Ltmp1, $4  }
0xdd: {  	v19 =	vmul.f32 v11, v21;
	v16 =	vmul.f32 v7, v21;
	v9 =	vmovc v8;
	v13 =	vld [tilespmem:s1+$0x10];
	[tilespmem:s22+$0x30] =	vst v14;
	v4 =	vmov v24  }
0xde: {  	v11 =	vmovc v10;
	v7 =	vmovc v23;
	v24 =	vmul.f32 $2.000000030e-01, v22;
	v14 =	vld [tilespmem:s1+$0x20];
	[tilespmem:s22+$0xFFFFFFC0] =	vst v18;
	v18 =	vmul.f32 v5, v21;
	v6 =	vmov v26  }
0xdf: {  	v20 =	vmul.f32 v1, v21;
	v1 =	vmovc v27;
	s1 =	sadd.s32 $0x90, s1;
	v5 =	vmov v25;
	v15 =	vld [tilespmem:s21+$0x30];
	[tilespmem:s22+$0xFFFFFFD0] =	vst v17;
	v8 =	vmov v28  }
0xe0: {  	s29 =	sshra.s32 s12, $0x2;
	s12 =	sadd.s32 $0x40, s12;
	v17 =	vld [tilespmem:s1+$0x40];
	v21 =	vmax.f32 v22, v24;
	[tilespmem:s22+$0xFFFFFFE0] =	vst v30;
	v10 =	vmov v29  }
0xe1: {  	v22 =	vld [tilespmem:s29+$0x7558]  }
0xe2: {  	v21 =	vmul.f32 $1.442695020e+00, v21;
	_ =	sdelay $0x1  }
0xe3: {  	[tilespmem:s22+$0xFFFFFFF0] =	vst v19;
	v19 =	vpop (erf);
	(erf) = vpow2.f32 v21  }
0xe4: {  	[tilespmem:s22+$0x0] =	vst v16;
	v16 =	vperm.xlane v19, v0  }
0xe5: {  	[tilespmem:s22+$0x10] =	vst v18;
	v17 =	vadd.f32 v22, v17  }
0xe6: {  	[tilespmem:s22+$0x20] =	vst v20;
	v15 =	vmul.f32 v15, v16  }
0xe7: {  	[tilespmem:s21+$0x40] =	vst v19;
	v3 =	vmul.f32 v3, v16;
	v18 =	vmul.f32 $2.000000030e-01, v17  }
0xe8: {  	v2 =	vmul.f32 v2, v16;
	[tilespmem:s21+$0x30] =	vst v15  }
0xe9: {  	v9 =	vmul.f32 v9, v16;
	[tilespmem:s21+$0xFFFFFFC0] =	vst v3;
	v3 =	vmax.f32 v17, v18  }
0xea: {  	v11 =	vmul.f32 v11, v16;
	[tilespmem:s21+$0xFFFFFFD0] =	vst v2;
	v2 =	vmul.f32 $1.442695020e+00, v3  }
0xeb: {  	v5 =	vmul.f32 v5, v16;
	v1 =	vmul.f32 v1, v16;
	v15 =	vld [tilespmem:s31+$0x30];
	[tilespmem:s21+$0xFFFFFFE0] =	vst v9  }
0xec: {  	[tilespmem:s21+$0xFFFFFFF0] =	vst v11;
	v3 =	vmul.f32 v7, v16;
	v7 =	vpop (erf);
	(erf) = vpow2.f32 v2  }
0xed: {  	[tilespmem:s21+$0x10] =	vst v5;
	v2 =	vperm.xlane v7, v0  }
0xee: {  	[tilespmem:s21+$0x20] =	vst v1  }
0xef: {  	[tilespmem:s21+$0x0] =	vst v3;
	v3 =	vmul.f32 v4, v2  }
0xf0: {  	[tilespmem:s31+$0x40] =	vst v7;
	v1 =	vmul.f32 v15, v2  }
0xf1: {  	v5 =	vmul.f32 v6, v2;
	[tilespmem:s31+$0xFFFFFFC0] =	vst v3;
	v3 =	vmul.f32 v10, v2  }
0xf2: {  	v6 =	vmul.f32 v8, v2;
	[tilespmem:s31+$0x30] =	vst v1  }
0xf3: {  	v7 =	vld [tilespmem:s1+$0x30];
	[tilespmem:s31+$0xFFFFFFD0] =	vst v5  }
0xf4: {  	v4 =	vld [tilespmem:s1+$0xFFFFFFC0];
	v8 =	vmul.f32 v12, v2;
	[tilespmem:s31+$0xFFFFFFE0] =	vst v6  }
0xf5: {  	v9 =	vmul.f32 v13, v2;
	v1 =	vld [tilespmem:s1+$0xFFFFFFD0];
	[tilespmem:s31+$0xFFFFFFF0] =	vst v3;
	v3 =	vpop (erf)  }
0xf6: {  	v5 =	vld [tilespmem:s1+$0xFFFFFFE0];
	v2 =	vmul.f32 v14, v2;
	[tilespmem:s31+$0x0] =	vst v8;
	v8 =	vperm.xlane v3, v0  }
0xf7: {  	v6 =	vld [tilespmem:s1+$0xFFFFFFF0];
	[tilespmem:s31+$0x10] =	vst v9  }
0xf8: {  	v10 =	vld [tilespmem:s1+$0x0];
	[tilespmem:s31+$0x20] =	vst v2;
	v2 =	vmul.f32 v7, v8  }
0xf9: {  	v11 =	vld [tilespmem:s1+$0x10];
	[tilespmem:s1+$0x40] =	vst v3;
	v3 =	vmul.f32 v4, v8  }
0xfa: {  	v9 =	vld [tilespmem:s1+$0x20];
	v1 =	vmul.f32 v1, v8;
	[tilespmem:s1+$0x30] =	vst v2  }
0xfb: {  	v2 =	vmul.f32 v5, v8;
	[tilespmem:s1+$0xFFFFFFC0] =	vst v3  }
0xfc: {  	v3 =	vmul.f32 v6, v8;
	[tilespmem:s1+$0xFFFFFFD0] =	vst v1  }
0xfd: {  	v1 =	vmul.f32 v10, v8;
	[tilespmem:s1+$0xFFFFFFE0] =	vst v2  }
0xfe: {  	v2 =	vmul.f32 v11, v8;
	[tilespmem:s1+$0xFFFFFFF0] =	vst v3  }
0xff: {  	v3 =	vmul.f32 v9, v8;
	[tilespmem:s1+$0x0] =	vst v1  }
0x100: {  	[tilespmem:s1+$0x10] =	vst v2  }
0x101: {  	s12 =	simm.s32 $0x1B8;
	[tilespmem:s1+$0x20] =	vst v3  }
0x102: {  	[spmem:s3] =	stream.indirect.scatter.add.f32 [tilespmem:s0], [sflag:$0xC], $0x90, s12, s23, $0xb8;
	[tilespmem:$0x1DEE8] =	vst v63  }
0x103: {  	_ =	swait.ge [sflag:s8], $0x1680  }
0x104: {  	[sflag:s8] =	ssyncset.done $0x0  }
0x105: {  	[sflag:s8] =	ssyncadd.s32 $0xFFFFE980  }
0x106: {  	_ =	swait.ge [sflag:s8], $0x280  }
0x107: {  	[sflag:s8] =	ssyncset.done $0x0  }
0x108: {  	[sflag:s8] =	ssyncadd.s32 $0xFFFFFD80  }
0x109: {  	v1 =	vld [tilespmem:$0xC8]  }
0x10a: {  	v2 =	vld [tilespmem:$0xD8]  }
0x10b: {  	v3 =	vld [tilespmem:$0xE0];
	_ =	sdelay $0x2  }
0x10c: {  	[tilespmem:$0x1E0] =	vst v1  }
0x10d: {  	[tilespmem:$0x1F0] =	vst v2  }
0x10e: {  	s1 =	simm.s32 @!p0 $0xB;
	[tilespmem:$0x1F8] =	vst v3  }
0x10f: {  	_ =	swait.ge @!p0 [sflag:s1], $0x1680  }
0x110: {  	[sflag:s1] =	ssyncset.done @!p0 $0x0  }
0x111: {  	[sflag:s1] =	ssyncadd.s32 @!p0 $0xFFFFE980;
	s1 =	simm.s32 @!p0 $0x1  }
0x112: {  	_ =	swait.ge @!p0 [sflag:s1], $0x50  }
0x113: {  	s21 =	simm.s32 @!p0 $0x258;
	[sflag:s1] =	ssyncset.done @!p0 $0x0  }
0x114: {  	s12 =	simm.s32 @!p0 $0x0;
	[sflag:s1] =	ssyncadd.s32 @!p0 $0xFFFFFFB0;
	s1 =	simm.s32 @!p0 $0x28  }
0x115: {  	[tilespmem:s21], [sflag:$0x6] =	stream.indirect.gather @!p0 [hbm4b:s5+s1], $0x90, s12, s1, $0xb8;
	[tilespmem:$0x1DEE8] =	vst v63  }
0x116: {  	s12 =	simm.s32 @!p0 $0x72D8  }
0x117: {  	[tilespmem:s12], [sflag:$0x6] =	stream.indirect.gather @!p0 [hbm4b:s6+s1], $0x10, s1, s1, $0xb8;
	[tilespmem:$0x1DEE8] =	vst v63  }
0x118: {  	s12 =	sadd.s32 @!p0 s28, s16  }
0x119: {  	s12 =	sshrl.u32 @!p0 s12, $0x3  }
0x11a: {  	s22 =	simm.s32 @!p0 $0xA0;
	s21 =	simm.s32 @!p0 $0x2710;
	s12 =	sadd.s32 @!p0 s2, s12  }
0x11b: {  	[tilespmem:s22], [sflag:$0x3] =	stream.strided.gather @!p0 [hbm4b:s12+s1], $0x50, s21, s1, $0x38;
	[tilespmem:$0x1DEE8] =	vst v63  }
0x11c: {  	s22 =	simm.s32 $0x2F98  }
0x11d: {  	s21 =	simm.s32 $0x0;
	v1 =	vld [tilespmem:s22+$0x40]  }
0x11e: {  	v2 =	vld [tilespmem:s21+$0x77D8];
	_ =	sdelay $0x1  }
0x11f: {  	v12 =	vld [tilespmem:s22+$0xFFFFFFC0]  }
0x120: {  	v13 =	vld [tilespmem:s22+$0xFFFFFFD0]  }
0x121: {  	v14 =	vld [tilespmem:s22+$0xFFFFFFE0]  }
0x122: {  	v15 =	vld [tilespmem:s22+$0xFFFFFFF0];
	v1 =	vadd.f32 v2, v1  }
0x123: {  	v16 =	vld [tilespmem:s22+$0x0]  }
0x124: {  	v17 =	vld [tilespmem:s22+$0x10];
	v2 =	vmul.f32 $2.000000030e-01, v1  }
0x125: {  	s12 =	simm.s32 $0x10;
	v20 =	vld [tilespmem:s22+$0x20]  }
0x126: {  	s21 =	simm.s32 $0x3028;
	v6 =	vld [tilespmem:s12+$0x77D8];
	v1 =	vmax.f32 v1, v2  }
0x127: {  	v4 =	vld [tilespmem:s21+$0x40];
	v1 =	vmul.f32 $1.442695020e+00, v1  }
0x128: {  	s31 =	simm.s32 $0x30B8;
	v18 =	vld [tilespmem:s22+$0x30]  }
0x129: {  	v19 =	vld [tilespmem:s31+$0x40];
	(erf) = vpow2.f32 v1  }
0x12a: {  	v3 =	vld [tilespmem:s21+$0xFFFFFFC0]  }
0x12b: {  	v9 =	vld [tilespmem:s21+$0xFFFFFFE0]  }
0x12c: {  	v11 =	vld [tilespmem:s21+$0xFFFFFFF0];
	v8 =	vadd.f32 v6, v4  }
0x12d: {  	v7 =	vld [tilespmem:s21+$0x0]  }
0x12e: {  	s12 =	simm.s32 $0x20;
	v5 =	vld [tilespmem:s21+$0x10];
	v10 =	vmul.f32 $2.000000030e-01, v8  }
0x12f: {  	v21 =	vld [tilespmem:s12+$0x77D8]  }
0x130: {  	v4 =	vld [tilespmem:s31+$0xFFFFFFC0];
	v10 =	vmax.f32 v8, v10  }
0x131: {  	v6 =	vld [tilespmem:s31+$0xFFFFFFD0];
	v24 =	vmul.f32 $1.442695020e+00, v10  }
0x132: {  	v2 =	vld [tilespmem:s21+$0xFFFFFFD0];
	v22 =	vpop (erf)  }
0x133: {  	v8 =	vld [tilespmem:s31+$0xFFFFFFE0];
	(erf) = vpow2.f32 v24;
	v23 =	vperm.xlane v22, v0  }
0x134: {  	v10 =	vld [tilespmem:s31+$0xFFFFFFF0]  }
0x135: {  	v1 =	vld [tilespmem:s21+$0x20];
	v18 =	vmul.f32 v18, v23  }
0x136: {  	v21 =	vadd.f32 v21, v19;
	[tilespmem:s22+$0x40] =	vst v22;
	v22 =	vmul.f32 v12, v23;
	v12 =	vld [tilespmem:s31+$0x0]  }
0x137: {  	v63 =	vmul.f32 v13, v23;
	v13 =	vld [tilespmem:s31+$0x10];
	[tilespmem:s22+$0x30] =	vst v18  }
0x138: {  	v26 =	vmul.f32 $2.000000030e-01, v21;
	v25 =	vmul.f32 v14, v23;
	v14 =	vld [tilespmem:s31+$0x20];
	[tilespmem:s22+$0xFFFFFFC0] =	vst v22  }
0x139: {  	s1 =	simm.s32 $0x3148;
	v19 =	vmul.f32 v15, v23;
	v16 =	vmul.f32 v16, v23;
	v15 =	vld [tilespmem:s21+$0x30];
	[tilespmem:s22+$0xFFFFFFD0] =	vst v63  }
0x13a: {  	s29 =	simm.s32 $0x30;
	s12 =	simm.s32 $0x100;
	v21 =	vmax.f32 v21, v26;
	v20 =	vmul.f32 v20, v23;
	v18 =	vmul.f32 v17, v23;
	v17 =	vld [tilespmem:s1+$0x40];
	[tilespmem:s22+$0xFFFFFFE0] =	vst v25  }
.LBB2_7:
0x13b: {  	p1 =	sne.s32 s12, $0x9C0;
	v22 =	vld [tilespmem:s29+$0x77D8];
	v21 =	vmul.f32 $1.442695020e+00, v21;
	[tilespmem:s22+$0xFFFFFFF0] =	vst v19;
	v23 =	vmov v12  }
0x13c: {  	v24 =	vld [tilespmem:s1+$0xFFFFFFC0];
	v12 =	vpop (erf);
	[tilespmem:s22+$0x0] =	vst v16;
	v25 =	vmov v13  }
0x13d: {  	v26 =	vld [tilespmem:s1+$0xFFFFFFD0];
	(erf) = vpow2.f32 v21;
	v21 =	vperm.xlane v12, v0;
	[tilespmem:s22+$0x10] =	vst v18;
	v27 =	vmov v14  }
0x13e: {  	v28 =	vld [tilespmem:s1+$0xFFFFFFE0];
	[tilespmem:s22+$0x20] =	vst v20;
	s22 =	smov.u32 s21;
	s21 =	smov.u32 s31;
	s31 =	smov.u32 s1  }
0x13f: {  	v29 =	vld [tilespmem:s1+$0xFFFFFFF0];
	[tilespmem:s22+$0x40] =	vst v12;
	v18 =	vmul.f32 v3, v21;
	v14 =	vmul.f32 v15, v21;
	v3 =	vmov v4  }
.Ltmp2:
0x140: {  	v30 =	vmul.f32 v9, v21;
	v22 =	vadd.f32 v22, v17;
	v12 =	vld [tilespmem:s1+$0x0];
	v17 =	vmul.f32 v2, v21;
	v2 =	vmovc v6;
	(pc) =	sbr.rel @p1 .LBB2_7-.Ltmp2, $4  }
0x141: {  	v19 =	vmul.f32 v11, v21;
	v16 =	vmul.f32 v7, v21;
	v9 =	vmovc v8;
	v13 =	vld [tilespmem:s1+$0x10];
	[tilespmem:s22+$0x30] =	vst v14;
	v4 =	vmov v24  }
0x142: {  	v11 =	vmovc v10;
	v7 =	vmovc v23;
	v24 =	vmul.f32 $2.000000030e-01, v22;
	v14 =	vld [tilespmem:s1+$0x20];
	[tilespmem:s22+$0xFFFFFFC0] =	vst v18;
	v18 =	vmul.f32 v5, v21;
	v6 =	vmov v26  }
0x143: {  	v20 =	vmul.f32 v1, v21;
	v1 =	vmovc v27;
	s1 =	sadd.s32 $0x90, s1;
	v5 =	vmov v25;
	v15 =	vld [tilespmem:s21+$0x30];
	[tilespmem:s22+$0xFFFFFFD0] =	vst v17;
	v8 =	vmov v28  }
0x144: {  	s29 =	sshra.s32 s12, $0x2;
	s12 =	sadd.s32 $0x40, s12;
	v17 =	vld [tilespmem:s1+$0x40];
	v21 =	vmax.f32 v22, v24;
	[tilespmem:s22+$0xFFFFFFE0] =	vst v30;
	v10 =	vmov v29  }
0x145: {  	v22 =	vld [tilespmem:s29+$0x77D8]  }
0x146: {  	v21 =	vmul.f32 $1.442695020e+00, v21;
	_ =	sdelay $0x1  }
0x147: {  	[tilespmem:s22+$0xFFFFFFF0] =	vst v19;
	v19 =	vpop (erf);
	(erf) = vpow2.f32 v21  }
0x148: {  	[tilespmem:s22+$0x0] =	vst v16;
	v16 =	vperm.xlane v19, v0  }
0x149: {  	[tilespmem:s22+$0x10] =	vst v18;
	v17 =	vadd.f32 v22, v17  }
0x14a: {  	[tilespmem:s22+$0x20] =	vst v20;
	v15 =	vmul.f32 v15, v16  }
0x14b: {  	[tilespmem:s21+$0x40] =	vst v19;
	v3 =	vmul.f32 v3, v16;
	v18 =	vmul.f32 $2.000000030e-01, v17  }
0x14c: {  	v2 =	vmul.f32 v2, v16;
	[tilespmem:s21+$0x30] =	vst v15  }
0x14d: {  	v9 =	vmul.f32 v9, v16;
	[tilespmem:s21+$0xFFFFFFC0] =	vst v3;
	v3 =	vmax.f32 v17, v18  }
0x14e: {  	v11 =	vmul.f32 v11, v16;
	[tilespmem:s21+$0xFFFFFFD0] =	vst v2;
	v2 =	vmul.f32 $1.442695020e+00, v3  }
0x14f: {  	v5 =	vmul.f32 v5, v16;
	v1 =	vmul.f32 v1, v16;
	v15 =	vld [tilespmem:s31+$0x30];
	[tilespmem:s21+$0xFFFFFFE0] =	vst v9  }
0x150: {  	[tilespmem:s21+$0xFFFFFFF0] =	vst v11;
	v3 =	vmul.f32 v7, v16;
	v7 =	vpop (erf);
	(erf) = vpow2.f32 v2  }
0x151: {  	[tilespmem:s21+$0x10] =	vst v5;
	v2 =	vperm.xlane v7, v0  }
0x152: {  	[tilespmem:s21+$0x20] =	vst v1  }
0x153: {  	[tilespmem:s21+$0x0] =	vst v3;
	v3 =	vmul.f32 v4, v2  }
0x154: {  	[tilespmem:s31+$0x40] =	vst v7;
	v1 =	vmul.f32 v15, v2  }
0x155: {  	v5 =	vmul.f32 v6, v2;
	[tilespmem:s31+$0xFFFFFFC0] =	vst v3;
	v3 =	vmul.f32 v10, v2  }
0x156: {  	v6 =	vmul.f32 v8, v2;
	[tilespmem:s31+$0x30] =	vst v1  }
0x157: {  	v7 =	vld [tilespmem:s1+$0x30];
	[tilespmem:s31+$0xFFFFFFD0] =	vst v5  }
0x158: {  	v4 =	vld [tilespmem:s1+$0xFFFFFFC0];
	v8 =	vmul.f32 v12, v2;
	[tilespmem:s31+$0xFFFFFFE0] =	vst v6  }
0x159: {  	v9 =	vmul.f32 v13, v2;
	v1 =	vld [tilespmem:s1+$0xFFFFFFD0];
	[tilespmem:s31+$0xFFFFFFF0] =	vst v3;
	v3 =	vpop (erf)  }
0x15a: {  	v5 =	vld [tilespmem:s1+$0xFFFFFFE0];
	v2 =	vmul.f32 v14, v2;
	[tilespmem:s31+$0x0] =	vst v8;
	v8 =	vperm.xlane v3, v0  }
0x15b: {  	v6 =	vld [tilespmem:s1+$0xFFFFFFF0];
	[tilespmem:s31+$0x10] =	vst v9  }
0x15c: {  	v10 =	vld [tilespmem:s1+$0x0];
	[tilespmem:s31+$0x20] =	vst v2;
	v2 =	vmul.f32 v7, v8  }
0x15d: {  	v11 =	vld [tilespmem:s1+$0x10];
	[tilespmem:s1+$0x40] =	vst v3;
	v3 =	vmul.f32 v4, v8  }
0x15e: {  	v9 =	vld [tilespmem:s1+$0x20];
	v1 =	vmul.f32 v1, v8;
	[tilespmem:s1+$0x30] =	vst v2  }
0x15f: {  	v2 =	vmul.f32 v5, v8;
	[tilespmem:s1+$0xFFFFFFC0] =	vst v3  }
0x160: {  	v3 =	vmul.f32 v6, v8;
	[tilespmem:s1+$0xFFFFFFD0] =	vst v1  }
0x161: {  	v1 =	vmul.f32 v10, v8;
	[tilespmem:s1+$0xFFFFFFE0] =	vst v2  }
0x162: {  	v2 =	vmul.f32 v11, v8;
	[tilespmem:s1+$0xFFFFFFF0] =	vst v3  }
0x163: {  	v3 =	vmul.f32 v9, v8;
	[tilespmem:s1+$0x0] =	vst v1  }
0x164: {  	[tilespmem:s1+$0x10] =	vst v2  }
0x165: {  	s12 =	simm.s32 $0x1E0;
	[tilespmem:s1+$0x20] =	vst v3  }
0x166: {  	[spmem:s3] =	stream.indirect.scatter.add.f32 [tilespmem:s30], [sflag:$0xD], $0x90, s12, s23, $0xb8;
	[tilespmem:$0x1DEE8] =	vst v63  }
0x167: {  	_ =	swait.ge [sflag:s24], $0x1680  }
0x168: {  	[sflag:s24] =	ssyncset.done $0x0  }
0x169: {  	[sflag:s24] =	ssyncadd.s32 $0xFFFFE980  }
0x16a: {  	_ =	swait.ge [sflag:s24], $0x280  }
0x16b: {  	[sflag:s24] =	ssyncset.done $0x0  }
0x16c: {  	[sflag:s24] =	ssyncadd.s32 $0xFFFFFD80  }
0x16d: {  	v1 =	vld [tilespmem:$0x118]  }
0x16e: {  	v2 =	vld [tilespmem:$0x128]  }
0x16f: {  	v3 =	vld [tilespmem:$0x130];
	_ =	sdelay $0x2  }
0x170: {  	[tilespmem:$0x208] =	vst v1  }
0x171: {  	[tilespmem:$0x218] =	vst v2  }
0x172: {  	s1 =	simm.s32 @!p0 $0xC;
	[tilespmem:$0x220] =	vst v3  }
0x173: {  	_ =	swait.ge @!p0 [sflag:s1], $0x1680  }
0x174: {  	[sflag:s1] =	ssyncset.done @!p0 $0x0  }
0x175: {  	[sflag:s1] =	ssyncadd.s32 @!p0 $0xFFFFE980;
	s1 =	simm.s32 @!p0 $0x2  }
0x176: {  	_ =	swait.ge @!p0 [sflag:s1], $0x50  }
0x177: {  	s21 =	simm.s32 @!p0 $0x18D8;
	[sflag:s1] =	ssyncset.done @!p0 $0x0  }
0x178: {  	s12 =	simm.s32 @!p0 $0x50;
	[sflag:s1] =	ssyncadd.s32 @!p0 $0xFFFFFFB0;
	s1 =	simm.s32 @!p0 $0x28  }
0x179: {  	[tilespmem:s21], [sflag:$0x7] =	stream.indirect.gather @!p0 [hbm4b:s5+s1], $0x90, s12, s1, $0xb8;
	[tilespmem:$0x1DEE8] =	vst v63  }
0x17a: {  	s12 =	simm.s32 @!p0 $0x78;
	s21 =	simm.s32 @!p0 $0x7558  }
0x17b: {  	[tilespmem:s21], [sflag:$0x7] =	stream.indirect.gather @!p0 [hbm4b:s6+s1], $0x10, s12, s1, $0xb8;
	[tilespmem:$0x1DEE8] =	vst v63  }
0x17c: {  	s12 =	sadd.s32 @!p0 s28, s17  }
0x17d: {  	s12 =	sshrl.u32 @!p0 s12, $0x3  }
0x17e: {  	s22 =	simm.s32 @!p0 $0xF0;
	s21 =	simm.s32 @!p0 $0x2710;
	s12 =	sadd.s32 @!p0 s2, s12  }
0x17f: {  	[tilespmem:s22], [sflag:$0x4] =	stream.strided.gather @!p0 [hbm4b:s12+s1], $0x50, s21, s1, $0x38;
	[tilespmem:$0x1DEE8] =	vst v63  }
0x180: {  	s22 =	simm.s32 $0x4618  }
0x181: {  	s21 =	simm.s32 $0x0;
	v1 =	vld [tilespmem:s22+$0x40]  }
0x182: {  	v2 =	vld [tilespmem:s21+$0x7A58];
	_ =	sdelay $0x1  }
0x183: {  	v12 =	vld [tilespmem:s22+$0xFFFFFFC0]  }
0x184: {  	v13 =	vld [tilespmem:s22+$0xFFFFFFD0]  }
0x185: {  	v14 =	vld [tilespmem:s22+$0xFFFFFFE0]  }
0x186: {  	v15 =	vld [tilespmem:s22+$0xFFFFFFF0];
	v1 =	vadd.f32 v2, v1  }
0x187: {  	v16 =	vld [tilespmem:s22+$0x0]  }
0x188: {  	v17 =	vld [tilespmem:s22+$0x10];
	v2 =	vmul.f32 $2.000000030e-01, v1  }
0x189: {  	s12 =	simm.s32 $0x10;
	v20 =	vld [tilespmem:s22+$0x20]  }
0x18a: {  	s21 =	simm.s32 $0x46A8;
	v6 =	vld [tilespmem:s12+$0x7A58];
	v1 =	vmax.f32 v1, v2  }
0x18b: {  	v4 =	vld [tilespmem:s21+$0x40];
	v1 =	vmul.f32 $1.442695020e+00, v1  }
0x18c: {  	s31 =	simm.s32 $0x4738;
	v18 =	vld [tilespmem:s22+$0x30]  }
0x18d: {  	v19 =	vld [tilespmem:s31+$0x40];
	(erf) = vpow2.f32 v1  }
0x18e: {  	v3 =	vld [tilespmem:s21+$0xFFFFFFC0]  }
0x18f: {  	v9 =	vld [tilespmem:s21+$0xFFFFFFE0]  }
0x190: {  	v11 =	vld [tilespmem:s21+$0xFFFFFFF0];
	v8 =	vadd.f32 v6, v4  }
0x191: {  	v7 =	vld [tilespmem:s21+$0x0]  }
0x192: {  	s12 =	simm.s32 $0x20;
	v5 =	vld [tilespmem:s21+$0x10];
	v10 =	vmul.f32 $2.000000030e-01, v8  }
0x193: {  	v21 =	vld [tilespmem:s12+$0x7A58]  }
0x194: {  	v4 =	vld [tilespmem:s31+$0xFFFFFFC0];
	v10 =	vmax.f32 v8, v10  }
0x195: {  	v6 =	vld [tilespmem:s31+$0xFFFFFFD0];
	v24 =	vmul.f32 $1.442695020e+00, v10  }
0x196: {  	v2 =	vld [tilespmem:s21+$0xFFFFFFD0];
	v22 =	vpop (erf)  }
0x197: {  	v8 =	vld [tilespmem:s31+$0xFFFFFFE0];
	(erf) = vpow2.f32 v24;
	v23 =	vperm.xlane v22, v0  }
0x198: {  	v10 =	vld [tilespmem:s31+$0xFFFFFFF0]  }
0x199: {  	v1 =	vld [tilespmem:s21+$0x20];
	v18 =	vmul.f32 v18, v23  }
0x19a: {  	v21 =	vadd.f32 v21, v19;
	[tilespmem:s22+$0x40] =	vst v22;
	v22 =	vmul.f32 v12, v23;
	v12 =	vld [tilespmem:s31+$0x0]  }
0x19b: {  	v63 =	vmul.f32 v13, v23;
	v13 =	vld [tilespmem:s31+$0x10];
	[tilespmem:s22+$0x30] =	vst v18  }
0x19c: {  	v26 =	vmul.f32 $2.000000030e-01, v21;
	v25 =	vmul.f32 v14, v23;
	v14 =	vld [tilespmem:s31+$0x20];
	[tilespmem:s22+$0xFFFFFFC0] =	vst v22  }
0x19d: {  	s1 =	simm.s32 $0x47C8;
	v19 =	vmul.f32 v15, v23;
	v16 =	vmul.f32 v16, v23;
	v15 =	vld [tilespmem:s21+$0x30];
	[tilespmem:s22+$0xFFFFFFD0] =	vst v63  }
0x19e: {  	s29 =	simm.s32 $0x30;
	s12 =	simm.s32 $0x100;
	v21 =	vmax.f32 v21, v26;
	v20 =	vmul.f32 v20, v23;
	v18 =	vmul.f32 v17, v23;
	v17 =	vld [tilespmem:s1+$0x40];
	[tilespmem:s22+$0xFFFFFFE0] =	vst v25  }
.LBB2_9:
0x19f: {  	p1 =	sne.s32 s12, $0x9C0;
	v22 =	vld [tilespmem:s29+$0x7A58];
	v21 =	vmul.f32 $1.442695020e+00, v21;
	[tilespmem:s22+$0xFFFFFFF0] =	vst v19;
	v23 =	vmov v12  }
0x1a0: {  	v24 =	vld [tilespmem:s1+$0xFFFFFFC0];
	v12 =	vpop (erf);
	[tilespmem:s22+$0x0] =	vst v16;
	v25 =	vmov v13  }
0x1a1: {  	v26 =	vld [tilespmem:s1+$0xFFFFFFD0];
	(erf) = vpow2.f32 v21;
	v21 =	vperm.xlane v12, v0;
	[tilespmem:s22+$0x10] =	vst v18;
	v27 =	vmov v14  }
0x1a2: {  	v28 =	vld [tilespmem:s1+$0xFFFFFFE0];
	[tilespmem:s22+$0x20] =	vst v20;
	s22 =	smov.u32 s21;
	s21 =	smov.u32 s31;
	s31 =	smov.u32 s1  }
0x1a3: {  	v29 =	vld [tilespmem:s1+$0xFFFFFFF0];
	[tilespmem:s22+$0x40] =	vst v12;
	v18 =	vmul.f32 v3, v21;
	v14 =	vmul.f32 v15, v21;
	v3 =	vmov v4  }
.Ltmp3:
0x1a4: {  	v30 =	vmul.f32 v9, v21;
	v22 =	vadd.f32 v22, v17;
	v12 =	vld [tilespmem:s1+$0x0];
	v17 =	vmul.f32 v2, v21;
	v2 =	vmovc v6;
	(pc) =	sbr.rel @p1 .LBB2_9-.Ltmp3, $4  }
0x1a5: {  	v19 =	vmul.f32 v11, v21;
	v16 =	vmul.f32 v7, v21;
	v9 =	vmovc v8;
	v13 =	vld [tilespmem:s1+$0x10];
	[tilespmem:s22+$0x30] =	vst v14;
	v4 =	vmov v24  }
0x1a6: {  	v11 =	vmovc v10;
	v7 =	vmovc v23;
	v24 =	vmul.f32 $2.000000030e-01, v22;
	v14 =	vld [tilespmem:s1+$0x20];
	[tilespmem:s22+$0xFFFFFFC0] =	vst v18;
	v18 =	vmul.f32 v5, v21;
	v6 =	vmov v26  }
0x1a7: {  	v20 =	vmul.f32 v1, v21;
	v1 =	vmovc v27;
	s1 =	sadd.s32 $0x90, s1;
	v5 =	vmov v25;
	v15 =	vld [tilespmem:s21+$0x30];
	[tilespmem:s22+$0xFFFFFFD0] =	vst v17;
	v8 =	vmov v28  }
0x1a8: {  	s29 =	sshra.s32 s12, $0x2;
	s12 =	sadd.s32 $0x40, s12;
	v17 =	vld [tilespmem:s1+$0x40];
	v21 =	vmax.f32 v22, v24;
	[tilespmem:s22+$0xFFFFFFE0] =	vst v30;
	v10 =	vmov v29  }
0x1a9: {  	v22 =	vld [tilespmem:s29+$0x7A58]  }
0x1aa: {  	v21 =	vmul.f32 $1.442695020e+00, v21;
	_ =	sdelay $0x1  }
0x1ab: {  	[tilespmem:s22+$0xFFFFFFF0] =	vst v19;
	v19 =	vpop (erf);
	(erf) = vpow2.f32 v21  }
0x1ac: {  	[tilespmem:s22+$0x0] =	vst v16;
	v16 =	vperm.xlane v19, v0  }
0x1ad: {  	[tilespmem:s22+$0x10] =	vst v18;
	v17 =	vadd.f32 v22, v17  }
0x1ae: {  	[tilespmem:s22+$0x20] =	vst v20;
	v15 =	vmul.f32 v15, v16  }
0x1af: {  	[tilespmem:s21+$0x40] =	vst v19;
	v3 =	vmul.f32 v3, v16;
	v18 =	vmul.f32 $2.000000030e-01, v17  }
0x1b0: {  	v2 =	vmul.f32 v2, v16;
	[tilespmem:s21+$0x30] =	vst v15  }
0x1b1: {  	v9 =	vmul.f32 v9, v16;
	[tilespmem:s21+$0xFFFFFFC0] =	vst v3;
	v3 =	vmax.f32 v17, v18  }
0x1b2: {  	v11 =	vmul.f32 v11, v16;
	[tilespmem:s21+$0xFFFFFFD0] =	vst v2;
	v2 =	vmul.f32 $1.442695020e+00, v3  }
0x1b3: {  	v5 =	vmul.f32 v5, v16;
	v1 =	vmul.f32 v1, v16;
	v15 =	vld [tilespmem:s31+$0x30];
	[tilespmem:s21+$0xFFFFFFE0] =	vst v9  }
0x1b4: {  	[tilespmem:s21+$0xFFFFFFF0] =	vst v11;
	v3 =	vmul.f32 v7, v16;
	v7 =	vpop (erf);
	(erf) = vpow2.f32 v2  }
0x1b5: {  	[tilespmem:s21+$0x10] =	vst v5;
	v2 =	vperm.xlane v7, v0  }
0x1b6: {  	[tilespmem:s21+$0x20] =	vst v1  }
0x1b7: {  	[tilespmem:s21+$0x0] =	vst v3;
	v3 =	vmul.f32 v4, v2  }
0x1b8: {  	[tilespmem:s31+$0x40] =	vst v7;
	v1 =	vmul.f32 v15, v2  }
0x1b9: {  	v5 =	vmul.f32 v6, v2;
	[tilespmem:s31+$0xFFFFFFC0] =	vst v3;
	v3 =	vmul.f32 v10, v2  }
0x1ba: {  	v6 =	vmul.f32 v8, v2;
	[tilespmem:s31+$0x30] =	vst v1  }
0x1bb: {  	v7 =	vld [tilespmem:s1+$0x30];
	[tilespmem:s31+$0xFFFFFFD0] =	vst v5  }
0x1bc: {  	v4 =	vld [tilespmem:s1+$0xFFFFFFC0];
	v8 =	vmul.f32 v12, v2;
	[tilespmem:s31+$0xFFFFFFE0] =	vst v6  }
0x1bd: {  	v9 =	vmul.f32 v13, v2;
	v1 =	vld [tilespmem:s1+$0xFFFFFFD0];
	[tilespmem:s31+$0xFFFFFFF0] =	vst v3;
	v3 =	vpop (erf)  }
0x1be: {  	v5 =	vld [tilespmem:s1+$0xFFFFFFE0];
	v2 =	vmul.f32 v14, v2;
	[tilespmem:s31+$0x0] =	vst v8;
	v8 =	vperm.xlane v3, v0  }
0x1bf: {  	v6 =	vld [tilespmem:s1+$0xFFFFFFF0];
	[tilespmem:s31+$0x10] =	vst v9  }
0x1c0: {  	v10 =	vld [tilespmem:s1+$0x0];
	[tilespmem:s31+$0x20] =	vst v2;
	v2 =	vmul.f32 v7, v8  }
0x1c1: {  	v11 =	vld [tilespmem:s1+$0x10];
	[tilespmem:s1+$0x40] =	vst v3;
	v3 =	vmul.f32 v4, v8  }
0x1c2: {  	v9 =	vld [tilespmem:s1+$0x20];
	v1 =	vmul.f32 v1, v8;
	[tilespmem:s1+$0x30] =	vst v2  }
0x1c3: {  	v2 =	vmul.f32 v5, v8;
	[tilespmem:s1+$0xFFFFFFC0] =	vst v3  }
0x1c4: {  	v3 =	vmul.f32 v6, v8;
	[tilespmem:s1+$0xFFFFFFD0] =	vst v1  }
0x1c5: {  	v1 =	vmul.f32 v10, v8;
	[tilespmem:s1+$0xFFFFFFE0] =	vst v2  }
0x1c6: {  	v2 =	vmul.f32 v11, v8;
	[tilespmem:s1+$0xFFFFFFF0] =	vst v3  }
0x1c7: {  	v3 =	vmul.f32 v9, v8;
	[tilespmem:s1+$0x0] =	vst v1  }
0x1c8: {  	[tilespmem:s1+$0x10] =	vst v2  }
0x1c9: {  	s22 =	simm.s32 $0x208;
	[tilespmem:s1+$0x20] =	vst v3  }
0x1ca: {  	[spmem:s3] =	stream.indirect.scatter.add.f32 [tilespmem:s10], [sflag:$0xE], $0x90, s22, s23, $0xb8;
	[tilespmem:$0x1DEE8] =	vst v63  }
0x1cb: {  	_ =	swait.ge [sflag:s11], $0x1680  }
0x1cc: {  	[sflag:s11] =	ssyncset.done $0x0  }
0x1cd: {  	[sflag:s11] =	ssyncadd.s32 $0xFFFFE980  }
0x1ce: {  	_ =	swait.ge [sflag:s11], $0x280  }
0x1cf: {  	[sflag:s11] =	ssyncset.done $0x0  }
0x1d0: {  	[sflag:s11] =	ssyncadd.s32 $0xFFFFFD80  }
0x1d1: {  	v1 =	vld [tilespmem:$0x168]  }
0x1d2: {  	v2 =	vld [tilespmem:$0x178]  }
0x1d3: {  	v3 =	vld [tilespmem:$0x180];
	_ =	sdelay $0x2  }
0x1d4: {  	[tilespmem:$0x230] =	vst v1  }
0x1d5: {  	[tilespmem:$0x240] =	vst v2  }
0x1d6: {  	s1 =	simm.s32 @!p0 $0xD;
	[tilespmem:$0x248] =	vst v3  }
0x1d7: {  	_ =	swait.ge @!p0 [sflag:s1], $0x1680  }
0x1d8: {  	[sflag:s1] =	ssyncset.done @!p0 $0x0  }
0x1d9: {  	[sflag:s1] =	ssyncadd.s32 @!p0 $0xFFFFE980;
	s1 =	simm.s32 @!p0 $0x3  }
0x1da: {  	_ =	swait.ge @!p0 [sflag:s1], $0x50  }
0x1db: {  	s12 =	simm.s32 @!p0 $0xA0;
	[sflag:s1] =	ssyncset.done @!p0 $0x0  }
0x1dc: {  	s21 =	simm.s32 @!p0 $0x2F58;
	[sflag:s1] =	ssyncadd.s32 @!p0 $0xFFFFFFB0;
	s1 =	simm.s32 @!p0 $0x28  }
0x1dd: {  	[tilespmem:s21], [sflag:$0x8] =	stream.indirect.gather @!p0 [hbm4b:s5+s1], $0x90, s12, s1, $0xb8;
	[tilespmem:$0x1DEE8] =	vst v63  }
0x1de: {  	s12 =	simm.s32 @!p0 $0xC8;
	s21 =	simm.s32 @!p0 $0x77D8  }
0x1df: {  	[tilespmem:s21], [sflag:$0x8] =	stream.indirect.gather @!p0 [hbm4b:s6+s1], $0x10, s12, s1, $0xb8;
	[tilespmem:$0x1DEE8] =	vst v63  }
0x1e0: {  	s12 =	sadd.s32 @!p0 s28, s18  }
0x1e1: {  	s12 =	sshrl.u32 @!p0 s12, $0x3  }
0x1e2: {  	s22 =	simm.s32 @!p0 $0x140;
	s21 =	simm.s32 @!p0 $0x2710;
	s12 =	sadd.s32 @!p0 s2, s12  }
0x1e3: {  	[tilespmem:s22], [sflag:$0x5] =	stream.strided.gather @!p0 [hbm4b:s12+s1], $0x50, s21, s1, $0x38;
	[tilespmem:$0x1DEE8] =	vst v63  }
0x1e4: {  	s22 =	simm.s32 $0x5C98  }
0x1e5: {  	s31 =	simm.s32 $0x0;
	v1 =	vld [tilespmem:s22+$0x40]  }
0x1e6: {  	v2 =	vld [tilespmem:s31+$0x7CD8];
	_ =	sdelay $0x1  }
0x1e7: {  	v12 =	vld [tilespmem:s22+$0xFFFFFFC0]  }
0x1e8: {  	v13 =	vld [tilespmem:s22+$0xFFFFFFD0]  }
0x1e9: {  	v14 =	vld [tilespmem:s22+$0xFFFFFFE0]  }
0x1ea: {  	v15 =	vld [tilespmem:s22+$0xFFFFFFF0];
	v1 =	vadd.f32 v2, v1  }
0x1eb: {  	v16 =	vld [tilespmem:s22+$0x0]  }
0x1ec: {  	v17 =	vld [tilespmem:s22+$0x10];
	v2 =	vmul.f32 $2.000000030e-01, v1  }
0x1ed: {  	s21 =	simm.s32 $0x5D28;
	v20 =	vld [tilespmem:s22+$0x20]  }
0x1ee: {  	s12 =	simm.s32 $0x10;
	v4 =	vld [tilespmem:s21+$0x40];
	v1 =	vmax.f32 v1, v2  }
0x1ef: {  	v6 =	vld [tilespmem:s12+$0x7CD8];
	v1 =	vmul.f32 $1.442695020e+00, v1  }
0x1f0: {  	v3 =	vld [tilespmem:s21+$0xFFFFFFC0]  }
0x1f1: {  	v9 =	vld [tilespmem:s21+$0xFFFFFFE0];
	(erf) = vpow2.f32 v1  }
0x1f2: {  	v11 =	vld [tilespmem:s21+$0xFFFFFFF0]  }
0x1f3: {  	v7 =	vld [tilespmem:s21+$0x0]  }
0x1f4: {  	v5 =	vld [tilespmem:s21+$0x10];
	v8 =	vadd.f32 v6, v4  }
0x1f5: {  	s28 =	simm.s32 $0x5DB8;
	v18 =	vld [tilespmem:s22+$0x30]  }
0x1f6: {  	v19 =	vld [tilespmem:s28+$0x40];
	s31 =	simm.s32 $0x20;
	v10 =	vmul.f32 $2.000000030e-01, v8  }
0x1f7: {  	v21 =	vld [tilespmem:s31+$0x7CD8]  }
0x1f8: {  	v4 =	vld [tilespmem:s28+$0xFFFFFFC0];
	v10 =	vmax.f32 v8, v10  }
0x1f9: {  	v6 =	vld [tilespmem:s28+$0xFFFFFFD0];
	v24 =	vmul.f32 $1.442695020e+00, v10  }
0x1fa: {  	v2 =	vld [tilespmem:s21+$0xFFFFFFD0];
	v22 =	vpop (erf)  }
0x1fb: {  	v8 =	vld [tilespmem:s28+$0xFFFFFFE0];
	(erf) = vpow2.f32 v24;
	v23 =	vperm.xlane v22, v0  }
0x1fc: {  	v10 =	vld [tilespmem:s28+$0xFFFFFFF0]  }
0x1fd: {  	v1 =	vld [tilespmem:s21+$0x20];
	v18 =	vmul.f32 v18, v23  }
0x1fe: {  	v21 =	vadd.f32 v21, v19;
	[tilespmem:s22+$0x40] =	vst v22;
	v22 =	vmul.f32 v12, v23;
	v12 =	vld [tilespmem:s28+$0x0]  }
0x1ff: {  	v63 =	vmul.f32 v13, v23;
	v13 =	vld [tilespmem:s28+$0x10];
	[tilespmem:s22+$0x30] =	vst v18  }
0x200: {  	v26 =	vmul.f32 $2.000000030e-01, v21;
	v25 =	vmul.f32 v14, v23;
	v14 =	vld [tilespmem:s28+$0x20];
	[tilespmem:s22+$0xFFFFFFC0] =	vst v22  }
0x201: {  	s1 =	simm.s32 $0x5E48;
	v19 =	vmul.f32 v15, v23;
	v16 =	vmul.f32 v16, v23;
	v15 =	vld [tilespmem:s21+$0x30];
	[tilespmem:s22+$0xFFFFFFD0] =	vst v63  }
0x202: {  	s29 =	simm.s32 $0x30;
	s12 =	simm.s32 $0x100;
	v21 =	vmax.f32 v21, v26;
	v20 =	vmul.f32 v20, v23;
	v18 =	vmul.f32 v17, v23;
	v17 =	vld [tilespmem:s1+$0x40];
	[tilespmem:s22+$0xFFFFFFE0] =	vst v25  }
.LBB2_11:
0x203: {  	p0 =	sne.s32 s12, $0x9C0;
	v22 =	vld [tilespmem:s29+$0x7CD8];
	v21 =	vmul.f32 $1.442695020e+00, v21;
	[tilespmem:s22+$0xFFFFFFF0] =	vst v19;
	v23 =	vmov v12  }
0x204: {  	v24 =	vld [tilespmem:s1+$0xFFFFFFC0];
	v12 =	vpop (erf);
	[tilespmem:s22+$0x0] =	vst v16;
	v25 =	vmov v13  }
0x205: {  	v26 =	vld [tilespmem:s1+$0xFFFFFFD0];
	(erf) = vpow2.f32 v21;
	v21 =	vperm.xlane v12, v0;
	[tilespmem:s22+$0x10] =	vst v18;
	v27 =	vmov v14  }
0x206: {  	v28 =	vld [tilespmem:s1+$0xFFFFFFE0];
	[tilespmem:s22+$0x20] =	vst v20;
	s22 =	smov.u32 s21;
	s21 =	smov.u32 s28;
	s28 =	smov.u32 s1  }
0x207: {  	v29 =	vld [tilespmem:s1+$0xFFFFFFF0];
	[tilespmem:s22+$0x40] =	vst v12;
	v18 =	vmul.f32 v3, v21;
	v14 =	vmul.f32 v15, v21;
	v3 =	vmov v4  }
.Ltmp4:
0x208: {  	v30 =	vmul.f32 v9, v21;
	v22 =	vadd.f32 v22, v17;
	v12 =	vld [tilespmem:s1+$0x0];
	v17 =	vmul.f32 v2, v21;
	v2 =	vmovc v6;
	(pc) =	sbr.rel @p0 .LBB2_11-.Ltmp4, $4  }
0x209: {  	v19 =	vmul.f32 v11, v21;
	v16 =	vmul.f32 v7, v21;
	v9 =	vmovc v8;
	v13 =	vld [tilespmem:s1+$0x10];
	[tilespmem:s22+$0x30] =	vst v14;
	v4 =	vmov v24  }
0x20a: {  	v11 =	vmovc v10;
	v7 =	vmovc v23;
	v24 =	vmul.f32 $2.000000030e-01, v22;
	v14 =	vld [tilespmem:s1+$0x20];
	[tilespmem:s22+$0xFFFFFFC0] =	vst v18;
	v18 =	vmul.f32 v5, v21;
	v6 =	vmov v26  }
0x20b: {  	v20 =	vmul.f32 v1, v21;
	v1 =	vmovc v27;
	s1 =	sadd.s32 $0x90, s1;
	v5 =	vmov v25;
	v15 =	vld [tilespmem:s21+$0x30];
	[tilespmem:s22+$0xFFFFFFD0] =	vst v17;
	v8 =	vmov v28  }
0x20c: {  	s29 =	sshra.s32 s12, $0x2;
	s12 =	sadd.s32 $0x40, s12;
	v17 =	vld [tilespmem:s1+$0x40];
	v21 =	vmax.f32 v22, v24;
	[tilespmem:s22+$0xFFFFFFE0] =	vst v30;
	v10 =	vmov v29  }
0x20d: {  	v22 =	vld [tilespmem:s29+$0x7CD8]  }
0x20e: {  	v21 =	vmul.f32 $1.442695020e+00, v21;
	_ =	sdelay $0x1  }
0x20f: {  	[tilespmem:s22+$0xFFFFFFF0] =	vst v19;
	v47 =	vpop (erf);
	(erf) = vpow2.f32 v21  }
0x210: {  	[tilespmem:s22+$0x0] =	vst v16;
	v48 =	vperm.xlane v47, v0  }
0x211: {  	[tilespmem:s22+$0x10] =	vst v18;
	v17 =	vadd.f32 v22, v17  }
0x212: {  	[tilespmem:s22+$0x20] =	vst v20;
	v15 =	vmul.f32 v15, v48  }
0x213: {  	[tilespmem:s21+$0x40] =	vst v47;
	v3 =	vmul.f32 v3, v48;
	v49 =	vmul.f32 $2.000000030e-01, v17  }
0x214: {  	v2 =	vmul.f32 v2, v48;
	[tilespmem:s21+$0x30] =	vst v15  }
0x215: {  	v9 =	vmul.f32 v9, v48;
	[tilespmem:s21+$0xFFFFFFC0] =	vst v3;
	v3 =	vmax.f32 v17, v49  }
0x216: {  	v11 =	vmul.f32 v11, v48;
	[tilespmem:s21+$0xFFFFFFD0] =	vst v2;
	v2 =	vmul.f32 $1.442695020e+00, v3  }
0x217: {  	v50 =	vld [tilespmem:s28+$0x30];
	v5 =	vmul.f32 v5, v48;
	[tilespmem:s21+$0xFFFFFFE0] =	vst v9  }
0x218: {  	v1 =	vmul.f32 v1, v48;
	[tilespmem:s21+$0xFFFFFFF0] =	vst v11;
	v51 =	vpop (erf);
	(erf) = vpow2.f32 v2  }
0x219: {  	[tilespmem:s21+$0x10] =	vst v5;
	v3 =	vmul.f32 v7, v48;
	v2 =	vperm.xlane v51, v0  }
0x21a: {  	[tilespmem:s21+$0x20] =	vst v1  }
0x21b: {  	[tilespmem:s21+$0x0] =	vst v3;
	v3 =	vmul.f32 v4, v2  }
0x21c: {  	[tilespmem:s28+$0x40] =	vst v51;
	v1 =	vmul.f32 v50, v2  }
0x21d: {  	v53 =	vmul.f32 v6, v2;
	[tilespmem:s28+$0xFFFFFFC0] =	vst v3;
	v3 =	vmul.f32 v10, v2  }
0x21e: {  	v54 =	vmul.f32 v8, v2;
	[tilespmem:s28+$0x30] =	vst v1  }
0x21f: {  	v55 =	vld [tilespmem:s1+$0x30];
	[tilespmem:s28+$0xFFFFFFD0] =	vst v53  }
0x220: {  	v52 =	vld [tilespmem:s1+$0xFFFFFFC0];
	v57 =	vmul.f32 v12, v2;
	[tilespmem:s28+$0xFFFFFFE0] =	vst v54  }
0x221: {  	v59 =	vmul.f32 v13, v2;
	v1 =	vld [tilespmem:s1+$0xFFFFFFD0];
	[tilespmem:s28+$0xFFFFFFF0] =	vst v3;
	v3 =	vpop (erf)  }
0x222: {  	v56 =	vld [tilespmem:s1+$0xFFFFFFE0];
	v2 =	vmul.f32 v14, v2;
	[tilespmem:s28+$0x0] =	vst v57;
	v61 =	vperm.xlane v3, v0  }
0x223: {  	v58 =	vld [tilespmem:s1+$0xFFFFFFF0];
	[tilespmem:s28+$0x10] =	vst v59  }
0x224: {  	v60 =	vld [tilespmem:s1+$0x0];
	[tilespmem:s28+$0x20] =	vst v2;
	v2 =	vmul.f32 v55, v61  }
0x225: {  	v62 =	vld [tilespmem:s1+$0x10];
	[tilespmem:s1+$0x40] =	vst v3;
	v3 =	vmul.f32 v52, v61  }
0x226: {  	v63 =	vld [tilespmem:s1+$0x20];
	v1 =	vmul.f32 v1, v61;
	[tilespmem:s1+$0x30] =	vst v2  }
0x227: {  	v2 =	vmul.f32 v56, v61;
	[tilespmem:s1+$0xFFFFFFC0] =	vst v3  }
0x228: {  	s13 =	sadd.s32 $0x1, s13;
	v3 =	vmul.f32 v58, v61;
	[tilespmem:s1+$0xFFFFFFD0] =	vst v1  }
0x229: {  	p0 =	sne.s32 s13, $0x32;
	v1 =	vmul.f32 v60, v61;
	[tilespmem:s1+$0xFFFFFFE0] =	vst v2  }
.Ltmp5:
0x22a: {  	v2 =	vmul.f32 v62, v61;
	[tilespmem:s1+$0xFFFFFFF0] =	vst v3;
	(pc) =	sbr.rel @p0 .LBB2_2-.Ltmp5, $4  }
0x22b: {  	v3 =	vmul.f32 v63, v61;
	[tilespmem:s1+$0x0] =	vst v1  }
0x22c: {  	[tilespmem:s1+$0x10] =	vst v2  }
0x22d: {  	s31 =	simm.s32 $0x230;
	[tilespmem:s1+$0x20] =	vst v3  }
0x22e: {  	[spmem:s3] =	stream.indirect.scatter.add.f32 [tilespmem:s9], [sflag:$0xF], $0x90, s31, s23, $0xb8;
	[tilespmem:$0x1DEE8] =	vst v63  }
0x22f: {  	s1 =	simm.s32 $0xB  }
0x230: {  	_ =	swait.ge [sflag:s1], $0x1680  }
0x231: {  	[sflag:s1] =	ssyncset.done $0x0  }
0x232: {  	s13 =	simm.s32 $0xC;
	[sflag:s1] =	ssyncadd.s32 $0xFFFFE980  }
0x233: {  	_ =	swait.ge [sflag:s13], $0x1680  }
0x234: {  	[sflag:s13] =	ssyncset.done $0x0  }
0x235: {  	s21 =	simm.s32 $0xD;
	[sflag:s13] =	ssyncadd.s32 $0xFFFFE980  }
0x236: {  	_ =	swait.ge [sflag:s21], $0x1680  }
0x237: {  	[sflag:s21] =	ssyncset.done $0x0  }
0x238: {  	s22 =	simm.s32 $0xE;
	[sflag:s21] =	ssyncadd.s32 $0xFFFFE980  }
0x239: {  	_ =	swait.ge [sflag:s22], $0x1680  }
0x23a: {  	[sflag:s22] =	ssyncset.done $0x0  }
0x23b: {  	s28 =	simm.s32 $0xF;
	[sflag:s22] =	ssyncadd.s32 $0xFFFFE980  }
0x23c: {  	_ =	swait.ge [sflag:s28], $0x1680  }
0x23d: {  	[sflag:s28] =	ssyncset.done $0x0  }
0x23e: {  	[sflag:s28] =	ssyncadd.s32 $0xFFFFE980  }
0x23f: {  	[bflag:$0x0] =	sbarrier.arrive $0xFFFF  }
0x240: {  	s12 =	rddreg [dreg:$0x5]  }
0x241: {  	s29 =	rddreg [dreg:$0xb]  }
0x242: {  	s21 =	simm.s32 $0x10;
	s13 =	rddreg [dreg:$0xd]  }
0x243: {  	[hbm:s29], [sflag:s12] =	dma.local [spmem:s13], $0x2BF2  }
0x244: {  	_ =	swait.ge [sflag:s21], $0x2BF2  }
0x245: {  	s22 =	rddreg [dreg:$0xe]  }
0x246: {  	s31 =	rddreg [dreg:$0xc];
	s22 =	sadd.s32 $0x1, s22  }
0x247: {  	p0 =	sne.s32 s22, s31  }
.Ltmp6:
0x248: {  	_ = 	snop;
	(pc) =	sbr.rel @p0 .LBB2_1-.Ltmp6, $3  }
0x249: {  	_ =	sdelay $0x1  }
0x24a: {  	[sflag:s21] =	ssyncset.done $0x0  }
0x24b: {  	[sflag:s21] =	ssyncadd.s32 $0xFFFFD40E  }
0x24c: {  	_ =	sfence.sel $0x180000  }
0x24d: {  	[bflag:$0x0] =	sbarrier.arrive $0xFFFF  }
0x24e: {  	_ =	strace $0x9000004D  }
0x24f: {  	s0 =	stileid.u32;
	[bflag:$0x2] =	sbarrier.arrive $0xFFFF  }
0x250: {  	p0 =	sne.s32 s0, $0x0;
	s0 =	rddreg [dreg:$0x3]  }
0x251: {  	s0 =	sadd.s32 @!p0 $0x100000, s0  }
0x252: {  	[sflag:s0] =	ssyncadd.tile.s32 @!p0 $0x1;
	_ =	shalt  }
.Lfunc_end2:
_tile_overlayer_lowered:
.L_overlay_start_2:
0x253: {  	(tag) =	ssettag $0x2  }
0x254: {  	s0 =	rddreg [dreg:$0x0];
	s2 =	stileid.u32  }
0x255: {  	s1 =	rddreg [dreg:$0x1];
	p0 =	sne.s32 s2, $0x0  }
0x256: {  	s3 =	rddreg [dreg:$0x2];
	[bflag:$0x3] =	sbarrier.arrive $0xFFFF;
	s2 =	simm.s32 @!p0 $0x1C10  }
0x257: {  	[timem:s3], [sflag:s2] =	dma.local @!p0 [hbm:s0], s1  }
0x258: {  	s0 =	simm.s32 @!p0 $0x10  }
0x259: {  	_ =	swait.ge @!p0 [sflag:s0], s1  }
0x25a: {  	s1 =	ssub.s32 @!p0 $0x0, s1;
	[sflag:s0] =	ssyncset.done @!p0 $0x0  }
0x25b: {  	[sflag:s0] =	ssyncadd.s32 @!p0 s1  }
0x25c: {  	[bflag:$0x3] =	sbarrier.arrive $0xFFFF  }
0x25d: {  	_ =	shalt  }

// kernel: kernel.18.cloned.1.call-start
scs
__scs_entry_jumppad:
0x0: {  	(pc) =	sbr.rel $0x88, $3  }
0x1: {  	(tag) =	ssettag $0x0;
	lr =	simm.s32 $0x1  }
0x2: {  	[smem:$0x3F95] =	sst lr;
	_ =	strace $0xD0000000  }
0x3: {  	_ = 	snop  }
0x4: {  	_ = 	snop  }
0x5: {  	_ = 	snop  }
0x6: {  	_ = 	snop  }
0x7: {  	_ = 	snop  }
__scs_overlays_trampoline_lowered:
0x8: {  	[smem:$0x3FA4] =	sst s0  }
0x9: {  	[smem:$0x3FA5] =	sst s1  }
0xa: {  	[smem:$0x3FA6] =	sst s2  }
0xb: {  	[smem:$0x3FA7] =	sst s3  }
0xc: {  	[smem:$0x3FA8] =	sst s4  }
0xd: {  	[smem:$0x3FA9] =	sst s5  }
0xe: {  	[smem:$0x3FAA] =	sst s6  }
0xf: {  	[smem:$0x3FAB] =	sst s7  }
0x10: {  	[smem:$0x3FAC] =	sst s8  }
0x11: {  	[smem:$0x3FAD] =	sst s9;
	s0 =	simm.s32 @!p0 $0x0  }
0x12: {  	s1 =	sld [smem:$0x3F93];
	s0 =	simm.s32 @p0 $0x1  }
0x13: {  	[smem:$0x3FAE] =	sst s0;
	s0 =	simm.s32 @!p1 $0x0  }
0x14: {  	s2 =	sld [smem:$0x3F92];
	s0 =	simm.s32 @p1 $0x1  }
0x15: {  	[smem:$0x3FAF] =	sst s0;
	s0 =	simm.s32 @!p2 $0x0  }
0x16: {  	s3 =	sld [smem:$0x3FDB];
	s0 =	simm.s32 @p2 $0x1  }
0x17: {  	s4 =	simm.s32 $0x1BF5;
	[smem:$0x3FB1] =	sst s0  }
0x18: {  	s0 =	sld [smem:$0x3F94];
	_ =	swait.ge [sflag:s4], $0x0  }
0x19: {  	s7 =	sld [smem:$0x3F95]  }
0x1a: {  	s8 =	sadd.s32 $0xFFFFE003, lr  }
0x1b: {  	s9 =	sadd.s32 $0xFFFFFEF7, lr;
	s5 =	simm.s32 $0xFFFFFFFF;
	p2 =	slt.u32 s8, $0xFFFFF086  }
0x1c: {  	p1 =	slt.u32 s9, $0xF7A;
	s5 =	simm.s32 @!p2 $0x0  }
0x1d: {  	s5 =	simm.s32 @p1 $0x1;
	p0 =	seq.s32 s7, s2  }
0x1e: {  	s7 =	smul.u32 @!p0 $0xF7A, s2;
	p2 =	seq.s32 @!p0 s5, $0x0  }
0x1f: {  	s9 =	smul.u32 $0xF7A, s1;
	s8 =	simm.s32 @!p0 $0x1BF5;
	p2 =	por !p2, p0  }
0x20: {  	[sflag:s8] =	ssyncset.s32 @!p0 $0xFFFFF086;
	s6 =	sadd.s32 @!p0 s3, s7;
	s7 =	simm.s32 @!p0 $0x108  }
0x21: {  	s3 =	sadd.s32 s3, s9;
	s6 =	sadd.s32 @!p0 $0x88, s6;
	s7 =	simm.s32 @p2 $0x1082  }
0x22: {  	[simem:s7], [sflag:s8] =	dma.local @!p0 [hbm:s6], $0xF7A  }
0x23: {  	s9 =	sor.u32 $0xD0000000, s2;
	s6 =	simm.s32 $0x108;
	_ =	swait.ge @!p0 [sflag:s8], $0x0  }
0x24: {  	s3 =	sadd.s32 $0x88, s3;
	s6 =	simm.s32 @!p1 $0x1082;
	[sflag:s4] =	ssyncset.s32 $0xFFFFF086  }
0x25: {  	[simem:s6], [sflag:s4] =	dma.local [hbm:s3], $0xF7A  }
0x26: {  	[smem:$0x3F95] =	sst s1;
	(tag) =	ssettag s2;
	_ =	strace s9  }
0x27: {  	s1 =	sld [smem:$0x3FA5]  }
0x28: {  	s2 =	sld [smem:$0x3FA6]  }
0x29: {  	s4 =	sld [smem:$0x3FA8]  }
0x2a: {  	p0 =	seq.s32 s5, $0x0;
	s5 =	sld [smem:$0x3FA9]  }
0x2b: {  	s6 =	sld [smem:$0x3FAA]  }
0x2c: {  	s7 =	sld [smem:$0x3FAB]  }
0x2d: {  	s3 =	simm.s32 $0x108;
	s8 =	sld [smem:$0x3FAC]  }
0x2e: {  	s3 =	simm.s32 @!p0 $0x1082;
	s9 =	sld [smem:$0x3FAD]  }
0x2f: {  	lr =	sadd.s32 s0, s3;
	s0 =	sld [smem:$0x3FA4]  }
0x30: {  	s3 =	sld [smem:$0x3FA7]  }
0x31: {  	[smem:$0x3FB0] =	sst s10  }
0x32: {  	s10 =	sld [smem:$0x3FAE];
	_ =	sdelay $0x3  }
0x33: {  	p0 =	seq.s32 s10, $0x1;
	s10 =	sld [smem:$0x3FB0];
	_ =	sdelay $0x3  }
0x34: {  	[smem:$0x3FB0] =	sst s10  }
0x35: {  	s10 =	sld [smem:$0x3FAF];
	_ =	sdelay $0x3  }
0x36: {  	p1 =	seq.s32 s10, $0x1;
	s10 =	sld [smem:$0x3FB0];
	_ =	sdelay $0x3  }
0x37: {  	[smem:$0x3FB0] =	sst s10  }
0x38: {  	s10 =	sld [smem:$0x3FB1]  }
0x39: {  	_ = 	snop;
	(pc) =	sbr.ind lr, $3  }
0x3a: {  	_ = 	snop  }
0x3b: {  	_ = 	snop  }
0x3c: {  	p2 =	seq.s32 s10, $0x1;
	s10 =	sld [smem:$0x3FB0]  }
0x3d: {  	_ =	shalt  }
0x3e: {  	_ =	shalt  }
0x3f: {  	_ =	shalt  }
0x40: {  	_ =	shalt  }
0x41: {  	_ =	shalt  }
0x42: {  	_ =	shalt  }
0x43: {  	_ =	shalt  }
0x44: {  	_ =	shalt  }
0x45: {  	_ =	shalt  }
0x46: {  	_ =	shalt  }
0x47: {  	_ =	shalt  }
0x48: {  	_ =	shalt  }
0x49: {  	_ =	shalt  }
0x4a: {  	_ =	shalt  }
0x4b: {  	_ =	shalt  }
0x4c: {  	_ =	shalt  }
0x4d: {  	_ =	shalt  }
0x4e: {  	_ =	shalt  }
0x4f: {  	_ =	shalt  }
0x50: {  	_ =	shalt  }
0x51: {  	_ =	shalt  }
0x52: {  	_ =	shalt  }
0x53: {  	_ =	shalt  }
0x54: {  	_ =	shalt  }
0x55: {  	_ =	shalt  }
0x56: {  	_ =	shalt  }
0x57: {  	_ =	shalt  }
0x58: {  	_ =	shalt  }
0x59: {  	_ =	shalt  }
0x5a: {  	_ =	shalt  }
0x5b: {  	_ =	shalt  }
0x5c: {  	_ =	shalt  }
0x5d: {  	_ =	shalt  }
0x5e: {  	_ =	shalt  }
0x5f: {  	_ =	shalt  }
0x60: {  	_ =	shalt  }
0x61: {  	_ =	shalt  }
0x62: {  	_ =	shalt  }
0x63: {  	_ =	shalt  }
0x64: {  	_ =	shalt  }
0x65: {  	_ =	shalt  }
0x66: {  	_ =	shalt  }
0x67: {  	_ =	shalt  }
0x68: {  	_ =	shalt  }
0x69: {  	_ =	shalt  }
0x6a: {  	_ =	shalt  }
0x6b: {  	_ =	shalt  }
0x6c: {  	_ =	shalt  }
0x6d: {  	_ =	shalt  }
0x6e: {  	_ =	shalt  }
0x6f: {  	_ =	shalt  }
0x70: {  	_ =	shalt  }
0x71: {  	_ =	shalt  }
0x72: {  	_ =	shalt  }
0x73: {  	_ =	shalt  }
0x74: {  	_ =	shalt  }
0x75: {  	_ =	shalt  }
0x76: {  	_ =	shalt  }
0x77: {  	_ =	shalt  }
0x78: {  	_ =	shalt  }
0x79: {  	_ =	shalt  }
0x7a: {  	_ =	shalt  }
0x7b: {  	_ =	shalt  }
0x7c: {  	_ =	shalt  }
0x7d: {  	_ =	shalt  }
0x7e: {  	_ =	shalt  }
0x7f: {  	_ =	shalt  }
0x80: {  	_ =	shalt  }
0x81: {  	_ =	shalt  }
0x82: {  	_ =	shalt  }
0x83: {  	_ =	shalt  }
0x84: {  	_ =	shalt  }
0x85: {  	_ =	shalt  }
0x86: {  	_ =	shalt  }
0x87: {  	_ =	shalt  }
.Lfunc_end0:
.L_simem_size_0:
called_computation.3_lowered:
.L_overlay_start_0:
0x88: {  	s2 =	sld [smem:$0x3FD9]  }
0x89: {  	s3 =	sld [smem:$0x3FFE];
	_ =	sdelay $0x1  }
0x8a: {  	s1 =	srdreg.scid  }
0x8b: {  	s0 =	sand.u32 $0x1, s1  }
0x8c: {  	s17 =	sshll.u32 s0, $0xA;
	s2 =	sadd.s32 s3, s2  }
0x8d: {  	s2 =	sadd.s32 s2, s17  }
0x8e: {  	[smem:$0x3FBC] =	sst s2  }
0x8f: {  	_ = 	snop  }
0x90: {  	s2 =	sld [smem:$0x3FC7]  }
0x91: {  	s18 =	sld [smem:$0x3FD0];
	(tm) =	ssettm $0x1  }
0x92: {  	s4 =	sld [smem:$0x3FFB];
	_ =	sdelay $0x3  }
0x93: {  	_ =	strace s4  }
0x94: {  	s4 =	sld [smem:$0x3FFC];
	_ =	sdelay $0x3  }
0x95: {  	_ =	strace s4  }
0x96: {  	s4 =	sld [smem:$0x3FFD];
	_ =	sdelay $0x3  }
0x97: {  	_ =	strace s4  }
0x98: {  	_ =	strace $0x8FFFFFFF  }
0x99: {  	s19 =	sld [smem:$0x3FDB];
	_ =	sdelay $0x1  }
0x9a: {  	s5 =	simm.s32 $_scs_section_size  }
0x9b: {  	s6 =	simm.s32 $_size__tile_overlayer_lowered;
	s7 =	simm.s32 $_tile_overlayer_lowered  }
0x9c: {  	s22 =	simm.s32 $0x1BFF;
	s21 =	sshll.u32 s7, $0x1;
	s4 =	sadd.s32 s5, s19  }
0x9d: {  	s8 =	simm.s32 $0x0;
	s20 =	sshll.u32 s6, $0x1;
	s6 =	sadd.s32 s21, s4  }
0x9e: {  	[timem:s8], [sflag:s22] =	dma.local [hbm:s6], s20  }
0x9f: {  	_ =	swait.ge [sflag:s22], s20  }
0xa0: {  	s5 =	ssub.s32 $0x0, s20;
	[sflag:s22] =	ssyncset.done $0x0  }
0xa1: {  	[sflag:s22] =	ssyncadd.s32 s5;
	_ =	sdelay $0x1  }
0xa2: {  	s23 =	simm.s32 $0x1B8B  }
0xa3: {  	_ =	swait.ge [sflag:s23], $0x1  }
0xa4: {  	[sflag:s23] =	ssyncset.done $0x0  }
0xa5: {  	s25 =	simm.s32 $0x1B8E;
	s24 =	sld [smem:$0x3FFE];
	[sflag:s23] =	ssyncadd.s32 $0xFFFFFFFF  }
0xa6: {  	s26 =	simm.s32 $execute0_lowered;
	[smem:$0x3FD2] =	sst s25  }
0xa7: {  	s6 =	sshll.u32 s26, $0x1;
	_ =	strace $0x8000004F;
	[dreg:$0x1] =	wrdreg $0xFFFFFFFF  }
0xa8: {  	s28 =	simm.s32 $_size_execute0_lowered;
	s4 =	sadd.s32 s4, s6;
	[dreg:$0x0] =	wrdreg $0x0  }
0xa9: {  	s6 =	sshll.u32 s28, $0x1;
	[dreg:$0x2] =	wrdreg s4  }
0xaa: {  	[dreg:$0x3] =	wrdreg s6  }
0xab: {  	[dreg:$0x4] =	wrdreg $0xC0  }
0xac: {  	_ =	task [dreg:s8], $0x5FFFF  }
0xad: {  	[dreg:$0x1] =	wrdreg $0xFFFFFFFF  }
0xae: {  	[dreg:$0x0] =	wrdreg $0x60  }
0xaf: {  	[dreg:$0x2] =	wrdreg s24  }
0xb0: {  	[dreg:$0x3] =	wrdreg s2  }
0xb1: {  	[dreg:$0x4] =	wrdreg s18  }
0xb2: {  	[dreg:$0x5] =	wrdreg $0x9  }
0xb3: {  	_ =	task.clear_ibuf [dreg:s8], $0x6FFFF;
	_ =	strace $0x9000004F  }
0xb4: {  	s29 =	simm.s32 $0x9;
	_ =	strace $0x80000051  }
0xb5: {  	_ =	swait.ge [sflag:s29], $0x1  }
0xb6: {  	[sflag:s29] =	ssyncadd.s32 $0xFFFFFFFF  }
0xb7: {  	_ =	strace $0x90000051  }
0xb8: {  	_ =	sfence  }
0xb9: {  	s30 =	sld [smem:$0x0];
	_ =	sdelay $0x2  }
0xba: {  	s31 =	sshll.u32 s1, $0xD;
	s1 =	sshrl.u32 s1, $0x2  }
0xbb: {  	s3 =	sand.u32 $0x4000, s31;
	s1 =	sadd.s32 s1, s30  }
0xbc: {  	s0 =	sor.u32 s3, s0;
	s1 =	sshll.u32 s1, $0x11  }
0xbd: {  	s0 =	sor.u32 s1, s0  }
0xbe: {  	s0 =	sadd.s32 $0x8F2B, s0  }
0xbf: {  	[sflag:s0] =	ssyncadd.remote.s32 $0x1  }
0xc0: {  	_ =	sfence.sel $0xFFFF  }
0xc1: {  	[dreg:$0x0] =	wrdreg $0xFFFFFFFF;
	(pc) =	sbr.abs _section_cstart, $3  }
0xc2: {  	[dreg:$0x1] =	wrdreg $0xFFFFFFFF  }
0xc3: {  	_ =	task.clear_ibuf [dreg:s8], $0x2FFFF;
	_ =	strace $0x9FFFFFFF  }
0xc4: {  	(tm) =	ssettm $0x7FFFFFFF  }
0xc5: {  	_ =	shalt  }
tec
execute0_lowered:
.L_overlay_start_1:
0x0: {  	(tag) =	ssettag $0x1  }
0x1: {  	s5 =	rddreg [dreg:$0x0]  }
0x2: {  	s1 =	srdreg.scid;
	s3 =	rddreg [dreg:$0x1]  }
0x3: {  	s0 =	stileid.u32;
	s7 =	rddreg [dreg:$0x2];
	s6 =	sand.u32 $0x1, s1  }
0x4: {  	s2 =	simm.s32 $0x0;
	s4 =	sshll.u32 s0, $0x9;
	s8 =	sshll.u32 s6, $0x8  }
0x5: {  	[smem:$0x7FF] =	sst s2;
	s8 =	sor.u32 s8, s4  }
0x6: {  	s1 =	rddreg [dreg:$0x3];
	_ =	strace $0x80000050;
	s4 =	sshrl.u32 s8, $0x3  }
0x7: {  	s9 =	ssub.s32 $0x2, s6;
	s4 =	sadd.s32 s3, s4;
	s3 =	simm.s32 $0x1  }
0x8: {  	[tilespmem:s2], [sflag:$0x1] =	stream.linear.gather [hbm4b:s4+s2], $0x100, $0x38;
	[tilespmem:$0x8100] =	vst v63  }
0x9: {  	s10 =	sshrl.u32 s9, $0x1;
	_ =	swait.ge [sflag:s3], $0x100  }
0xa: {  	s5 =	sadd.s32 $0x2400, s5;
	s9 =	ssub.s32 s9, s10;
	[sflag:s3] =	ssyncset.done $0x0  }
0xb: {  	s6 =	simm.s32 $0x100;
	s31 =	smax.u32 s9, $0x1;
	[sflag:s3] =	ssyncadd.s32 $0xFFFFFF00  }
0xc: {  	[tilespmem:s6], [sflag:$0x1] =	stream.indirect.gather [hbm4b:s5+s6], $0x80, s2, s6, $0xb8;
	[tilespmem:$0x8100] =	vst v63  }
0xd: {  	p0 =	sne.s32 s31, $0x1;
	_ =	swait.ge [sflag:s3], $0x8000  }
.Ltmp0:
0xe: {  	s8 =	sshll.u32 s8, $0x4;
	[sflag:s3] =	ssyncset.done $0x0;
	(pc) =	sbr.rel @!p0 .LBB2_2-.Ltmp0, $4  }
0xf: {  	s7 =	sadd.s32 s7, s8;
	[sflag:s3] =	ssyncadd.s32 $0xFFFF8000  }
0x10: {  	[hbm4b:s7+s2] =	stream.linear.scatter [tilespmem:s6], [sflag:$0x1], $0x8000, $0x38;
	[tilespmem:$0x8100] =	vst v63  }
0x11: {  	_ =	swait.ge [sflag:s3], $0x8000  }
0x12: {  	s8 =	sadd.s32 $0xFFFFFFFF, s31;
	[sflag:s3] =	ssyncset.done $0x0  }
.LBB2_1:
0x13: {  	p0 =	sne.s32 s8, $0x1;
	s8 =	sadd.s32 $0xFFFFFFFF, s8;
	[sflag:s3] =	ssyncadd.s32 $0xFFFF8000  }
0x14: {  	[tilespmem:s2], [sflag:$0x1] =	stream.linear.gather [hbm4b:s4+s2], $0x100, $0x38;
	[tilespmem:$0x8100] =	vst v63  }
0x15: {  	_ =	swait.ge [sflag:s3], $0x100  }
0x16: {  	[sflag:s3] =	ssyncset.done $0x0  }
0x17: {  	[sflag:s3] =	ssyncadd.s32 $0xFFFFFF00  }
0x18: {  	[tilespmem:s6], [sflag:$0x1] =	stream.indirect.gather [hbm4b:s5+s6], $0x80, s2, s6, $0xb8;
	[tilespmem:$0x8100] =	vst v63  }
0x19: {  	_ =	swait.ge [sflag:s3], $0x8000  }
.Ltmp1:
0x1a: {  	[sflag:s3] =	ssyncset.done $0x0;
	(pc) =	sbr.rel @p0 .LBB2_1-.Ltmp1, $4  }
0x1b: {  	[sflag:s3] =	ssyncadd.s32 $0xFFFF8000  }
0x1c: {  	[hbm4b:s7+s2] =	stream.linear.scatter [tilespmem:s6], [sflag:$0x1], $0x8000, $0x38;
	[tilespmem:$0x8100] =	vst v63  }
0x1d: {  	_ =	swait.ge [sflag:s3], $0x8000  }
0x1e: {  	[sflag:s3] =	ssyncset.done $0x0  }
.LBB2_2:
0x1f: {  	[sflag:s3] =	ssyncadd.s32 $0xFFFF8000  }
0x20: {  	_ =	sfence.sel $0x180000  }
0x21: {  	[bflag:$0x0] =	sbarrier.arrive $0xFFFF  }
0x22: {  	p0 =	sne.s32 s0, $0x0;
	_ =	strace $0x90000050  }
0x23: {  	s0 =	sadd.s32 @!p0 $0x100000, s1;
	[bflag:$0x2] =	sbarrier.arrive $0xFFFF  }
0x24: {  	[sflag:s0] =	ssyncadd.tile.s32 @!p0 $0x1;
	_ =	shalt  }
.Lfunc_end2:
_tile_overlayer_lowered:
.L_overlay_start_2:
0x25: {  	(tag) =	ssettag $0x2  }
0x26: {  	s0 =	rddreg [dreg:$0x0];
	s2 =	stileid.u32  }
0x27: {  	s1 =	rddreg [dreg:$0x1];
	p0 =	sne.s32 s2, $0x0  }
0x28: {  	s3 =	rddreg [dreg:$0x2];
	[bflag:$0x3] =	sbarrier.arrive $0xFFFF;
	s2 =	simm.s32 @!p0 $0x1C01  }
0x29: {  	[timem:s3], [sflag:s2] =	dma.local @!p0 [hbm:s0], s1  }
0x2a: {  	s0 =	simm.s32 @!p0 $0x1  }
0x2b: {  	_ =	swait.ge @!p0 [sflag:s0], s1  }
0x2c: {  	s1 =	ssub.s32 @!p0 $0x0, s1;
	[sflag:s0] =	ssyncset.done @!p0 $0x0  }
0x2d: {  	[sflag:s0] =	ssyncadd.s32 @!p0 s1  }
0x2e: {  	[bflag:$0x3] =	sbarrier.arrive $0xFFFF  }
0x2f: {  	_ =	shalt  }

// kernel: kernel.9.cloned.1.call-start
scs
__scs_entry_jumppad:
0x0: {  	(pc) =	sbr.rel $0x88, $3  }
0x1: {  	(tag) =	ssettag $0x0;
	lr =	simm.s32 $0x1  }
0x2: {  	[smem:$0x3F95] =	sst lr;
	_ =	strace $0xD0000000  }
0x3: {  	_ = 	snop  }
0x4: {  	_ = 	snop  }
0x5: {  	_ = 	snop  }
0x6: {  	_ = 	snop  }
0x7: {  	_ = 	snop  }
__scs_overlays_trampoline_lowered:
0x8: {  	[smem:$0x3FA4] =	sst s0  }
0x9: {  	[smem:$0x3FA5] =	sst s1  }
0xa: {  	[smem:$0x3FA6] =	sst s2  }
0xb: {  	[smem:$0x3FA7] =	sst s3  }
0xc: {  	[smem:$0x3FA8] =	sst s4  }
0xd: {  	[smem:$0x3FA9] =	sst s5  }
0xe: {  	[smem:$0x3FAA] =	sst s6  }
0xf: {  	[smem:$0x3FAB] =	sst s7  }
0x10: {  	[smem:$0x3FAC] =	sst s8  }
0x11: {  	[smem:$0x3FAD] =	sst s9;
	s0 =	simm.s32 @!p0 $0x0  }
0x12: {  	s1 =	sld [smem:$0x3F93];
	s0 =	simm.s32 @p0 $0x1  }
0x13: {  	[smem:$0x3FAE] =	sst s0;
	s0 =	simm.s32 @!p1 $0x0  }
0x14: {  	s2 =	sld [smem:$0x3F92];
	s0 =	simm.s32 @p1 $0x1  }
0x15: {  	[smem:$0x3FAF] =	sst s0;
	s0 =	simm.s32 @!p2 $0x0  }
0x16: {  	s3 =	sld [smem:$0x3FDB];
	s0 =	simm.s32 @p2 $0x1  }
0x17: {  	s4 =	simm.s32 $0x1BF5;
	[smem:$0x3FB1] =	sst s0  }
0x18: {  	s0 =	sld [smem:$0x3F94];
	_ =	swait.ge [sflag:s4], $0x0  }
0x19: {  	s7 =	sld [smem:$0x3F95]  }
0x1a: {  	s8 =	sadd.s32 $0xFFFFE003, lr  }
0x1b: {  	s9 =	sadd.s32 $0xFFFFFEF7, lr;
	s5 =	simm.s32 $0xFFFFFFFF;
	p2 =	slt.u32 s8, $0xFFFFF086  }
0x1c: {  	p1 =	slt.u32 s9, $0xF7A;
	s5 =	simm.s32 @!p2 $0x0  }
0x1d: {  	s5 =	simm.s32 @p1 $0x1;
	p0 =	seq.s32 s7, s2  }
0x1e: {  	s7 =	smul.u32 @!p0 $0xF7A, s2;
	p2 =	seq.s32 @!p0 s5, $0x0  }
0x1f: {  	s9 =	smul.u32 $0xF7A, s1;
	s8 =	simm.s32 @!p0 $0x1BF5;
	p2 =	por !p2, p0  }
0x20: {  	[sflag:s8] =	ssyncset.s32 @!p0 $0xFFFFF086;
	s6 =	sadd.s32 @!p0 s3, s7;
	s7 =	simm.s32 @!p0 $0x108  }
0x21: {  	s3 =	sadd.s32 s3, s9;
	s6 =	sadd.s32 @!p0 $0x88, s6;
	s7 =	simm.s32 @p2 $0x1082  }
0x22: {  	[simem:s7], [sflag:s8] =	dma.local @!p0 [hbm:s6], $0xF7A  }
0x23: {  	s9 =	sor.u32 $0xD0000000, s2;
	s6 =	simm.s32 $0x108;
	_ =	swait.ge @!p0 [sflag:s8], $0x0  }
0x24: {  	s3 =	sadd.s32 $0x88, s3;
	s6 =	simm.s32 @!p1 $0x1082;
	[sflag:s4] =	ssyncset.s32 $0xFFFFF086  }
0x25: {  	[simem:s6], [sflag:s4] =	dma.local [hbm:s3], $0xF7A  }
0x26: {  	[smem:$0x3F95] =	sst s1;
	(tag) =	ssettag s2;
	_ =	strace s9  }
0x27: {  	s1 =	sld [smem:$0x3FA5]  }
0x28: {  	s2 =	sld [smem:$0x3FA6]  }
0x29: {  	s4 =	sld [smem:$0x3FA8]  }
0x2a: {  	p0 =	seq.s32 s5, $0x0;
	s5 =	sld [smem:$0x3FA9]  }
0x2b: {  	s6 =	sld [smem:$0x3FAA]  }
0x2c: {  	s7 =	sld [smem:$0x3FAB]  }
0x2d: {  	s3 =	simm.s32 $0x108;
	s8 =	sld [smem:$0x3FAC]  }
0x2e: {  	s3 =	simm.s32 @!p0 $0x1082;
	s9 =	sld [smem:$0x3FAD]  }
0x2f: {  	lr =	sadd.s32 s0, s3;
	s0 =	sld [smem:$0x3FA4]  }
0x30: {  	s3 =	sld [smem:$0x3FA7]  }
0x31: {  	[smem:$0x3FB0] =	sst s10  }
0x32: {  	s10 =	sld [smem:$0x3FAE];
	_ =	sdelay $0x3  }
0x33: {  	p0 =	seq.s32 s10, $0x1;
	s10 =	sld [smem:$0x3FB0];
	_ =	sdelay $0x3  }
0x34: {  	[smem:$0x3FB0] =	sst s10  }
0x35: {  	s10 =	sld [smem:$0x3FAF];
	_ =	sdelay $0x3  }
0x36: {  	p1 =	seq.s32 s10, $0x1;
	s10 =	sld [smem:$0x3FB0];
	_ =	sdelay $0x3  }
0x37: {  	[smem:$0x3FB0] =	sst s10  }
0x38: {  	s10 =	sld [smem:$0x3FB1]  }
0x39: {  	_ = 	snop;
	(pc) =	sbr.ind lr, $3  }
0x3a: {  	_ = 	snop  }
0x3b: {  	_ = 	snop  }
0x3c: {  	p2 =	seq.s32 s10, $0x1;
	s10 =	sld [smem:$0x3FB0]  }
0x3d: {  	_ =	shalt  }
0x3e: {  	_ =	shalt  }
0x3f: {  	_ =	shalt  }
0x40: {  	_ =	shalt  }
0x41: {  	_ =	shalt  }
0x42: {  	_ =	shalt  }
0x43: {  	_ =	shalt  }
0x44: {  	_ =	shalt  }
0x45: {  	_ =	shalt  }
0x46: {  	_ =	shalt  }
0x47: {  	_ =	shalt  }
0x48: {  	_ =	shalt  }
0x49: {  	_ =	shalt  }
0x4a: {  	_ =	shalt  }
0x4b: {  	_ =	shalt  }
0x4c: {  	_ =	shalt  }
0x4d: {  	_ =	shalt  }
0x4e: {  	_ =	shalt  }
0x4f: {  	_ =	shalt  }
0x50: {  	_ =	shalt  }
0x51: {  	_ =	shalt  }
0x52: {  	_ =	shalt  }
0x53: {  	_ =	shalt  }
0x54: {  	_ =	shalt  }
0x55: {  	_ =	shalt  }
0x56: {  	_ =	shalt  }
0x57: {  	_ =	shalt  }
0x58: {  	_ =	shalt  }
0x59: {  	_ =	shalt  }
0x5a: {  	_ =	shalt  }
0x5b: {  	_ =	shalt  }
0x5c: {  	_ =	shalt  }
0x5d: {  	_ =	shalt  }
0x5e: {  	_ =	shalt  }
0x5f: {  	_ =	shalt  }
0x60: {  	_ =	shalt  }
0x61: {  	_ =	shalt  }
0x62: {  	_ =	shalt  }
0x63: {  	_ =	shalt  }
0x64: {  	_ =	shalt  }
0x65: {  	_ =	shalt  }
0x66: {  	_ =	shalt  }
0x67: {  	_ =	shalt  }
0x68: {  	_ =	shalt  }
0x69: {  	_ =	shalt  }
0x6a: {  	_ =	shalt  }
0x6b: {  	_ =	shalt  }
0x6c: {  	_ =	shalt  }
0x6d: {  	_ =	shalt  }
0x6e: {  	_ =	shalt  }
0x6f: {  	_ =	shalt  }
0x70: {  	_ =	shalt  }
0x71: {  	_ =	shalt  }
0x72: {  	_ =	shalt  }
0x73: {  	_ =	shalt  }
0x74: {  	_ =	shalt  }
0x75: {  	_ =	shalt  }
0x76: {  	_ =	shalt  }
0x77: {  	_ =	shalt  }
0x78: {  	_ =	shalt  }
0x79: {  	_ =	shalt  }
0x7a: {  	_ =	shalt  }
0x7b: {  	_ =	shalt  }
0x7c: {  	_ =	shalt  }
0x7d: {  	_ =	shalt  }
0x7e: {  	_ =	shalt  }
0x7f: {  	_ =	shalt  }
0x80: {  	_ =	shalt  }
0x81: {  	_ =	shalt  }
0x82: {  	_ =	shalt  }
0x83: {  	_ =	shalt  }
0x84: {  	_ =	shalt  }
0x85: {  	_ =	shalt  }
0x86: {  	_ =	shalt  }
0x87: {  	_ =	shalt  }
.Lfunc_end0:
.L_simem_size_0:
called_computation_lowered:
.L_overlay_start_0:
0x88: {  	s2 =	sld [smem:$0x3FD9]  }
0x89: {  	s3 =	sld [smem:$0x3FFE];
	_ =	sdelay $0x1  }
0x8a: {  	s1 =	srdreg.scid  }
0x8b: {  	s0 =	sand.u32 $0x1, s1  }
0x8c: {  	s17 =	sshll.u32 s0, $0xA;
	s2 =	sadd.s32 s3, s2  }
0x8d: {  	s2 =	sadd.s32 s2, s17  }
0x8e: {  	[smem:$0x3FBC] =	sst s2  }
0x8f: {  	_ = 	snop  }
0x90: {  	s2 =	sld [smem:$0x3FC6];
	(tm) =	ssettm $0x1  }
0x91: {  	s18 =	sld [smem:$0x3FFB];
	_ =	sdelay $0x3  }
0x92: {  	_ =	strace s18  }
0x93: {  	s3 =	sld [smem:$0x3FFC];
	_ =	sdelay $0x3  }
0x94: {  	_ =	strace s3  }
0x95: {  	s3 =	sld [smem:$0x3FFD];
	_ =	sdelay $0x3  }
0x96: {  	_ =	strace s3  }
0x97: {  	_ =	strace $0x8FFFFFFF  }
0x98: {  	s19 =	sld [smem:$0x3FDB];
	_ =	sdelay $0x1  }
0x99: {  	s4 =	simm.s32 $_scs_section_size  }
0x9a: {  	s5 =	simm.s32 $_size__tile_overlayer_lowered;
	s6 =	simm.s32 $_tile_overlayer_lowered  }
0x9b: {  	s22 =	simm.s32 $0x1BFF;
	s21 =	sshll.u32 s6, $0x1;
	s3 =	sadd.s32 s4, s19  }
0x9c: {  	s7 =	simm.s32 $0x0;
	s20 =	sshll.u32 s5, $0x1;
	s5 =	sadd.s32 s21, s3  }
0x9d: {  	[timem:s7], [sflag:s22] =	dma.local [hbm:s5], s20  }
0x9e: {  	_ =	swait.ge [sflag:s22], s20  }
0x9f: {  	s4 =	ssub.s32 $0x0, s20;
	[sflag:s22] =	ssyncset.done $0x0  }
0xa0: {  	[sflag:s22] =	ssyncadd.s32 s4;
	_ =	sdelay $0x1  }
0xa1: {  	s23 =	simm.s32 $0x1B8B  }
0xa2: {  	_ =	swait.ge [sflag:s23], $0x1  }
0xa3: {  	[sflag:s23] =	ssyncset.done $0x0  }
0xa4: {  	s25 =	simm.s32 $0x1B8E;
	s24 =	sld [smem:$0x3FFE];
	[sflag:s23] =	ssyncadd.s32 $0xFFFFFFFF  }
0xa5: {  	s26 =	simm.s32 $execute0_lowered;
	[smem:$0x3FD2] =	sst s25  }
0xa6: {  	s5 =	sshll.u32 s26, $0x1;
	_ =	strace $0x80000046;
	[dreg:$0x1] =	wrdreg $0xFFFFFFFF  }
0xa7: {  	s28 =	simm.s32 $_size_execute0_lowered;
	s3 =	sadd.s32 s3, s5;
	[dreg:$0x0] =	wrdreg $0x0  }
0xa8: {  	s5 =	sshll.u32 s28, $0x1;
	[dreg:$0x2] =	wrdreg s3  }
0xa9: {  	[dreg:$0x3] =	wrdreg s5  }
0xaa: {  	[dreg:$0x4] =	wrdreg $0xC0  }
0xab: {  	_ =	task [dreg:s7], $0x5FFFF  }
0xac: {  	[dreg:$0x1] =	wrdreg $0xFFFFFFFF  }
0xad: {  	[dreg:$0x0] =	wrdreg $0x60  }
0xae: {  	[dreg:$0x2] =	wrdreg s2  }
0xaf: {  	[dreg:$0x3] =	wrdreg s24  }
0xb0: {  	[dreg:$0x4] =	wrdreg $0x9  }
0xb1: {  	_ =	task.clear_ibuf [dreg:s7], $0x5FFFF;
	_ =	strace $0x90000046  }
0xb2: {  	s29 =	simm.s32 $0x9;
	_ =	strace $0x80000048  }
0xb3: {  	_ =	swait.ge [sflag:s29], $0x1  }
0xb4: {  	[sflag:s29] =	ssyncadd.s32 $0xFFFFFFFF  }
0xb5: {  	_ =	strace $0x90000048  }
0xb6: {  	_ =	sfence  }
0xb7: {  	s30 =	sld [smem:$0x0];
	_ =	sdelay $0x2  }
0xb8: {  	s31 =	sshll.u32 s1, $0xD;
	s1 =	sshrl.u32 s1, $0x2  }
0xb9: {  	s3 =	sand.u32 $0x4000, s31;
	s1 =	sadd.s32 s1, s30  }
0xba: {  	s0 =	sor.u32 s3, s0;
	s1 =	sshll.u32 s1, $0x11  }
0xbb: {  	s0 =	sor.u32 s1, s0  }
0xbc: {  	s0 =	sadd.s32 $0x8F2B, s0  }
0xbd: {  	[sflag:s0] =	ssyncadd.remote.s32 $0x1  }
0xbe: {  	_ =	sfence.sel $0xFFFF  }
0xbf: {  	[dreg:$0x0] =	wrdreg $0xFFFFFFFF;
	(pc) =	sbr.abs _section_cstart, $3  }
0xc0: {  	[dreg:$0x1] =	wrdreg $0xFFFFFFFF  }
0xc1: {  	_ =	task.clear_ibuf [dreg:s7], $0x2FFFF;
	_ =	strace $0x9FFFFFFF  }
0xc2: {  	(tm) =	ssettm $0x7FFFFFFF  }
0xc3: {  	_ =	shalt  }
tec
execute0_lowered:
.L_overlay_start_1:
0x0: {  	(tag) =	ssettag $0x1  }
0x1: {  	s1 =	srdreg.scid;
	s0 =	stileid.u32  }
0x2: {  	s6 =	sand.u32 $0x1, s1;
	s30 =	sshll.u32 s0, $0x1  }
0x3: {  	s2 =	rddreg [dreg:$0x0];
	s7 =	sor.u32 s6, s30  }
0x4: {  	s8 =	rddreg [dreg:$0x1];
	s3 =	simm.s32 $0x0;
	s4 =	smul.u32 $0x28, s7  }
0x5: {  	[smem:$0x7FF] =	sst s3  }
0x6: {  	s1 =	rddreg [dreg:$0x2];
	_ =	strace $0x80000047;
	s4 =	sadd.s32 s4, s8  }
0x7: {  	s9 =	ssub.s32 $0x2, s6;
	s5 =	sadd.s32 $0x2400, s4;
	s4 =	simm.s32 $0x1  }
0x8: {  	[tilespmem:s3], [sflag:$0x1] =	stream.linear.gather [hbm4b:s5+s3], $0x140, $0x38;
	[tilespmem:$0xA140] =	vst v63  }
0x9: {  	s7 =	smul.u32 $0x1400, s7;
	s10 =	sshrl.u32 s9, $0x1;
	_ =	swait.ge [sflag:s4], $0x140  }
0xa: {  	s6 =	simm.s32 $0x140;
	s31 =	ssub.s32 s9, s10;
	[sflag:s4] =	ssyncset.done $0x0  }
0xb: {  	s7 =	sadd.s32 s7, s8;
	s8 =	smax.u32 s31, $0x1;
	[sflag:s4] =	ssyncadd.s32 $0xFFFFFEC0  }
0xc: {  	[tilespmem:s6], [sflag:$0x1] =	stream.indirect.gather [hbm4b:s2+s6], $0x80, s3, s6, $0xb8;
	[tilespmem:$0xA140] =	vst v63  }
0xd: {  	p0 =	sne.s32 s8, $0x1;
	_ =	swait.ge [sflag:s4], $0xA000  }
.Ltmp0:
0xe: {  	[sflag:s4] =	ssyncset.done $0x0;
	(pc) =	sbr.rel @!p0 .LBB2_2-.Ltmp0, $4  }
0xf: {  	s7 =	sadd.s32 $0x2A00, s7;
	[sflag:s4] =	ssyncadd.s32 $0xFFFF6000  }
0x10: {  	[hbm4b:s7+s3] =	stream.linear.scatter [tilespmem:s6], [sflag:$0x1], $0xA000, $0x38;
	[tilespmem:$0xA140] =	vst v63  }
0x11: {  	_ =	swait.ge [sflag:s4], $0xA000  }
0x12: {  	s8 =	sadd.s32 $0xFFFFFFFF, s8;
	[sflag:s4] =	ssyncset.done $0x0  }
.LBB2_1:
0x13: {  	p0 =	sne.s32 s8, $0x1;
	s8 =	sadd.s32 $0xFFFFFFFF, s8;
	[sflag:s4] =	ssyncadd.s32 $0xFFFF6000  }
0x14: {  	[tilespmem:s3], [sflag:$0x1] =	stream.linear.gather [hbm4b:s5+s3], $0x140, $0x38;
	[tilespmem:$0xA140] =	vst v63  }
0x15: {  	_ =	swait.ge [sflag:s4], $0x140  }
0x16: {  	[sflag:s4] =	ssyncset.done $0x0  }
0x17: {  	[sflag:s4] =	ssyncadd.s32 $0xFFFFFEC0  }
0x18: {  	[tilespmem:s6], [sflag:$0x1] =	stream.indirect.gather [hbm4b:s2+s6], $0x80, s3, s6, $0xb8;
	[tilespmem:$0xA140] =	vst v63  }
0x19: {  	_ =	swait.ge [sflag:s4], $0xA000  }
.Ltmp1:
0x1a: {  	[sflag:s4] =	ssyncset.done $0x0;
	(pc) =	sbr.rel @p0 .LBB2_1-.Ltmp1, $4  }
0x1b: {  	[sflag:s4] =	ssyncadd.s32 $0xFFFF6000  }
0x1c: {  	[hbm4b:s7+s3] =	stream.linear.scatter [tilespmem:s6], [sflag:$0x1], $0xA000, $0x38;
	[tilespmem:$0xA140] =	vst v63  }
0x1d: {  	_ =	swait.ge [sflag:s4], $0xA000  }
0x1e: {  	[sflag:s4] =	ssyncset.done $0x0  }
.LBB2_2:
0x1f: {  	[sflag:s4] =	ssyncadd.s32 $0xFFFF6000  }
0x20: {  	_ =	sfence.sel $0x180000  }
0x21: {  	[bflag:$0x0] =	sbarrier.arrive $0xFFFF  }
0x22: {  	p0 =	sne.s32 s0, $0x0;
	_ =	strace $0x90000047  }
0x23: {  	s0 =	sadd.s32 @!p0 $0x100000, s1;
	[bflag:$0x2] =	sbarrier.arrive $0xFFFF  }
0x24: {  	[sflag:s0] =	ssyncadd.tile.s32 @!p0 $0x1;
	_ =	shalt  }
.Lfunc_end2:
_tile_overlayer_lowered:
.L_overlay_start_2:
0x25: {  	(tag) =	ssettag $0x2  }
0x26: {  	s0 =	rddreg [dreg:$0x0];
	s2 =	stileid.u32  }
0x27: {  	s1 =	rddreg [dreg:$0x1];
	p0 =	sne.s32 s2, $0x0  }
0x28: {  	s3 =	rddreg [dreg:$0x2];
	[bflag:$0x3] =	sbarrier.arrive $0xFFFF;
	s2 =	simm.s32 @!p0 $0x1C01  }
0x29: {  	[timem:s3], [sflag:s2] =	dma.local @!p0 [hbm:s0], s1  }
0x2a: {  	s0 =	simm.s32 @!p0 $0x1  }
0x2b: {  	_ =	swait.ge @!p0 [sflag:s0], s1  }
0x2c: {  	s1 =	ssub.s32 @!p0 $0x0, s1;
	[sflag:s0] =	ssyncset.done @!p0 $0x0  }
0x2d: {  	[sflag:s0] =	ssyncadd.s32 @!p0 s1  }
0x2e: {  	[bflag:$0x3] =	sbarrier.arrive $0xFFFF  }
0x2f: {  	_ =	shalt  }

</sc_bundles>
